<compile_context>
chip_gen: v7x
topology: tpu7x:2x2x1
jax: 0.10.2.dev20260603
libtpu: 0.0.44.dev20260713+nightly
codegen_flags: <defaults>
</compile_context>

<pallas_src>
import dataclasses
import functools

import jax
import jax.numpy as jnp
from jax import lax
from jax.experimental import pallas as pl
from jax.experimental.pallas import tpu as pltpu
from jax.experimental.pallas import tpu_sc as plsc

N = 10000
D = 128
G = 64
E = 320000

NC = 2
NS = 16
NW = NC * NS

NPAD = 10240
ROW_BLK = 1280
N_BLKS = NPAD // ROW_BLK
XPT = NPAD // NW

CH = 32
NCHUNK = 324
EPAD = NW * NCHUNK * CH
EXTRA = EPAD - E - N

DEN_BASE = 10112
DEN_ROWS = 80
APAD = 10240
RPT = APAD // NS

_vector_mesh = plsc.VectorSubcoreMesh(core_axis_name="c", subcore_axis_name="s")

_sc_params = pltpu.CompilerParams()
if "needs_layout_passes" in pltpu.CompilerParams.__dataclass_fields__:
    _sc_params = dataclasses.replace(_sc_params, needs_layout_passes=False)


def _sc_gather_rows(table, idx):

    @functools.partial(
        pl.kernel,
        mesh=_vector_mesh,
        out_type=jax.ShapeDtypeStruct((NPAD, D), jnp.float32),
        scratch_types=[
            pltpu.VMEM((XPT,), jnp.int32),
            pltpu.VMEM((XPT, D), jnp.float32),
            pltpu.SemaphoreType.DMA,
        ],
    )
    def k(table_hbm, idx_hbm, out_hbm, idx_v, rows_v, sem):
        wid = lax.axis_index("s") * NC + lax.axis_index("c")
        base = wid * XPT
        pltpu.sync_copy(idx_hbm.at[pl.ds(base, XPT)], idx_v)
        pltpu.async_copy(table_hbm.at[idx_v], rows_v, sem).wait()
        pltpu.sync_copy(rows_v, out_hbm.at[pl.ds(base, XPT)])

    return k(table, idx)


def _sc_edge_kernel(hw_hbm, asn_hbm, adn_hbm, sd_hbm, out_hbm,
                    asn_t, adn_t, sd2_t, dsc_t, ee_t, rows4_t, den_t,
                    den_rows_t, acc, *sems):
    gsem = sems[0:4]
    ssem = sems[4:8]
    dsem = sems[8:12]
    c = lax.axis_index("c")
    s = lax.axis_index("s")
    wid = s * NC + c

    pltpu.sync_copy(asn_hbm, asn_t)
    pltpu.sync_copy(adn_hbm, adn_t)

    zv = jnp.zeros((16,), jnp.float32)
    zvi = jnp.zeros((16,), jnp.int32)
    i16 = lax.broadcasted_iota(jnp.int32, (16,), 0)

    @pl.loop(0, CH)
    def _(r):
        for b in range(4):
            @pl.loop(0, D, step=16)
            def _(k2):
                rows4_t[b, r, pl.ds(k2, 16)] = zv

    @pl.loop(0, CH, step=16)
    def _(g):
        for b in range(4):
            dsc_t[b, pl.ds(g, 16)] = zvi

    @pl.loop(0, DEN_ROWS)
    def _(r):
        @pl.loop(0, D, step=16)
        def _(k2):
            den_t[r, pl.ds(k2, 16)] = zv

    @pl.loop(0, DEN_ROWS, step=16)
    def _(k2):
        den_rows_t[pl.ds(k2, 16)] = DEN_BASE + k2 + i16

    @pl.loop(0, RPT, step=CH)
    def _(q):
        pltpu.sync_copy(rows4_t.at[0], acc.at[pl.ds(s * RPT + q, CH)])

    plsc.subcore_barrier()

    for b in range(1, 4):
        pltpu.async_copy(rows4_t.at[b], acc.at[dsc_t.at[b]], ssem[b],
                         add=True)
    pltpu.sync_copy(sd_hbm.at[wid, 0], sd2_t.at[0])
    pltpu.async_copy(sd_hbm.at[wid, 1], sd2_t.at[1], dsem[1])
    pltpu.async_copy(hw_hbm.at[sd2_t.at[0, 0]], rows4_t.at[0], gsem[0])

    @pl.loop(0, NCHUNK, step=4)
    def _(j):
        for b in range(4):
            bn = (b + 1) % 4
            b2 = (b + 2) % 4
            i = j + b
            pltpu.make_async_copy(sd_hbm.at[wid, 0], sd2_t.at[bn],
                                  dsem[bn]).wait()
            pltpu.make_async_copy(hw_hbm.at[pl.ds(0, CH)], rows4_t.at[bn],
                                  ssem[bn]).wait()
            pltpu.async_copy(hw_hbm.at[pl.ds(0, CH)], rows4_t.at[bn],
                             gsem[bn])

            @plsc.parallel_loop(0, CH, step=16, unroll=2)
            def _(g):
                sv = sd2_t[b, 0, pl.ds(g, 16)]
                dv = sd2_t[b, 1, pl.ds(g, 16)]
                e = (plsc.load_gather(asn_t, [sv])
                     + plsc.load_gather(adn_t, [dv]))
                e = jnp.where(e >= 0.0, e, 0.2 * e)
                ee = jnp.exp(e)
                ee_t[pl.ds(g, 16)] = ee
                plsc.addupdate_scatter(
                    den_t, [lax.shift_right_logical(dv, 7),
                            lax.bitwise_and(dv, 127)], ee)
                dsc_t[b, pl.ds(g, 16)] = dv

            pltpu.make_async_copy(hw_hbm.at[pl.ds(0, CH)], rows4_t.at[b],
                                  gsem[b]).wait()
            pltpu.async_copy(sd_hbm.at[wid, jnp.minimum(i + 2, NCHUNK - 1)],
                             sd2_t.at[b2], dsem[b2])

            @plsc.parallel_loop(0, 0, step=1, unroll=4)
            def _(r):
                eev = plsc.load_gather(ee_t, [zvi + r])
                for k2 in range(D // 16):
                    rows4_t[b, r, pl.ds(k2 * 16, 16)] = (
                        rows4_t[b, r, pl.ds(k2 * 16, 16)] * eev)

            pltpu.async_copy(rows4_t.at[b], acc.at[pl.ds(s * RPT, CH)],
                             ssem[b])

    for b in range(1, 4):
        pltpu.make_async_copy(hw_hbm.at[pl.ds(0, CH)], rows4_t.at[b],
                              ssem[b]).wait()
    pltpu.make_async_copy(hw_hbm.at[pl.ds(0, CH)], rows4_t.at[0],
                          gsem[0]).wait()
    pltpu.make_async_copy(sd_hbm.at[wid, 0], sd2_t.at[1], dsem[1]).wait()

    pltpu.sync_copy(den_t, acc.at[den_rows_t], add=True)

    plsc.subcore_barrier()

    @pl.loop(0, RPT, step=2 * CH)
    def _(q):
        r0 = s * RPT + q
        pltpu.sync_copy(acc.at[pl.ds(r0, 2 * CH)],
                        out_hbm.at[c, pl.ds(r0, 2 * CH)])


def _sc_edge(hw, asn, adn, sd):
    @functools.partial(
        pl.kernel,
        mesh=_vector_mesh,
        compiler_params=_sc_params,
        out_type=jax.ShapeDtypeStruct((NC, APAD, D), jnp.float32),
        scratch_types=[
            pltpu.VMEM((NPAD,), jnp.float32),
            pltpu.VMEM((NPAD,), jnp.float32),
            pltpu.VMEM((4, 2, CH), jnp.int32),
            pltpu.VMEM((4, CH), jnp.int32),
            pltpu.VMEM((CH,), jnp.float32),
            pltpu.VMEM((4, CH, D), jnp.float32),
            pltpu.VMEM((DEN_ROWS, D), jnp.float32),
            pltpu.VMEM((DEN_ROWS,), jnp.int32),
            pltpu.VMEM_SHARED((APAD, D), jnp.float32),
        ] + [pltpu.SemaphoreType.DMA] * 12,
    )
    def k(*refs):
        _sc_edge_kernel(*refs)

    return k(hw, asn, adn, sd)


def _row_mask(i):
    row = i * ROW_BLK + lax.broadcasted_iota(jnp.int32, (ROW_BLK, 1), 0)
    return row < N


def _project_kernel(h_ref, w_ref, asd_ref, hw_ref, asnadn_ref):
    hw = lax.dot_general(h_ref[...], w_ref[...], (((1,), (1,)), ((), ())),
                         preferred_element_type=jnp.float32)
    hw_ref[...] = hw
    asnadn_ref[...] = lax.dot_general(hw, asd_ref[...], (((1,), (1,)), ((), ())),
                                      preferred_element_type=jnp.float32)


def _tc_project(h, W, a_s, a_d):
    asd = jnp.stack([a_s, a_d])
    return pl.pallas_call(
        _project_kernel,
        grid=(N_BLKS,),
        in_specs=[
            pl.BlockSpec((ROW_BLK, D), lambda i: (i, 0)),
            pl.BlockSpec((D, D), lambda i: (0, 0)),
            pl.BlockSpec((2, D), lambda i: (0, 0)),
        ],
        out_specs=[
            pl.BlockSpec((ROW_BLK, D), lambda i: (i, 0)),
            pl.BlockSpec((ROW_BLK, 2), lambda i: (i, 0)),
        ],
        out_shape=[
            jax.ShapeDtypeStruct((NPAD, D), jnp.float32),
            jax.ShapeDtypeStruct((NPAD, 2), jnp.float32),
        ],
    )(h, W, asd)


def _combine(i, acc_arr, den_arr, b_ref):
    num = acc_arr[0] + acc_arr[1]
    den = den_arr[0] + den_arr[1]
    h = jnp.tanh(num / (den + 1e-16) + b_ref[...])
    return jnp.where(_row_mask(i), h, 0.0)


def _combine_project_kernel(acc_ref, den_ref, b_ref, w_ref, asd_ref,
                            hw_ref, asnadn_ref):
    h = _combine(pl.program_id(0), acc_ref[...], den_ref[...], b_ref)
    hw = lax.dot_general(h, w_ref[...], (((1,), (1,)), ((), ())),
                         preferred_element_type=jnp.float32)
    hw_ref[...] = hw
    asnadn_ref[...] = lax.dot_general(hw, asd_ref[...], (((1,), (1,)), ((), ())),
                                      preferred_element_type=jnp.float32)


def _tc_combine_project(acc, den, b, W, a_s, a_d):
    asd = jnp.stack([a_s, a_d])
    return pl.pallas_call(
        _combine_project_kernel,
        grid=(N_BLKS,),
        in_specs=[
            pl.BlockSpec((NC, ROW_BLK, D), lambda i: (0, i, 0)),
            pl.BlockSpec((NC, ROW_BLK, 1), lambda i: (0, i, 0)),
            pl.BlockSpec((1, D), lambda i: (0, 0)),
            pl.BlockSpec((D, D), lambda i: (0, 0)),
            pl.BlockSpec((2, D), lambda i: (0, 0)),
        ],
        out_specs=[
            pl.BlockSpec((ROW_BLK, D), lambda i: (i, 0)),
            pl.BlockSpec((ROW_BLK, 2), lambda i: (i, 0)),
        ],
        out_shape=[
            jax.ShapeDtypeStruct((NPAD, D), jnp.float32),
            jax.ShapeDtypeStruct((NPAD, 2), jnp.float32),
        ],
    )(acc, den, b.reshape(1, D), W, asd)


def _combine_pool_kernel(acc_ref, den_ref, b_ref, batch_ref, wl_ref, bl_ref,
                         out_ref, accp_ref, cnt_ref):
    i = pl.program_id(0)

    @pl.when(i == 0)
    def _():
        accp_ref[...] = jnp.zeros_like(accp_ref)
        cnt_ref[...] = jnp.zeros_like(cnt_ref)

    h = _combine(i, acc_ref[...], den_ref[...], b_ref)
    seg = batch_ref[...]
    gid = lax.broadcasted_iota(jnp.int32, (ROW_BLK, G), 1)
    onehot = (seg == gid).astype(jnp.float32)
    accp_ref[...] += lax.dot_general(onehot, h, (((0,), (0,)), ((), ())),
                                     preferred_element_type=jnp.float32)
    cnt_ref[...] += lax.dot_general(onehot, jnp.ones_like(h),
                                    (((0,), (0,)), ((), ())),
                                    preferred_element_type=jnp.float32)

    @pl.when(i == N_BLKS - 1)
    def _():
        pooled = accp_ref[...] / jnp.maximum(cnt_ref[...], 1.0)
        out_ref[...] = jnp.tanh(
            lax.dot_general(pooled, wl_ref[...], (((1,), (1,)), ((), ())),
                            preferred_element_type=jnp.float32) + bl_ref[...])


def _tc_combine_pool(acc, den, b, batch_pad, Wl, bl):
    return pl.pallas_call(
        _combine_pool_kernel,
        grid=(N_BLKS,),
        in_specs=[
            pl.BlockSpec((NC, ROW_BLK, D), lambda i: (0, i, 0)),
            pl.BlockSpec((NC, ROW_BLK, 1), lambda i: (0, i, 0)),
            pl.BlockSpec((1, D), lambda i: (0, 0)),
            pl.BlockSpec((ROW_BLK, 1), lambda i: (i, 0)),
            pl.BlockSpec((D, D), lambda i: (0, 0)),
            pl.BlockSpec((1, D), lambda i: (0, 0)),
        ],
        out_specs=pl.BlockSpec((G, D), lambda i: (0, 0)),
        out_shape=jax.ShapeDtypeStruct((G, D), jnp.float32),
        scratch_shapes=[
            pltpu.VMEM((G, D), jnp.float32),
            pltpu.VMEM((G, D), jnp.float32),
        ],
    )(acc, den, b.reshape(1, D), batch_pad, Wl, bl.reshape(1, D))


def _split_acc(out):
    den = out[:, DEN_BASE:DEN_BASE + DEN_ROWS, :].reshape(NC, DEN_ROWS * D, 1)
    return out, den[:, :NPAD]


def kernel(x, edge_index, batch, data2, emb, W0, as0, ad0, b0, W1, as1, ad1,
           b1, Wl, bl):
    del data2
    x32 = x.astype(jnp.int32)
    xpad = jnp.concatenate([x32, jnp.zeros((NPAD - N,), jnp.int32)])
    h0 = _sc_gather_rows(emb, xpad)

    loop = jnp.arange(N, dtype=jnp.int32)
    src = jnp.concatenate(
        [edge_index[0].astype(jnp.int32), loop,
         jnp.zeros((EXTRA,), jnp.int32)]).reshape(NW, NCHUNK, CH)
    dst = jnp.concatenate(
        [edge_index[1].astype(jnp.int32), loop,
         jnp.full((EXTRA,), N, jnp.int32)]).reshape(NW, NCHUNK, CH)
    sd = jnp.stack([src, dst], axis=2)

    hw, asnadn = _tc_project(h0, W0, as0, ad0)
    acc0, den0 = _split_acc(_sc_edge(hw, asnadn[:, 0], asnadn[:, 1], sd))

    hw1, asnadn1 = _tc_combine_project(acc0, den0, b0, W1, as1, ad1)
    acc1, den1 = _split_acc(_sc_edge(hw1, asnadn1[:, 0], asnadn1[:, 1], sd))

    batch_pad = jnp.concatenate(
        [batch.astype(jnp.int32), jnp.full((NPAD - N,), G, jnp.int32)])
    return _tc_combine_pool(acc1, den1, b1, batch_pad.reshape(NPAD, 1), Wl, bl)

# --- scband reference (transcript-rebuilt; emitter-appended) ---
"""Pipeline reference for scband-know-mem-space-69166153335012 (READ-ONLY COPY).

The authoritative reference and input builder live on the scoring server;
editing this copy changes nothing except your own understanding.
"""

import jax, jax.numpy as jnp
import numpy as np

N = 10000
E = 320000
D = 128
V = 100000
G = 64

def _leaky_relu(v, slope=0.2):
    return jnp.where(v >= 0, v, slope * v)

def _gat_layer(h, src, dst, W, a_src, a_dst, b, num_nodes):
    h = h @ W.T
    e = _leaky_relu((h * a_src).sum(-1)[src] + (h * a_dst).sum(-1)[dst])
    m = jax.lax.stop_gradient(jax.ops.segment_max(e, dst, num_segments=num_nodes))
    ee = jnp.exp(e - m[dst])
    s = jax.ops.segment_sum(ee, dst, num_segments=num_nodes)
    alpha = ee / (s[dst] + 1e-16)
    out = jax.ops.segment_sum(alpha[:, None] * h[src], dst, num_segments=num_nodes)
    return out + b

def setup_inputs(seed: int = 0):
    key = jax.random.key(seed)
    ks = jax.random.split(key, 16)
    s = 1.0 / np.sqrt(D)
    return {
        'x': jax.random.randint(ks[0], (N,), 0, V),
        'edge_index': jax.random.randint(ks[1], (2, E), 0, N),
        'batch': jnp.sort(jax.random.randint(ks[2], (N,), 0, G)),
        'data2': jnp.zeros((1,), jnp.float32),
        'emb': jax.random.normal(ks[3], (V, D), jnp.float32) * 0.02,
        'W0': jax.random.normal(ks[4], (D, D), jnp.float32) * s,
        'as0': jax.random.normal(ks[5], (D,), jnp.float32) * s,
        'ad0': jax.random.normal(ks[6], (D,), jnp.float32) * s,
        'b0': jnp.zeros((D,), jnp.float32),
        'W1': jax.random.normal(ks[7], (D, D), jnp.float32) * s,
        'as1': jax.random.normal(ks[8], (D,), jnp.float32) * s,
        'ad1': jax.random.normal(ks[9], (D,), jnp.float32) * s,
        'b1': jnp.zeros((D,), jnp.float32),
        'Wl': jax.random.normal(ks[10], (D, D), jnp.float32) * s,
        'bl': jnp.zeros((D,), jnp.float32),
    }

def reference(x, edge_index, batch, data2, emb, W0, as0, ad0, b0, W1, as1, ad1, b1, Wl, bl):
    # data2 is accepted by the torch forward but never used
    del data2
    # CustomizedEmbedding: concept_in_dim == concept_out_dim -> plain lookup (scale=1)
    h = jnp.take(emb, x, axis=0)
    # PyG GATConv (heads=1) adds self-loops by default
    loop = jnp.arange(N)
    src = jnp.concatenate([edge_index[0], loop])
    dst = jnp.concatenate([edge_index[1], loop])
    for (W, a_s, a_d, b) in ((W0, as0, ad0, b0), (W1, as1, ad1, b1)):
        h = _gat_layer(h, src, dst, W, a_s, a_d, b, N)
        h = jnp.tanh(h)
        # dropout is identity in eval mode
    # scatter mean pooling over graphs in the batch
    cnt = jax.ops.segment_sum(jnp.ones((N,), jnp.float32), batch, num_segments=G)
    pooled = jax.ops.segment_sum(h, batch, num_segments=G) / jnp.maximum(cnt, 1.0)[:, None]
    out = jnp.tanh(pooled @ Wl.T + bl)
    return out

if __name__ == "__main__":
    import jax
    _d = setup_inputs()
    print(jax.jit(kernel)(*tuple(_d.values())))

</pallas_src>

<mosaic_0001>
#map = affine_map<(d0, d1) -> (0, 0)>
#map1 = affine_map<(d0, d1) -> (0)>
module attributes {stable_mosaic.version = 14 : i64} {
  func.func @k(%arg0: i32, %arg1: i32, %arg2: memref<100000x128xf32, #tpu.memory_space<hbm>>, %arg3: memref<10240xi32, #tpu.memory_space<hbm>>, %arg4: memref<10240x128xf32, #tpu.memory_space<hbm>>, %arg5: memref<320xi32, #tpu.memory_space<vmem>>, %arg6: memref<320x128xf32, #tpu.memory_space<vmem>>, %arg7: memref<!tpu.dma_semaphore, #tpu.memory_space<semaphore_mem>>) attributes {dimension_semantics = [#tpu.dimension_semantics<core_parallel>, #tpu.dimension_semantics<subcore_parallel>], iteration_bounds = array<i64: 2, 16>, scalar_prefetch = 0 : i64, scratch_operands = 3 : i64, tpu.core_type = #tpu.core_type<sc_vector_subcore>, window_params = [{transform_indices = #map}, {transform_indices = #map1}, {transform_indices = #map}]} {
    %mul3A = arith.constant 2 : i32
    %mul3A_0 = arith.muli %arg1, %mul3A : i32
    %add3A = arith.addi %mul3A_0, %arg0 : i32
    %mul3A_1 = arith.constant 320 : i32
    %mul3A_2 = arith.muli %add3A, %mul3A_1 : i32
    "tpu.region"() ({
      %run_scoped3A = tpu.sem_alloc : memref<!tpu.dma_semaphore, #tpu.memory_space<semaphore_mem>>
      %dma_start3A_7 = tpu.memref_slice %arg3[%mul3A_2] : memref<10240xi32, #tpu.memory_space<hbm>> -> memref<320xi32, #tpu.memory_space<hbm>>
      %dma_start3A_8 = tpu.memref_slice %arg3[%mul3A_2] : memref<10240xi32, #tpu.memory_space<hbm>> -> memref<320xi32, #tpu.memory_space<hbm>>
      tpu.enqueue_dma source(%dma_start3A_8 : memref<320xi32, #tpu.memory_space<hbm>>) target(%arg5 : memref<320xi32, #tpu.memory_space<vmem>>) target_semaphore(%run_scoped3A : memref<!tpu.dma_semaphore, #tpu.memory_space<semaphore_mem>>)
      %dma_wait3A_9 = tpu.memref_slice %arg3[%mul3A_2] : memref<10240xi32, #tpu.memory_space<hbm>> -> memref<320xi32, #tpu.memory_space<hbm>>
      %dma_wait3A_10 = tpu.memref_slice %arg3[%mul3A_2] : memref<10240xi32, #tpu.memory_space<hbm>> -> memref<320xi32, #tpu.memory_space<hbm>>
      tpu.wait_dma2 semaphore(%run_scoped3A : memref<!tpu.dma_semaphore, #tpu.memory_space<semaphore_mem>>) src(%dma_wait3A_10 : memref<320xi32, #tpu.memory_space<hbm>>) dst(%arg5 : memref<320xi32, #tpu.memory_space<vmem>>)
      tpu.yield
    }) : () -> ()
    %dma_start3A = arith.constant 0 : i32
    %dma_start3A_3 = arith.constant 0 : i32
    %dma_start3A_4 = tpu.memref_slice %arg2[%dma_start3A, %dma_start3A_3] : memref<100000x128xf32, #tpu.memory_space<hbm>> -> memref<100000x128xf32, #tpu.memory_space<hbm>>
    tpu.enqueue_indirect_dma source(%dma_start3A_4 : memref<100000x128xf32, #tpu.memory_space<hbm>>) target(%arg6 : memref<320x128xf32, #tpu.memory_space<vmem>>) offsets(%arg5 : memref<320xi32, #tpu.memory_space<vmem>>) semaphore(%arg7 : memref<!tpu.dma_semaphore, #tpu.memory_space<semaphore_mem>>)
    %dma_wait3A = arith.constant 0 : i32
    %dma_wait3A_5 = arith.constant 0 : i32
    %dma_wait3A_6 = tpu.memref_slice %arg2[%dma_wait3A, %dma_wait3A_5] : memref<100000x128xf32, #tpu.memory_space<hbm>> -> memref<100000x128xf32, #tpu.memory_space<hbm>>
    tpu.wait_indirect_dma semaphore(%arg7 : memref<!tpu.dma_semaphore, #tpu.memory_space<semaphore_mem>>) src(%dma_wait3A_6 : memref<100000x128xf32, #tpu.memory_space<hbm>>) dst(%arg6 : memref<320x128xf32, #tpu.memory_space<vmem>>)
    "tpu.region"() ({
      %run_scoped3A = tpu.sem_alloc : memref<!tpu.dma_semaphore, #tpu.memory_space<semaphore_mem>>
      %dma_start3A_7 = arith.constant 0 : i32
      %dma_start3A_8 = tpu.memref_slice %arg4[%mul3A_2, %dma_start3A_7] : memref<10240x128xf32, #tpu.memory_space<hbm>> -> memref<320x128xf32, #tpu.memory_space<hbm>>
      %dma_start3A_9 = arith.constant 0 : i32
      %dma_start3A_10 = tpu.memref_slice %arg4[%mul3A_2, %dma_start3A_9] : memref<10240x128xf32, #tpu.memory_space<hbm>> -> memref<320x128xf32, #tpu.memory_space<hbm>>
      tpu.enqueue_dma source(%arg6 : memref<320x128xf32, #tpu.memory_space<vmem>>) target(%dma_start3A_10 : memref<320x128xf32, #tpu.memory_space<hbm>>) target_semaphore(%run_scoped3A : memref<!tpu.dma_semaphore, #tpu.memory_space<semaphore_mem>>)
      %dma_wait3A_11 = arith.constant 0 : i32
      %dma_wait3A_12 = tpu.memref_slice %arg4[%mul3A_2, %dma_wait3A_11] : memref<10240x128xf32, #tpu.memory_space<hbm>> -> memref<320x128xf32, #tpu.memory_space<hbm>>
      %dma_wait3A_13 = arith.constant 0 : i32
      %dma_wait3A_14 = tpu.memref_slice %arg4[%mul3A_2, %dma_wait3A_13] : memref<10240x128xf32, #tpu.memory_space<hbm>> -> memref<320x128xf32, #tpu.memory_space<hbm>>
      tpu.wait_dma2 semaphore(%run_scoped3A : memref<!tpu.dma_semaphore, #tpu.memory_space<semaphore_mem>>) src(%arg6 : memref<320x128xf32, #tpu.memory_space<vmem>>) dst(%dma_wait3A_14 : memref<320x128xf32, #tpu.memory_space<hbm>>)
      tpu.yield
    }) : () -> ()
    return
  }
}

#map = affine_map<(d0, d1) -> (0, 0)>
#map1 = affine_map<(d0, d1) -> (0)>
#map2 = affine_map<(d0, d1) -> (0, 0, 0, 0)>
#map3 = affine_map<(d0, d1) -> (0, 0, 0)>
module attributes {stable_mosaic.version = 14 : i64} {
  func.func @k(%arg0: i32, %arg1: i32, %arg2: memref<10240x128xf32, #tpu.memory_space<hbm>>, %arg3: memref<10240xf32, #tpu.memory_space<hbm>>, %arg4: memref<10240xf32, #tpu.memory_space<hbm>>, %arg5: memref<32x324x2x32xi32, #tpu.memory_space<hbm>>, %arg6: memref<2x10240x128xf32, #tpu.memory_space<hbm>>, %arg7: memref<10240xf32, #tpu.memory_space<vmem>>, %arg8: memref<10240xf32, #tpu.memory_space<vmem>>, %arg9: memref<4x2x32xi32, #tpu.memory_space<vmem>>, %arg10: memref<4x32xi32, #tpu.memory_space<vmem>>, %arg11: memref<32xf32, #tpu.memory_space<vmem>>, %arg12: memref<4x32x128xf32, #tpu.memory_space<vmem>>, %arg13: memref<80x128xf32, #tpu.memory_space<vmem>>, %arg14: memref<80xi32, #tpu.memory_space<vmem>>, %arg15: memref<10240x128xf32, #tpu.memory_space<vmem_shared>>, %arg16: memref<!tpu.dma_semaphore, #tpu.memory_space<semaphore_mem>>, %arg17: memref<!tpu.dma_semaphore, #tpu.memory_space<semaphore_mem>>, %arg18: memref<!tpu.dma_semaphore, #tpu.memory_space<semaphore_mem>>, %arg19: memref<!tpu.dma_semaphore, #tpu.memory_space<semaphore_mem>>, %arg20: memref<!tpu.dma_semaphore, #tpu.memory_space<semaphore_mem>>, %arg21: memref<!tpu.dma_semaphore, #tpu.memory_space<semaphore_mem>>, %arg22: memref<!tpu.dma_semaphore, #tpu.memory_space<semaphore_mem>>, %arg23: memref<!tpu.dma_semaphore, #tpu.memory_space<semaphore_mem>>, %arg24: memref<!tpu.dma_semaphore, #tpu.memory_space<semaphore_mem>>, %arg25: memref<!tpu.dma_semaphore, #tpu.memory_space<semaphore_mem>>, %arg26: memref<!tpu.dma_semaphore, #tpu.memory_space<semaphore_mem>>, %arg27: memref<!tpu.dma_semaphore, #tpu.memory_space<semaphore_mem>>) attributes {dimension_semantics = [#tpu.dimension_semantics<core_parallel>, #tpu.dimension_semantics<subcore_parallel>], iteration_bounds = array<i64: 2, 16>, scalar_prefetch = 0 : i64, scratch_operands = 21 : i64, tpu.core_type = #tpu.core_type<sc_vector_subcore>, window_params = [{transform_indices = #map}, {transform_indices = #map1}, {transform_indices = #map1}, {transform_indices = #map2}, {transform_indices = #map3}]} {
    %mul3A = arith.constant 2 : i32
    %mul3A_0 = arith.muli %arg1, %mul3A : i32
    %add3A = arith.addi %mul3A_0, %arg0 : i32
    "tpu.region"() ({
      %run_scoped3A_183 = tpu.sem_alloc : memref<!tpu.dma_semaphore, #tpu.memory_space<semaphore_mem>>
      tpu.enqueue_dma source(%arg3 : memref<10240xf32, #tpu.memory_space<hbm>>) target(%arg7 : memref<10240xf32, #tpu.memory_space<vmem>>) target_semaphore(%run_scoped3A_183 : memref<!tpu.dma_semaphore, #tpu.memory_space<semaphore_mem>>)
      tpu.wait_dma2 semaphore(%run_scoped3A_183 : memref<!tpu.dma_semaphore, #tpu.memory_space<semaphore_mem>>) src(%arg3 : memref<10240xf32, #tpu.memory_space<hbm>>) dst(%arg7 : memref<10240xf32, #tpu.memory_space<vmem>>)
      tpu.yield
    }) : () -> ()
    "tpu.region"() ({
      %run_scoped3A_183 = tpu.sem_alloc : memref<!tpu.dma_semaphore, #tpu.memory_space<semaphore_mem>>
      tpu.enqueue_dma source(%arg4 : memref<10240xf32, #tpu.memory_space<hbm>>) target(%arg8 : memref<10240xf32, #tpu.memory_space<vmem>>) target_semaphore(%run_scoped3A_183 : memref<!tpu.dma_semaphore, #tpu.memory_space<semaphore_mem>>)
      tpu.wait_dma2 semaphore(%run_scoped3A_183 : memref<!tpu.dma_semaphore, #tpu.memory_space<semaphore_mem>>) src(%arg4 : memref<10240xf32, #tpu.memory_space<hbm>>) dst(%arg8 : memref<10240xf32, #tpu.memory_space<vmem>>)
      tpu.yield
    }) : () -> ()
    %broadcast_in_dim3A = arith.constant 0.000000e+00 : f32
    %broadcast_in_dim3A_1 = vector.broadcast %broadcast_in_dim3A : f32 to vector<16xf32>
    %broadcast_in_dim3A_2 = arith.constant 0 : i32
    %broadcast_in_dim3A_3 = vector.broadcast %broadcast_in_dim3A_2 : i32 to vector<16xi32>
    %iota3A = tpu.iota {dimensions = array<i32: 0>} : vector<16xi32>
    %scan3A = arith.constant 0 : i32
    %scan3A_4 = arith.constant 32 : i32
    %scan3A_5 = arith.addi %scan3A, %scan3A_4 : i32
    %scan3A_6 = arith.constant 1 : i32
    scf.for %scan3A_183 = %scan3A to %scan3A_5 step %scan3A_6  : i32 {
      %mul3A_184 = arith.constant 1 : i32
      %mul3A_185 = arith.muli %scan3A_183, %mul3A_184 : i32
      %add3A_186 = arith.constant 0 : i32
      %add3A_187 = arith.addi %add3A_186, %mul3A_185 : i32
      %scan3A_188 = arith.constant 0 : i32
      %scan3A_189 = arith.constant 8 : i32
      %scan3A_190 = arith.addi %scan3A_188, %scan3A_189 : i32
      %scan3A_191 = arith.constant 1 : i32
      scf.for %scan3A_208 = %scan3A_188 to %scan3A_190 step %scan3A_191  : i32 {
        %mul3A_209 = arith.constant 16 : i32
        %mul3A_210 = arith.muli %scan3A_208, %mul3A_209 : i32
        %add3A_211 = arith.constant 0 : i32
        %add3A_212 = arith.addi %add3A_211, %mul3A_210 : i32
        %swap3A = arith.constant 0 : i32
        %swap3A_213 = arith.index_cast %swap3A : i32 to index
        %swap3A_214 = arith.index_cast %add3A_187 : i32 to index
        %swap3A_215 = arith.index_cast %add3A_212 : i32 to index
        %swap3A_216 = tpu.vector_load %arg12[%swap3A_213, %swap3A_214, %swap3A_215] {strides = array<i32>} : memref<4x32x128xf32, #tpu.memory_space<vmem>>, vector<16xf32>,
        tpu.vector_store %arg12[%swap3A_213, %swap3A_214, %swap3A_215], %broadcast_in_dim3A_1 {strides = array<i32>} : memref<4x32x128xf32, #tpu.memory_space<vmem>>, vector<16xf32>,
      }
      %scan3A_192 = arith.constant 8 : i32
      %scan3A_193 = arith.constant 0 : i32
      %scan3A_194 = arith.constant 8 : i32
      %scan3A_195 = arith.addi %scan3A_193, %scan3A_194 : i32
      %scan3A_196 = arith.constant 1 : i32
      scf.for %scan3A_208 = %scan3A_193 to %scan3A_195 step %scan3A_196  : i32 {
        %mul3A_209 = arith.constant 16 : i32
        %mul3A_210 = arith.muli %scan3A_208, %mul3A_209 : i32
        %add3A_211 = arith.constant 0 : i32
        %add3A_212 = arith.addi %add3A_211, %mul3A_210 : i32
        %swap3A = arith.constant 1 : i32
        %swap3A_213 = arith.index_cast %swap3A : i32 to index
        %swap3A_214 = arith.index_cast %add3A_187 : i32 to index
        %swap3A_215 = arith.index_cast %add3A_212 : i32 to index
        %swap3A_216 = tpu.vector_load %arg12[%swap3A_213, %swap3A_214, %swap3A_215] {strides = array<i32>} : memref<4x32x128xf32, #tpu.memory_space<vmem>>, vector<16xf32>,
        tpu.vector_store %arg12[%swap3A_213, %swap3A_214, %swap3A_215], %broadcast_in_dim3A_1 {strides = array<i32>} : memref<4x32x128xf32, #tpu.memory_space<vmem>>, vector<16xf32>,
      }
      %scan3A_197 = arith.constant 8 : i32
      %scan3A_198 = arith.constant 0 : i32
      %scan3A_199 = arith.constant 8 : i32
      %scan3A_200 = arith.addi %scan3A_198, %scan3A_199 : i32
      %scan3A_201 = arith.constant 1 : i32
      scf.for %scan3A_208 = %scan3A_198 to %scan3A_200 step %scan3A_201  : i32 {
        %mul3A_209 = arith.constant 16 : i32
        %mul3A_210 = arith.muli %scan3A_208, %mul3A_209 : i32
        %add3A_211 = arith.constant 0 : i32
        %add3A_212 = arith.addi %add3A_211, %mul3A_210 : i32
        %swap3A = arith.constant 2 : i32
        %swap3A_213 = arith.index_cast %swap3A : i32 to index
        %swap3A_214 = arith.index_cast %add3A_187 : i32 to index
        %swap3A_215 = arith.index_cast %add3A_212 : i32 to index
        %swap3A_216 = tpu.vector_load %arg12[%swap3A_213, %swap3A_214, %swap3A_215] {strides = array<i32>} : memref<4x32x128xf32, #tpu.memory_space<vmem>>, vector<16xf32>,
        tpu.vector_store %arg12[%swap3A_213, %swap3A_214, %swap3A_215], %broadcast_in_dim3A_1 {strides = array<i32>} : memref<4x32x128xf32, #tpu.memory_space<vmem>>, vector<16xf32>,
      }
      %scan3A_202 = arith.constant 8 : i32
      %scan3A_203 = arith.constant 0 : i32
      %scan3A_204 = arith.constant 8 : i32
      %scan3A_205 = arith.addi %scan3A_203, %scan3A_204 : i32
      %scan3A_206 = arith.constant 1 : i32
      scf.for %scan3A_208 = %scan3A_203 to %scan3A_205 step %scan3A_206  : i32 {
        %mul3A_209 = arith.constant 16 : i32
        %mul3A_210 = arith.muli %scan3A_208, %mul3A_209 : i32
        %add3A_211 = arith.constant 0 : i32
        %add3A_212 = arith.addi %add3A_211, %mul3A_210 : i32
        %swap3A = arith.constant 3 : i32
        %swap3A_213 = arith.index_cast %swap3A : i32 to index
        %swap3A_214 = arith.index_cast %add3A_187 : i32 to index
        %swap3A_215 = arith.index_cast %add3A_212 : i32 to index
        %swap3A_216 = tpu.vector_load %arg12[%swap3A_213, %swap3A_214, %swap3A_215] {strides = array<i32>} : memref<4x32x128xf32, #tpu.memory_space<vmem>>, vector<16xf32>,
        tpu.vector_store %arg12[%swap3A_213, %swap3A_214, %swap3A_215], %broadcast_in_dim3A_1 {strides = array<i32>} : memref<4x32x128xf32, #tpu.memory_space<vmem>>, vector<16xf32>,
      }
      %scan3A_207 = arith.constant 8 : i32
    }
    %scan3A_7 = arith.constant 32 : i32
    %scan3A_8 = arith.constant 0 : i32
    %scan3A_9 = arith.constant 2 : i32
    %scan3A_10 = arith.addi %scan3A_8, %scan3A_9 : i32
    %scan3A_11 = arith.constant 1 : i32
    scf.for %scan3A_183 = %scan3A_8 to %scan3A_10 step %scan3A_11  : i32 {
      %mul3A_184 = arith.constant 16 : i32
      %mul3A_185 = arith.muli %scan3A_183, %mul3A_184 : i32
      %add3A_186 = arith.constant 0 : i32
      %add3A_187 = arith.addi %add3A_186, %mul3A_185 : i32
      %swap3A = arith.constant 0 : i32
      %swap3A_188 = arith.index_cast %swap3A : i32 to index
      %swap3A_189 = arith.index_cast %add3A_187 : i32 to index
      %swap3A_190 = tpu.vector_load %arg10[%swap3A_188, %swap3A_189] {strides = array<i32>} : memref<4x32xi32, #tpu.memory_space<vmem>>, vector<16xi32>,
      tpu.vector_store %arg10[%swap3A_188, %swap3A_189], %broadcast_in_dim3A_3 {strides = array<i32>} : memref<4x32xi32, #tpu.memory_space<vmem>>, vector<16xi32>,
      %swap3A_191 = arith.constant 1 : i32
      %swap3A_192 = arith.index_cast %swap3A_191 : i32 to index
      %swap3A_193 = arith.index_cast %add3A_187 : i32 to index
      %swap3A_194 = tpu.vector_load %arg10[%swap3A_192, %swap3A_193] {strides = array<i32>} : memref<4x32xi32, #tpu.memory_space<vmem>>, vector<16xi32>,
      tpu.vector_store %arg10[%swap3A_192, %swap3A_193], %broadcast_in_dim3A_3 {strides = array<i32>} : memref<4x32xi32, #tpu.memory_space<vmem>>, vector<16xi32>,
      %swap3A_195 = arith.constant 2 : i32
      %swap3A_196 = arith.index_cast %swap3A_195 : i32 to index
      %swap3A_197 = arith.index_cast %add3A_187 : i32 to index
      %swap3A_198 = tpu.vector_load %arg10[%swap3A_196, %swap3A_197] {strides = array<i32>} : memref<4x32xi32, #tpu.memory_space<vmem>>, vector<16xi32>,
      tpu.vector_store %arg10[%swap3A_196, %swap3A_197], %broadcast_in_dim3A_3 {strides = array<i32>} : memref<4x32xi32, #tpu.memory_space<vmem>>, vector<16xi32>,
      %swap3A_199 = arith.constant 3 : i32
      %swap3A_200 = arith.index_cast %swap3A_199 : i32 to index
      %swap3A_201 = arith.index_cast %add3A_187 : i32 to index
      %swap3A_202 = tpu.vector_load %arg10[%swap3A_200, %swap3A_201] {strides = array<i32>} : memref<4x32xi32, #tpu.memory_space<vmem>>, vector<16xi32>,
      tpu.vector_store %arg10[%swap3A_200, %swap3A_201], %broadcast_in_dim3A_3 {strides = array<i32>} : memref<4x32xi32, #tpu.memory_space<vmem>>, vector<16xi32>,
    }
    %scan3A_12 = arith.constant 2 : i32
    %scan3A_13 = arith.constant 0 : i32
    %scan3A_14 = arith.constant 80 : i32
    %scan3A_15 = arith.addi %scan3A_13, %scan3A_14 : i32
    %scan3A_16 = arith.constant 1 : i32
    scf.for %scan3A_183 = %scan3A_13 to %scan3A_15 step %scan3A_16  : i32 {
      %mul3A_184 = arith.constant 1 : i32
      %mul3A_185 = arith.muli %scan3A_183, %mul3A_184 : i32
      %add3A_186 = arith.constant 0 : i32
      %add3A_187 = arith.addi %add3A_186, %mul3A_185 : i32
      %scan3A_188 = arith.constant 0 : i32
      %scan3A_189 = arith.constant 8 : i32
      %scan3A_190 = arith.addi %scan3A_188, %scan3A_189 : i32
      %scan3A_191 = arith.constant 1 : i32
      scf.for %scan3A_193 = %scan3A_188 to %scan3A_190 step %scan3A_191  : i32 {
        %mul3A_194 = arith.constant 16 : i32
        %mul3A_195 = arith.muli %scan3A_193, %mul3A_194 : i32
        %add3A_196 = arith.constant 0 : i32
        %add3A_197 = arith.addi %add3A_196, %mul3A_195 : i32
        %swap3A = arith.index_cast %add3A_187 : i32 to index
        %swap3A_198 = arith.index_cast %add3A_197 : i32 to index
        %swap3A_199 = tpu.vector_load %arg13[%swap3A, %swap3A_198] {strides = array<i32>} : memref<80x128xf32, #tpu.memory_space<vmem>>, vector<16xf32>,
        tpu.vector_store %arg13[%swap3A, %swap3A_198], %broadcast_in_dim3A_1 {strides = array<i32>} : memref<80x128xf32, #tpu.memory_space<vmem>>, vector<16xf32>,
      }
      %scan3A_192 = arith.constant 8 : i32
    }
    %scan3A_17 = arith.constant 80 : i32
    %scan3A_18 = arith.constant 0 : i32
    %scan3A_19 = arith.constant 5 : i32
    %scan3A_20 = arith.addi %scan3A_18, %scan3A_19 : i32
    %scan3A_21 = arith.constant 1 : i32
    scf.for %scan3A_183 = %scan3A_18 to %scan3A_20 step %scan3A_21  : i32 {
      %mul3A_184 = arith.constant 16 : i32
      %mul3A_185 = arith.muli %scan3A_183, %mul3A_184 : i32
      %add3A_186 = arith.constant 0 : i32
      %add3A_187 = arith.addi %add3A_186, %mul3A_185 : i32
      %add3A_188 = arith.constant 10112 : i32
      %add3A_189 = arith.addi %add3A_188, %add3A_187 : i32
      %add3A_190 = vector.broadcast %add3A_189 : i32 to vector<16xi32>
      %add3A_191 = arith.addi %add3A_190, %iota3A : vector<16xi32>
      %swap3A = arith.index_cast %add3A_187 : i32 to index
      %swap3A_192 = tpu.vector_load %arg14[%swap3A] {strides = array<i32>} : memref<80xi32, #tpu.memory_space<vmem>>, vector<16xi32>,
      tpu.vector_store %arg14[%swap3A], %add3A_191 {strides = array<i32>} : memref<80xi32, #tpu.memory_space<vmem>>, vector<16xi32>,
    }
    %scan3A_22 = arith.constant 5 : i32
    %scan3A_23 = arith.constant 0 : i32
    %scan3A_24 = arith.constant 20 : i32
    %scan3A_25 = arith.addi %scan3A_23, %scan3A_24 : i32
    %scan3A_26 = arith.constant 1 : i32
    scf.for %scan3A_183 = %scan3A_23 to %scan3A_25 step %scan3A_26  : i32 {
      %mul3A_184 = arith.constant 32 : i32
      %mul3A_185 = arith.muli %scan3A_183, %mul3A_184 : i32
      %add3A_186 = arith.constant 0 : i32
      %add3A_187 = arith.addi %add3A_186, %mul3A_185 : i32
      %mul3A_188 = arith.constant 640 : i32
      %mul3A_189 = arith.muli %arg1, %mul3A_188 : i32
      %add3A_190 = arith.addi %mul3A_189, %add3A_187 : i32
      %run_scoped3A_191 = arith.constant 0 : i32
      "tpu.region"() ({
        %run_scoped3A_192 = tpu.sem_alloc : memref<!tpu.dma_semaphore, #tpu.memory_space<semaphore_mem>>
        %dma_start3A_193 = arith.constant 0 : i32
        %dma_start3A_194 = arith.constant 0 : i32
        %dma_start3A_195 = tpu.memref_slice %arg12[%run_scoped3A_191, %dma_start3A_193, %dma_start3A_194] : memref<4x32x128xf32, #tpu.memory_space<vmem>> -> memref<1x32x128xf32, #tpu.memory_space<vmem>>
        %dma_start3A_196 = tpu.memref_squeeze %dma_start3A_195 : memref<1x32x128xf32, #tpu.memory_space<vmem>> -> memref<32x128xf32, #tpu.memory_space<vmem>>
        %dma_start3A_197 = arith.constant 0 : i32
        %dma_start3A_198 = tpu.memref_slice %arg15[%add3A_190, %dma_start3A_197] : memref<10240x128xf32, #tpu.memory_space<vmem_shared>> -> memref<32x128xf32, #tpu.memory_space<vmem_shared>>
        %dma_start3A_199 = arith.constant 0 : i32
        %dma_start3A_200 = tpu.memref_slice %arg15[%add3A_190, %dma_start3A_199] : memref<10240x128xf32, #tpu.memory_space<vmem_shared>> -> memref<32x128xf32, #tpu.memory_space<vmem_shared>>
        %dma_start3A_201 = arith.constant 0 : i32
        %dma_start3A_202 = arith.constant 0 : i32
        %dma_start3A_203 = tpu.memref_slice %arg12[%run_scoped3A_191, %dma_start3A_201, %dma_start3A_202] : memref<4x32x128xf32, #tpu.memory_space<vmem>> -> memref<1x32x128xf32, #tpu.memory_space<vmem>>
        %dma_start3A_204 = tpu.memref_squeeze %dma_start3A_203 : memref<1x32x128xf32, #tpu.memory_space<vmem>> -> memref<32x128xf32, #tpu.memory_space<vmem>>
        tpu.enqueue_dma source(%dma_start3A_204 : memref<32x128xf32, #tpu.memory_space<vmem>>) target(%dma_start3A_200 : memref<32x128xf32, #tpu.memory_space<vmem_shared>>) target_semaphore(%run_scoped3A_192 : memref<!tpu.dma_semaphore, #tpu.memory_space<semaphore_mem>>)
        %dma_wait3A_205 = arith.constant 0 : i32
        %dma_wait3A_206 = arith.constant 0 : i32
        %dma_wait3A_207 = tpu.memref_slice %arg12[%run_scoped3A_191, %dma_wait3A_205, %dma_wait3A_206] : memref<4x32x128xf32, #tpu.memory_space<vmem>> -> memref<1x32x128xf32, #tpu.memory_space<vmem>>
        %dma_wait3A_208 = tpu.memref_squeeze %dma_wait3A_207 : memref<1x32x128xf32, #tpu.memory_space<vmem>> -> memref<32x128xf32, #tpu.memory_space<vmem>>
        %dma_wait3A_209 = arith.constant 0 : i32
        %dma_wait3A_210 = tpu.memref_slice %arg15[%add3A_190, %dma_wait3A_209] : memref<10240x128xf32, #tpu.memory_space<vmem_shared>> -> memref<32x128xf32, #tpu.memory_space<vmem_shared>>
        %dma_wait3A_211 = arith.constant 0 : i32
        %dma_wait3A_212 = tpu.memref_slice %arg15[%add3A_190, %dma_wait3A_211] : memref<10240x128xf32, #tpu.memory_space<vmem_shared>> -> memref<32x128xf32, #tpu.memory_space<vmem_shared>>
        %dma_wait3A_213 = arith.constant 0 : i32
        %dma_wait3A_214 = arith.constant 0 : i32
        %dma_wait3A_215 = tpu.memref_slice %arg12[%run_scoped3A_191, %dma_wait3A_213, %dma_wait3A_214] : memref<4x32x128xf32, #tpu.memory_space<vmem>> -> memref<1x32x128xf32, #tpu.memory_space<vmem>>
        %dma_wait3A_216 = tpu.memref_squeeze %dma_wait3A_215 : memref<1x32x128xf32, #tpu.memory_space<vmem>> -> memref<32x128xf32, #tpu.memory_space<vmem>>
        tpu.wait_dma2 semaphore(%run_scoped3A_192 : memref<!tpu.dma_semaphore, #tpu.memory_space<semaphore_mem>>) src(%dma_wait3A_216 : memref<32x128xf32, #tpu.memory_space<vmem>>) dst(%dma_wait3A_212 : memref<32x128xf32, #tpu.memory_space<vmem_shared>>)
        tpu.yield
      }) : () -> ()
    }
    %scan3A_27 = arith.constant 20 : i32
    %barrier3A = arith.constant 0 : index
    tpu.barrier barrier_id(%barrier3A)
    %dma_start3A = arith.constant 1 : i32
    %dma_start3A_28 = arith.constant 1 : i32
    %dma_start3A_29 = arith.constant 0 : i32
    %dma_start3A_30 = arith.constant 0 : i32
    %dma_start3A_31 = tpu.memref_slice %arg12[%dma_start3A, %dma_start3A_29, %dma_start3A_30] : memref<4x32x128xf32, #tpu.memory_space<vmem>> -> memref<1x32x128xf32, #tpu.memory_space<vmem>>
    %dma_start3A_32 = tpu.memref_squeeze %dma_start3A_31 : memref<1x32x128xf32, #tpu.memory_space<vmem>> -> memref<32x128xf32, #tpu.memory_space<vmem>>
    %dma_start3A_33 = arith.constant 0 : i32
    %dma_start3A_34 = tpu.memref_slice %arg10[%dma_start3A_28, %dma_start3A_33] : memref<4x32xi32, #tpu.memory_space<vmem>> -> memref<1x32xi32, #tpu.memory_space<vmem>>
    %dma_start3A_35 = tpu.memref_squeeze %dma_start3A_34 : memref<1x32xi32, #tpu.memory_space<vmem>> -> memref<32xi32, #tpu.memory_space<vmem>>
    %dma_start3A_36 = arith.constant 0 : i32
    %dma_start3A_37 = arith.constant 0 : i32
    %dma_start3A_38 = tpu.memref_slice %arg15[%dma_start3A_36, %dma_start3A_37] : memref<10240x128xf32, #tpu.memory_space<vmem_shared>> -> memref<10240x128xf32, #tpu.memory_space<vmem_shared>>
    tpu.enqueue_indirect_dma source(%dma_start3A_32 : memref<32x128xf32, #tpu.memory_space<vmem>>) target(%dma_start3A_38 : memref<10240x128xf32, #tpu.memory_space<vmem_shared>>) offsets(%dma_start3A_35 : memref<32xi32, #tpu.memory_space<vmem>>) semaphore(%arg21 : memref<!tpu.dma_semaphore, #tpu.memory_space<semaphore_mem>>) {add = true}
    %dma_start3A_39 = arith.constant 2 : i32
    %dma_start3A_40 = arith.constant 2 : i32
    %dma_start3A_41 = arith.constant 0 : i32
    %dma_start3A_42 = arith.constant 0 : i32
    %dma_start3A_43 = tpu.memref_slice %arg12[%dma_start3A_39, %dma_start3A_41, %dma_start3A_42] : memref<4x32x128xf32, #tpu.memory_space<vmem>> -> memref<1x32x128xf32, #tpu.memory_space<vmem>>
    %dma_start3A_44 = tpu.memref_squeeze %dma_start3A_43 : memref<1x32x128xf32, #tpu.memory_space<vmem>> -> memref<32x128xf32, #tpu.memory_space<vmem>>
    %dma_start3A_45 = arith.constant 0 : i32
    %dma_start3A_46 = tpu.memref_slice %arg10[%dma_start3A_40, %dma_start3A_45] : memref<4x32xi32, #tpu.memory_space<vmem>> -> memref<1x32xi32, #tpu.memory_space<vmem>>
    %dma_start3A_47 = tpu.memref_squeeze %dma_start3A_46 : memref<1x32xi32, #tpu.memory_space<vmem>> -> memref<32xi32, #tpu.memory_space<vmem>>
    %dma_start3A_48 = arith.constant 0 : i32
    %dma_start3A_49 = arith.constant 0 : i32
    %dma_start3A_50 = tpu.memref_slice %arg15[%dma_start3A_48, %dma_start3A_49] : memref<10240x128xf32, #tpu.memory_space<vmem_shared>> -> memref<10240x128xf32, #tpu.memory_space<vmem_shared>>
    tpu.enqueue_indirect_dma source(%dma_start3A_44 : memref<32x128xf32, #tpu.memory_space<vmem>>) target(%dma_start3A_50 : memref<10240x128xf32, #tpu.memory_space<vmem_shared>>) offsets(%dma_start3A_47 : memref<32xi32, #tpu.memory_space<vmem>>) semaphore(%arg22 : memref<!tpu.dma_semaphore, #tpu.memory_space<semaphore_mem>>) {add = true}
    %dma_start3A_51 = arith.constant 3 : i32
    %dma_start3A_52 = arith.constant 3 : i32
    %dma_start3A_53 = arith.constant 0 : i32
    %dma_start3A_54 = arith.constant 0 : i32
    %dma_start3A_55 = tpu.memref_slice %arg12[%dma_start3A_51, %dma_start3A_53, %dma_start3A_54] : memref<4x32x128xf32, #tpu.memory_space<vmem>> -> memref<1x32x128xf32, #tpu.memory_space<vmem>>
    %dma_start3A_56 = tpu.memref_squeeze %dma_start3A_55 : memref<1x32x128xf32, #tpu.memory_space<vmem>> -> memref<32x128xf32, #tpu.memory_space<vmem>>
    %dma_start3A_57 = arith.constant 0 : i32
    %dma_start3A_58 = tpu.memref_slice %arg10[%dma_start3A_52, %dma_start3A_57] : memref<4x32xi32, #tpu.memory_space<vmem>> -> memref<1x32xi32, #tpu.memory_space<vmem>>
    %dma_start3A_59 = tpu.memref_squeeze %dma_start3A_58 : memref<1x32xi32, #tpu.memory_space<vmem>> -> memref<32xi32, #tpu.memory_space<vmem>>
    %dma_start3A_60 = arith.constant 0 : i32
    %dma_start3A_61 = arith.constant 0 : i32
    %dma_start3A_62 = tpu.memref_slice %arg15[%dma_start3A_60, %dma_start3A_61] : memref<10240x128xf32, #tpu.memory_space<vmem_shared>> -> memref<10240x128xf32, #tpu.memory_space<vmem_shared>>
    tpu.enqueue_indirect_dma source(%dma_start3A_56 : memref<32x128xf32, #tpu.memory_space<vmem>>) target(%dma_start3A_62 : memref<10240x128xf32, #tpu.memory_space<vmem_shared>>) offsets(%dma_start3A_59 : memref<32xi32, #tpu.memory_space<vmem>>) semaphore(%arg23 : memref<!tpu.dma_semaphore, #tpu.memory_space<semaphore_mem>>) {add = true}
    %run_scoped3A = arith.constant 0 : i32
    %run_scoped3A_63 = arith.constant 0 : i32
    "tpu.region"() ({
      %run_scoped3A_183 = tpu.sem_alloc : memref<!tpu.dma_semaphore, #tpu.memory_space<semaphore_mem>>
      %dma_start3A_184 = arith.constant 0 : i32
      %dma_start3A_185 = arith.constant 0 : i32
      %dma_start3A_186 = tpu.memref_slice %arg9[%run_scoped3A_63, %dma_start3A_184, %dma_start3A_185] : memref<4x2x32xi32, #tpu.memory_space<vmem>> -> memref<1x2x32xi32, #tpu.memory_space<vmem>>
      %dma_start3A_187 = tpu.memref_squeeze %dma_start3A_186 : memref<1x2x32xi32, #tpu.memory_space<vmem>> -> memref<2x32xi32, #tpu.memory_space<vmem>>
      %dma_start3A_188 = arith.constant 0 : i32
      %dma_start3A_189 = arith.constant 0 : i32
      %dma_start3A_190 = tpu.memref_slice %arg5[%add3A, %run_scoped3A, %dma_start3A_188, %dma_start3A_189] : memref<32x324x2x32xi32, #tpu.memory_space<hbm>> -> memref<1x1x2x32xi32, #tpu.memory_space<hbm>>
      %dma_start3A_191 = tpu.memref_squeeze %dma_start3A_190 : memref<1x1x2x32xi32, #tpu.memory_space<hbm>> -> memref<2x32xi32, #tpu.memory_space<hbm>>
      %dma_start3A_192 = arith.constant 0 : i32
      %dma_start3A_193 = arith.constant 0 : i32
      %dma_start3A_194 = tpu.memref_slice %arg9[%run_scoped3A_63, %dma_start3A_192, %dma_start3A_193] : memref<4x2x32xi32, #tpu.memory_space<vmem>> -> memref<1x2x32xi32, #tpu.memory_space<vmem>>
      %dma_start3A_195 = tpu.memref_squeeze %dma_start3A_194 : memref<1x2x32xi32, #tpu.memory_space<vmem>> -> memref<2x32xi32, #tpu.memory_space<vmem>>
      %dma_start3A_196 = arith.constant 0 : i32
      %dma_start3A_197 = arith.constant 0 : i32
      %dma_start3A_198 = tpu.memref_slice %arg5[%add3A, %run_scoped3A, %dma_start3A_196, %dma_start3A_197] : memref<32x324x2x32xi32, #tpu.memory_space<hbm>> -> memref<1x1x2x32xi32, #tpu.memory_space<hbm>>
      %dma_start3A_199 = tpu.memref_squeeze %dma_start3A_198 : memref<1x1x2x32xi32, #tpu.memory_space<hbm>> -> memref<2x32xi32, #tpu.memory_space<hbm>>
      tpu.enqueue_dma source(%dma_start3A_199 : memref<2x32xi32, #tpu.memory_space<hbm>>) target(%dma_start3A_195 : memref<2x32xi32, #tpu.memory_space<vmem>>) target_semaphore(%run_scoped3A_183 : memref<!tpu.dma_semaphore, #tpu.memory_space<semaphore_mem>>)
      %dma_wait3A_200 = arith.constant 0 : i32
      %dma_wait3A_201 = arith.constant 0 : i32
      %dma_wait3A_202 = tpu.memref_slice %arg9[%run_scoped3A_63, %dma_wait3A_200, %dma_wait3A_201] : memref<4x2x32xi32, #tpu.memory_space<vmem>> -> memref<1x2x32xi32, #tpu.memory_space<vmem>>
      %dma_wait3A_203 = tpu.memref_squeeze %dma_wait3A_202 : memref<1x2x32xi32, #tpu.memory_space<vmem>> -> memref<2x32xi32, #tpu.memory_space<vmem>>
      %dma_wait3A_204 = arith.constant 0 : i32
      %dma_wait3A_205 = arith.constant 0 : i32
      %dma_wait3A_206 = tpu.memref_slice %arg5[%add3A, %run_scoped3A, %dma_wait3A_204, %dma_wait3A_205] : memref<32x324x2x32xi32, #tpu.memory_space<hbm>> -> memref<1x1x2x32xi32, #tpu.memory_space<hbm>>
      %dma_wait3A_207 = tpu.memref_squeeze %dma_wait3A_206 : memref<1x1x2x32xi32, #tpu.memory_space<hbm>> -> memref<2x32xi32, #tpu.memory_space<hbm>>
      %dma_wait3A_208 = arith.constant 0 : i32
      %dma_wait3A_209 = arith.constant 0 : i32
      %dma_wait3A_210 = tpu.memref_slice %arg9[%run_scoped3A_63, %dma_wait3A_208, %dma_wait3A_209] : memref<4x2x32xi32, #tpu.memory_space<vmem>> -> memref<1x2x32xi32, #tpu.memory_space<vmem>>
      %dma_wait3A_211 = tpu.memref_squeeze %dma_wait3A_210 : memref<1x2x32xi32, #tpu.memory_space<vmem>> -> memref<2x32xi32, #tpu.memory_space<vmem>>
      %dma_wait3A_212 = arith.constant 0 : i32
      %dma_wait3A_213 = arith.constant 0 : i32
      %dma_wait3A_214 = tpu.memref_slice %arg5[%add3A, %run_scoped3A, %dma_wait3A_212, %dma_wait3A_213] : memref<32x324x2x32xi32, #tpu.memory_space<hbm>> -> memref<1x1x2x32xi32, #tpu.memory_space<hbm>>
      %dma_wait3A_215 = tpu.memref_squeeze %dma_wait3A_214 : memref<1x1x2x32xi32, #tpu.memory_space<hbm>> -> memref<2x32xi32, #tpu.memory_space<hbm>>
      tpu.wait_dma2 semaphore(%run_scoped3A_183 : memref<!tpu.dma_semaphore, #tpu.memory_space<semaphore_mem>>) src(%dma_wait3A_215 : memref<2x32xi32, #tpu.memory_space<hbm>>) dst(%dma_wait3A_211 : memref<2x32xi32, #tpu.memory_space<vmem>>)
      tpu.yield
    }) : () -> ()
    %dma_start3A_64 = arith.constant 1 : i32
    %dma_start3A_65 = arith.constant 1 : i32
    %dma_start3A_66 = arith.constant 0 : i32
    %dma_start3A_67 = arith.constant 0 : i32
    %dma_start3A_68 = tpu.memref_slice %arg9[%dma_start3A_65, %dma_start3A_66, %dma_start3A_67] : memref<4x2x32xi32, #tpu.memory_space<vmem>> -> memref<1x2x32xi32, #tpu.memory_space<vmem>>
    %dma_start3A_69 = tpu.memref_squeeze %dma_start3A_68 : memref<1x2x32xi32, #tpu.memory_space<vmem>> -> memref<2x32xi32, #tpu.memory_space<vmem>>
    %dma_start3A_70 = arith.constant 0 : i32
    %dma_start3A_71 = arith.constant 0 : i32
    %dma_start3A_72 = tpu.memref_slice %arg5[%add3A, %dma_start3A_64, %dma_start3A_70, %dma_start3A_71] : memref<32x324x2x32xi32, #tpu.memory_space<hbm>> -> memref<1x1x2x32xi32, #tpu.memory_space<hbm>>
    %dma_start3A_73 = tpu.memref_squeeze %dma_start3A_72 : memref<1x1x2x32xi32, #tpu.memory_space<hbm>> -> memref<2x32xi32, #tpu.memory_space<hbm>>
    %dma_start3A_74 = arith.constant 0 : i32
    %dma_start3A_75 = arith.constant 0 : i32
    %dma_start3A_76 = tpu.memref_slice %arg9[%dma_start3A_65, %dma_start3A_74, %dma_start3A_75] : memref<4x2x32xi32, #tpu.memory_space<vmem>> -> memref<1x2x32xi32, #tpu.memory_space<vmem>>
    %dma_start3A_77 = tpu.memref_squeeze %dma_start3A_76 : memref<1x2x32xi32, #tpu.memory_space<vmem>> -> memref<2x32xi32, #tpu.memory_space<vmem>>
    %dma_start3A_78 = arith.constant 0 : i32
    %dma_start3A_79 = arith.constant 0 : i32
    %dma_start3A_80 = tpu.memref_slice %arg5[%add3A, %dma_start3A_64, %dma_start3A_78, %dma_start3A_79] : memref<32x324x2x32xi32, #tpu.memory_space<hbm>> -> memref<1x1x2x32xi32, #tpu.memory_space<hbm>>
    %dma_start3A_81 = tpu.memref_squeeze %dma_start3A_80 : memref<1x1x2x32xi32, #tpu.memory_space<hbm>> -> memref<2x32xi32, #tpu.memory_space<hbm>>
    tpu.enqueue_dma source(%dma_start3A_81 : memref<2x32xi32, #tpu.memory_space<hbm>>) target(%dma_start3A_77 : memref<2x32xi32, #tpu.memory_space<vmem>>) target_semaphore(%arg25 : memref<!tpu.dma_semaphore, #tpu.memory_space<semaphore_mem>>)
    %dma_start3A_82 = arith.constant 0 : i32
    %dma_start3A_83 = arith.constant 0 : i32
    %dma_start3A_84 = arith.constant 0 : i32
    %dma_start3A_85 = arith.constant 0 : i32
    %dma_start3A_86 = arith.constant 0 : i32
    %dma_start3A_87 = tpu.memref_slice %arg12[%dma_start3A_84, %dma_start3A_85, %dma_start3A_86] : memref<4x32x128xf32, #tpu.memory_space<vmem>> -> memref<1x32x128xf32, #tpu.memory_space<vmem>>
    %dma_start3A_88 = tpu.memref_squeeze %dma_start3A_87 : memref<1x32x128xf32, #tpu.memory_space<vmem>> -> memref<32x128xf32, #tpu.memory_space<vmem>>
    %dma_start3A_89 = arith.constant 0 : i32
    %dma_start3A_90 = tpu.memref_slice %arg9[%dma_start3A_82, %dma_start3A_83, %dma_start3A_89] : memref<4x2x32xi32, #tpu.memory_space<vmem>> -> memref<1x1x32xi32, #tpu.memory_space<vmem>>
    %dma_start3A_91 = tpu.memref_squeeze %dma_start3A_90 : memref<1x1x32xi32, #tpu.memory_space<vmem>> -> memref<32xi32, #tpu.memory_space<vmem>>
    %dma_start3A_92 = arith.constant 0 : i32
    %dma_start3A_93 = arith.constant 0 : i32
    %dma_start3A_94 = tpu.memref_slice %arg2[%dma_start3A_92, %dma_start3A_93] : memref<10240x128xf32, #tpu.memory_space<hbm>> -> memref<10240x128xf32, #tpu.memory_space<hbm>>
    tpu.enqueue_indirect_dma source(%dma_start3A_94 : memref<10240x128xf32, #tpu.memory_space<hbm>>) target(%dma_start3A_88 : memref<32x128xf32, #tpu.memory_space<vmem>>) offsets(%dma_start3A_91 : memref<32xi32, #tpu.memory_space<vmem>>) semaphore(%arg16 : memref<!tpu.dma_semaphore, #tpu.memory_space<semaphore_mem>>)
    %scan3A_95 = arith.constant 0 : i32
    %scan3A_96 = arith.constant 81 : i32
    %scan3A_97 = arith.addi %scan3A_95, %scan3A_96 : i32
    %scan3A_98 = arith.constant 1 : i32
    scf.for %scan3A_183 = %scan3A_95 to %scan3A_97 step %scan3A_98  : i32 {
      %mul3A_184 = arith.constant 4 : i32
      %mul3A_185 = arith.muli %scan3A_183, %mul3A_184 : i32
      %add3A_186 = arith.constant 0 : i32
      %add3A_187 = arith.addi %add3A_186, %mul3A_185 : i32
      %add3A_188 = arith.constant 0 : i32
      %add3A_189 = arith.addi %add3A_187, %add3A_188 : i32
      %dma_wait3A_190 = arith.constant 0 : i32
      %dma_wait3A_191 = arith.constant 1 : i32
      %dma_wait3A_192 = arith.constant 0 : i32
      %dma_wait3A_193 = arith.constant 0 : i32
      %dma_wait3A_194 = tpu.memref_slice %arg9[%dma_wait3A_191, %dma_wait3A_192, %dma_wait3A_193] : memref<4x2x32xi32, #tpu.memory_space<vmem>> -> memref<1x2x32xi32, #tpu.memory_space<vmem>>
      %dma_wait3A_195 = tpu.memref_squeeze %dma_wait3A_194 : memref<1x2x32xi32, #tpu.memory_space<vmem>> -> memref<2x32xi32, #tpu.memory_space<vmem>>
      %dma_wait3A_196 = arith.constant 0 : i32
      %dma_wait3A_197 = arith.constant 0 : i32
      %dma_wait3A_198 = tpu.memref_slice %arg5[%add3A, %dma_wait3A_190, %dma_wait3A_196, %dma_wait3A_197] : memref<32x324x2x32xi32, #tpu.memory_space<hbm>> -> memref<1x1x2x32xi32, #tpu.memory_space<hbm>>
      %dma_wait3A_199 = tpu.memref_squeeze %dma_wait3A_198 : memref<1x1x2x32xi32, #tpu.memory_space<hbm>> -> memref<2x32xi32, #tpu.memory_space<hbm>>
      %dma_wait3A_200 = arith.constant 0 : i32
      %dma_wait3A_201 = arith.constant 0 : i32
      %dma_wait3A_202 = tpu.memref_slice %arg9[%dma_wait3A_191, %dma_wait3A_200, %dma_wait3A_201] : memref<4x2x32xi32, #tpu.memory_space<vmem>> -> memref<1x2x32xi32, #tpu.memory_space<vmem>>
      %dma_wait3A_203 = tpu.memref_squeeze %dma_wait3A_202 : memref<1x2x32xi32, #tpu.memory_space<vmem>> -> memref<2x32xi32, #tpu.memory_space<vmem>>
      %dma_wait3A_204 = arith.constant 0 : i32
      %dma_wait3A_205 = arith.constant 0 : i32
      %dma_wait3A_206 = tpu.memref_slice %arg5[%add3A, %dma_wait3A_190, %dma_wait3A_204, %dma_wait3A_205] : memref<32x324x2x32xi32, #tpu.memory_space<hbm>> -> memref<1x1x2x32xi32, #tpu.memory_space<hbm>>
      %dma_wait3A_207 = tpu.memref_squeeze %dma_wait3A_206 : memref<1x1x2x32xi32, #tpu.memory_space<hbm>> -> memref<2x32xi32, #tpu.memory_space<hbm>>
      tpu.wait_dma2 semaphore(%arg25 : memref<!tpu.dma_semaphore, #tpu.memory_space<semaphore_mem>>) src(%dma_wait3A_207 : memref<2x32xi32, #tpu.memory_space<hbm>>) dst(%dma_wait3A_203 : memref<2x32xi32, #tpu.memory_space<vmem>>)
      %dma_wait3A_208 = arith.constant 1 : i32
      %dma_wait3A_209 = arith.constant 0 : i32
      %dma_wait3A_210 = arith.constant 0 : i32
      %dma_wait3A_211 = tpu.memref_slice %arg12[%dma_wait3A_208, %dma_wait3A_209, %dma_wait3A_210] : memref<4x32x128xf32, #tpu.memory_space<vmem>> -> memref<1x32x128xf32, #tpu.memory_space<vmem>>
      %dma_wait3A_212 = tpu.memref_squeeze %dma_wait3A_211 : memref<1x32x128xf32, #tpu.memory_space<vmem>> -> memref<32x128xf32, #tpu.memory_space<vmem>>
      %dma_wait3A_213 = arith.constant 0 : i32
      %dma_wait3A_214 = arith.constant 0 : i32
      %dma_wait3A_215 = tpu.memref_slice %arg2[%dma_wait3A_213, %dma_wait3A_214] : memref<10240x128xf32, #tpu.memory_space<hbm>> -> memref<32x128xf32, #tpu.memory_space<hbm>>
      %dma_wait3A_216 = arith.constant 0 : i32
      %dma_wait3A_217 = arith.constant 0 : i32
      %dma_wait3A_218 = tpu.memref_slice %arg12[%dma_wait3A_208, %dma_wait3A_216, %dma_wait3A_217] : memref<4x32x128xf32, #tpu.memory_space<vmem>> -> memref<1x32x128xf32, #tpu.memory_space<vmem>>
      %dma_wait3A_219 = tpu.memref_squeeze %dma_wait3A_218 : memref<1x32x128xf32, #tpu.memory_space<vmem>> -> memref<32x128xf32, #tpu.memory_space<vmem>>
      %dma_wait3A_220 = arith.constant 0 : i32
      %dma_wait3A_221 = arith.constant 0 : i32
      %dma_wait3A_222 = tpu.memref_slice %arg2[%dma_wait3A_220, %dma_wait3A_221] : memref<10240x128xf32, #tpu.memory_space<hbm>> -> memref<32x128xf32, #tpu.memory_space<hbm>>
      tpu.wait_dma2 semaphore(%arg21 : memref<!tpu.dma_semaphore, #tpu.memory_space<semaphore_mem>>) src(%dma_wait3A_222 : memref<32x128xf32, #tpu.memory_space<hbm>>) dst(%dma_wait3A_219 : memref<32x128xf32, #tpu.memory_space<vmem>>)
      %dma_start3A_223 = arith.constant 1 : i32
      %dma_start3A_224 = arith.constant 0 : i32
      %dma_start3A_225 = arith.constant 0 : i32
      %dma_start3A_226 = tpu.memref_slice %arg12[%dma_start3A_223, %dma_start3A_224, %dma_start3A_225] : memref<4x32x128xf32, #tpu.memory_space<vmem>> -> memref<1x32x128xf32, #tpu.memory_space<vmem>>
      %dma_start3A_227 = tpu.memref_squeeze %dma_start3A_226 : memref<1x32x128xf32, #tpu.memory_space<vmem>> -> memref<32x128xf32, #tpu.memory_space<vmem>>
      %dma_start3A_228 = arith.constant 0 : i32
      %dma_start3A_229 = arith.constant 0 : i32
      %dma_start3A_230 = tpu.memref_slice %arg2[%dma_start3A_228, %dma_start3A_229] : memref<10240x128xf32, #tpu.memory_space<hbm>> -> memref<32x128xf32, #tpu.memory_space<hbm>>
      %dma_start3A_231 = arith.constant 0 : i32
      %dma_start3A_232 = arith.constant 0 : i32
      %dma_start3A_233 = tpu.memref_slice %arg12[%dma_start3A_223, %dma_start3A_231, %dma_start3A_232] : memref<4x32x128xf32, #tpu.memory_space<vmem>> -> memref<1x32x128xf32, #tpu.memory_space<vmem>>
      %dma_start3A_234 = tpu.memref_squeeze %dma_start3A_233 : memref<1x32x128xf32, #tpu.memory_space<vmem>> -> memref<32x128xf32, #tpu.memory_space<vmem>>
      %dma_start3A_235 = arith.constant 0 : i32
      %dma_start3A_236 = arith.constant 0 : i32
      %dma_start3A_237 = tpu.memref_slice %arg2[%dma_start3A_235, %dma_start3A_236] : memref<10240x128xf32, #tpu.memory_space<hbm>> -> memref<32x128xf32, #tpu.memory_space<hbm>>
      tpu.enqueue_dma source(%dma_start3A_237 : memref<32x128xf32, #tpu.memory_space<hbm>>) target(%dma_start3A_234 : memref<32x128xf32, #tpu.memory_space<vmem>>) target_semaphore(%arg17 : memref<!tpu.dma_semaphore, #tpu.memory_space<semaphore_mem>>)
      %parallel_loop3A = arith.constant 0 : i32
      %parallel_loop3A_238 = arith.constant 32 : i32
      %parallel_loop3A_239 = arith.constant 16 : i32
      scf.for %parallel_loop3A_614 = %parallel_loop3A to %parallel_loop3A_238 step %parallel_loop3A_239  : i32 {
        %parallel_loop3A_615 = arith.constant 0 : i32
        %parallel_loop3A_616 = arith.constant 0 : i32
        %parallel_loop3A_617 = arith.index_cast %parallel_loop3A_615 : i32 to index
        %parallel_loop3A_618 = arith.index_cast %parallel_loop3A_616 : i32 to index
        %parallel_loop3A_619 = arith.index_cast %parallel_loop3A_614 : i32 to index
        %parallel_loop3A_620 = tpu.vector_load %arg9[%parallel_loop3A_617, %parallel_loop3A_618, %parallel_loop3A_619] {strides = array<i32>} : memref<4x2x32xi32, #tpu.memory_space<vmem>>, vector<16xi32>,
        %parallel_loop3A_621 = arith.constant 0 : i32
        %parallel_loop3A_622 = arith.constant 1 : i32
        %parallel_loop3A_623 = arith.index_cast %parallel_loop3A_621 : i32 to index
        %parallel_loop3A_624 = arith.index_cast %parallel_loop3A_622 : i32 to index
        %parallel_loop3A_625 = arith.index_cast %parallel_loop3A_614 : i32 to index
        %parallel_loop3A_626 = tpu.vector_load %arg9[%parallel_loop3A_623, %parallel_loop3A_624, %parallel_loop3A_625] {strides = array<i32>} : memref<4x2x32xi32, #tpu.memory_space<vmem>>, vector<16xi32>,
        %parallel_loop3A_627 = tpu.vector_load_idx %arg7[%parallel_loop3A_620] : memref<10240xf32, #tpu.memory_space<vmem>>[vector<16xi32>], vector<16xf32>,
        %parallel_loop3A_628 = tpu.vector_load_idx %arg8[%parallel_loop3A_626] : memref<10240xf32, #tpu.memory_space<vmem>>[vector<16xi32>], vector<16xf32>,
        %parallel_loop3A_629 = arith.addf %parallel_loop3A_627, %parallel_loop3A_628 : vector<16xf32>
        %parallel_loop3A_630 = arith.constant 0.000000e+00 : f32
        %parallel_loop3A_631 = vector.broadcast %parallel_loop3A_630 : f32 to vector<16xf32>
        %parallel_loop3A_632 = arith.cmpf oge, %parallel_loop3A_629, %parallel_loop3A_631 : vector<16xf32>
        %parallel_loop3A_633 = arith.constant 2.000000e-01 : f32
        %parallel_loop3A_634 = vector.broadcast %parallel_loop3A_633 : f32 to vector<16xf32>
        %parallel_loop3A_635 = arith.mulf %parallel_loop3A_634, %parallel_loop3A_629 : vector<16xf32>
        %parallel_loop3A_636 = arith.select %parallel_loop3A_632, %parallel_loop3A_629, %parallel_loop3A_635 : vector<16xi1>, vector<16xf32>
        %parallel_loop3A_637 = math.exp %parallel_loop3A_636 : vector<16xf32>
        %parallel_loop3A_638 = arith.index_cast %parallel_loop3A_614 : i32 to index
        %parallel_loop3A_639 = tpu.vector_load %arg11[%parallel_loop3A_638] {strides = array<i32>} : memref<32xf32, #tpu.memory_space<vmem>>, vector<16xf32>,
        tpu.vector_store %arg11[%parallel_loop3A_638], %parallel_loop3A_637 {strides = array<i32>} : memref<32xf32, #tpu.memory_space<vmem>>, vector<16xf32>,
        %parallel_loop3A_640 = arith.constant 7 : i32
        %parallel_loop3A_641 = vector.broadcast %parallel_loop3A_640 : i32 to vector<16xi32>
        %parallel_loop3A_642 = arith.shrui %parallel_loop3A_626, %parallel_loop3A_641 : vector<16xi32>
        %parallel_loop3A_643 = arith.constant 127 : i32
        %parallel_loop3A_644 = vector.broadcast %parallel_loop3A_643 : i32 to vector<16xi32>
        %parallel_loop3A_645 = arith.andi %parallel_loop3A_626, %parallel_loop3A_644 : vector<16xi32>
        tpu.vector_store_idx %arg13[%parallel_loop3A_642, %parallel_loop3A_645], %parallel_loop3A_637 {add = true} : memref<80x128xf32, #tpu.memory_space<vmem>>[vector<16xi32>, vector<16xi32>], vector<16xf32>,
        %parallel_loop3A_646 = arith.constant 0 : i32
        %parallel_loop3A_647 = arith.index_cast %parallel_loop3A_646 : i32 to index
        %parallel_loop3A_648 = arith.index_cast %parallel_loop3A_614 : i32 to index
        %parallel_loop3A_649 = tpu.vector_load %arg10[%parallel_loop3A_647, %parallel_loop3A_648] {strides = array<i32>} : memref<4x32xi32, #tpu.memory_space<vmem>>, vector<16xi32>,
        tpu.vector_store %arg10[%parallel_loop3A_647, %parallel_loop3A_648], %parallel_loop3A_626 {strides = array<i32>} : memref<4x32xi32, #tpu.memory_space<vmem>>, vector<16xi32>,
      } {sc.loop_unroll_factor = 2 : i64, sc.parallel_access}
      %dma_wait3A_240 = arith.constant 0 : i32
      %dma_wait3A_241 = arith.constant 0 : i32
      %dma_wait3A_242 = arith.constant 0 : i32
      %dma_wait3A_243 = tpu.memref_slice %arg12[%dma_wait3A_240, %dma_wait3A_241, %dma_wait3A_242] : memref<4x32x128xf32, #tpu.memory_space<vmem>> -> memref<1x32x128xf32, #tpu.memory_space<vmem>>
      %dma_wait3A_244 = tpu.memref_squeeze %dma_wait3A_243 : memref<1x32x128xf32, #tpu.memory_space<vmem>> -> memref<32x128xf32, #tpu.memory_space<vmem>>
      %dma_wait3A_245 = arith.constant 0 : i32
      %dma_wait3A_246 = arith.constant 0 : i32
      %dma_wait3A_247 = tpu.memref_slice %arg2[%dma_wait3A_245, %dma_wait3A_246] : memref<10240x128xf32, #tpu.memory_space<hbm>> -> memref<32x128xf32, #tpu.memory_space<hbm>>
      %dma_wait3A_248 = arith.constant 0 : i32
      %dma_wait3A_249 = arith.constant 0 : i32
      %dma_wait3A_250 = tpu.memref_slice %arg12[%dma_wait3A_240, %dma_wait3A_248, %dma_wait3A_249] : memref<4x32x128xf32, #tpu.memory_space<vmem>> -> memref<1x32x128xf32, #tpu.memory_space<vmem>>
      %dma_wait3A_251 = tpu.memref_squeeze %dma_wait3A_250 : memref<1x32x128xf32, #tpu.memory_space<vmem>> -> memref<32x128xf32, #tpu.memory_space<vmem>>
      %dma_wait3A_252 = arith.constant 0 : i32
      %dma_wait3A_253 = arith.constant 0 : i32
      %dma_wait3A_254 = tpu.memref_slice %arg2[%dma_wait3A_252, %dma_wait3A_253] : memref<10240x128xf32, #tpu.memory_space<hbm>> -> memref<32x128xf32, #tpu.memory_space<hbm>>
      tpu.wait_dma2 semaphore(%arg16 : memref<!tpu.dma_semaphore, #tpu.memory_space<semaphore_mem>>) src(%dma_wait3A_254 : memref<32x128xf32, #tpu.memory_space<hbm>>) dst(%dma_wait3A_251 : memref<32x128xf32, #tpu.memory_space<vmem>>)
      %add3A_255 = arith.constant 2 : i32
      %add3A_256 = arith.addi %add3A_189, %add3A_255 : i32
      %min3A = arith.constant 323 : i32
      %min3A_257 = arith.minsi %add3A_256, %min3A : i32
      %dma_start3A_258 = arith.constant 2 : i32
      %dma_start3A_259 = arith.constant 0 : i32
      %dma_start3A_260 = arith.constant 0 : i32
      %dma_start3A_261 = tpu.memref_slice %arg9[%dma_start3A_258, %dma_start3A_259, %dma_start3A_260] : memref<4x2x32xi32, #tpu.memory_space<vmem>> -> memref<1x2x32xi32, #tpu.memory_space<vmem>>
      %dma_start3A_262 = tpu.memref_squeeze %dma_start3A_261 : memref<1x2x32xi32, #tpu.memory_space<vmem>> -> memref<2x32xi32, #tpu.memory_space<vmem>>
      %dma_start3A_263 = arith.constant 0 : i32
      %dma_start3A_264 = arith.constant 0 : i32
      %dma_start3A_265 = tpu.memref_slice %arg5[%add3A, %min3A_257, %dma_start3A_263, %dma_start3A_264] : memref<32x324x2x32xi32, #tpu.memory_space<hbm>> -> memref<1x1x2x32xi32, #tpu.memory_space<hbm>>
      %dma_start3A_266 = tpu.memref_squeeze %dma_start3A_265 : memref<1x1x2x32xi32, #tpu.memory_space<hbm>> -> memref<2x32xi32, #tpu.memory_space<hbm>>
      %dma_start3A_267 = arith.constant 0 : i32
      %dma_start3A_268 = arith.constant 0 : i32
      %dma_start3A_269 = tpu.memref_slice %arg9[%dma_start3A_258, %dma_start3A_267, %dma_start3A_268] : memref<4x2x32xi32, #tpu.memory_space<vmem>> -> memref<1x2x32xi32, #tpu.memory_space<vmem>>
      %dma_start3A_270 = tpu.memref_squeeze %dma_start3A_269 : memref<1x2x32xi32, #tpu.memory_space<vmem>> -> memref<2x32xi32, #tpu.memory_space<vmem>>
      %dma_start3A_271 = arith.constant 0 : i32
      %dma_start3A_272 = arith.constant 0 : i32
      %dma_start3A_273 = tpu.memref_slice %arg5[%add3A, %min3A_257, %dma_start3A_271, %dma_start3A_272] : memref<32x324x2x32xi32, #tpu.memory_space<hbm>> -> memref<1x1x2x32xi32, #tpu.memory_space<hbm>>
      %dma_start3A_274 = tpu.memref_squeeze %dma_start3A_273 : memref<1x1x2x32xi32, #tpu.memory_space<hbm>> -> memref<2x32xi32, #tpu.memory_space<hbm>>
      tpu.enqueue_dma source(%dma_start3A_274 : memref<2x32xi32, #tpu.memory_space<hbm>>) target(%dma_start3A_270 : memref<2x32xi32, #tpu.memory_space<vmem>>) target_semaphore(%arg26 : memref<!tpu.dma_semaphore, #tpu.memory_space<semaphore_mem>>)
      %parallel_loop3A_275 = arith.constant 0 : i32
      %parallel_loop3A_276 = arith.constant 0 : i32
      %parallel_loop3A_277 = arith.constant 1 : i32
      scf.for %parallel_loop3A_614 = %parallel_loop3A_275 to %parallel_loop3A_276 step %parallel_loop3A_277  : i32 {
        %parallel_loop3A_615 = vector.broadcast %parallel_loop3A_614 : i32 to vector<16xi32>
        %parallel_loop3A_616 = arith.addi %broadcast_in_dim3A_3, %parallel_loop3A_615 : vector<16xi32>
        %parallel_loop3A_617 = tpu.vector_load_idx %arg11[%parallel_loop3A_616] : memref<32xf32, #tpu.memory_space<vmem>>[vector<16xi32>], vector<16xf32>,
        %parallel_loop3A_618 = arith.constant 0 : i32
        %parallel_loop3A_619 = arith.index_cast %parallel_loop3A_618 : i32 to index
        %parallel_loop3A_620 = arith.index_cast %parallel_loop3A_614 : i32 to index
        %parallel_loop3A_621 = arith.constant 0 : index
        %parallel_loop3A_622 = tpu.vector_load %arg12[%parallel_loop3A_619, %parallel_loop3A_620, %parallel_loop3A_621] {strides = array<i32>} : memref<4x32x128xf32, #tpu.memory_space<vmem>>, vector<16xf32>,
        %parallel_loop3A_623 = arith.mulf %parallel_loop3A_622, %parallel_loop3A_617 : vector<16xf32>
        %parallel_loop3A_624 = arith.constant 0 : i32
        %parallel_loop3A_625 = arith.index_cast %parallel_loop3A_624 : i32 to index
        %parallel_loop3A_626 = arith.index_cast %parallel_loop3A_614 : i32 to index
        %parallel_loop3A_627 = arith.constant 0 : index
        %parallel_loop3A_628 = tpu.vector_load %arg12[%parallel_loop3A_625, %parallel_loop3A_626, %parallel_loop3A_627] {strides = array<i32>} : memref<4x32x128xf32, #tpu.memory_space<vmem>>, vector<16xf32>,
        tpu.vector_store %arg12[%parallel_loop3A_625, %parallel_loop3A_626, %parallel_loop3A_627], %parallel_loop3A_623 {strides = array<i32>} : memref<4x32x128xf32, #tpu.memory_space<vmem>>, vector<16xf32>,
        %parallel_loop3A_629 = arith.constant 0 : i32
        %parallel_loop3A_630 = arith.index_cast %parallel_loop3A_629 : i32 to index
        %parallel_loop3A_631 = arith.index_cast %parallel_loop3A_614 : i32 to index
        %parallel_loop3A_632 = arith.constant 16 : index
        %parallel_loop3A_633 = tpu.vector_load %arg12[%parallel_loop3A_630, %parallel_loop3A_631, %parallel_loop3A_632] {strides = array<i32>} : memref<4x32x128xf32, #tpu.memory_space<vmem>>, vector<16xf32>,
        %parallel_loop3A_634 = arith.mulf %parallel_loop3A_633, %parallel_loop3A_617 : vector<16xf32>
        %parallel_loop3A_635 = arith.constant 0 : i32
        %parallel_loop3A_636 = arith.index_cast %parallel_loop3A_635 : i32 to index
        %parallel_loop3A_637 = arith.index_cast %parallel_loop3A_614 : i32 to index
        %parallel_loop3A_638 = arith.constant 16 : index
        %parallel_loop3A_639 = tpu.vector_load %arg12[%parallel_loop3A_636, %parallel_loop3A_637, %parallel_loop3A_638] {strides = array<i32>} : memref<4x32x128xf32, #tpu.memory_space<vmem>>, vector<16xf32>,
        tpu.vector_store %arg12[%parallel_loop3A_636, %parallel_loop3A_637, %parallel_loop3A_638], %parallel_loop3A_634 {strides = array<i32>} : memref<4x32x128xf32, #tpu.memory_space<vmem>>, vector<16xf32>,
        %parallel_loop3A_640 = arith.constant 0 : i32
        %parallel_loop3A_641 = arith.index_cast %parallel_loop3A_640 : i32 to index
        %parallel_loop3A_642 = arith.index_cast %parallel_loop3A_614 : i32 to index
        %parallel_loop3A_643 = arith.constant 32 : index
        %parallel_loop3A_644 = tpu.vector_load %arg12[%parallel_loop3A_641, %parallel_loop3A_642, %parallel_loop3A_643] {strides = array<i32>} : memref<4x32x128xf32, #tpu.memory_space<vmem>>, vector<16xf32>,
        %parallel_loop3A_645 = arith.mulf %parallel_loop3A_644, %parallel_loop3A_617 : vector<16xf32>
        %parallel_loop3A_646 = arith.constant 0 : i32
        %parallel_loop3A_647 = arith.index_cast %parallel_loop3A_646 : i32 to index
        %parallel_loop3A_648 = arith.index_cast %parallel_loop3A_614 : i32 to index
        %parallel_loop3A_649 = arith.constant 32 : index
        %parallel_loop3A_650 = tpu.vector_load %arg12[%parallel_loop3A_647, %parallel_loop3A_648, %parallel_loop3A_649] {strides = array<i32>} : memref<4x32x128xf32, #tpu.memory_space<vmem>>, vector<16xf32>,
        tpu.vector_store %arg12[%parallel_loop3A_647, %parallel_loop3A_648, %parallel_loop3A_649], %parallel_loop3A_645 {strides = array<i32>} : memref<4x32x128xf32, #tpu.memory_space<vmem>>, vector<16xf32>,
        %parallel_loop3A_651 = arith.constant 0 : i32
        %parallel_loop3A_652 = arith.index_cast %parallel_loop3A_651 : i32 to index
        %parallel_loop3A_653 = arith.index_cast %parallel_loop3A_614 : i32 to index
        %parallel_loop3A_654 = arith.constant 48 : index
        %parallel_loop3A_655 = tpu.vector_load %arg12[%parallel_loop3A_652, %parallel_loop3A_653, %parallel_loop3A_654] {strides = array<i32>} : memref<4x32x128xf32, #tpu.memory_space<vmem>>, vector<16xf32>,
        %parallel_loop3A_656 = arith.mulf %parallel_loop3A_655, %parallel_loop3A_617 : vector<16xf32>
        %parallel_loop3A_657 = arith.constant 0 : i32
        %parallel_loop3A_658 = arith.index_cast %parallel_loop3A_657 : i32 to index
        %parallel_loop3A_659 = arith.index_cast %parallel_loop3A_614 : i32 to index
        %parallel_loop3A_660 = arith.constant 48 : index
        %parallel_loop3A_661 = tpu.vector_load %arg12[%parallel_loop3A_658, %parallel_loop3A_659, %parallel_loop3A_660] {strides = array<i32>} : memref<4x32x128xf32, #tpu.memory_space<vmem>>, vector<16xf32>,
        tpu.vector_store %arg12[%parallel_loop3A_658, %parallel_loop3A_659, %parallel_loop3A_660], %parallel_loop3A_656 {strides = array<i32>} : memref<4x32x128xf32, #tpu.memory_space<vmem>>, vector<16xf32>,
        %parallel_loop3A_662 = arith.constant 0 : i32
        %parallel_loop3A_663 = arith.index_cast %parallel_loop3A_662 : i32 to index
        %parallel_loop3A_664 = arith.index_cast %parallel_loop3A_614 : i32 to index
        %parallel_loop3A_665 = arith.constant 64 : index
        %parallel_loop3A_666 = tpu.vector_load %arg12[%parallel_loop3A_663, %parallel_loop3A_664, %parallel_loop3A_665] {strides = array<i32>} : memref<4x32x128xf32, #tpu.memory_space<vmem>>, vector<16xf32>,
        %parallel_loop3A_667 = arith.mulf %parallel_loop3A_666, %parallel_loop3A_617 : vector<16xf32>
        %parallel_loop3A_668 = arith.constant 0 : i32
        %parallel_loop3A_669 = arith.index_cast %parallel_loop3A_668 : i32 to index
        %parallel_loop3A_670 = arith.index_cast %parallel_loop3A_614 : i32 to index
        %parallel_loop3A_671 = arith.constant 64 : index
        %parallel_loop3A_672 = tpu.vector_load %arg12[%parallel_loop3A_669, %parallel_loop3A_670, %parallel_loop3A_671] {strides = array<i32>} : memref<4x32x128xf32, #tpu.memory_space<vmem>>, vector<16xf32>,
        tpu.vector_store %arg12[%parallel_loop3A_669, %parallel_loop3A_670, %parallel_loop3A_671], %parallel_loop3A_667 {strides = array<i32>} : memref<4x32x128xf32, #tpu.memory_space<vmem>>, vector<16xf32>,
        %parallel_loop3A_673 = arith.constant 0 : i32
        %parallel_loop3A_674 = arith.index_cast %parallel_loop3A_673 : i32 to index
        %parallel_loop3A_675 = arith.index_cast %parallel_loop3A_614 : i32 to index
        %parallel_loop3A_676 = arith.constant 80 : index
        %parallel_loop3A_677 = tpu.vector_load %arg12[%parallel_loop3A_674, %parallel_loop3A_675, %parallel_loop3A_676] {strides = array<i32>} : memref<4x32x128xf32, #tpu.memory_space<vmem>>, vector<16xf32>,
        %parallel_loop3A_678 = arith.mulf %parallel_loop3A_677, %parallel_loop3A_617 : vector<16xf32>
        %parallel_loop3A_679 = arith.constant 0 : i32
        %parallel_loop3A_680 = arith.index_cast %parallel_loop3A_679 : i32 to index
        %parallel_loop3A_681 = arith.index_cast %parallel_loop3A_614 : i32 to index
        %parallel_loop3A_682 = arith.constant 80 : index
        %parallel_loop3A_683 = tpu.vector_load %arg12[%parallel_loop3A_680, %parallel_loop3A_681, %parallel_loop3A_682] {strides = array<i32>} : memref<4x32x128xf32, #tpu.memory_space<vmem>>, vector<16xf32>,
        tpu.vector_store %arg12[%parallel_loop3A_680, %parallel_loop3A_681, %parallel_loop3A_682], %parallel_loop3A_678 {strides = array<i32>} : memref<4x32x128xf32, #tpu.memory_space<vmem>>, vector<16xf32>,
        %parallel_loop3A_684 = arith.constant 0 : i32
        %parallel_loop3A_685 = arith.index_cast %parallel_loop3A_684 : i32 to index
        %parallel_loop3A_686 = arith.index_cast %parallel_loop3A_614 : i32 to index
        %parallel_loop3A_687 = arith.constant 96 : index
        %parallel_loop3A_688 = tpu.vector_load %arg12[%parallel_loop3A_685, %parallel_loop3A_686, %parallel_loop3A_687] {strides = array<i32>} : memref<4x32x128xf32, #tpu.memory_space<vmem>>, vector<16xf32>,
        %parallel_loop3A_689 = arith.mulf %parallel_loop3A_688, %parallel_loop3A_617 : vector<16xf32>
        %parallel_loop3A_690 = arith.constant 0 : i32
        %parallel_loop3A_691 = arith.index_cast %parallel_loop3A_690 : i32 to index
        %parallel_loop3A_692 = arith.index_cast %parallel_loop3A_614 : i32 to index
        %parallel_loop3A_693 = arith.constant 96 : index
        %parallel_loop3A_694 = tpu.vector_load %arg12[%parallel_loop3A_691, %parallel_loop3A_692, %parallel_loop3A_693] {strides = array<i32>} : memref<4x32x128xf32, #tpu.memory_space<vmem>>, vector<16xf32>,
        tpu.vector_store %arg12[%parallel_loop3A_691, %parallel_loop3A_692, %parallel_loop3A_693], %parallel_loop3A_689 {strides = array<i32>} : memref<4x32x128xf32, #tpu.memory_space<vmem>>, vector<16xf32>,
        %parallel_loop3A_695 = arith.constant 0 : i32
        %parallel_loop3A_696 = arith.index_cast %parallel_loop3A_695 : i32 to index
        %parallel_loop3A_697 = arith.index_cast %parallel_loop3A_614 : i32 to index
        %parallel_loop3A_698 = arith.constant 112 : index
        %parallel_loop3A_699 = tpu.vector_load %arg12[%parallel_loop3A_696, %parallel_loop3A_697, %parallel_loop3A_698] {strides = array<i32>} : memref<4x32x128xf32, #tpu.memory_space<vmem>>, vector<16xf32>,
        %parallel_loop3A_700 = arith.mulf %parallel_loop3A_699, %parallel_loop3A_617 : vector<16xf32>
        %parallel_loop3A_701 = arith.constant 0 : i32
        %parallel_loop3A_702 = arith.index_cast %parallel_loop3A_701 : i32 to index
        %parallel_loop3A_703 = arith.index_cast %parallel_loop3A_614 : i32 to index
        %parallel_loop3A_704 = arith.constant 112 : index
        %parallel_loop3A_705 = tpu.vector_load %arg12[%parallel_loop3A_702, %parallel_loop3A_703, %parallel_loop3A_704] {strides = array<i32>} : memref<4x32x128xf32, #tpu.memory_space<vmem>>, vector<16xf32>,
        tpu.vector_store %arg12[%parallel_loop3A_702, %parallel_loop3A_703, %parallel_loop3A_704], %parallel_loop3A_700 {strides = array<i32>} : memref<4x32x128xf32, #tpu.memory_space<vmem>>, vector<16xf32>,
      } {sc.loop_unroll_factor = 4 : i64, sc.parallel_access}
      %mul3A_278 = arith.constant 640 : i32
      %mul3A_279 = arith.muli %arg1, %mul3A_278 : i32
      %dma_start3A_280 = arith.constant 0 : i32
      %dma_start3A_281 = arith.constant 0 : i32
      %dma_start3A_282 = arith.constant 0 : i32
      %dma_start3A_283 = tpu.memref_slice %arg12[%dma_start3A_280, %dma_start3A_281, %dma_start3A_282] : memref<4x32x128xf32, #tpu.memory_space<vmem>> -> memref<1x32x128xf32, #tpu.memory_space<vmem>>
      %dma_start3A_284 = tpu.memref_squeeze %dma_start3A_283 : memref<1x32x128xf32, #tpu.memory_space<vmem>> -> memref<32x128xf32, #tpu.memory_space<vmem>>
      %dma_start3A_285 = arith.constant 0 : i32
      %dma_start3A_286 = tpu.memref_slice %arg15[%mul3A_279, %dma_start3A_285] : memref<10240x128xf32, #tpu.memory_space<vmem_shared>> -> memref<32x128xf32, #tpu.memory_space<vmem_shared>>
      %dma_start3A_287 = arith.constant 0 : i32
      %dma_start3A_288 = tpu.memref_slice %arg15[%mul3A_279, %dma_start3A_287] : memref<10240x128xf32, #tpu.memory_space<vmem_shared>> -> memref<32x128xf32, #tpu.memory_space<vmem_shared>>
      %dma_start3A_289 = arith.constant 0 : i32
      %dma_start3A_290 = arith.constant 0 : i32
      %dma_start3A_291 = tpu.memref_slice %arg12[%dma_start3A_280, %dma_start3A_289, %dma_start3A_290] : memref<4x32x128xf32, #tpu.memory_space<vmem>> -> memref<1x32x128xf32, #tpu.memory_space<vmem>>
      %dma_start3A_292 = tpu.memref_squeeze %dma_start3A_291 : memref<1x32x128xf32, #tpu.memory_space<vmem>> -> memref<32x128xf32, #tpu.memory_space<vmem>>
      tpu.enqueue_dma source(%dma_start3A_292 : memref<32x128xf32, #tpu.memory_space<vmem>>) target(%dma_start3A_288 : memref<32x128xf32, #tpu.memory_space<vmem_shared>>) target_semaphore(%arg20 : memref<!tpu.dma_semaphore, #tpu.memory_space<semaphore_mem>>)
      %add3A_293 = arith.constant 1 : i32
      %add3A_294 = arith.addi %add3A_187, %add3A_293 : i32
      %dma_wait3A_295 = arith.constant 0 : i32
      %dma_wait3A_296 = arith.constant 2 : i32
      %dma_wait3A_297 = arith.constant 0 : i32
      %dma_wait3A_298 = arith.constant 0 : i32
      %dma_wait3A_299 = tpu.memref_slice %arg9[%dma_wait3A_296, %dma_wait3A_297, %dma_wait3A_298] : memref<4x2x32xi32, #tpu.memory_space<vmem>> -> memref<1x2x32xi32, #tpu.memory_space<vmem>>
      %dma_wait3A_300 = tpu.memref_squeeze %dma_wait3A_299 : memref<1x2x32xi32, #tpu.memory_space<vmem>> -> memref<2x32xi32, #tpu.memory_space<vmem>>
      %dma_wait3A_301 = arith.constant 0 : i32
      %dma_wait3A_302 = arith.constant 0 : i32
      %dma_wait3A_303 = tpu.memref_slice %arg5[%add3A, %dma_wait3A_295, %dma_wait3A_301, %dma_wait3A_302] : memref<32x324x2x32xi32, #tpu.memory_space<hbm>> -> memref<1x1x2x32xi32, #tpu.memory_space<hbm>>
      %dma_wait3A_304 = tpu.memref_squeeze %dma_wait3A_303 : memref<1x1x2x32xi32, #tpu.memory_space<hbm>> -> memref<2x32xi32, #tpu.memory_space<hbm>>
      %dma_wait3A_305 = arith.constant 0 : i32
      %dma_wait3A_306 = arith.constant 0 : i32
      %dma_wait3A_307 = tpu.memref_slice %arg9[%dma_wait3A_296, %dma_wait3A_305, %dma_wait3A_306] : memref<4x2x32xi32, #tpu.memory_space<vmem>> -> memref<1x2x32xi32, #tpu.memory_space<vmem>>
      %dma_wait3A_308 = tpu.memref_squeeze %dma_wait3A_307 : memref<1x2x32xi32, #tpu.memory_space<vmem>> -> memref<2x32xi32, #tpu.memory_space<vmem>>
      %dma_wait3A_309 = arith.constant 0 : i32
      %dma_wait3A_310 = arith.constant 0 : i32
      %dma_wait3A_311 = tpu.memref_slice %arg5[%add3A, %dma_wait3A_295, %dma_wait3A_309, %dma_wait3A_310] : memref<32x324x2x32xi32, #tpu.memory_space<hbm>> -> memref<1x1x2x32xi32, #tpu.memory_space<hbm>>
      %dma_wait3A_312 = tpu.memref_squeeze %dma_wait3A_311 : memref<1x1x2x32xi32, #tpu.memory_space<hbm>> -> memref<2x32xi32, #tpu.memory_space<hbm>>
      tpu.wait_dma2 semaphore(%arg26 : memref<!tpu.dma_semaphore, #tpu.memory_space<semaphore_mem>>) src(%dma_wait3A_312 : memref<2x32xi32, #tpu.memory_space<hbm>>) dst(%dma_wait3A_308 : memref<2x32xi32, #tpu.memory_space<vmem>>)
      %dma_wait3A_313 = arith.constant 2 : i32
      %dma_wait3A_314 = arith.constant 0 : i32
      %dma_wait3A_315 = arith.constant 0 : i32
      %dma_wait3A_316 = tpu.memref_slice %arg12[%dma_wait3A_313, %dma_wait3A_314, %dma_wait3A_315] : memref<4x32x128xf32, #tpu.memory_space<vmem>> -> memref<1x32x128xf32, #tpu.memory_space<vmem>>
      %dma_wait3A_317 = tpu.memref_squeeze %dma_wait3A_316 : memref<1x32x128xf32, #tpu.memory_space<vmem>> -> memref<32x128xf32, #tpu.memory_space<vmem>>
      %dma_wait3A_318 = arith.constant 0 : i32
      %dma_wait3A_319 = arith.constant 0 : i32
      %dma_wait3A_320 = tpu.memref_slice %arg2[%dma_wait3A_318, %dma_wait3A_319] : memref<10240x128xf32, #tpu.memory_space<hbm>> -> memref<32x128xf32, #tpu.memory_space<hbm>>
      %dma_wait3A_321 = arith.constant 0 : i32
      %dma_wait3A_322 = arith.constant 0 : i32
      %dma_wait3A_323 = tpu.memref_slice %arg12[%dma_wait3A_313, %dma_wait3A_321, %dma_wait3A_322] : memref<4x32x128xf32, #tpu.memory_space<vmem>> -> memref<1x32x128xf32, #tpu.memory_space<vmem>>
      %dma_wait3A_324 = tpu.memref_squeeze %dma_wait3A_323 : memref<1x32x128xf32, #tpu.memory_space<vmem>> -> memref<32x128xf32, #tpu.memory_space<vmem>>
      %dma_wait3A_325 = arith.constant 0 : i32
      %dma_wait3A_326 = arith.constant 0 : i32
      %dma_wait3A_327 = tpu.memref_slice %arg2[%dma_wait3A_325, %dma_wait3A_326] : memref<10240x128xf32, #tpu.memory_space<hbm>> -> memref<32x128xf32, #tpu.memory_space<hbm>>
      tpu.wait_dma2 semaphore(%arg22 : memref<!tpu.dma_semaphore, #tpu.memory_space<semaphore_mem>>) src(%dma_wait3A_327 : memref<32x128xf32, #tpu.memory_space<hbm>>) dst(%dma_wait3A_324 : memref<32x128xf32, #tpu.memory_space<vmem>>)
      %dma_start3A_328 = arith.constant 2 : i32
      %dma_start3A_329 = arith.constant 0 : i32
      %dma_start3A_330 = arith.constant 0 : i32
      %dma_start3A_331 = tpu.memref_slice %arg12[%dma_start3A_328, %dma_start3A_329, %dma_start3A_330] : memref<4x32x128xf32, #tpu.memory_space<vmem>> -> memref<1x32x128xf32, #tpu.memory_space<vmem>>
      %dma_start3A_332 = tpu.memref_squeeze %dma_start3A_331 : memref<1x32x128xf32, #tpu.memory_space<vmem>> -> memref<32x128xf32, #tpu.memory_space<vmem>>
      %dma_start3A_333 = arith.constant 0 : i32
      %dma_start3A_334 = arith.constant 0 : i32
      %dma_start3A_335 = tpu.memref_slice %arg2[%dma_start3A_333, %dma_start3A_334] : memref<10240x128xf32, #tpu.memory_space<hbm>> -> memref<32x128xf32, #tpu.memory_space<hbm>>
      %dma_start3A_336 = arith.constant 0 : i32
      %dma_start3A_337 = arith.constant 0 : i32
      %dma_start3A_338 = tpu.memref_slice %arg12[%dma_start3A_328, %dma_start3A_336, %dma_start3A_337] : memref<4x32x128xf32, #tpu.memory_space<vmem>> -> memref<1x32x128xf32, #tpu.memory_space<vmem>>
      %dma_start3A_339 = tpu.memref_squeeze %dma_start3A_338 : memref<1x32x128xf32, #tpu.memory_space<vmem>> -> memref<32x128xf32, #tpu.memory_space<vmem>>
      %dma_start3A_340 = arith.constant 0 : i32
      %dma_start3A_341 = arith.constant 0 : i32
      %dma_start3A_342 = tpu.memref_slice %arg2[%dma_start3A_340, %dma_start3A_341] : memref<10240x128xf32, #tpu.memory_space<hbm>> -> memref<32x128xf32, #tpu.memory_space<hbm>>
      tpu.enqueue_dma source(%dma_start3A_342 : memref<32x128xf32, #tpu.memory_space<hbm>>) target(%dma_start3A_339 : memref<32x128xf32, #tpu.memory_space<vmem>>) target_semaphore(%arg18 : memref<!tpu.dma_semaphore, #tpu.memory_space<semaphore_mem>>)
      %parallel_loop3A_343 = arith.constant 0 : i32
      %parallel_loop3A_344 = arith.constant 32 : i32
      %parallel_loop3A_345 = arith.constant 16 : i32
      scf.for %parallel_loop3A_614 = %parallel_loop3A_343 to %parallel_loop3A_344 step %parallel_loop3A_345  : i32 {
        %parallel_loop3A_615 = arith.constant 1 : i32
        %parallel_loop3A_616 = arith.constant 0 : i32
        %parallel_loop3A_617 = arith.index_cast %parallel_loop3A_615 : i32 to index
        %parallel_loop3A_618 = arith.index_cast %parallel_loop3A_616 : i32 to index
        %parallel_loop3A_619 = arith.index_cast %parallel_loop3A_614 : i32 to index
        %parallel_loop3A_620 = tpu.vector_load %arg9[%parallel_loop3A_617, %parallel_loop3A_618, %parallel_loop3A_619] {strides = array<i32>} : memref<4x2x32xi32, #tpu.memory_space<vmem>>, vector<16xi32>,
        %parallel_loop3A_621 = arith.constant 1 : i32
        %parallel_loop3A_622 = arith.constant 1 : i32
        %parallel_loop3A_623 = arith.index_cast %parallel_loop3A_621 : i32 to index
        %parallel_loop3A_624 = arith.index_cast %parallel_loop3A_622 : i32 to index
        %parallel_loop3A_625 = arith.index_cast %parallel_loop3A_614 : i32 to index
        %parallel_loop3A_626 = tpu.vector_load %arg9[%parallel_loop3A_623, %parallel_loop3A_624, %parallel_loop3A_625] {strides = array<i32>} : memref<4x2x32xi32, #tpu.memory_space<vmem>>, vector<16xi32>,
        %parallel_loop3A_627 = tpu.vector_load_idx %arg7[%parallel_loop3A_620] : memref<10240xf32, #tpu.memory_space<vmem>>[vector<16xi32>], vector<16xf32>,
        %parallel_loop3A_628 = tpu.vector_load_idx %arg8[%parallel_loop3A_626] : memref<10240xf32, #tpu.memory_space<vmem>>[vector<16xi32>], vector<16xf32>,
        %parallel_loop3A_629 = arith.addf %parallel_loop3A_627, %parallel_loop3A_628 : vector<16xf32>
        %parallel_loop3A_630 = arith.constant 0.000000e+00 : f32
        %parallel_loop3A_631 = vector.broadcast %parallel_loop3A_630 : f32 to vector<16xf32>
        %parallel_loop3A_632 = arith.cmpf oge, %parallel_loop3A_629, %parallel_loop3A_631 : vector<16xf32>
        %parallel_loop3A_633 = arith.constant 2.000000e-01 : f32
        %parallel_loop3A_634 = vector.broadcast %parallel_loop3A_633 : f32 to vector<16xf32>
        %parallel_loop3A_635 = arith.mulf %parallel_loop3A_634, %parallel_loop3A_629 : vector<16xf32>
        %parallel_loop3A_636 = arith.select %parallel_loop3A_632, %parallel_loop3A_629, %parallel_loop3A_635 : vector<16xi1>, vector<16xf32>
        %parallel_loop3A_637 = math.exp %parallel_loop3A_636 : vector<16xf32>
        %parallel_loop3A_638 = arith.index_cast %parallel_loop3A_614 : i32 to index
        %parallel_loop3A_639 = tpu.vector_load %arg11[%parallel_loop3A_638] {strides = array<i32>} : memref<32xf32, #tpu.memory_space<vmem>>, vector<16xf32>,
        tpu.vector_store %arg11[%parallel_loop3A_638], %parallel_loop3A_637 {strides = array<i32>} : memref<32xf32, #tpu.memory_space<vmem>>, vector<16xf32>,
        %parallel_loop3A_640 = arith.constant 7 : i32
        %parallel_loop3A_641 = vector.broadcast %parallel_loop3A_640 : i32 to vector<16xi32>
        %parallel_loop3A_642 = arith.shrui %parallel_loop3A_626, %parallel_loop3A_641 : vector<16xi32>
        %parallel_loop3A_643 = arith.constant 127 : i32
        %parallel_loop3A_644 = vector.broadcast %parallel_loop3A_643 : i32 to vector<16xi32>
        %parallel_loop3A_645 = arith.andi %parallel_loop3A_626, %parallel_loop3A_644 : vector<16xi32>
        tpu.vector_store_idx %arg13[%parallel_loop3A_642, %parallel_loop3A_645], %parallel_loop3A_637 {add = true} : memref<80x128xf32, #tpu.memory_space<vmem>>[vector<16xi32>, vector<16xi32>], vector<16xf32>,
        %parallel_loop3A_646 = arith.constant 1 : i32
        %parallel_loop3A_647 = arith.index_cast %parallel_loop3A_646 : i32 to index
        %parallel_loop3A_648 = arith.index_cast %parallel_loop3A_614 : i32 to index
        %parallel_loop3A_649 = tpu.vector_load %arg10[%parallel_loop3A_647, %parallel_loop3A_648] {strides = array<i32>} : memref<4x32xi32, #tpu.memory_space<vmem>>, vector<16xi32>,
        tpu.vector_store %arg10[%parallel_loop3A_647, %parallel_loop3A_648], %parallel_loop3A_626 {strides = array<i32>} : memref<4x32xi32, #tpu.memory_space<vmem>>, vector<16xi32>,
      } {sc.loop_unroll_factor = 2 : i64, sc.parallel_access}
      %dma_wait3A_346 = arith.constant 1 : i32
      %dma_wait3A_347 = arith.constant 0 : i32
      %dma_wait3A_348 = arith.constant 0 : i32
      %dma_wait3A_349 = tpu.memref_slice %arg12[%dma_wait3A_346, %dma_wait3A_347, %dma_wait3A_348] : memref<4x32x128xf32, #tpu.memory_space<vmem>> -> memref<1x32x128xf32, #tpu.memory_space<vmem>>
      %dma_wait3A_350 = tpu.memref_squeeze %dma_wait3A_349 : memref<1x32x128xf32, #tpu.memory_space<vmem>> -> memref<32x128xf32, #tpu.memory_space<vmem>>
      %dma_wait3A_351 = arith.constant 0 : i32
      %dma_wait3A_352 = arith.constant 0 : i32
      %dma_wait3A_353 = tpu.memref_slice %arg2[%dma_wait3A_351, %dma_wait3A_352] : memref<10240x128xf32, #tpu.memory_space<hbm>> -> memref<32x128xf32, #tpu.memory_space<hbm>>
      %dma_wait3A_354 = arith.constant 0 : i32
      %dma_wait3A_355 = arith.constant 0 : i32
      %dma_wait3A_356 = tpu.memref_slice %arg12[%dma_wait3A_346, %dma_wait3A_354, %dma_wait3A_355] : memref<4x32x128xf32, #tpu.memory_space<vmem>> -> memref<1x32x128xf32, #tpu.memory_space<vmem>>
      %dma_wait3A_357 = tpu.memref_squeeze %dma_wait3A_356 : memref<1x32x128xf32, #tpu.memory_space<vmem>> -> memref<32x128xf32, #tpu.memory_space<vmem>>
      %dma_wait3A_358 = arith.constant 0 : i32
      %dma_wait3A_359 = arith.constant 0 : i32
      %dma_wait3A_360 = tpu.memref_slice %arg2[%dma_wait3A_358, %dma_wait3A_359] : memref<10240x128xf32, #tpu.memory_space<hbm>> -> memref<32x128xf32, #tpu.memory_space<hbm>>
      tpu.wait_dma2 semaphore(%arg17 : memref<!tpu.dma_semaphore, #tpu.memory_space<semaphore_mem>>) src(%dma_wait3A_360 : memref<32x128xf32, #tpu.memory_space<hbm>>) dst(%dma_wait3A_357 : memref<32x128xf32, #tpu.memory_space<vmem>>)
      %add3A_361 = arith.constant 2 : i32
      %add3A_362 = arith.addi %add3A_294, %add3A_361 : i32
      %min3A_363 = arith.constant 323 : i32
      %min3A_364 = arith.minsi %add3A_362, %min3A_363 : i32
      %dma_start3A_365 = arith.constant 3 : i32
      %dma_start3A_366 = arith.constant 0 : i32
      %dma_start3A_367 = arith.constant 0 : i32
      %dma_start3A_368 = tpu.memref_slice %arg9[%dma_start3A_365, %dma_start3A_366, %dma_start3A_367] : memref<4x2x32xi32, #tpu.memory_space<vmem>> -> memref<1x2x32xi32, #tpu.memory_space<vmem>>
      %dma_start3A_369 = tpu.memref_squeeze %dma_start3A_368 : memref<1x2x32xi32, #tpu.memory_space<vmem>> -> memref<2x32xi32, #tpu.memory_space<vmem>>
      %dma_start3A_370 = arith.constant 0 : i32
      %dma_start3A_371 = arith.constant 0 : i32
      %dma_start3A_372 = tpu.memref_slice %arg5[%add3A, %min3A_364, %dma_start3A_370, %dma_start3A_371] : memref<32x324x2x32xi32, #tpu.memory_space<hbm>> -> memref<1x1x2x32xi32, #tpu.memory_space<hbm>>
      %dma_start3A_373 = tpu.memref_squeeze %dma_start3A_372 : memref<1x1x2x32xi32, #tpu.memory_space<hbm>> -> memref<2x32xi32, #tpu.memory_space<hbm>>
      %dma_start3A_374 = arith.constant 0 : i32
      %dma_start3A_375 = arith.constant 0 : i32
      %dma_start3A_376 = tpu.memref_slice %arg9[%dma_start3A_365, %dma_start3A_374, %dma_start3A_375] : memref<4x2x32xi32, #tpu.memory_space<vmem>> -> memref<1x2x32xi32, #tpu.memory_space<vmem>>
      %dma_start3A_377 = tpu.memref_squeeze %dma_start3A_376 : memref<1x2x32xi32, #tpu.memory_space<vmem>> -> memref<2x32xi32, #tpu.memory_space<vmem>>
      %dma_start3A_378 = arith.constant 0 : i32
      %dma_start3A_379 = arith.constant 0 : i32
      %dma_start3A_380 = tpu.memref_slice %arg5[%add3A, %min3A_364, %dma_start3A_378, %dma_start3A_379] : memref<32x324x2x32xi32, #tpu.memory_space<hbm>> -> memref<1x1x2x32xi32, #tpu.memory_space<hbm>>
      %dma_start3A_381 = tpu.memref_squeeze %dma_start3A_380 : memref<1x1x2x32xi32, #tpu.memory_space<hbm>> -> memref<2x32xi32, #tpu.memory_space<hbm>>
      tpu.enqueue_dma source(%dma_start3A_381 : memref<2x32xi32, #tpu.memory_space<hbm>>) target(%dma_start3A_377 : memref<2x32xi32, #tpu.memory_space<vmem>>) target_semaphore(%arg27 : memref<!tpu.dma_semaphore, #tpu.memory_space<semaphore_mem>>)
      %parallel_loop3A_382 = arith.constant 0 : i32
      %parallel_loop3A_383 = arith.constant 0 : i32
      %parallel_loop3A_384 = arith.constant 1 : i32
      scf.for %parallel_loop3A_614 = %parallel_loop3A_382 to %parallel_loop3A_383 step %parallel_loop3A_384  : i32 {
        %parallel_loop3A_615 = vector.broadcast %parallel_loop3A_614 : i32 to vector<16xi32>
        %parallel_loop3A_616 = arith.addi %broadcast_in_dim3A_3, %parallel_loop3A_615 : vector<16xi32>
        %parallel_loop3A_617 = tpu.vector_load_idx %arg11[%parallel_loop3A_616] : memref<32xf32, #tpu.memory_space<vmem>>[vector<16xi32>], vector<16xf32>,
        %parallel_loop3A_618 = arith.constant 1 : i32
        %parallel_loop3A_619 = arith.index_cast %parallel_loop3A_618 : i32 to index
        %parallel_loop3A_620 = arith.index_cast %parallel_loop3A_614 : i32 to index
        %parallel_loop3A_621 = arith.constant 0 : index
        %parallel_loop3A_622 = tpu.vector_load %arg12[%parallel_loop3A_619, %parallel_loop3A_620, %parallel_loop3A_621] {strides = array<i32>} : memref<4x32x128xf32, #tpu.memory_space<vmem>>, vector<16xf32>,
        %parallel_loop3A_623 = arith.mulf %parallel_loop3A_622, %parallel_loop3A_617 : vector<16xf32>
        %parallel_loop3A_624 = arith.constant 1 : i32
        %parallel_loop3A_625 = arith.index_cast %parallel_loop3A_624 : i32 to index
        %parallel_loop3A_626 = arith.index_cast %parallel_loop3A_614 : i32 to index
        %parallel_loop3A_627 = arith.constant 0 : index
        %parallel_loop3A_628 = tpu.vector_load %arg12[%parallel_loop3A_625, %parallel_loop3A_626, %parallel_loop3A_627] {strides = array<i32>} : memref<4x32x128xf32, #tpu.memory_space<vmem>>, vector<16xf32>,
        tpu.vector_store %arg12[%parallel_loop3A_625, %parallel_loop3A_626, %parallel_loop3A_627], %parallel_loop3A_623 {strides = array<i32>} : memref<4x32x128xf32, #tpu.memory_space<vmem>>, vector<16xf32>,
        %parallel_loop3A_629 = arith.constant 1 : i32
        %parallel_loop3A_630 = arith.index_cast %parallel_loop3A_629 : i32 to index
        %parallel_loop3A_631 = arith.index_cast %parallel_loop3A_614 : i32 to index
        %parallel_loop3A_632 = arith.constant 16 : index
        %parallel_loop3A_633 = tpu.vector_load %arg12[%parallel_loop3A_630, %parallel_loop3A_631, %parallel_loop3A_632] {strides = array<i32>} : memref<4x32x128xf32, #tpu.memory_space<vmem>>, vector<16xf32>,
        %parallel_loop3A_634 = arith.mulf %parallel_loop3A_633, %parallel_loop3A_617 : vector<16xf32>
        %parallel_loop3A_635 = arith.constant 1 : i32
        %parallel_loop3A_636 = arith.index_cast %parallel_loop3A_635 : i32 to index
        %parallel_loop3A_637 = arith.index_cast %parallel_loop3A_614 : i32 to index
        %parallel_loop3A_638 = arith.constant 16 : index
        %parallel_loop3A_639 = tpu.vector_load %arg12[%parallel_loop3A_636, %parallel_loop3A_637, %parallel_loop3A_638] {strides = array<i32>} : memref<4x32x128xf32, #tpu.memory_space<vmem>>, vector<16xf32>,
        tpu.vector_store %arg12[%parallel_loop3A_636, %parallel_loop3A_637, %parallel_loop3A_638], %parallel_loop3A_634 {strides = array<i32>} : memref<4x32x128xf32, #tpu.memory_space<vmem>>, vector<16xf32>,
        %parallel_loop3A_640 = arith.constant 1 : i32
        %parallel_loop3A_641 = arith.index_cast %parallel_loop3A_640 : i32 to index
        %parallel_loop3A_642 = arith.index_cast %parallel_loop3A_614 : i32 to index
        %parallel_loop3A_643 = arith.constant 32 : index
        %parallel_loop3A_644 = tpu.vector_load %arg12[%parallel_loop3A_641, %parallel_loop3A_642, %parallel_loop3A_643] {strides = array<i32>} : memref<4x32x128xf32, #tpu.memory_space<vmem>>, vector<16xf32>,
        %parallel_loop3A_645 = arith.mulf %parallel_loop3A_644, %parallel_loop3A_617 : vector<16xf32>
        %parallel_loop3A_646 = arith.constant 1 : i32
        %parallel_loop3A_647 = arith.index_cast %parallel_loop3A_646 : i32 to index
        %parallel_loop3A_648 = arith.index_cast %parallel_loop3A_614 : i32 to index
        %parallel_loop3A_649 = arith.constant 32 : index
        %parallel_loop3A_650 = tpu.vector_load %arg12[%parallel_loop3A_647, %parallel_loop3A_648, %parallel_loop3A_649] {strides = array<i32>} : memref<4x32x128xf32, #tpu.memory_space<vmem>>, vector<16xf32>,
        tpu.vector_store %arg12[%parallel_loop3A_647, %parallel_loop3A_648, %parallel_loop3A_649], %parallel_loop3A_645 {strides = array<i32>} : memref<4x32x128xf32, #tpu.memory_space<vmem>>, vector<16xf32>,
        %parallel_loop3A_651 = arith.constant 1 : i32
        %parallel_loop3A_652 = arith.index_cast %parallel_loop3A_651 : i32 to index
        %parallel_loop3A_653 = arith.index_cast %parallel_loop3A_614 : i32 to index
        %parallel_loop3A_654 = arith.constant 48 : index
        %parallel_loop3A_655 = tpu.vector_load %arg12[%parallel_loop3A_652, %parallel_loop3A_653, %parallel_loop3A_654] {strides = array<i32>} : memref<4x32x128xf32, #tpu.memory_space<vmem>>, vector<16xf32>,
        %parallel_loop3A_656 = arith.mulf %parallel_loop3A_655, %parallel_loop3A_617 : vector<16xf32>
        %parallel_loop3A_657 = arith.constant 1 : i32
        %parallel_loop3A_658 = arith.index_cast %parallel_loop3A_657 : i32 to index
        %parallel_loop3A_659 = arith.index_cast %parallel_loop3A_614 : i32 to index
        %parallel_loop3A_660 = arith.constant 48 : index
        %parallel_loop3A_661 = tpu.vector_load %arg12[%parallel_loop3A_658, %parallel_loop3A_659, %parallel_loop3A_660] {strides = array<i32>} : memref<4x32x128xf32, #tpu.memory_space<vmem>>, vector<16xf32>,
        tpu.vector_store %arg12[%parallel_loop3A_658, %parallel_loop3A_659, %parallel_loop3A_660], %parallel_loop3A_656 {strides = array<i32>} : memref<4x32x128xf32, #tpu.memory_space<vmem>>, vector<16xf32>,
        %parallel_loop3A_662 = arith.constant 1 : i32
        %parallel_loop3A_663 = arith.index_cast %parallel_loop3A_662 : i32 to index
        %parallel_loop3A_664 = arith.index_cast %parallel_loop3A_614 : i32 to index
        %parallel_loop3A_665 = arith.constant 64 : index
        %parallel_loop3A_666 = tpu.vector_load %arg12[%parallel_loop3A_663, %parallel_loop3A_664, %parallel_loop3A_665] {strides = array<i32>} : memref<4x32x128xf32, #tpu.memory_space<vmem>>, vector<16xf32>,
        %parallel_loop3A_667 = arith.mulf %parallel_loop3A_666, %parallel_loop3A_617 : vector<16xf32>
        %parallel_loop3A_668 = arith.constant 1 : i32
        %parallel_loop3A_669 = arith.index_cast %parallel_loop3A_668 : i32 to index
        %parallel_loop3A_670 = arith.index_cast %parallel_loop3A_614 : i32 to index
        %parallel_loop3A_671 = arith.constant 64 : index
        %parallel_loop3A_672 = tpu.vector_load %arg12[%parallel_loop3A_669, %parallel_loop3A_670, %parallel_loop3A_671] {strides = array<i32>} : memref<4x32x128xf32, #tpu.memory_space<vmem>>, vector<16xf32>,
        tpu.vector_store %arg12[%parallel_loop3A_669, %parallel_loop3A_670, %parallel_loop3A_671], %parallel_loop3A_667 {strides = array<i32>} : memref<4x32x128xf32, #tpu.memory_space<vmem>>, vector<16xf32>,
        %parallel_loop3A_673 = arith.constant 1 : i32
        %parallel_loop3A_674 = arith.index_cast %parallel_loop3A_673 : i32 to index
        %parallel_loop3A_675 = arith.index_cast %parallel_loop3A_614 : i32 to index
        %parallel_loop3A_676 = arith.constant 80 : index
        %parallel_loop3A_677 = tpu.vector_load %arg12[%parallel_loop3A_674, %parallel_loop3A_675, %parallel_loop3A_676] {strides = array<i32>} : memref<4x32x128xf32, #tpu.memory_space<vmem>>, vector<16xf32>,
        %parallel_loop3A_678 = arith.mulf %parallel_loop3A_677, %parallel_loop3A_617 : vector<16xf32>
        %parallel_loop3A_679 = arith.constant 1 : i32
        %parallel_loop3A_680 = arith.index_cast %parallel_loop3A_679 : i32 to index
        %parallel_loop3A_681 = arith.index_cast %parallel_loop3A_614 : i32 to index
        %parallel_loop3A_682 = arith.constant 80 : index
        %parallel_loop3A_683 = tpu.vector_load %arg12[%parallel_loop3A_680, %parallel_loop3A_681, %parallel_loop3A_682] {strides = array<i32>} : memref<4x32x128xf32, #tpu.memory_space<vmem>>, vector<16xf32>,
        tpu.vector_store %arg12[%parallel_loop3A_680, %parallel_loop3A_681, %parallel_loop3A_682], %parallel_loop3A_678 {strides = array<i32>} : memref<4x32x128xf32, #tpu.memory_space<vmem>>, vector<16xf32>,
        %parallel_loop3A_684 = arith.constant 1 : i32
        %parallel_loop3A_685 = arith.index_cast %parallel_loop3A_684 : i32 to index
        %parallel_loop3A_686 = arith.index_cast %parallel_loop3A_614 : i32 to index
        %parallel_loop3A_687 = arith.constant 96 : index
        %parallel_loop3A_688 = tpu.vector_load %arg12[%parallel_loop3A_685, %parallel_loop3A_686, %parallel_loop3A_687] {strides = array<i32>} : memref<4x32x128xf32, #tpu.memory_space<vmem>>, vector<16xf32>,
        %parallel_loop3A_689 = arith.mulf %parallel_loop3A_688, %parallel_loop3A_617 : vector<16xf32>
        %parallel_loop3A_690 = arith.constant 1 : i32
        %parallel_loop3A_691 = arith.index_cast %parallel_loop3A_690 : i32 to index
        %parallel_loop3A_692 = arith.index_cast %parallel_loop3A_614 : i32 to index
        %parallel_loop3A_693 = arith.constant 96 : index
        %parallel_loop3A_694 = tpu.vector_load %arg12[%parallel_loop3A_691, %parallel_loop3A_692, %parallel_loop3A_693] {strides = array<i32>} : memref<4x32x128xf32, #tpu.memory_space<vmem>>, vector<16xf32>,
        tpu.vector_store %arg12[%parallel_loop3A_691, %parallel_loop3A_692, %parallel_loop3A_693], %parallel_loop3A_689 {strides = array<i32>} : memref<4x32x128xf32, #tpu.memory_space<vmem>>, vector<16xf32>,
        %parallel_loop3A_695 = arith.constant 1 : i32
        %parallel_loop3A_696 = arith.index_cast %parallel_loop3A_695 : i32 to index
        %parallel_loop3A_697 = arith.index_cast %parallel_loop3A_614 : i32 to index
        %parallel_loop3A_698 = arith.constant 112 : index
        %parallel_loop3A_699 = tpu.vector_load %arg12[%parallel_loop3A_696, %parallel_loop3A_697, %parallel_loop3A_698] {strides = array<i32>} : memref<4x32x128xf32, #tpu.memory_space<vmem>>, vector<16xf32>,
        %parallel_loop3A_700 = arith.mulf %parallel_loop3A_699, %parallel_loop3A_617 : vector<16xf32>
        %parallel_loop3A_701 = arith.constant 1 : i32
        %parallel_loop3A_702 = arith.index_cast %parallel_loop3A_701 : i32 to index
        %parallel_loop3A_703 = arith.index_cast %parallel_loop3A_614 : i32 to index
        %parallel_loop3A_704 = arith.constant 112 : index
        %parallel_loop3A_705 = tpu.vector_load %arg12[%parallel_loop3A_702, %parallel_loop3A_703, %parallel_loop3A_704] {strides = array<i32>} : memref<4x32x128xf32, #tpu.memory_space<vmem>>, vector<16xf32>,
        tpu.vector_store %arg12[%parallel_loop3A_702, %parallel_loop3A_703, %parallel_loop3A_704], %parallel_loop3A_700 {strides = array<i32>} : memref<4x32x128xf32, #tpu.memory_space<vmem>>, vector<16xf32>,
      } {sc.loop_unroll_factor = 4 : i64, sc.parallel_access}
      %mul3A_385 = arith.constant 640 : i32
      %mul3A_386 = arith.muli %arg1, %mul3A_385 : i32
      %dma_start3A_387 = arith.constant 1 : i32
      %dma_start3A_388 = arith.constant 0 : i32
      %dma_start3A_389 = arith.constant 0 : i32
      %dma_start3A_390 = tpu.memref_slice %arg12[%dma_start3A_387, %dma_start3A_388, %dma_start3A_389] : memref<4x32x128xf32, #tpu.memory_space<vmem>> -> memref<1x32x128xf32, #tpu.memory_space<vmem>>
      %dma_start3A_391 = tpu.memref_squeeze %dma_start3A_390 : memref<1x32x128xf32, #tpu.memory_space<vmem>> -> memref<32x128xf32, #tpu.memory_space<vmem>>
      %dma_start3A_392 = arith.constant 0 : i32
      %dma_start3A_393 = tpu.memref_slice %arg15[%mul3A_386, %dma_start3A_392] : memref<10240x128xf32, #tpu.memory_space<vmem_shared>> -> memref<32x128xf32, #tpu.memory_space<vmem_shared>>
      %dma_start3A_394 = arith.constant 0 : i32
      %dma_start3A_395 = tpu.memref_slice %arg15[%mul3A_386, %dma_start3A_394] : memref<10240x128xf32, #tpu.memory_space<vmem_shared>> -> memref<32x128xf32, #tpu.memory_space<vmem_shared>>
      %dma_start3A_396 = arith.constant 0 : i32
      %dma_start3A_397 = arith.constant 0 : i32
      %dma_start3A_398 = tpu.memref_slice %arg12[%dma_start3A_387, %dma_start3A_396, %dma_start3A_397] : memref<4x32x128xf32, #tpu.memory_space<vmem>> -> memref<1x32x128xf32, #tpu.memory_space<vmem>>
      %dma_start3A_399 = tpu.memref_squeeze %dma_start3A_398 : memref<1x32x128xf32, #tpu.memory_space<vmem>> -> memref<32x128xf32, #tpu.memory_space<vmem>>
      tpu.enqueue_dma source(%dma_start3A_399 : memref<32x128xf32, #tpu.memory_space<vmem>>) target(%dma_start3A_395 : memref<32x128xf32, #tpu.memory_space<vmem_shared>>) target_semaphore(%arg21 : memref<!tpu.dma_semaphore, #tpu.memory_space<semaphore_mem>>)
      %add3A_400 = arith.constant 2 : i32
      %add3A_401 = arith.addi %add3A_187, %add3A_400 : i32
      %dma_wait3A_402 = arith.constant 0 : i32
      %dma_wait3A_403 = arith.constant 3 : i32
      %dma_wait3A_404 = arith.constant 0 : i32
      %dma_wait3A_405 = arith.constant 0 : i32
      %dma_wait3A_406 = tpu.memref_slice %arg9[%dma_wait3A_403, %dma_wait3A_404, %dma_wait3A_405] : memref<4x2x32xi32, #tpu.memory_space<vmem>> -> memref<1x2x32xi32, #tpu.memory_space<vmem>>
      %dma_wait3A_407 = tpu.memref_squeeze %dma_wait3A_406 : memref<1x2x32xi32, #tpu.memory_space<vmem>> -> memref<2x32xi32, #tpu.memory_space<vmem>>
      %dma_wait3A_408 = arith.constant 0 : i32
      %dma_wait3A_409 = arith.constant 0 : i32
      %dma_wait3A_410 = tpu.memref_slice %arg5[%add3A, %dma_wait3A_402, %dma_wait3A_408, %dma_wait3A_409] : memref<32x324x2x32xi32, #tpu.memory_space<hbm>> -> memref<1x1x2x32xi32, #tpu.memory_space<hbm>>
      %dma_wait3A_411 = tpu.memref_squeeze %dma_wait3A_410 : memref<1x1x2x32xi32, #tpu.memory_space<hbm>> -> memref<2x32xi32, #tpu.memory_space<hbm>>
      %dma_wait3A_412 = arith.constant 0 : i32
      %dma_wait3A_413 = arith.constant 0 : i32
      %dma_wait3A_414 = tpu.memref_slice %arg9[%dma_wait3A_403, %dma_wait3A_412, %dma_wait3A_413] : memref<4x2x32xi32, #tpu.memory_space<vmem>> -> memref<1x2x32xi32, #tpu.memory_space<vmem>>
      %dma_wait3A_415 = tpu.memref_squeeze %dma_wait3A_414 : memref<1x2x32xi32, #tpu.memory_space<vmem>> -> memref<2x32xi32, #tpu.memory_space<vmem>>
      %dma_wait3A_416 = arith.constant 0 : i32
      %dma_wait3A_417 = arith.constant 0 : i32
      %dma_wait3A_418 = tpu.memref_slice %arg5[%add3A, %dma_wait3A_402, %dma_wait3A_416, %dma_wait3A_417] : memref<32x324x2x32xi32, #tpu.memory_space<hbm>> -> memref<1x1x2x32xi32, #tpu.memory_space<hbm>>
      %dma_wait3A_419 = tpu.memref_squeeze %dma_wait3A_418 : memref<1x1x2x32xi32, #tpu.memory_space<hbm>> -> memref<2x32xi32, #tpu.memory_space<hbm>>
      tpu.wait_dma2 semaphore(%arg27 : memref<!tpu.dma_semaphore, #tpu.memory_space<semaphore_mem>>) src(%dma_wait3A_419 : memref<2x32xi32, #tpu.memory_space<hbm>>) dst(%dma_wait3A_415 : memref<2x32xi32, #tpu.memory_space<vmem>>)
      %dma_wait3A_420 = arith.constant 3 : i32
      %dma_wait3A_421 = arith.constant 0 : i32
      %dma_wait3A_422 = arith.constant 0 : i32
      %dma_wait3A_423 = tpu.memref_slice %arg12[%dma_wait3A_420, %dma_wait3A_421, %dma_wait3A_422] : memref<4x32x128xf32, #tpu.memory_space<vmem>> -> memref<1x32x128xf32, #tpu.memory_space<vmem>>
      %dma_wait3A_424 = tpu.memref_squeeze %dma_wait3A_423 : memref<1x32x128xf32, #tpu.memory_space<vmem>> -> memref<32x128xf32, #tpu.memory_space<vmem>>
      %dma_wait3A_425 = arith.constant 0 : i32
      %dma_wait3A_426 = arith.constant 0 : i32
      %dma_wait3A_427 = tpu.memref_slice %arg2[%dma_wait3A_425, %dma_wait3A_426] : memref<10240x128xf32, #tpu.memory_space<hbm>> -> memref<32x128xf32, #tpu.memory_space<hbm>>
      %dma_wait3A_428 = arith.constant 0 : i32
      %dma_wait3A_429 = arith.constant 0 : i32
      %dma_wait3A_430 = tpu.memref_slice %arg12[%dma_wait3A_420, %dma_wait3A_428, %dma_wait3A_429] : memref<4x32x128xf32, #tpu.memory_space<vmem>> -> memref<1x32x128xf32, #tpu.memory_space<vmem>>
      %dma_wait3A_431 = tpu.memref_squeeze %dma_wait3A_430 : memref<1x32x128xf32, #tpu.memory_space<vmem>> -> memref<32x128xf32, #tpu.memory_space<vmem>>
      %dma_wait3A_432 = arith.constant 0 : i32
      %dma_wait3A_433 = arith.constant 0 : i32
      %dma_wait3A_434 = tpu.memref_slice %arg2[%dma_wait3A_432, %dma_wait3A_433] : memref<10240x128xf32, #tpu.memory_space<hbm>> -> memref<32x128xf32, #tpu.memory_space<hbm>>
      tpu.wait_dma2 semaphore(%arg23 : memref<!tpu.dma_semaphore, #tpu.memory_space<semaphore_mem>>) src(%dma_wait3A_434 : memref<32x128xf32, #tpu.memory_space<hbm>>) dst(%dma_wait3A_431 : memref<32x128xf32, #tpu.memory_space<vmem>>)
      %dma_start3A_435 = arith.constant 3 : i32
      %dma_start3A_436 = arith.constant 0 : i32
      %dma_start3A_437 = arith.constant 0 : i32
      %dma_start3A_438 = tpu.memref_slice %arg12[%dma_start3A_435, %dma_start3A_436, %dma_start3A_437] : memref<4x32x128xf32, #tpu.memory_space<vmem>> -> memref<1x32x128xf32, #tpu.memory_space<vmem>>
      %dma_start3A_439 = tpu.memref_squeeze %dma_start3A_438 : memref<1x32x128xf32, #tpu.memory_space<vmem>> -> memref<32x128xf32, #tpu.memory_space<vmem>>
      %dma_start3A_440 = arith.constant 0 : i32
      %dma_start3A_441 = arith.constant 0 : i32
      %dma_start3A_442 = tpu.memref_slice %arg2[%dma_start3A_440, %dma_start3A_441] : memref<10240x128xf32, #tpu.memory_space<hbm>> -> memref<32x128xf32, #tpu.memory_space<hbm>>
      %dma_start3A_443 = arith.constant 0 : i32
      %dma_start3A_444 = arith.constant 0 : i32
      %dma_start3A_445 = tpu.memref_slice %arg12[%dma_start3A_435, %dma_start3A_443, %dma_start3A_444] : memref<4x32x128xf32, #tpu.memory_space<vmem>> -> memref<1x32x128xf32, #tpu.memory_space<vmem>>
      %dma_start3A_446 = tpu.memref_squeeze %dma_start3A_445 : memref<1x32x128xf32, #tpu.memory_space<vmem>> -> memref<32x128xf32, #tpu.memory_space<vmem>>
      %dma_start3A_447 = arith.constant 0 : i32
      %dma_start3A_448 = arith.constant 0 : i32
      %dma_start3A_449 = tpu.memref_slice %arg2[%dma_start3A_447, %dma_start3A_448] : memref<10240x128xf32, #tpu.memory_space<hbm>> -> memref<32x128xf32, #tpu.memory_space<hbm>>
      tpu.enqueue_dma source(%dma_start3A_449 : memref<32x128xf32, #tpu.memory_space<hbm>>) target(%dma_start3A_446 : memref<32x128xf32, #tpu.memory_space<vmem>>) target_semaphore(%arg19 : memref<!tpu.dma_semaphore, #tpu.memory_space<semaphore_mem>>)
      %parallel_loop3A_450 = arith.constant 0 : i32
      %parallel_loop3A_451 = arith.constant 32 : i32
      %parallel_loop3A_452 = arith.constant 16 : i32
      scf.for %parallel_loop3A_614 = %parallel_loop3A_450 to %parallel_loop3A_451 step %parallel_loop3A_452  : i32 {
        %parallel_loop3A_615 = arith.constant 2 : i32
        %parallel_loop3A_616 = arith.constant 0 : i32
        %parallel_loop3A_617 = arith.index_cast %parallel_loop3A_615 : i32 to index
        %parallel_loop3A_618 = arith.index_cast %parallel_loop3A_616 : i32 to index
        %parallel_loop3A_619 = arith.index_cast %parallel_loop3A_614 : i32 to index
        %parallel_loop3A_620 = tpu.vector_load %arg9[%parallel_loop3A_617, %parallel_loop3A_618, %parallel_loop3A_619] {strides = array<i32>} : memref<4x2x32xi32, #tpu.memory_space<vmem>>, vector<16xi32>,
        %parallel_loop3A_621 = arith.constant 2 : i32
        %parallel_loop3A_622 = arith.constant 1 : i32
        %parallel_loop3A_623 = arith.index_cast %parallel_loop3A_621 : i32 to index
        %parallel_loop3A_624 = arith.index_cast %parallel_loop3A_622 : i32 to index
        %parallel_loop3A_625 = arith.index_cast %parallel_loop3A_614 : i32 to index
        %parallel_loop3A_626 = tpu.vector_load %arg9[%parallel_loop3A_623, %parallel_loop3A_624, %parallel_loop3A_625] {strides = array<i32>} : memref<4x2x32xi32, #tpu.memory_space<vmem>>, vector<16xi32>,
        %parallel_loop3A_627 = tpu.vector_load_idx %arg7[%parallel_loop3A_620] : memref<10240xf32, #tpu.memory_space<vmem>>[vector<16xi32>], vector<16xf32>,
        %parallel_loop3A_628 = tpu.vector_load_idx %arg8[%parallel_loop3A_626] : memref<10240xf32, #tpu.memory_space<vmem>>[vector<16xi32>], vector<16xf32>,
        %parallel_loop3A_629 = arith.addf %parallel_loop3A_627, %parallel_loop3A_628 : vector<16xf32>
        %parallel_loop3A_630 = arith.constant 0.000000e+00 : f32
        %parallel_loop3A_631 = vector.broadcast %parallel_loop3A_630 : f32 to vector<16xf32>
        %parallel_loop3A_632 = arith.cmpf oge, %parallel_loop3A_629, %parallel_loop3A_631 : vector<16xf32>
        %parallel_loop3A_633 = arith.constant 2.000000e-01 : f32
        %parallel_loop3A_634 = vector.broadcast %parallel_loop3A_633 : f32 to vector<16xf32>
        %parallel_loop3A_635 = arith.mulf %parallel_loop3A_634, %parallel_loop3A_629 : vector<16xf32>
        %parallel_loop3A_636 = arith.select %parallel_loop3A_632, %parallel_loop3A_629, %parallel_loop3A_635 : vector<16xi1>, vector<16xf32>
        %parallel_loop3A_637 = math.exp %parallel_loop3A_636 : vector<16xf32>
        %parallel_loop3A_638 = arith.index_cast %parallel_loop3A_614 : i32 to index
        %parallel_loop3A_639 = tpu.vector_load %arg11[%parallel_loop3A_638] {strides = array<i32>} : memref<32xf32, #tpu.memory_space<vmem>>, vector<16xf32>,
        tpu.vector_store %arg11[%parallel_loop3A_638], %parallel_loop3A_637 {strides = array<i32>} : memref<32xf32, #tpu.memory_space<vmem>>, vector<16xf32>,
        %parallel_loop3A_640 = arith.constant 7 : i32
        %parallel_loop3A_641 = vector.broadcast %parallel_loop3A_640 : i32 to vector<16xi32>
        %parallel_loop3A_642 = arith.shrui %parallel_loop3A_626, %parallel_loop3A_641 : vector<16xi32>
        %parallel_loop3A_643 = arith.constant 127 : i32
        %parallel_loop3A_644 = vector.broadcast %parallel_loop3A_643 : i32 to vector<16xi32>
        %parallel_loop3A_645 = arith.andi %parallel_loop3A_626, %parallel_loop3A_644 : vector<16xi32>
        tpu.vector_store_idx %arg13[%parallel_loop3A_642, %parallel_loop3A_645], %parallel_loop3A_637 {add = true} : memref<80x128xf32, #tpu.memory_space<vmem>>[vector<16xi32>, vector<16xi32>], vector<16xf32>,
        %parallel_loop3A_646 = arith.constant 2 : i32
        %parallel_loop3A_647 = arith.index_cast %parallel_loop3A_646 : i32 to index
        %parallel_loop3A_648 = arith.index_cast %parallel_loop3A_614 : i32 to index
        %parallel_loop3A_649 = tpu.vector_load %arg10[%parallel_loop3A_647, %parallel_loop3A_648] {strides = array<i32>} : memref<4x32xi32, #tpu.memory_space<vmem>>, vector<16xi32>,
        tpu.vector_store %arg10[%parallel_loop3A_647, %parallel_loop3A_648], %parallel_loop3A_626 {strides = array<i32>} : memref<4x32xi32, #tpu.memory_space<vmem>>, vector<16xi32>,
      } {sc.loop_unroll_factor = 2 : i64, sc.parallel_access}
      %dma_wait3A_453 = arith.constant 2 : i32
      %dma_wait3A_454 = arith.constant 0 : i32
      %dma_wait3A_455 = arith.constant 0 : i32
      %dma_wait3A_456 = tpu.memref_slice %arg12[%dma_wait3A_453, %dma_wait3A_454, %dma_wait3A_455] : memref<4x32x128xf32, #tpu.memory_space<vmem>> -> memref<1x32x128xf32, #tpu.memory_space<vmem>>
      %dma_wait3A_457 = tpu.memref_squeeze %dma_wait3A_456 : memref<1x32x128xf32, #tpu.memory_space<vmem>> -> memref<32x128xf32, #tpu.memory_space<vmem>>
      %dma_wait3A_458 = arith.constant 0 : i32
      %dma_wait3A_459 = arith.constant 0 : i32
      %dma_wait3A_460 = tpu.memref_slice %arg2[%dma_wait3A_458, %dma_wait3A_459] : memref<10240x128xf32, #tpu.memory_space<hbm>> -> memref<32x128xf32, #tpu.memory_space<hbm>>
      %dma_wait3A_461 = arith.constant 0 : i32
      %dma_wait3A_462 = arith.constant 0 : i32
      %dma_wait3A_463 = tpu.memref_slice %arg12[%dma_wait3A_453, %dma_wait3A_461, %dma_wait3A_462] : memref<4x32x128xf32, #tpu.memory_space<vmem>> -> memref<1x32x128xf32, #tpu.memory_space<vmem>>
      %dma_wait3A_464 = tpu.memref_squeeze %dma_wait3A_463 : memref<1x32x128xf32, #tpu.memory_space<vmem>> -> memref<32x128xf32, #tpu.memory_space<vmem>>
      %dma_wait3A_465 = arith.constant 0 : i32
      %dma_wait3A_466 = arith.constant 0 : i32
      %dma_wait3A_467 = tpu.memref_slice %arg2[%dma_wait3A_465, %dma_wait3A_466] : memref<10240x128xf32, #tpu.memory_space<hbm>> -> memref<32x128xf32, #tpu.memory_space<hbm>>
      tpu.wait_dma2 semaphore(%arg18 : memref<!tpu.dma_semaphore, #tpu.memory_space<semaphore_mem>>) src(%dma_wait3A_467 : memref<32x128xf32, #tpu.memory_space<hbm>>) dst(%dma_wait3A_464 : memref<32x128xf32, #tpu.memory_space<vmem>>)
      %add3A_468 = arith.constant 2 : i32
      %add3A_469 = arith.addi %add3A_401, %add3A_468 : i32
      %min3A_470 = arith.constant 323 : i32
      %min3A_471 = arith.minsi %add3A_469, %min3A_470 : i32
      %dma_start3A_472 = arith.constant 0 : i32
      %dma_start3A_473 = arith.constant 0 : i32
      %dma_start3A_474 = arith.constant 0 : i32
      %dma_start3A_475 = tpu.memref_slice %arg9[%dma_start3A_472, %dma_start3A_473, %dma_start3A_474] : memref<4x2x32xi32, #tpu.memory_space<vmem>> -> memref<1x2x32xi32, #tpu.memory_space<vmem>>
      %dma_start3A_476 = tpu.memref_squeeze %dma_start3A_475 : memref<1x2x32xi32, #tpu.memory_space<vmem>> -> memref<2x32xi32, #tpu.memory_space<vmem>>
      %dma_start3A_477 = arith.constant 0 : i32
      %dma_start3A_478 = arith.constant 0 : i32
      %dma_start3A_479 = tpu.memref_slice %arg5[%add3A, %min3A_471, %dma_start3A_477, %dma_start3A_478] : memref<32x324x2x32xi32, #tpu.memory_space<hbm>> -> memref<1x1x2x32xi32, #tpu.memory_space<hbm>>
      %dma_start3A_480 = tpu.memref_squeeze %dma_start3A_479 : memref<1x1x2x32xi32, #tpu.memory_space<hbm>> -> memref<2x32xi32, #tpu.memory_space<hbm>>
      %dma_start3A_481 = arith.constant 0 : i32
      %dma_start3A_482 = arith.constant 0 : i32
      %dma_start3A_483 = tpu.memref_slice %arg9[%dma_start3A_472, %dma_start3A_481, %dma_start3A_482] : memref<4x2x32xi32, #tpu.memory_space<vmem>> -> memref<1x2x32xi32, #tpu.memory_space<vmem>>
      %dma_start3A_484 = tpu.memref_squeeze %dma_start3A_483 : memref<1x2x32xi32, #tpu.memory_space<vmem>> -> memref<2x32xi32, #tpu.memory_space<vmem>>
      %dma_start3A_485 = arith.constant 0 : i32
      %dma_start3A_486 = arith.constant 0 : i32
      %dma_start3A_487 = tpu.memref_slice %arg5[%add3A, %min3A_471, %dma_start3A_485, %dma_start3A_486] : memref<32x324x2x32xi32, #tpu.memory_space<hbm>> -> memref<1x1x2x32xi32, #tpu.memory_space<hbm>>
      %dma_start3A_488 = tpu.memref_squeeze %dma_start3A_487 : memref<1x1x2x32xi32, #tpu.memory_space<hbm>> -> memref<2x32xi32, #tpu.memory_space<hbm>>
      tpu.enqueue_dma source(%dma_start3A_488 : memref<2x32xi32, #tpu.memory_space<hbm>>) target(%dma_start3A_484 : memref<2x32xi32, #tpu.memory_space<vmem>>) target_semaphore(%arg24 : memref<!tpu.dma_semaphore, #tpu.memory_space<semaphore_mem>>)
      %parallel_loop3A_489 = arith.constant 0 : i32
      %parallel_loop3A_490 = arith.constant 0 : i32
      %parallel_loop3A_491 = arith.constant 1 : i32
      scf.for %parallel_loop3A_614 = %parallel_loop3A_489 to %parallel_loop3A_490 step %parallel_loop3A_491  : i32 {
        %parallel_loop3A_615 = vector.broadcast %parallel_loop3A_614 : i32 to vector<16xi32>
        %parallel_loop3A_616 = arith.addi %broadcast_in_dim3A_3, %parallel_loop3A_615 : vector<16xi32>
        %parallel_loop3A_617 = tpu.vector_load_idx %arg11[%parallel_loop3A_616] : memref<32xf32, #tpu.memory_space<vmem>>[vector<16xi32>], vector<16xf32>,
        %parallel_loop3A_618 = arith.constant 2 : i32
        %parallel_loop3A_619 = arith.index_cast %parallel_loop3A_618 : i32 to index
        %parallel_loop3A_620 = arith.index_cast %parallel_loop3A_614 : i32 to index
        %parallel_loop3A_621 = arith.constant 0 : index
        %parallel_loop3A_622 = tpu.vector_load %arg12[%parallel_loop3A_619, %parallel_loop3A_620, %parallel_loop3A_621] {strides = array<i32>} : memref<4x32x128xf32, #tpu.memory_space<vmem>>, vector<16xf32>,
        %parallel_loop3A_623 = arith.mulf %parallel_loop3A_622, %parallel_loop3A_617 : vector<16xf32>
        %parallel_loop3A_624 = arith.constant 2 : i32
        %parallel_loop3A_625 = arith.index_cast %parallel_loop3A_624 : i32 to index
        %parallel_loop3A_626 = arith.index_cast %parallel_loop3A_614 : i32 to index
        %parallel_loop3A_627 = arith.constant 0 : index
        %parallel_loop3A_628 = tpu.vector_load %arg12[%parallel_loop3A_625, %parallel_loop3A_626, %parallel_loop3A_627] {strides = array<i32>} : memref<4x32x128xf32, #tpu.memory_space<vmem>>, vector<16xf32>,
        tpu.vector_store %arg12[%parallel_loop3A_625, %parallel_loop3A_626, %parallel_loop3A_627], %parallel_loop3A_623 {strides = array<i32>} : memref<4x32x128xf32, #tpu.memory_space<vmem>>, vector<16xf32>,
        %parallel_loop3A_629 = arith.constant 2 : i32
        %parallel_loop3A_630 = arith.index_cast %parallel_loop3A_629 : i32 to index
        %parallel_loop3A_631 = arith.index_cast %parallel_loop3A_614 : i32 to index
        %parallel_loop3A_632 = arith.constant 16 : index
        %parallel_loop3A_633 = tpu.vector_load %arg12[%parallel_loop3A_630, %parallel_loop3A_631, %parallel_loop3A_632] {strides = array<i32>} : memref<4x32x128xf32, #tpu.memory_space<vmem>>, vector<16xf32>,
        %parallel_loop3A_634 = arith.mulf %parallel_loop3A_633, %parallel_loop3A_617 : vector<16xf32>
        %parallel_loop3A_635 = arith.constant 2 : i32
        %parallel_loop3A_636 = arith.index_cast %parallel_loop3A_635 : i32 to index
        %parallel_loop3A_637 = arith.index_cast %parallel_loop3A_614 : i32 to index
        %parallel_loop3A_638 = arith.constant 16 : index
        %parallel_loop3A_639 = tpu.vector_load %arg12[%parallel_loop3A_636, %parallel_loop3A_637, %parallel_loop3A_638] {strides = array<i32>} : memref<4x32x128xf32, #tpu.memory_space<vmem>>, vector<16xf32>,
        tpu.vector_store %arg12[%parallel_loop3A_636, %parallel_loop3A_637, %parallel_loop3A_638], %parallel_loop3A_634 {strides = array<i32>} : memref<4x32x128xf32, #tpu.memory_space<vmem>>, vector<16xf32>,
        %parallel_loop3A_640 = arith.constant 2 : i32
        %parallel_loop3A_641 = arith.index_cast %parallel_loop3A_640 : i32 to index
        %parallel_loop3A_642 = arith.index_cast %parallel_loop3A_614 : i32 to index
        %parallel_loop3A_643 = arith.constant 32 : index
        %parallel_loop3A_644 = tpu.vector_load %arg12[%parallel_loop3A_641, %parallel_loop3A_642, %parallel_loop3A_643] {strides = array<i32>} : memref<4x32x128xf32, #tpu.memory_space<vmem>>, vector<16xf32>,
        %parallel_loop3A_645 = arith.mulf %parallel_loop3A_644, %parallel_loop3A_617 : vector<16xf32>
        %parallel_loop3A_646 = arith.constant 2 : i32
        %parallel_loop3A_647 = arith.index_cast %parallel_loop3A_646 : i32 to index
        %parallel_loop3A_648 = arith.index_cast %parallel_loop3A_614 : i32 to index
        %parallel_loop3A_649 = arith.constant 32 : index
        %parallel_loop3A_650 = tpu.vector_load %arg12[%parallel_loop3A_647, %parallel_loop3A_648, %parallel_loop3A_649] {strides = array<i32>} : memref<4x32x128xf32, #tpu.memory_space<vmem>>, vector<16xf32>,
        tpu.vector_store %arg12[%parallel_loop3A_647, %parallel_loop3A_648, %parallel_loop3A_649], %parallel_loop3A_645 {strides = array<i32>} : memref<4x32x128xf32, #tpu.memory_space<vmem>>, vector<16xf32>,
        %parallel_loop3A_651 = arith.constant 2 : i32
        %parallel_loop3A_652 = arith.index_cast %parallel_loop3A_651 : i32 to index
        %parallel_loop3A_653 = arith.index_cast %parallel_loop3A_614 : i32 to index
        %parallel_loop3A_654 = arith.constant 48 : index
        %parallel_loop3A_655 = tpu.vector_load %arg12[%parallel_loop3A_652, %parallel_loop3A_653, %parallel_loop3A_654] {strides = array<i32>} : memref<4x32x128xf32, #tpu.memory_space<vmem>>, vector<16xf32>,
        %parallel_loop3A_656 = arith.mulf %parallel_loop3A_655, %parallel_loop3A_617 : vector<16xf32>
        %parallel_loop3A_657 = arith.constant 2 : i32
        %parallel_loop3A_658 = arith.index_cast %parallel_loop3A_657 : i32 to index
        %parallel_loop3A_659 = arith.index_cast %parallel_loop3A_614 : i32 to index
        %parallel_loop3A_660 = arith.constant 48 : index
        %parallel_loop3A_661 = tpu.vector_load %arg12[%parallel_loop3A_658, %parallel_loop3A_659, %parallel_loop3A_660] {strides = array<i32>} : memref<4x32x128xf32, #tpu.memory_space<vmem>>, vector<16xf32>,
        tpu.vector_store %arg12[%parallel_loop3A_658, %parallel_loop3A_659, %parallel_loop3A_660], %parallel_loop3A_656 {strides = array<i32>} : memref<4x32x128xf32, #tpu.memory_space<vmem>>, vector<16xf32>,
        %parallel_loop3A_662 = arith.constant 2 : i32
        %parallel_loop3A_663 = arith.index_cast %parallel_loop3A_662 : i32 to index
        %parallel_loop3A_664 = arith.index_cast %parallel_loop3A_614 : i32 to index
        %parallel_loop3A_665 = arith.constant 64 : index
        %parallel_loop3A_666 = tpu.vector_load %arg12[%parallel_loop3A_663, %parallel_loop3A_664, %parallel_loop3A_665] {strides = array<i32>} : memref<4x32x128xf32, #tpu.memory_space<vmem>>, vector<16xf32>,
        %parallel_loop3A_667 = arith.mulf %parallel_loop3A_666, %parallel_loop3A_617 : vector<16xf32>
        %parallel_loop3A_668 = arith.constant 2 : i32
        %parallel_loop3A_669 = arith.index_cast %parallel_loop3A_668 : i32 to index
        %parallel_loop3A_670 = arith.index_cast %parallel_loop3A_614 : i32 to index
        %parallel_loop3A_671 = arith.constant 64 : index
        %parallel_loop3A_672 = tpu.vector_load %arg12[%parallel_loop3A_669, %parallel_loop3A_670, %parallel_loop3A_671] {strides = array<i32>} : memref<4x32x128xf32, #tpu.memory_space<vmem>>, vector<16xf32>,
        tpu.vector_store %arg12[%parallel_loop3A_669, %parallel_loop3A_670, %parallel_loop3A_671], %parallel_loop3A_667 {strides = array<i32>} : memref<4x32x128xf32, #tpu.memory_space<vmem>>, vector<16xf32>,
        %parallel_loop3A_673 = arith.constant 2 : i32
        %parallel_loop3A_674 = arith.index_cast %parallel_loop3A_673 : i32 to index
        %parallel_loop3A_675 = arith.index_cast %parallel_loop3A_614 : i32 to index
        %parallel_loop3A_676 = arith.constant 80 : index
        %parallel_loop3A_677 = tpu.vector_load %arg12[%parallel_loop3A_674, %parallel_loop3A_675, %parallel_loop3A_676] {strides = array<i32>} : memref<4x32x128xf32, #tpu.memory_space<vmem>>, vector<16xf32>,
        %parallel_loop3A_678 = arith.mulf %parallel_loop3A_677, %parallel_loop3A_617 : vector<16xf32>
        %parallel_loop3A_679 = arith.constant 2 : i32
        %parallel_loop3A_680 = arith.index_cast %parallel_loop3A_679 : i32 to index
        %parallel_loop3A_681 = arith.index_cast %parallel_loop3A_614 : i32 to index
        %parallel_loop3A_682 = arith.constant 80 : index
        %parallel_loop3A_683 = tpu.vector_load %arg12[%parallel_loop3A_680, %parallel_loop3A_681, %parallel_loop3A_682] {strides = array<i32>} : memref<4x32x128xf32, #tpu.memory_space<vmem>>, vector<16xf32>,
        tpu.vector_store %arg12[%parallel_loop3A_680, %parallel_loop3A_681, %parallel_loop3A_682], %parallel_loop3A_678 {strides = array<i32>} : memref<4x32x128xf32, #tpu.memory_space<vmem>>, vector<16xf32>,
        %parallel_loop3A_684 = arith.constant 2 : i32
        %parallel_loop3A_685 = arith.index_cast %parallel_loop3A_684 : i32 to index
        %parallel_loop3A_686 = arith.index_cast %parallel_loop3A_614 : i32 to index
        %parallel_loop3A_687 = arith.constant 96 : index
        %parallel_loop3A_688 = tpu.vector_load %arg12[%parallel_loop3A_685, %parallel_loop3A_686, %parallel_loop3A_687] {strides = array<i32>} : memref<4x32x128xf32, #tpu.memory_space<vmem>>, vector<16xf32>,
        %parallel_loop3A_689 = arith.mulf %parallel_loop3A_688, %parallel_loop3A_617 : vector<16xf32>
        %parallel_loop3A_690 = arith.constant 2 : i32
        %parallel_loop3A_691 = arith.index_cast %parallel_loop3A_690 : i32 to index
        %parallel_loop3A_692 = arith.index_cast %parallel_loop3A_614 : i32 to index
        %parallel_loop3A_693 = arith.constant 96 : index
        %parallel_loop3A_694 = tpu.vector_load %arg12[%parallel_loop3A_691, %parallel_loop3A_692, %parallel_loop3A_693] {strides = array<i32>} : memref<4x32x128xf32, #tpu.memory_space<vmem>>, vector<16xf32>,
        tpu.vector_store %arg12[%parallel_loop3A_691, %parallel_loop3A_692, %parallel_loop3A_693], %parallel_loop3A_689 {strides = array<i32>} : memref<4x32x128xf32, #tpu.memory_space<vmem>>, vector<16xf32>,
        %parallel_loop3A_695 = arith.constant 2 : i32
        %parallel_loop3A_696 = arith.index_cast %parallel_loop3A_695 : i32 to index
        %parallel_loop3A_697 = arith.index_cast %parallel_loop3A_614 : i32 to index
        %parallel_loop3A_698 = arith.constant 112 : index
        %parallel_loop3A_699 = tpu.vector_load %arg12[%parallel_loop3A_696, %parallel_loop3A_697, %parallel_loop3A_698] {strides = array<i32>} : memref<4x32x128xf32, #tpu.memory_space<vmem>>, vector<16xf32>,
        %parallel_loop3A_700 = arith.mulf %parallel_loop3A_699, %parallel_loop3A_617 : vector<16xf32>
        %parallel_loop3A_701 = arith.constant 2 : i32
        %parallel_loop3A_702 = arith.index_cast %parallel_loop3A_701 : i32 to index
        %parallel_loop3A_703 = arith.index_cast %parallel_loop3A_614 : i32 to index
        %parallel_loop3A_704 = arith.constant 112 : index
        %parallel_loop3A_705 = tpu.vector_load %arg12[%parallel_loop3A_702, %parallel_loop3A_703, %parallel_loop3A_704] {strides = array<i32>} : memref<4x32x128xf32, #tpu.memory_space<vmem>>, vector<16xf32>,
        tpu.vector_store %arg12[%parallel_loop3A_702, %parallel_loop3A_703, %parallel_loop3A_704], %parallel_loop3A_700 {strides = array<i32>} : memref<4x32x128xf32, #tpu.memory_space<vmem>>, vector<16xf32>,
      } {sc.loop_unroll_factor = 4 : i64, sc.parallel_access}
      %mul3A_492 = arith.constant 640 : i32
      %mul3A_493 = arith.muli %arg1, %mul3A_492 : i32
      %dma_start3A_494 = arith.constant 2 : i32
      %dma_start3A_495 = arith.constant 0 : i32
      %dma_start3A_496 = arith.constant 0 : i32
      %dma_start3A_497 = tpu.memref_slice %arg12[%dma_start3A_494, %dma_start3A_495, %dma_start3A_496] : memref<4x32x128xf32, #tpu.memory_space<vmem>> -> memref<1x32x128xf32, #tpu.memory_space<vmem>>
      %dma_start3A_498 = tpu.memref_squeeze %dma_start3A_497 : memref<1x32x128xf32, #tpu.memory_space<vmem>> -> memref<32x128xf32, #tpu.memory_space<vmem>>
      %dma_start3A_499 = arith.constant 0 : i32
      %dma_start3A_500 = tpu.memref_slice %arg15[%mul3A_493, %dma_start3A_499] : memref<10240x128xf32, #tpu.memory_space<vmem_shared>> -> memref<32x128xf32, #tpu.memory_space<vmem_shared>>
      %dma_start3A_501 = arith.constant 0 : i32
      %dma_start3A_502 = tpu.memref_slice %arg15[%mul3A_493, %dma_start3A_501] : memref<10240x128xf32, #tpu.memory_space<vmem_shared>> -> memref<32x128xf32, #tpu.memory_space<vmem_shared>>
      %dma_start3A_503 = arith.constant 0 : i32
      %dma_start3A_504 = arith.constant 0 : i32
      %dma_start3A_505 = tpu.memref_slice %arg12[%dma_start3A_494, %dma_start3A_503, %dma_start3A_504] : memref<4x32x128xf32, #tpu.memory_space<vmem>> -> memref<1x32x128xf32, #tpu.memory_space<vmem>>
      %dma_start3A_506 = tpu.memref_squeeze %dma_start3A_505 : memref<1x32x128xf32, #tpu.memory_space<vmem>> -> memref<32x128xf32, #tpu.memory_space<vmem>>
      tpu.enqueue_dma source(%dma_start3A_506 : memref<32x128xf32, #tpu.memory_space<vmem>>) target(%dma_start3A_502 : memref<32x128xf32, #tpu.memory_space<vmem_shared>>) target_semaphore(%arg22 : memref<!tpu.dma_semaphore, #tpu.memory_space<semaphore_mem>>)
      %add3A_507 = arith.constant 3 : i32
      %add3A_508 = arith.addi %add3A_187, %add3A_507 : i32
      %dma_wait3A_509 = arith.constant 0 : i32
      %dma_wait3A_510 = arith.constant 0 : i32
      %dma_wait3A_511 = arith.constant 0 : i32
      %dma_wait3A_512 = arith.constant 0 : i32
      %dma_wait3A_513 = tpu.memref_slice %arg9[%dma_wait3A_510, %dma_wait3A_511, %dma_wait3A_512] : memref<4x2x32xi32, #tpu.memory_space<vmem>> -> memref<1x2x32xi32, #tpu.memory_space<vmem>>
      %dma_wait3A_514 = tpu.memref_squeeze %dma_wait3A_513 : memref<1x2x32xi32, #tpu.memory_space<vmem>> -> memref<2x32xi32, #tpu.memory_space<vmem>>
      %dma_wait3A_515 = arith.constant 0 : i32
      %dma_wait3A_516 = arith.constant 0 : i32
      %dma_wait3A_517 = tpu.memref_slice %arg5[%add3A, %dma_wait3A_509, %dma_wait3A_515, %dma_wait3A_516] : memref<32x324x2x32xi32, #tpu.memory_space<hbm>> -> memref<1x1x2x32xi32, #tpu.memory_space<hbm>>
      %dma_wait3A_518 = tpu.memref_squeeze %dma_wait3A_517 : memref<1x1x2x32xi32, #tpu.memory_space<hbm>> -> memref<2x32xi32, #tpu.memory_space<hbm>>
      %dma_wait3A_519 = arith.constant 0 : i32
      %dma_wait3A_520 = arith.constant 0 : i32
      %dma_wait3A_521 = tpu.memref_slice %arg9[%dma_wait3A_510, %dma_wait3A_519, %dma_wait3A_520] : memref<4x2x32xi32, #tpu.memory_space<vmem>> -> memref<1x2x32xi32, #tpu.memory_space<vmem>>
      %dma_wait3A_522 = tpu.memref_squeeze %dma_wait3A_521 : memref<1x2x32xi32, #tpu.memory_space<vmem>> -> memref<2x32xi32, #tpu.memory_space<vmem>>
      %dma_wait3A_523 = arith.constant 0 : i32
      %dma_wait3A_524 = arith.constant 0 : i32
      %dma_wait3A_525 = tpu.memref_slice %arg5[%add3A, %dma_wait3A_509, %dma_wait3A_523, %dma_wait3A_524] : memref<32x324x2x32xi32, #tpu.memory_space<hbm>> -> memref<1x1x2x32xi32, #tpu.memory_space<hbm>>
      %dma_wait3A_526 = tpu.memref_squeeze %dma_wait3A_525 : memref<1x1x2x32xi32, #tpu.memory_space<hbm>> -> memref<2x32xi32, #tpu.memory_space<hbm>>
      tpu.wait_dma2 semaphore(%arg24 : memref<!tpu.dma_semaphore, #tpu.memory_space<semaphore_mem>>) src(%dma_wait3A_526 : memref<2x32xi32, #tpu.memory_space<hbm>>) dst(%dma_wait3A_522 : memref<2x32xi32, #tpu.memory_space<vmem>>)
      %dma_wait3A_527 = arith.constant 0 : i32
      %dma_wait3A_528 = arith.constant 0 : i32
      %dma_wait3A_529 = arith.constant 0 : i32
      %dma_wait3A_530 = tpu.memref_slice %arg12[%dma_wait3A_527, %dma_wait3A_528, %dma_wait3A_529] : memref<4x32x128xf32, #tpu.memory_space<vmem>> -> memref<1x32x128xf32, #tpu.memory_space<vmem>>
      %dma_wait3A_531 = tpu.memref_squeeze %dma_wait3A_530 : memref<1x32x128xf32, #tpu.memory_space<vmem>> -> memref<32x128xf32, #tpu.memory_space<vmem>>
      %dma_wait3A_532 = arith.constant 0 : i32
      %dma_wait3A_533 = arith.constant 0 : i32
      %dma_wait3A_534 = tpu.memref_slice %arg2[%dma_wait3A_532, %dma_wait3A_533] : memref<10240x128xf32, #tpu.memory_space<hbm>> -> memref<32x128xf32, #tpu.memory_space<hbm>>
      %dma_wait3A_535 = arith.constant 0 : i32
      %dma_wait3A_536 = arith.constant 0 : i32
      %dma_wait3A_537 = tpu.memref_slice %arg12[%dma_wait3A_527, %dma_wait3A_535, %dma_wait3A_536] : memref<4x32x128xf32, #tpu.memory_space<vmem>> -> memref<1x32x128xf32, #tpu.memory_space<vmem>>
      %dma_wait3A_538 = tpu.memref_squeeze %dma_wait3A_537 : memref<1x32x128xf32, #tpu.memory_space<vmem>> -> memref<32x128xf32, #tpu.memory_space<vmem>>
      %dma_wait3A_539 = arith.constant 0 : i32
      %dma_wait3A_540 = arith.constant 0 : i32
      %dma_wait3A_541 = tpu.memref_slice %arg2[%dma_wait3A_539, %dma_wait3A_540] : memref<10240x128xf32, #tpu.memory_space<hbm>> -> memref<32x128xf32, #tpu.memory_space<hbm>>
      tpu.wait_dma2 semaphore(%arg20 : memref<!tpu.dma_semaphore, #tpu.memory_space<semaphore_mem>>) src(%dma_wait3A_541 : memref<32x128xf32, #tpu.memory_space<hbm>>) dst(%dma_wait3A_538 : memref<32x128xf32, #tpu.memory_space<vmem>>)
      %dma_start3A_542 = arith.constant 0 : i32
      %dma_start3A_543 = arith.constant 0 : i32
      %dma_start3A_544 = arith.constant 0 : i32
      %dma_start3A_545 = tpu.memref_slice %arg12[%dma_start3A_542, %dma_start3A_543, %dma_start3A_544] : memref<4x32x128xf32, #tpu.memory_space<vmem>> -> memref<1x32x128xf32, #tpu.memory_space<vmem>>
      %dma_start3A_546 = tpu.memref_squeeze %dma_start3A_545 : memref<1x32x128xf32, #tpu.memory_space<vmem>> -> memref<32x128xf32, #tpu.memory_space<vmem>>
      %dma_start3A_547 = arith.constant 0 : i32
      %dma_start3A_548 = arith.constant 0 : i32
      %dma_start3A_549 = tpu.memref_slice %arg2[%dma_start3A_547, %dma_start3A_548] : memref<10240x128xf32, #tpu.memory_space<hbm>> -> memref<32x128xf32, #tpu.memory_space<hbm>>
      %dma_start3A_550 = arith.constant 0 : i32
      %dma_start3A_551 = arith.constant 0 : i32
      %dma_start3A_552 = tpu.memref_slice %arg12[%dma_start3A_542, %dma_start3A_550, %dma_start3A_551] : memref<4x32x128xf32, #tpu.memory_space<vmem>> -> memref<1x32x128xf32, #tpu.memory_space<vmem>>
      %dma_start3A_553 = tpu.memref_squeeze %dma_start3A_552 : memref<1x32x128xf32, #tpu.memory_space<vmem>> -> memref<32x128xf32, #tpu.memory_space<vmem>>
      %dma_start3A_554 = arith.constant 0 : i32
      %dma_start3A_555 = arith.constant 0 : i32
      %dma_start3A_556 = tpu.memref_slice %arg2[%dma_start3A_554, %dma_start3A_555] : memref<10240x128xf32, #tpu.memory_space<hbm>> -> memref<32x128xf32, #tpu.memory_space<hbm>>
      tpu.enqueue_dma source(%dma_start3A_556 : memref<32x128xf32, #tpu.memory_space<hbm>>) target(%dma_start3A_553 : memref<32x128xf32, #tpu.memory_space<vmem>>) target_semaphore(%arg16 : memref<!tpu.dma_semaphore, #tpu.memory_space<semaphore_mem>>)
      %parallel_loop3A_557 = arith.constant 0 : i32
      %parallel_loop3A_558 = arith.constant 32 : i32
      %parallel_loop3A_559 = arith.constant 16 : i32
      scf.for %parallel_loop3A_614 = %parallel_loop3A_557 to %parallel_loop3A_558 step %parallel_loop3A_559  : i32 {
        %parallel_loop3A_615 = arith.constant 3 : i32
        %parallel_loop3A_616 = arith.constant 0 : i32
        %parallel_loop3A_617 = arith.index_cast %parallel_loop3A_615 : i32 to index
        %parallel_loop3A_618 = arith.index_cast %parallel_loop3A_616 : i32 to index
        %parallel_loop3A_619 = arith.index_cast %parallel_loop3A_614 : i32 to index
        %parallel_loop3A_620 = tpu.vector_load %arg9[%parallel_loop3A_617, %parallel_loop3A_618, %parallel_loop3A_619] {strides = array<i32>} : memref<4x2x32xi32, #tpu.memory_space<vmem>>, vector<16xi32>,
        %parallel_loop3A_621 = arith.constant 3 : i32
        %parallel_loop3A_622 = arith.constant 1 : i32
        %parallel_loop3A_623 = arith.index_cast %parallel_loop3A_621 : i32 to index
        %parallel_loop3A_624 = arith.index_cast %parallel_loop3A_622 : i32 to index
        %parallel_loop3A_625 = arith.index_cast %parallel_loop3A_614 : i32 to index
        %parallel_loop3A_626 = tpu.vector_load %arg9[%parallel_loop3A_623, %parallel_loop3A_624, %parallel_loop3A_625] {strides = array<i32>} : memref<4x2x32xi32, #tpu.memory_space<vmem>>, vector<16xi32>,
        %parallel_loop3A_627 = tpu.vector_load_idx %arg7[%parallel_loop3A_620] : memref<10240xf32, #tpu.memory_space<vmem>>[vector<16xi32>], vector<16xf32>,
        %parallel_loop3A_628 = tpu.vector_load_idx %arg8[%parallel_loop3A_626] : memref<10240xf32, #tpu.memory_space<vmem>>[vector<16xi32>], vector<16xf32>,
        %parallel_loop3A_629 = arith.addf %parallel_loop3A_627, %parallel_loop3A_628 : vector<16xf32>
        %parallel_loop3A_630 = arith.constant 0.000000e+00 : f32
        %parallel_loop3A_631 = vector.broadcast %parallel_loop3A_630 : f32 to vector<16xf32>
        %parallel_loop3A_632 = arith.cmpf oge, %parallel_loop3A_629, %parallel_loop3A_631 : vector<16xf32>
        %parallel_loop3A_633 = arith.constant 2.000000e-01 : f32
        %parallel_loop3A_634 = vector.broadcast %parallel_loop3A_633 : f32 to vector<16xf32>
        %parallel_loop3A_635 = arith.mulf %parallel_loop3A_634, %parallel_loop3A_629 : vector<16xf32>
        %parallel_loop3A_636 = arith.select %parallel_loop3A_632, %parallel_loop3A_629, %parallel_loop3A_635 : vector<16xi1>, vector<16xf32>
        %parallel_loop3A_637 = math.exp %parallel_loop3A_636 : vector<16xf32>
        %parallel_loop3A_638 = arith.index_cast %parallel_loop3A_614 : i32 to index
        %parallel_loop3A_639 = tpu.vector_load %arg11[%parallel_loop3A_638] {strides = array<i32>} : memref<32xf32, #tpu.memory_space<vmem>>, vector<16xf32>,
        tpu.vector_store %arg11[%parallel_loop3A_638], %parallel_loop3A_637 {strides = array<i32>} : memref<32xf32, #tpu.memory_space<vmem>>, vector<16xf32>,
        %parallel_loop3A_640 = arith.constant 7 : i32
        %parallel_loop3A_641 = vector.broadcast %parallel_loop3A_640 : i32 to vector<16xi32>
        %parallel_loop3A_642 = arith.shrui %parallel_loop3A_626, %parallel_loop3A_641 : vector<16xi32>
        %parallel_loop3A_643 = arith.constant 127 : i32
        %parallel_loop3A_644 = vector.broadcast %parallel_loop3A_643 : i32 to vector<16xi32>
        %parallel_loop3A_645 = arith.andi %parallel_loop3A_626, %parallel_loop3A_644 : vector<16xi32>
        tpu.vector_store_idx %arg13[%parallel_loop3A_642, %parallel_loop3A_645], %parallel_loop3A_637 {add = true} : memref<80x128xf32, #tpu.memory_space<vmem>>[vector<16xi32>, vector<16xi32>], vector<16xf32>,
        %parallel_loop3A_646 = arith.constant 3 : i32
        %parallel_loop3A_647 = arith.index_cast %parallel_loop3A_646 : i32 to index
        %parallel_loop3A_648 = arith.index_cast %parallel_loop3A_614 : i32 to index
        %parallel_loop3A_649 = tpu.vector_load %arg10[%parallel_loop3A_647, %parallel_loop3A_648] {strides = array<i32>} : memref<4x32xi32, #tpu.memory_space<vmem>>, vector<16xi32>,
        tpu.vector_store %arg10[%parallel_loop3A_647, %parallel_loop3A_648], %parallel_loop3A_626 {strides = array<i32>} : memref<4x32xi32, #tpu.memory_space<vmem>>, vector<16xi32>,
      } {sc.loop_unroll_factor = 2 : i64, sc.parallel_access}
      %dma_wait3A_560 = arith.constant 3 : i32
      %dma_wait3A_561 = arith.constant 0 : i32
      %dma_wait3A_562 = arith.constant 0 : i32
      %dma_wait3A_563 = tpu.memref_slice %arg12[%dma_wait3A_560, %dma_wait3A_561, %dma_wait3A_562] : memref<4x32x128xf32, #tpu.memory_space<vmem>> -> memref<1x32x128xf32, #tpu.memory_space<vmem>>
      %dma_wait3A_564 = tpu.memref_squeeze %dma_wait3A_563 : memref<1x32x128xf32, #tpu.memory_space<vmem>> -> memref<32x128xf32, #tpu.memory_space<vmem>>
      %dma_wait3A_565 = arith.constant 0 : i32
      %dma_wait3A_566 = arith.constant 0 : i32
      %dma_wait3A_567 = tpu.memref_slice %arg2[%dma_wait3A_565, %dma_wait3A_566] : memref<10240x128xf32, #tpu.memory_space<hbm>> -> memref<32x128xf32, #tpu.memory_space<hbm>>
      %dma_wait3A_568 = arith.constant 0 : i32
      %dma_wait3A_569 = arith.constant 0 : i32
      %dma_wait3A_570 = tpu.memref_slice %arg12[%dma_wait3A_560, %dma_wait3A_568, %dma_wait3A_569] : memref<4x32x128xf32, #tpu.memory_space<vmem>> -> memref<1x32x128xf32, #tpu.memory_space<vmem>>
      %dma_wait3A_571 = tpu.memref_squeeze %dma_wait3A_570 : memref<1x32x128xf32, #tpu.memory_space<vmem>> -> memref<32x128xf32, #tpu.memory_space<vmem>>
      %dma_wait3A_572 = arith.constant 0 : i32
      %dma_wait3A_573 = arith.constant 0 : i32
      %dma_wait3A_574 = tpu.memref_slice %arg2[%dma_wait3A_572, %dma_wait3A_573] : memref<10240x128xf32, #tpu.memory_space<hbm>> -> memref<32x128xf32, #tpu.memory_space<hbm>>
      tpu.wait_dma2 semaphore(%arg19 : memref<!tpu.dma_semaphore, #tpu.memory_space<semaphore_mem>>) src(%dma_wait3A_574 : memref<32x128xf32, #tpu.memory_space<hbm>>) dst(%dma_wait3A_571 : memref<32x128xf32, #tpu.memory_space<vmem>>)
      %add3A_575 = arith.constant 2 : i32
      %add3A_576 = arith.addi %add3A_508, %add3A_575 : i32
      %min3A_577 = arith.constant 323 : i32
      %min3A_578 = arith.minsi %add3A_576, %min3A_577 : i32
      %dma_start3A_579 = arith.constant 1 : i32
      %dma_start3A_580 = arith.constant 0 : i32
      %dma_start3A_581 = arith.constant 0 : i32
      %dma_start3A_582 = tpu.memref_slice %arg9[%dma_start3A_579, %dma_start3A_580, %dma_start3A_581] : memref<4x2x32xi32, #tpu.memory_space<vmem>> -> memref<1x2x32xi32, #tpu.memory_space<vmem>>
      %dma_start3A_583 = tpu.memref_squeeze %dma_start3A_582 : memref<1x2x32xi32, #tpu.memory_space<vmem>> -> memref<2x32xi32, #tpu.memory_space<vmem>>
      %dma_start3A_584 = arith.constant 0 : i32
      %dma_start3A_585 = arith.constant 0 : i32
      %dma_start3A_586 = tpu.memref_slice %arg5[%add3A, %min3A_578, %dma_start3A_584, %dma_start3A_585] : memref<32x324x2x32xi32, #tpu.memory_space<hbm>> -> memref<1x1x2x32xi32, #tpu.memory_space<hbm>>
      %dma_start3A_587 = tpu.memref_squeeze %dma_start3A_586 : memref<1x1x2x32xi32, #tpu.memory_space<hbm>> -> memref<2x32xi32, #tpu.memory_space<hbm>>
      %dma_start3A_588 = arith.constant 0 : i32
      %dma_start3A_589 = arith.constant 0 : i32
      %dma_start3A_590 = tpu.memref_slice %arg9[%dma_start3A_579, %dma_start3A_588, %dma_start3A_589] : memref<4x2x32xi32, #tpu.memory_space<vmem>> -> memref<1x2x32xi32, #tpu.memory_space<vmem>>
      %dma_start3A_591 = tpu.memref_squeeze %dma_start3A_590 : memref<1x2x32xi32, #tpu.memory_space<vmem>> -> memref<2x32xi32, #tpu.memory_space<vmem>>
      %dma_start3A_592 = arith.constant 0 : i32
      %dma_start3A_593 = arith.constant 0 : i32
      %dma_start3A_594 = tpu.memref_slice %arg5[%add3A, %min3A_578, %dma_start3A_592, %dma_start3A_593] : memref<32x324x2x32xi32, #tpu.memory_space<hbm>> -> memref<1x1x2x32xi32, #tpu.memory_space<hbm>>
      %dma_start3A_595 = tpu.memref_squeeze %dma_start3A_594 : memref<1x1x2x32xi32, #tpu.memory_space<hbm>> -> memref<2x32xi32, #tpu.memory_space<hbm>>
      tpu.enqueue_dma source(%dma_start3A_595 : memref<2x32xi32, #tpu.memory_space<hbm>>) target(%dma_start3A_591 : memref<2x32xi32, #tpu.memory_space<vmem>>) target_semaphore(%arg25 : memref<!tpu.dma_semaphore, #tpu.memory_space<semaphore_mem>>)
      %parallel_loop3A_596 = arith.constant 0 : i32
      %parallel_loop3A_597 = arith.constant 0 : i32
      %parallel_loop3A_598 = arith.constant 1 : i32
      scf.for %parallel_loop3A_614 = %parallel_loop3A_596 to %parallel_loop3A_597 step %parallel_loop3A_598  : i32 {
        %parallel_loop3A_615 = vector.broadcast %parallel_loop3A_614 : i32 to vector<16xi32>
        %parallel_loop3A_616 = arith.addi %broadcast_in_dim3A_3, %parallel_loop3A_615 : vector<16xi32>
        %parallel_loop3A_617 = tpu.vector_load_idx %arg11[%parallel_loop3A_616] : memref<32xf32, #tpu.memory_space<vmem>>[vector<16xi32>], vector<16xf32>,
        %parallel_loop3A_618 = arith.constant 3 : i32
        %parallel_loop3A_619 = arith.index_cast %parallel_loop3A_618 : i32 to index
        %parallel_loop3A_620 = arith.index_cast %parallel_loop3A_614 : i32 to index
        %parallel_loop3A_621 = arith.constant 0 : index
        %parallel_loop3A_622 = tpu.vector_load %arg12[%parallel_loop3A_619, %parallel_loop3A_620, %parallel_loop3A_621] {strides = array<i32>} : memref<4x32x128xf32, #tpu.memory_space<vmem>>, vector<16xf32>,
        %parallel_loop3A_623 = arith.mulf %parallel_loop3A_622, %parallel_loop3A_617 : vector<16xf32>
        %parallel_loop3A_624 = arith.constant 3 : i32
        %parallel_loop3A_625 = arith.index_cast %parallel_loop3A_624 : i32 to index
        %parallel_loop3A_626 = arith.index_cast %parallel_loop3A_614 : i32 to index
        %parallel_loop3A_627 = arith.constant 0 : index
        %parallel_loop3A_628 = tpu.vector_load %arg12[%parallel_loop3A_625, %parallel_loop3A_626, %parallel_loop3A_627] {strides = array<i32>} : memref<4x32x128xf32, #tpu.memory_space<vmem>>, vector<16xf32>,
        tpu.vector_store %arg12[%parallel_loop3A_625, %parallel_loop3A_626, %parallel_loop3A_627], %parallel_loop3A_623 {strides = array<i32>} : memref<4x32x128xf32, #tpu.memory_space<vmem>>, vector<16xf32>,
        %parallel_loop3A_629 = arith.constant 3 : i32
        %parallel_loop3A_630 = arith.index_cast %parallel_loop3A_629 : i32 to index
        %parallel_loop3A_631 = arith.index_cast %parallel_loop3A_614 : i32 to index
        %parallel_loop3A_632 = arith.constant 16 : index
        %parallel_loop3A_633 = tpu.vector_load %arg12[%parallel_loop3A_630, %parallel_loop3A_631, %parallel_loop3A_632] {strides = array<i32>} : memref<4x32x128xf32, #tpu.memory_space<vmem>>, vector<16xf32>,
        %parallel_loop3A_634 = arith.mulf %parallel_loop3A_633, %parallel_loop3A_617 : vector<16xf32>
        %parallel_loop3A_635 = arith.constant 3 : i32
        %parallel_loop3A_636 = arith.index_cast %parallel_loop3A_635 : i32 to index
        %parallel_loop3A_637 = arith.index_cast %parallel_loop3A_614 : i32 to index
        %parallel_loop3A_638 = arith.constant 16 : index
        %parallel_loop3A_639 = tpu.vector_load %arg12[%parallel_loop3A_636, %parallel_loop3A_637, %parallel_loop3A_638] {strides = array<i32>} : memref<4x32x128xf32, #tpu.memory_space<vmem>>, vector<16xf32>,
        tpu.vector_store %arg12[%parallel_loop3A_636, %parallel_loop3A_637, %parallel_loop3A_638], %parallel_loop3A_634 {strides = array<i32>} : memref<4x32x128xf32, #tpu.memory_space<vmem>>, vector<16xf32>,
        %parallel_loop3A_640 = arith.constant 3 : i32
        %parallel_loop3A_641 = arith.index_cast %parallel_loop3A_640 : i32 to index
        %parallel_loop3A_642 = arith.index_cast %parallel_loop3A_614 : i32 to index
        %parallel_loop3A_643 = arith.constant 32 : index
        %parallel_loop3A_644 = tpu.vector_load %arg12[%parallel_loop3A_641, %parallel_loop3A_642, %parallel_loop3A_643] {strides = array<i32>} : memref<4x32x128xf32, #tpu.memory_space<vmem>>, vector<16xf32>,
        %parallel_loop3A_645 = arith.mulf %parallel_loop3A_644, %parallel_loop3A_617 : vector<16xf32>
        %parallel_loop3A_646 = arith.constant 3 : i32
        %parallel_loop3A_647 = arith.index_cast %parallel_loop3A_646 : i32 to index
        %parallel_loop3A_648 = arith.index_cast %parallel_loop3A_614 : i32 to index
        %parallel_loop3A_649 = arith.constant 32 : index
        %parallel_loop3A_650 = tpu.vector_load %arg12[%parallel_loop3A_647, %parallel_loop3A_648, %parallel_loop3A_649] {strides = array<i32>} : memref<4x32x128xf32, #tpu.memory_space<vmem>>, vector<16xf32>,
        tpu.vector_store %arg12[%parallel_loop3A_647, %parallel_loop3A_648, %parallel_loop3A_649], %parallel_loop3A_645 {strides = array<i32>} : memref<4x32x128xf32, #tpu.memory_space<vmem>>, vector<16xf32>,
        %parallel_loop3A_651 = arith.constant 3 : i32
        %parallel_loop3A_652 = arith.index_cast %parallel_loop3A_651 : i32 to index
        %parallel_loop3A_653 = arith.index_cast %parallel_loop3A_614 : i32 to index
        %parallel_loop3A_654 = arith.constant 48 : index
        %parallel_loop3A_655 = tpu.vector_load %arg12[%parallel_loop3A_652, %parallel_loop3A_653, %parallel_loop3A_654] {strides = array<i32>} : memref<4x32x128xf32, #tpu.memory_space<vmem>>, vector<16xf32>,
        %parallel_loop3A_656 = arith.mulf %parallel_loop3A_655, %parallel_loop3A_617 : vector<16xf32>
        %parallel_loop3A_657 = arith.constant 3 : i32
        %parallel_loop3A_658 = arith.index_cast %parallel_loop3A_657 : i32 to index
        %parallel_loop3A_659 = arith.index_cast %parallel_loop3A_614 : i32 to index
        %parallel_loop3A_660 = arith.constant 48 : index
        %parallel_loop3A_661 = tpu.vector_load %arg12[%parallel_loop3A_658, %parallel_loop3A_659, %parallel_loop3A_660] {strides = array<i32>} : memref<4x32x128xf32, #tpu.memory_space<vmem>>, vector<16xf32>,
        tpu.vector_store %arg12[%parallel_loop3A_658, %parallel_loop3A_659, %parallel_loop3A_660], %parallel_loop3A_656 {strides = array<i32>} : memref<4x32x128xf32, #tpu.memory_space<vmem>>, vector<16xf32>,
        %parallel_loop3A_662 = arith.constant 3 : i32
        %parallel_loop3A_663 = arith.index_cast %parallel_loop3A_662 : i32 to index
        %parallel_loop3A_664 = arith.index_cast %parallel_loop3A_614 : i32 to index
        %parallel_loop3A_665 = arith.constant 64 : index
        %parallel_loop3A_666 = tpu.vector_load %arg12[%parallel_loop3A_663, %parallel_loop3A_664, %parallel_loop3A_665] {strides = array<i32>} : memref<4x32x128xf32, #tpu.memory_space<vmem>>, vector<16xf32>,
        %parallel_loop3A_667 = arith.mulf %parallel_loop3A_666, %parallel_loop3A_617 : vector<16xf32>
        %parallel_loop3A_668 = arith.constant 3 : i32
        %parallel_loop3A_669 = arith.index_cast %parallel_loop3A_668 : i32 to index
        %parallel_loop3A_670 = arith.index_cast %parallel_loop3A_614 : i32 to index
        %parallel_loop3A_671 = arith.constant 64 : index
        %parallel_loop3A_672 = tpu.vector_load %arg12[%parallel_loop3A_669, %parallel_loop3A_670, %parallel_loop3A_671] {strides = array<i32>} : memref<4x32x128xf32, #tpu.memory_space<vmem>>, vector<16xf32>,
        tpu.vector_store %arg12[%parallel_loop3A_669, %parallel_loop3A_670, %parallel_loop3A_671], %parallel_loop3A_667 {strides = array<i32>} : memref<4x32x128xf32, #tpu.memory_space<vmem>>, vector<16xf32>,
        %parallel_loop3A_673 = arith.constant 3 : i32
        %parallel_loop3A_674 = arith.index_cast %parallel_loop3A_673 : i32 to index
        %parallel_loop3A_675 = arith.index_cast %parallel_loop3A_614 : i32 to index
        %parallel_loop3A_676 = arith.constant 80 : index
        %parallel_loop3A_677 = tpu.vector_load %arg12[%parallel_loop3A_674, %parallel_loop3A_675, %parallel_loop3A_676] {strides = array<i32>} : memref<4x32x128xf32, #tpu.memory_space<vmem>>, vector<16xf32>,
        %parallel_loop3A_678 = arith.mulf %parallel_loop3A_677, %parallel_loop3A_617 : vector<16xf32>
        %parallel_loop3A_679 = arith.constant 3 : i32
        %parallel_loop3A_680 = arith.index_cast %parallel_loop3A_679 : i32 to index
        %parallel_loop3A_681 = arith.index_cast %parallel_loop3A_614 : i32 to index
        %parallel_loop3A_682 = arith.constant 80 : index
        %parallel_loop3A_683 = tpu.vector_load %arg12[%parallel_loop3A_680, %parallel_loop3A_681, %parallel_loop3A_682] {strides = array<i32>} : memref<4x32x128xf32, #tpu.memory_space<vmem>>, vector<16xf32>,
        tpu.vector_store %arg12[%parallel_loop3A_680, %parallel_loop3A_681, %parallel_loop3A_682], %parallel_loop3A_678 {strides = array<i32>} : memref<4x32x128xf32, #tpu.memory_space<vmem>>, vector<16xf32>,
        %parallel_loop3A_684 = arith.constant 3 : i32
        %parallel_loop3A_685 = arith.index_cast %parallel_loop3A_684 : i32 to index
        %parallel_loop3A_686 = arith.index_cast %parallel_loop3A_614 : i32 to index
        %parallel_loop3A_687 = arith.constant 96 : index
        %parallel_loop3A_688 = tpu.vector_load %arg12[%parallel_loop3A_685, %parallel_loop3A_686, %parallel_loop3A_687] {strides = array<i32>} : memref<4x32x128xf32, #tpu.memory_space<vmem>>, vector<16xf32>,
        %parallel_loop3A_689 = arith.mulf %parallel_loop3A_688, %parallel_loop3A_617 : vector<16xf32>
        %parallel_loop3A_690 = arith.constant 3 : i32
        %parallel_loop3A_691 = arith.index_cast %parallel_loop3A_690 : i32 to index
        %parallel_loop3A_692 = arith.index_cast %parallel_loop3A_614 : i32 to index
        %parallel_loop3A_693 = arith.constant 96 : index
        %parallel_loop3A_694 = tpu.vector_load %arg12[%parallel_loop3A_691, %parallel_loop3A_692, %parallel_loop3A_693] {strides = array<i32>} : memref<4x32x128xf32, #tpu.memory_space<vmem>>, vector<16xf32>,
        tpu.vector_store %arg12[%parallel_loop3A_691, %parallel_loop3A_692, %parallel_loop3A_693], %parallel_loop3A_689 {strides = array<i32>} : memref<4x32x128xf32, #tpu.memory_space<vmem>>, vector<16xf32>,
        %parallel_loop3A_695 = arith.constant 3 : i32
        %parallel_loop3A_696 = arith.index_cast %parallel_loop3A_695 : i32 to index
        %parallel_loop3A_697 = arith.index_cast %parallel_loop3A_614 : i32 to index
        %parallel_loop3A_698 = arith.constant 112 : index
        %parallel_loop3A_699 = tpu.vector_load %arg12[%parallel_loop3A_696, %parallel_loop3A_697, %parallel_loop3A_698] {strides = array<i32>} : memref<4x32x128xf32, #tpu.memory_space<vmem>>, vector<16xf32>,
        %parallel_loop3A_700 = arith.mulf %parallel_loop3A_699, %parallel_loop3A_617 : vector<16xf32>
        %parallel_loop3A_701 = arith.constant 3 : i32
        %parallel_loop3A_702 = arith.index_cast %parallel_loop3A_701 : i32 to index
        %parallel_loop3A_703 = arith.index_cast %parallel_loop3A_614 : i32 to index
        %parallel_loop3A_704 = arith.constant 112 : index
        %parallel_loop3A_705 = tpu.vector_load %arg12[%parallel_loop3A_702, %parallel_loop3A_703, %parallel_loop3A_704] {strides = array<i32>} : memref<4x32x128xf32, #tpu.memory_space<vmem>>, vector<16xf32>,
        tpu.vector_store %arg12[%parallel_loop3A_702, %parallel_loop3A_703, %parallel_loop3A_704], %parallel_loop3A_700 {strides = array<i32>} : memref<4x32x128xf32, #tpu.memory_space<vmem>>, vector<16xf32>,
      } {sc.loop_unroll_factor = 4 : i64, sc.parallel_access}
      %mul3A_599 = arith.constant 640 : i32
      %mul3A_600 = arith.muli %arg1, %mul3A_599 : i32
      %dma_start3A_601 = arith.constant 3 : i32
      %dma_start3A_602 = arith.constant 0 : i32
      %dma_start3A_603 = arith.constant 0 : i32
      %dma_start3A_604 = tpu.memref_slice %arg12[%dma_start3A_601, %dma_start3A_602, %dma_start3A_603] : memref<4x32x128xf32, #tpu.memory_space<vmem>> -> memref<1x32x128xf32, #tpu.memory_space<vmem>>
      %dma_start3A_605 = tpu.memref_squeeze %dma_start3A_604 : memref<1x32x128xf32, #tpu.memory_space<vmem>> -> memref<32x128xf32, #tpu.memory_space<vmem>>
      %dma_start3A_606 = arith.constant 0 : i32
      %dma_start3A_607 = tpu.memref_slice %arg15[%mul3A_600, %dma_start3A_606] : memref<10240x128xf32, #tpu.memory_space<vmem_shared>> -> memref<32x128xf32, #tpu.memory_space<vmem_shared>>
      %dma_start3A_608 = arith.constant 0 : i32
      %dma_start3A_609 = tpu.memref_slice %arg15[%mul3A_600, %dma_start3A_608] : memref<10240x128xf32, #tpu.memory_space<vmem_shared>> -> memref<32x128xf32, #tpu.memory_space<vmem_shared>>
      %dma_start3A_610 = arith.constant 0 : i32
      %dma_start3A_611 = arith.constant 0 : i32
      %dma_start3A_612 = tpu.memref_slice %arg12[%dma_start3A_601, %dma_start3A_610, %dma_start3A_611] : memref<4x32x128xf32, #tpu.memory_space<vmem>> -> memref<1x32x128xf32, #tpu.memory_space<vmem>>
      %dma_start3A_613 = tpu.memref_squeeze %dma_start3A_612 : memref<1x32x128xf32, #tpu.memory_space<vmem>> -> memref<32x128xf32, #tpu.memory_space<vmem>>
      tpu.enqueue_dma source(%dma_start3A_613 : memref<32x128xf32, #tpu.memory_space<vmem>>) target(%dma_start3A_609 : memref<32x128xf32, #tpu.memory_space<vmem_shared>>) target_semaphore(%arg23 : memref<!tpu.dma_semaphore, #tpu.memory_space<semaphore_mem>>)
    }
    %scan3A_99 = arith.constant 81 : i32
    %dma_wait3A = arith.constant 1 : i32
    %dma_wait3A_100 = arith.constant 0 : i32
    %dma_wait3A_101 = arith.constant 0 : i32
    %dma_wait3A_102 = tpu.memref_slice %arg12[%dma_wait3A, %dma_wait3A_100, %dma_wait3A_101] : memref<4x32x128xf32, #tpu.memory_space<vmem>> -> memref<1x32x128xf32, #tpu.memory_space<vmem>>
    %dma_wait3A_103 = tpu.memref_squeeze %dma_wait3A_102 : memref<1x32x128xf32, #tpu.memory_space<vmem>> -> memref<32x128xf32, #tpu.memory_space<vmem>>
    %dma_wait3A_104 = arith.constant 0 : i32
    %dma_wait3A_105 = arith.constant 0 : i32
    %dma_wait3A_106 = tpu.memref_slice %arg2[%dma_wait3A_104, %dma_wait3A_105] : memref<10240x128xf32, #tpu.memory_space<hbm>> -> memref<32x128xf32, #tpu.memory_space<hbm>>
    %dma_wait3A_107 = arith.constant 0 : i32
    %dma_wait3A_108 = arith.constant 0 : i32
    %dma_wait3A_109 = tpu.memref_slice %arg12[%dma_wait3A, %dma_wait3A_107, %dma_wait3A_108] : memref<4x32x128xf32, #tpu.memory_space<vmem>> -> memref<1x32x128xf32, #tpu.memory_space<vmem>>
    %dma_wait3A_110 = tpu.memref_squeeze %dma_wait3A_109 : memref<1x32x128xf32, #tpu.memory_space<vmem>> -> memref<32x128xf32, #tpu.memory_space<vmem>>
    %dma_wait3A_111 = arith.constant 0 : i32
    %dma_wait3A_112 = arith.constant 0 : i32
    %dma_wait3A_113 = tpu.memref_slice %arg2[%dma_wait3A_111, %dma_wait3A_112] : memref<10240x128xf32, #tpu.memory_space<hbm>> -> memref<32x128xf32, #tpu.memory_space<hbm>>
    tpu.wait_dma2 semaphore(%arg21 : memref<!tpu.dma_semaphore, #tpu.memory_space<semaphore_mem>>) src(%dma_wait3A_113 : memref<32x128xf32, #tpu.memory_space<hbm>>) dst(%dma_wait3A_110 : memref<32x128xf32, #tpu.memory_space<vmem>>)
    %dma_wait3A_114 = arith.constant 2 : i32
    %dma_wait3A_115 = arith.constant 0 : i32
    %dma_wait3A_116 = arith.constant 0 : i32
    %dma_wait3A_117 = tpu.memref_slice %arg12[%dma_wait3A_114, %dma_wait3A_115, %dma_wait3A_116] : memref<4x32x128xf32, #tpu.memory_space<vmem>> -> memref<1x32x128xf32, #tpu.memory_space<vmem>>
    %dma_wait3A_118 = tpu.memref_squeeze %dma_wait3A_117 : memref<1x32x128xf32, #tpu.memory_space<vmem>> -> memref<32x128xf32, #tpu.memory_space<vmem>>
    %dma_wait3A_119 = arith.constant 0 : i32
    %dma_wait3A_120 = arith.constant 0 : i32
    %dma_wait3A_121 = tpu.memref_slice %arg2[%dma_wait3A_119, %dma_wait3A_120] : memref<10240x128xf32, #tpu.memory_space<hbm>> -> memref<32x128xf32, #tpu.memory_space<hbm>>
    %dma_wait3A_122 = arith.constant 0 : i32
    %dma_wait3A_123 = arith.constant 0 : i32
    %dma_wait3A_124 = tpu.memref_slice %arg12[%dma_wait3A_114, %dma_wait3A_122, %dma_wait3A_123] : memref<4x32x128xf32, #tpu.memory_space<vmem>> -> memref<1x32x128xf32, #tpu.memory_space<vmem>>
    %dma_wait3A_125 = tpu.memref_squeeze %dma_wait3A_124 : memref<1x32x128xf32, #tpu.memory_space<vmem>> -> memref<32x128xf32, #tpu.memory_space<vmem>>
    %dma_wait3A_126 = arith.constant 0 : i32
    %dma_wait3A_127 = arith.constant 0 : i32
    %dma_wait3A_128 = tpu.memref_slice %arg2[%dma_wait3A_126, %dma_wait3A_127] : memref<10240x128xf32, #tpu.memory_space<hbm>> -> memref<32x128xf32, #tpu.memory_space<hbm>>
    tpu.wait_dma2 semaphore(%arg22 : memref<!tpu.dma_semaphore, #tpu.memory_space<semaphore_mem>>) src(%dma_wait3A_128 : memref<32x128xf32, #tpu.memory_space<hbm>>) dst(%dma_wait3A_125 : memref<32x128xf32, #tpu.memory_space<vmem>>)
    %dma_wait3A_129 = arith.constant 3 : i32
    %dma_wait3A_130 = arith.constant 0 : i32
    %dma_wait3A_131 = arith.constant 0 : i32
    %dma_wait3A_132 = tpu.memref_slice %arg12[%dma_wait3A_129, %dma_wait3A_130, %dma_wait3A_131] : memref<4x32x128xf32, #tpu.memory_space<vmem>> -> memref<1x32x128xf32, #tpu.memory_space<vmem>>
    %dma_wait3A_133 = tpu.memref_squeeze %dma_wait3A_132 : memref<1x32x128xf32, #tpu.memory_space<vmem>> -> memref<32x128xf32, #tpu.memory_space<vmem>>
    %dma_wait3A_134 = arith.constant 0 : i32
    %dma_wait3A_135 = arith.constant 0 : i32
    %dma_wait3A_136 = tpu.memref_slice %arg2[%dma_wait3A_134, %dma_wait3A_135] : memref<10240x128xf32, #tpu.memory_space<hbm>> -> memref<32x128xf32, #tpu.memory_space<hbm>>
    %dma_wait3A_137 = arith.constant 0 : i32
    %dma_wait3A_138 = arith.constant 0 : i32
    %dma_wait3A_139 = tpu.memref_slice %arg12[%dma_wait3A_129, %dma_wait3A_137, %dma_wait3A_138] : memref<4x32x128xf32, #tpu.memory_space<vmem>> -> memref<1x32x128xf32, #tpu.memory_space<vmem>>
    %dma_wait3A_140 = tpu.memref_squeeze %dma_wait3A_139 : memref<1x32x128xf32, #tpu.memory_space<vmem>> -> memref<32x128xf32, #tpu.memory_space<vmem>>
    %dma_wait3A_141 = arith.constant 0 : i32
    %dma_wait3A_142 = arith.constant 0 : i32
    %dma_wait3A_143 = tpu.memref_slice %arg2[%dma_wait3A_141, %dma_wait3A_142] : memref<10240x128xf32, #tpu.memory_space<hbm>> -> memref<32x128xf32, #tpu.memory_space<hbm>>
    tpu.wait_dma2 semaphore(%arg23 : memref<!tpu.dma_semaphore, #tpu.memory_space<semaphore_mem>>) src(%dma_wait3A_143 : memref<32x128xf32, #tpu.memory_space<hbm>>) dst(%dma_wait3A_140 : memref<32x128xf32, #tpu.memory_space<vmem>>)
    %dma_wait3A_144 = arith.constant 0 : i32
    %dma_wait3A_145 = arith.constant 0 : i32
    %dma_wait3A_146 = arith.constant 0 : i32
    %dma_wait3A_147 = tpu.memref_slice %arg12[%dma_wait3A_144, %dma_wait3A_145, %dma_wait3A_146] : memref<4x32x128xf32, #tpu.memory_space<vmem>> -> memref<1x32x128xf32, #tpu.memory_space<vmem>>
    %dma_wait3A_148 = tpu.memref_squeeze %dma_wait3A_147 : memref<1x32x128xf32, #tpu.memory_space<vmem>> -> memref<32x128xf32, #tpu.memory_space<vmem>>
    %dma_wait3A_149 = arith.constant 0 : i32
    %dma_wait3A_150 = arith.constant 0 : i32
    %dma_wait3A_151 = tpu.memref_slice %arg2[%dma_wait3A_149, %dma_wait3A_150] : memref<10240x128xf32, #tpu.memory_space<hbm>> -> memref<32x128xf32, #tpu.memory_space<hbm>>
    %dma_wait3A_152 = arith.constant 0 : i32
    %dma_wait3A_153 = arith.constant 0 : i32
    %dma_wait3A_154 = tpu.memref_slice %arg12[%dma_wait3A_144, %dma_wait3A_152, %dma_wait3A_153] : memref<4x32x128xf32, #tpu.memory_space<vmem>> -> memref<1x32x128xf32, #tpu.memory_space<vmem>>
    %dma_wait3A_155 = tpu.memref_squeeze %dma_wait3A_154 : memref<1x32x128xf32, #tpu.memory_space<vmem>> -> memref<32x128xf32, #tpu.memory_space<vmem>>
    %dma_wait3A_156 = arith.constant 0 : i32
    %dma_wait3A_157 = arith.constant 0 : i32
    %dma_wait3A_158 = tpu.memref_slice %arg2[%dma_wait3A_156, %dma_wait3A_157] : memref<10240x128xf32, #tpu.memory_space<hbm>> -> memref<32x128xf32, #tpu.memory_space<hbm>>
    tpu.wait_dma2 semaphore(%arg16 : memref<!tpu.dma_semaphore, #tpu.memory_space<semaphore_mem>>) src(%dma_wait3A_158 : memref<32x128xf32, #tpu.memory_space<hbm>>) dst(%dma_wait3A_155 : memref<32x128xf32, #tpu.memory_space<vmem>>)
    %dma_wait3A_159 = arith.constant 0 : i32
    %dma_wait3A_160 = arith.constant 1 : i32
    %dma_wait3A_161 = arith.constant 0 : i32
    %dma_wait3A_162 = arith.constant 0 : i32
    %dma_wait3A_163 = tpu.memref_slice %arg9[%dma_wait3A_160, %dma_wait3A_161, %dma_wait3A_162] : memref<4x2x32xi32, #tpu.memory_space<vmem>> -> memref<1x2x32xi32, #tpu.memory_space<vmem>>
    %dma_wait3A_164 = tpu.memref_squeeze %dma_wait3A_163 : memref<1x2x32xi32, #tpu.memory_space<vmem>> -> memref<2x32xi32, #tpu.memory_space<vmem>>
    %dma_wait3A_165 = arith.constant 0 : i32
    %dma_wait3A_166 = arith.constant 0 : i32
    %dma_wait3A_167 = tpu.memref_slice %arg5[%add3A, %dma_wait3A_159, %dma_wait3A_165, %dma_wait3A_166] : memref<32x324x2x32xi32, #tpu.memory_space<hbm>> -> memref<1x1x2x32xi32, #tpu.memory_space<hbm>>
    %dma_wait3A_168 = tpu.memref_squeeze %dma_wait3A_167 : memref<1x1x2x32xi32, #tpu.memory_space<hbm>> -> memref<2x32xi32, #tpu.memory_space<hbm>>
    %dma_wait3A_169 = arith.constant 0 : i32
    %dma_wait3A_170 = arith.constant 0 : i32
    %dma_wait3A_171 = tpu.memref_slice %arg9[%dma_wait3A_160, %dma_wait3A_169, %dma_wait3A_170] : memref<4x2x32xi32, #tpu.memory_space<vmem>> -> memref<1x2x32xi32, #tpu.memory_space<vmem>>
    %dma_wait3A_172 = tpu.memref_squeeze %dma_wait3A_171 : memref<1x2x32xi32, #tpu.memory_space<vmem>> -> memref<2x32xi32, #tpu.memory_space<vmem>>
    %dma_wait3A_173 = arith.constant 0 : i32
    %dma_wait3A_174 = arith.constant 0 : i32
    %dma_wait3A_175 = tpu.memref_slice %arg5[%add3A, %dma_wait3A_159, %dma_wait3A_173, %dma_wait3A_174] : memref<32x324x2x32xi32, #tpu.memory_space<hbm>> -> memref<1x1x2x32xi32, #tpu.memory_space<hbm>>
    %dma_wait3A_176 = tpu.memref_squeeze %dma_wait3A_175 : memref<1x1x2x32xi32, #tpu.memory_space<hbm>> -> memref<2x32xi32, #tpu.memory_space<hbm>>
    tpu.wait_dma2 semaphore(%arg25 : memref<!tpu.dma_semaphore, #tpu.memory_space<semaphore_mem>>) src(%dma_wait3A_176 : memref<2x32xi32, #tpu.memory_space<hbm>>) dst(%dma_wait3A_172 : memref<2x32xi32, #tpu.memory_space<vmem>>)
    "tpu.region"() ({
      %run_scoped3A_183 = tpu.sem_alloc : memref<!tpu.dma_semaphore, #tpu.memory_space<semaphore_mem>>
      %dma_start3A_184 = arith.constant 0 : i32
      %dma_start3A_185 = arith.constant 0 : i32
      %dma_start3A_186 = tpu.memref_slice %arg15[%dma_start3A_184, %dma_start3A_185] : memref<10240x128xf32, #tpu.memory_space<vmem_shared>> -> memref<10240x128xf32, #tpu.memory_space<vmem_shared>>
      tpu.enqueue_indirect_dma source(%arg13 : memref<80x128xf32, #tpu.memory_space<vmem>>) target(%dma_start3A_186 : memref<10240x128xf32, #tpu.memory_space<vmem_shared>>) offsets(%arg14 : memref<80xi32, #tpu.memory_space<vmem>>) semaphore(%run_scoped3A_183 : memref<!tpu.dma_semaphore, #tpu.memory_space<semaphore_mem>>) {add = true}
      %dma_wait3A_187 = arith.constant 0 : i32
      %dma_wait3A_188 = arith.constant 0 : i32
      %dma_wait3A_189 = tpu.memref_slice %arg15[%dma_wait3A_187, %dma_wait3A_188] : memref<10240x128xf32, #tpu.memory_space<vmem_shared>> -> memref<10240x128xf32, #tpu.memory_space<vmem_shared>>
      tpu.wait_indirect_dma semaphore(%run_scoped3A_183 : memref<!tpu.dma_semaphore, #tpu.memory_space<semaphore_mem>>) src(%arg13 : memref<80x128xf32, #tpu.memory_space<vmem>>) dst(%dma_wait3A_189 : memref<10240x128xf32, #tpu.memory_space<vmem_shared>>)
      tpu.yield
    }) : () -> ()
    %barrier3A_177 = arith.constant 0 : index
    tpu.barrier barrier_id(%barrier3A_177)
    %scan3A_178 = arith.constant 0 : i32
    %scan3A_179 = arith.constant 10 : i32
    %scan3A_180 = arith.addi %scan3A_178, %scan3A_179 : i32
    %scan3A_181 = arith.constant 1 : i32
    scf.for %scan3A_183 = %scan3A_178 to %scan3A_180 step %scan3A_181  : i32 {
      %mul3A_184 = arith.constant 64 : i32
      %mul3A_185 = arith.muli %scan3A_183, %mul3A_184 : i32
      %add3A_186 = arith.constant 0 : i32
      %add3A_187 = arith.addi %add3A_186, %mul3A_185 : i32
      %mul3A_188 = arith.constant 640 : i32
      %mul3A_189 = arith.muli %arg1, %mul3A_188 : i32
      %add3A_190 = arith.addi %mul3A_189, %add3A_187 : i32
      "tpu.region"() ({
        %run_scoped3A_191 = tpu.sem_alloc : memref<!tpu.dma_semaphore, #tpu.memory_space<semaphore_mem>>
        %dma_start3A_192 = arith.constant 0 : i32
        %dma_start3A_193 = tpu.memref_slice %arg6[%arg0, %add3A_190, %dma_start3A_192] : memref<2x10240x128xf32, #tpu.memory_space<hbm>> -> memref<1x64x128xf32, #tpu.memory_space<hbm>>
        %dma_start3A_194 = tpu.memref_squeeze %dma_start3A_193 : memref<1x64x128xf32, #tpu.memory_space<hbm>> -> memref<64x128xf32, #tpu.memory_space<hbm>>
        %dma_start3A_195 = arith.constant 0 : i32
        %dma_start3A_196 = tpu.memref_slice %arg15[%add3A_190, %dma_start3A_195] : memref<10240x128xf32, #tpu.memory_space<vmem_shared>> -> memref<64x128xf32, #tpu.memory_space<vmem_shared>>
        tpu.enqueue_dma source(%dma_start3A_196 : memref<64x128xf32, #tpu.memory_space<vmem_shared>>) target(%dma_start3A_194 : memref<64x128xf32, #tpu.memory_space<hbm>>) target_semaphore(%run_scoped3A_191 : memref<!tpu.dma_semaphore, #tpu.memory_space<semaphore_mem>>)
        %dma_wait3A_197 = arith.constant 0 : i32
        %dma_wait3A_198 = tpu.memref_slice %arg6[%arg0, %add3A_190, %dma_wait3A_197] : memref<2x10240x128xf32, #tpu.memory_space<hbm>> -> memref<1x64x128xf32, #tpu.memory_space<hbm>>
        %dma_wait3A_199 = tpu.memref_squeeze %dma_wait3A_198 : memref<1x64x128xf32, #tpu.memory_space<hbm>> -> memref<64x128xf32, #tpu.memory_space<hbm>>
        %dma_wait3A_200 = arith.constant 0 : i32
        %dma_wait3A_201 = tpu.memref_slice %arg15[%add3A_190, %dma_wait3A_200] : memref<10240x128xf32, #tpu.memory_space<vmem_shared>> -> memref<64x128xf32, #tpu.memory_space<vmem_shared>>
        tpu.wait_dma2 semaphore(%run_scoped3A_191 : memref<!tpu.dma_semaphore, #tpu.memory_space<semaphore_mem>>) src(%dma_wait3A_201 : memref<64x128xf32, #tpu.memory_space<vmem_shared>>) dst(%dma_wait3A_199 : memref<64x128xf32, #tpu.memory_space<hbm>>)
        tpu.yield
      }) : () -> ()
    }
    %scan3A_182 = arith.constant 10 : i32
    return
  }
}

#map = affine_map<(d0, d1) -> (0, 0)>
#map1 = affine_map<(d0, d1) -> (0)>
#map2 = affine_map<(d0, d1) -> (0, 0, 0, 0)>
#map3 = affine_map<(d0, d1) -> (0, 0, 0)>
module attributes {stable_mosaic.version = 14 : i64} {
  func.func @k(%arg0: i32, %arg1: i32, %arg2: memref<10240x128xf32, #tpu.memory_space<hbm>>, %arg3: memref<10240xf32, #tpu.memory_space<hbm>>, %arg4: memref<10240xf32, #tpu.memory_space<hbm>>, %arg5: memref<32x324x2x32xi32, #tpu.memory_space<hbm>>, %arg6: memref<2x10240x128xf32, #tpu.memory_space<hbm>>, %arg7: memref<10240xf32, #tpu.memory_space<vmem>>, %arg8: memref<10240xf32, #tpu.memory_space<vmem>>, %arg9: memref<4x2x32xi32, #tpu.memory_space<vmem>>, %arg10: memref<4x32xi32, #tpu.memory_space<vmem>>, %arg11: memref<32xf32, #tpu.memory_space<vmem>>, %arg12: memref<4x32x128xf32, #tpu.memory_space<vmem>>, %arg13: memref<80x128xf32, #tpu.memory_space<vmem>>, %arg14: memref<80xi32, #tpu.memory_space<vmem>>, %arg15: memref<10240x128xf32, #tpu.memory_space<vmem_shared>>, %arg16: memref<!tpu.dma_semaphore, #tpu.memory_space<semaphore_mem>>, %arg17: memref<!tpu.dma_semaphore, #tpu.memory_space<semaphore_mem>>, %arg18: memref<!tpu.dma_semaphore, #tpu.memory_space<semaphore_mem>>, %arg19: memref<!tpu.dma_semaphore, #tpu.memory_space<semaphore_mem>>, %arg20: memref<!tpu.dma_semaphore, #tpu.memory_space<semaphore_mem>>, %arg21: memref<!tpu.dma_semaphore, #tpu.memory_space<semaphore_mem>>, %arg22: memref<!tpu.dma_semaphore, #tpu.memory_space<semaphore_mem>>, %arg23: memref<!tpu.dma_semaphore, #tpu.memory_space<semaphore_mem>>, %arg24: memref<!tpu.dma_semaphore, #tpu.memory_space<semaphore_mem>>, %arg25: memref<!tpu.dma_semaphore, #tpu.memory_space<semaphore_mem>>, %arg26: memref<!tpu.dma_semaphore, #tpu.memory_space<semaphore_mem>>, %arg27: memref<!tpu.dma_semaphore, #tpu.memory_space<semaphore_mem>>) attributes {dimension_semantics = [#tpu.dimension_semantics<core_parallel>, #tpu.dimension_semantics<subcore_parallel>], iteration_bounds = array<i64: 2, 16>, scalar_prefetch = 0 : i64, scratch_operands = 21 : i64, tpu.core_type = #tpu.core_type<sc_vector_subcore>, window_params = [{transform_indices = #map}, {transform_indices = #map1}, {transform_indices = #map1}, {transform_indices = #map2}, {transform_indices = #map3}]} {
    %mul3A = arith.constant 2 : i32
    %mul3A_0 = arith.muli %arg1, %mul3A : i32
    %add3A = arith.addi %mul3A_0, %arg0 : i32
    "tpu.region"() ({
      %run_scoped3A_183 = tpu.sem_alloc : memref<!tpu.dma_semaphore, #tpu.memory_space<semaphore_mem>>
      tpu.enqueue_dma source(%arg3 : memref<10240xf32, #tpu.memory_space<hbm>>) target(%arg7 : memref<10240xf32, #tpu.memory_space<vmem>>) target_semaphore(%run_scoped3A_183 : memref<!tpu.dma_semaphore, #tpu.memory_space<semaphore_mem>>)
      tpu.wait_dma2 semaphore(%run_scoped3A_183 : memref<!tpu.dma_semaphore, #tpu.memory_space<semaphore_mem>>) src(%arg3 : memref<10240xf32, #tpu.memory_space<hbm>>) dst(%arg7 : memref<10240xf32, #tpu.memory_space<vmem>>)
      tpu.yield
    }) : () -> ()
    "tpu.region"() ({
      %run_scoped3A_183 = tpu.sem_alloc : memref<!tpu.dma_semaphore, #tpu.memory_space<semaphore_mem>>
      tpu.enqueue_dma source(%arg4 : memref<10240xf32, #tpu.memory_space<hbm>>) target(%arg8 : memref<10240xf32, #tpu.memory_space<vmem>>) target_semaphore(%run_scoped3A_183 : memref<!tpu.dma_semaphore, #tpu.memory_space<semaphore_mem>>)
      tpu.wait_dma2 semaphore(%run_scoped3A_183 : memref<!tpu.dma_semaphore, #tpu.memory_space<semaphore_mem>>) src(%arg4 : memref<10240xf32, #tpu.memory_space<hbm>>) dst(%arg8 : memref<10240xf32, #tpu.memory_space<vmem>>)
      tpu.yield
    }) : () -> ()
    %broadcast_in_dim3A = arith.constant 0.000000e+00 : f32
    %broadcast_in_dim3A_1 = vector.broadcast %broadcast_in_dim3A : f32 to vector<16xf32>
    %broadcast_in_dim3A_2 = arith.constant 0 : i32
    %broadcast_in_dim3A_3 = vector.broadcast %broadcast_in_dim3A_2 : i32 to vector<16xi32>
    %iota3A = tpu.iota {dimensions = array<i32: 0>} : vector<16xi32>
    %scan3A = arith.constant 0 : i32
    %scan3A_4 = arith.constant 32 : i32
    %scan3A_5 = arith.addi %scan3A, %scan3A_4 : i32
    %scan3A_6 = arith.constant 1 : i32
    scf.for %scan3A_183 = %scan3A to %scan3A_5 step %scan3A_6  : i32 {
      %mul3A_184 = arith.constant 1 : i32
      %mul3A_185 = arith.muli %scan3A_183, %mul3A_184 : i32
      %add3A_186 = arith.constant 0 : i32
      %add3A_187 = arith.addi %add3A_186, %mul3A_185 : i32
      %scan3A_188 = arith.constant 0 : i32
      %scan3A_189 = arith.constant 8 : i32
      %scan3A_190 = arith.addi %scan3A_188, %scan3A_189 : i32
      %scan3A_191 = arith.constant 1 : i32
      scf.for %scan3A_208 = %scan3A_188 to %scan3A_190 step %scan3A_191  : i32 {
        %mul3A_209 = arith.constant 16 : i32
        %mul3A_210 = arith.muli %scan3A_208, %mul3A_209 : i32
        %add3A_211 = arith.constant 0 : i32
        %add3A_212 = arith.addi %add3A_211, %mul3A_210 : i32
        %swap3A = arith.constant 0 : i32
        %swap3A_213 = arith.index_cast %swap3A : i32 to index
        %swap3A_214 = arith.index_cast %add3A_187 : i32 to index
        %swap3A_215 = arith.index_cast %add3A_212 : i32 to index
        %swap3A_216 = tpu.vector_load %arg12[%swap3A_213, %swap3A_214, %swap3A_215] {strides = array<i32>} : memref<4x32x128xf32, #tpu.memory_space<vmem>>, vector<16xf32>,
        tpu.vector_store %arg12[%swap3A_213, %swap3A_214, %swap3A_215], %broadcast_in_dim3A_1 {strides = array<i32>} : memref<4x32x128xf32, #tpu.memory_space<vmem>>, vector<16xf32>,
      }
      %scan3A_192 = arith.constant 8 : i32
      %scan3A_193 = arith.constant 0 : i32
      %scan3A_194 = arith.constant 8 : i32
      %scan3A_195 = arith.addi %scan3A_193, %scan3A_194 : i32
      %scan3A_196 = arith.constant 1 : i32
      scf.for %scan3A_208 = %scan3A_193 to %scan3A_195 step %scan3A_196  : i32 {
        %mul3A_209 = arith.constant 16 : i32
        %mul3A_210 = arith.muli %scan3A_208, %mul3A_209 : i32
        %add3A_211 = arith.constant 0 : i32
        %add3A_212 = arith.addi %add3A_211, %mul3A_210 : i32
        %swap3A = arith.constant 1 : i32
        %swap3A_213 = arith.index_cast %swap3A : i32 to index
        %swap3A_214 = arith.index_cast %add3A_187 : i32 to index
        %swap3A_215 = arith.index_cast %add3A_212 : i32 to index
        %swap3A_216 = tpu.vector_load %arg12[%swap3A_213, %swap3A_214, %swap3A_215] {strides = array<i32>} : memref<4x32x128xf32, #tpu.memory_space<vmem>>, vector<16xf32>,
        tpu.vector_store %arg12[%swap3A_213, %swap3A_214, %swap3A_215], %broadcast_in_dim3A_1 {strides = array<i32>} : memref<4x32x128xf32, #tpu.memory_space<vmem>>, vector<16xf32>,
      }
      %scan3A_197 = arith.constant 8 : i32
      %scan3A_198 = arith.constant 0 : i32
      %scan3A_199 = arith.constant 8 : i32
      %scan3A_200 = arith.addi %scan3A_198, %scan3A_199 : i32
      %scan3A_201 = arith.constant 1 : i32
      scf.for %scan3A_208 = %scan3A_198 to %scan3A_200 step %scan3A_201  : i32 {
        %mul3A_209 = arith.constant 16 : i32
        %mul3A_210 = arith.muli %scan3A_208, %mul3A_209 : i32
        %add3A_211 = arith.constant 0 : i32
        %add3A_212 = arith.addi %add3A_211, %mul3A_210 : i32
        %swap3A = arith.constant 2 : i32
        %swap3A_213 = arith.index_cast %swap3A : i32 to index
        %swap3A_214 = arith.index_cast %add3A_187 : i32 to index
        %swap3A_215 = arith.index_cast %add3A_212 : i32 to index
        %swap3A_216 = tpu.vector_load %arg12[%swap3A_213, %swap3A_214, %swap3A_215] {strides = array<i32>} : memref<4x32x128xf32, #tpu.memory_space<vmem>>, vector<16xf32>,
        tpu.vector_store %arg12[%swap3A_213, %swap3A_214, %swap3A_215], %broadcast_in_dim3A_1 {strides = array<i32>} : memref<4x32x128xf32, #tpu.memory_space<vmem>>, vector<16xf32>,
      }
      %scan3A_202 = arith.constant 8 : i32
      %scan3A_203 = arith.constant 0 : i32
      %scan3A_204 = arith.constant 8 : i32
      %scan3A_205 = arith.addi %scan3A_203, %scan3A_204 : i32
      %scan3A_206 = arith.constant 1 : i32
      scf.for %scan3A_208 = %scan3A_203 to %scan3A_205 step %scan3A_206  : i32 {
        %mul3A_209 = arith.constant 16 : i32
        %mul3A_210 = arith.muli %scan3A_208, %mul3A_209 : i32
        %add3A_211 = arith.constant 0 : i32
        %add3A_212 = arith.addi %add3A_211, %mul3A_210 : i32
        %swap3A = arith.constant 3 : i32
        %swap3A_213 = arith.index_cast %swap3A : i32 to index
        %swap3A_214 = arith.index_cast %add3A_187 : i32 to index
        %swap3A_215 = arith.index_cast %add3A_212 : i32 to index
        %swap3A_216 = tpu.vector_load %arg12[%swap3A_213, %swap3A_214, %swap3A_215] {strides = array<i32>} : memref<4x32x128xf32, #tpu.memory_space<vmem>>, vector<16xf32>,
        tpu.vector_store %arg12[%swap3A_213, %swap3A_214, %swap3A_215], %broadcast_in_dim3A_1 {strides = array<i32>} : memref<4x32x128xf32, #tpu.memory_space<vmem>>, vector<16xf32>,
      }
      %scan3A_207 = arith.constant 8 : i32
    }
    %scan3A_7 = arith.constant 32 : i32
    %scan3A_8 = arith.constant 0 : i32
    %scan3A_9 = arith.constant 2 : i32
    %scan3A_10 = arith.addi %scan3A_8, %scan3A_9 : i32
    %scan3A_11 = arith.constant 1 : i32
    scf.for %scan3A_183 = %scan3A_8 to %scan3A_10 step %scan3A_11  : i32 {
      %mul3A_184 = arith.constant 16 : i32
      %mul3A_185 = arith.muli %scan3A_183, %mul3A_184 : i32
      %add3A_186 = arith.constant 0 : i32
      %add3A_187 = arith.addi %add3A_186, %mul3A_185 : i32
      %swap3A = arith.constant 0 : i32
      %swap3A_188 = arith.index_cast %swap3A : i32 to index
      %swap3A_189 = arith.index_cast %add3A_187 : i32 to index
      %swap3A_190 = tpu.vector_load %arg10[%swap3A_188, %swap3A_189] {strides = array<i32>} : memref<4x32xi32, #tpu.memory_space<vmem>>, vector<16xi32>,
      tpu.vector_store %arg10[%swap3A_188, %swap3A_189], %broadcast_in_dim3A_3 {strides = array<i32>} : memref<4x32xi32, #tpu.memory_space<vmem>>, vector<16xi32>,
      %swap3A_191 = arith.constant 1 : i32
      %swap3A_192 = arith.index_cast %swap3A_191 : i32 to index
      %swap3A_193 = arith.index_cast %add3A_187 : i32 to index
      %swap3A_194 = tpu.vector_load %arg10[%swap3A_192, %swap3A_193] {strides = array<i32>} : memref<4x32xi32, #tpu.memory_space<vmem>>, vector<16xi32>,
      tpu.vector_store %arg10[%swap3A_192, %swap3A_193], %broadcast_in_dim3A_3 {strides = array<i32>} : memref<4x32xi32, #tpu.memory_space<vmem>>, vector<16xi32>,
      %swap3A_195 = arith.constant 2 : i32
      %swap3A_196 = arith.index_cast %swap3A_195 : i32 to index
      %swap3A_197 = arith.index_cast %add3A_187 : i32 to index
      %swap3A_198 = tpu.vector_load %arg10[%swap3A_196, %swap3A_197] {strides = array<i32>} : memref<4x32xi32, #tpu.memory_space<vmem>>, vector<16xi32>,
      tpu.vector_store %arg10[%swap3A_196, %swap3A_197], %broadcast_in_dim3A_3 {strides = array<i32>} : memref<4x32xi32, #tpu.memory_space<vmem>>, vector<16xi32>,
      %swap3A_199 = arith.constant 3 : i32
      %swap3A_200 = arith.index_cast %swap3A_199 : i32 to index
      %swap3A_201 = arith.index_cast %add3A_187 : i32 to index
      %swap3A_202 = tpu.vector_load %arg10[%swap3A_200, %swap3A_201] {strides = array<i32>} : memref<4x32xi32, #tpu.memory_space<vmem>>, vector<16xi32>,
      tpu.vector_store %arg10[%swap3A_200, %swap3A_201], %broadcast_in_dim3A_3 {strides = array<i32>} : memref<4x32xi32, #tpu.memory_space<vmem>>, vector<16xi32>,
    }
    %scan3A_12 = arith.constant 2 : i32
    %scan3A_13 = arith.constant 0 : i32
    %scan3A_14 = arith.constant 80 : i32
    %scan3A_15 = arith.addi %scan3A_13, %scan3A_14 : i32
    %scan3A_16 = arith.constant 1 : i32
    scf.for %scan3A_183 = %scan3A_13 to %scan3A_15 step %scan3A_16  : i32 {
      %mul3A_184 = arith.constant 1 : i32
      %mul3A_185 = arith.muli %scan3A_183, %mul3A_184 : i32
      %add3A_186 = arith.constant 0 : i32
      %add3A_187 = arith.addi %add3A_186, %mul3A_185 : i32
      %scan3A_188 = arith.constant 0 : i32
      %scan3A_189 = arith.constant 8 : i32
      %scan3A_190 = arith.addi %scan3A_188, %scan3A_189 : i32
      %scan3A_191 = arith.constant 1 : i32
      scf.for %scan3A_193 = %scan3A_188 to %scan3A_190 step %scan3A_191  : i32 {
        %mul3A_194 = arith.constant 16 : i32
        %mul3A_195 = arith.muli %scan3A_193, %mul3A_194 : i32
        %add3A_196 = arith.constant 0 : i32
        %add3A_197 = arith.addi %add3A_196, %mul3A_195 : i32
        %swap3A = arith.index_cast %add3A_187 : i32 to index
        %swap3A_198 = arith.index_cast %add3A_197 : i32 to index
        %swap3A_199 = tpu.vector_load %arg13[%swap3A, %swap3A_198] {strides = array<i32>} : memref<80x128xf32, #tpu.memory_space<vmem>>, vector<16xf32>,
        tpu.vector_store %arg13[%swap3A, %swap3A_198], %broadcast_in_dim3A_1 {strides = array<i32>} : memref<80x128xf32, #tpu.memory_space<vmem>>, vector<16xf32>,
      }
      %scan3A_192 = arith.constant 8 : i32
    }
    %scan3A_17 = arith.constant 80 : i32
    %scan3A_18 = arith.constant 0 : i32
    %scan3A_19 = arith.constant 5 : i32
    %scan3A_20 = arith.addi %scan3A_18, %scan3A_19 : i32
    %scan3A_21 = arith.constant 1 : i32
    scf.for %scan3A_183 = %scan3A_18 to %scan3A_20 step %scan3A_21  : i32 {
      %mul3A_184 = arith.constant 16 : i32
      %mul3A_185 = arith.muli %scan3A_183, %mul3A_184 : i32
      %add3A_186 = arith.constant 0 : i32
      %add3A_187 = arith.addi %add3A_186, %mul3A_185 : i32
      %add3A_188 = arith.constant 10112 : i32
      %add3A_189 = arith.addi %add3A_188, %add3A_187 : i32
      %add3A_190 = vector.broadcast %add3A_189 : i32 to vector<16xi32>
      %add3A_191 = arith.addi %add3A_190, %iota3A : vector<16xi32>
      %swap3A = arith.index_cast %add3A_187 : i32 to index
      %swap3A_192 = tpu.vector_load %arg14[%swap3A] {strides = array<i32>} : memref<80xi32, #tpu.memory_space<vmem>>, vector<16xi32>,
      tpu.vector_store %arg14[%swap3A], %add3A_191 {strides = array<i32>} : memref<80xi32, #tpu.memory_space<vmem>>, vector<16xi32>,
    }
    %scan3A_22 = arith.constant 5 : i32
    %scan3A_23 = arith.constant 0 : i32
    %scan3A_24 = arith.constant 20 : i32
    %scan3A_25 = arith.addi %scan3A_23, %scan3A_24 : i32
    %scan3A_26 = arith.constant 1 : i32
    scf.for %scan3A_183 = %scan3A_23 to %scan3A_25 step %scan3A_26  : i32 {
      %mul3A_184 = arith.constant 32 : i32
      %mul3A_185 = arith.muli %scan3A_183, %mul3A_184 : i32
      %add3A_186 = arith.constant 0 : i32
      %add3A_187 = arith.addi %add3A_186, %mul3A_185 : i32
      %mul3A_188 = arith.constant 640 : i32
      %mul3A_189 = arith.muli %arg1, %mul3A_188 : i32
      %add3A_190 = arith.addi %mul3A_189, %add3A_187 : i32
      %run_scoped3A_191 = arith.constant 0 : i32
      "tpu.region"() ({
        %run_scoped3A_192 = tpu.sem_alloc : memref<!tpu.dma_semaphore, #tpu.memory_space<semaphore_mem>>
        %dma_start3A_193 = arith.constant 0 : i32
        %dma_start3A_194 = arith.constant 0 : i32
        %dma_start3A_195 = tpu.memref_slice %arg12[%run_scoped3A_191, %dma_start3A_193, %dma_start3A_194] : memref<4x32x128xf32, #tpu.memory_space<vmem>> -> memref<1x32x128xf32, #tpu.memory_space<vmem>>
        %dma_start3A_196 = tpu.memref_squeeze %dma_start3A_195 : memref<1x32x128xf32, #tpu.memory_space<vmem>> -> memref<32x128xf32, #tpu.memory_space<vmem>>
        %dma_start3A_197 = arith.constant 0 : i32
        %dma_start3A_198 = tpu.memref_slice %arg15[%add3A_190, %dma_start3A_197] : memref<10240x128xf32, #tpu.memory_space<vmem_shared>> -> memref<32x128xf32, #tpu.memory_space<vmem_shared>>
        %dma_start3A_199 = arith.constant 0 : i32
        %dma_start3A_200 = tpu.memref_slice %arg15[%add3A_190, %dma_start3A_199] : memref<10240x128xf32, #tpu.memory_space<vmem_shared>> -> memref<32x128xf32, #tpu.memory_space<vmem_shared>>
        %dma_start3A_201 = arith.constant 0 : i32
        %dma_start3A_202 = arith.constant 0 : i32
        %dma_start3A_203 = tpu.memref_slice %arg12[%run_scoped3A_191, %dma_start3A_201, %dma_start3A_202] : memref<4x32x128xf32, #tpu.memory_space<vmem>> -> memref<1x32x128xf32, #tpu.memory_space<vmem>>
        %dma_start3A_204 = tpu.memref_squeeze %dma_start3A_203 : memref<1x32x128xf32, #tpu.memory_space<vmem>> -> memref<32x128xf32, #tpu.memory_space<vmem>>
        tpu.enqueue_dma source(%dma_start3A_204 : memref<32x128xf32, #tpu.memory_space<vmem>>) target(%dma_start3A_200 : memref<32x128xf32, #tpu.memory_space<vmem_shared>>) target_semaphore(%run_scoped3A_192 : memref<!tpu.dma_semaphore, #tpu.memory_space<semaphore_mem>>)
        %dma_wait3A_205 = arith.constant 0 : i32
        %dma_wait3A_206 = arith.constant 0 : i32
        %dma_wait3A_207 = tpu.memref_slice %arg12[%run_scoped3A_191, %dma_wait3A_205, %dma_wait3A_206] : memref<4x32x128xf32, #tpu.memory_space<vmem>> -> memref<1x32x128xf32, #tpu.memory_space<vmem>>
        %dma_wait3A_208 = tpu.memref_squeeze %dma_wait3A_207 : memref<1x32x128xf32, #tpu.memory_space<vmem>> -> memref<32x128xf32, #tpu.memory_space<vmem>>
        %dma_wait3A_209 = arith.constant 0 : i32
        %dma_wait3A_210 = tpu.memref_slice %arg15[%add3A_190, %dma_wait3A_209] : memref<10240x128xf32, #tpu.memory_space<vmem_shared>> -> memref<32x128xf32, #tpu.memory_space<vmem_shared>>
        %dma_wait3A_211 = arith.constant 0 : i32
        %dma_wait3A_212 = tpu.memref_slice %arg15[%add3A_190, %dma_wait3A_211] : memref<10240x128xf32, #tpu.memory_space<vmem_shared>> -> memref<32x128xf32, #tpu.memory_space<vmem_shared>>
        %dma_wait3A_213 = arith.constant 0 : i32
        %dma_wait3A_214 = arith.constant 0 : i32
        %dma_wait3A_215 = tpu.memref_slice %arg12[%run_scoped3A_191, %dma_wait3A_213, %dma_wait3A_214] : memref<4x32x128xf32, #tpu.memory_space<vmem>> -> memref<1x32x128xf32, #tpu.memory_space<vmem>>
        %dma_wait3A_216 = tpu.memref_squeeze %dma_wait3A_215 : memref<1x32x128xf32, #tpu.memory_space<vmem>> -> memref<32x128xf32, #tpu.memory_space<vmem>>
        tpu.wait_dma2 semaphore(%run_scoped3A_192 : memref<!tpu.dma_semaphore, #tpu.memory_space<semaphore_mem>>) src(%dma_wait3A_216 : memref<32x128xf32, #tpu.memory_space<vmem>>) dst(%dma_wait3A_212 : memref<32x128xf32, #tpu.memory_space<vmem_shared>>)
        tpu.yield
      }) : () -> ()
    }
    %scan3A_27 = arith.constant 20 : i32
    %barrier3A = arith.constant 0 : index
    tpu.barrier barrier_id(%barrier3A)
    %dma_start3A = arith.constant 1 : i32
    %dma_start3A_28 = arith.constant 1 : i32
    %dma_start3A_29 = arith.constant 0 : i32
    %dma_start3A_30 = arith.constant 0 : i32
    %dma_start3A_31 = tpu.memref_slice %arg12[%dma_start3A, %dma_start3A_29, %dma_start3A_30] : memref<4x32x128xf32, #tpu.memory_space<vmem>> -> memref<1x32x128xf32, #tpu.memory_space<vmem>>
    %dma_start3A_32 = tpu.memref_squeeze %dma_start3A_31 : memref<1x32x128xf32, #tpu.memory_space<vmem>> -> memref<32x128xf32, #tpu.memory_space<vmem>>
    %dma_start3A_33 = arith.constant 0 : i32
    %dma_start3A_34 = tpu.memref_slice %arg10[%dma_start3A_28, %dma_start3A_33] : memref<4x32xi32, #tpu.memory_space<vmem>> -> memref<1x32xi32, #tpu.memory_space<vmem>>
    %dma_start3A_35 = tpu.memref_squeeze %dma_start3A_34 : memref<1x32xi32, #tpu.memory_space<vmem>> -> memref<32xi32, #tpu.memory_space<vmem>>
    %dma_start3A_36 = arith.constant 0 : i32
    %dma_start3A_37 = arith.constant 0 : i32
    %dma_start3A_38 = tpu.memref_slice %arg15[%dma_start3A_36, %dma_start3A_37] : memref<10240x128xf32, #tpu.memory_space<vmem_shared>> -> memref<10240x128xf32, #tpu.memory_space<vmem_shared>>
    tpu.enqueue_indirect_dma source(%dma_start3A_32 : memref<32x128xf32, #tpu.memory_space<vmem>>) target(%dma_start3A_38 : memref<10240x128xf32, #tpu.memory_space<vmem_shared>>) offsets(%dma_start3A_35 : memref<32xi32, #tpu.memory_space<vmem>>) semaphore(%arg21 : memref<!tpu.dma_semaphore, #tpu.memory_space<semaphore_mem>>) {add = true}
    %dma_start3A_39 = arith.constant 2 : i32
    %dma_start3A_40 = arith.constant 2 : i32
    %dma_start3A_41 = arith.constant 0 : i32
    %dma_start3A_42 = arith.constant 0 : i32
    %dma_start3A_43 = tpu.memref_slice %arg12[%dma_start3A_39, %dma_start3A_41, %dma_start3A_42] : memref<4x32x128xf32, #tpu.memory_space<vmem>> -> memref<1x32x128xf32, #tpu.memory_space<vmem>>
    %dma_start3A_44 = tpu.memref_squeeze %dma_start3A_43 : memref<1x32x128xf32, #tpu.memory_space<vmem>> -> memref<32x128xf32, #tpu.memory_space<vmem>>
    %dma_start3A_45 = arith.constant 0 : i32
    %dma_start3A_46 = tpu.memref_slice %arg10[%dma_start3A_40, %dma_start3A_45] : memref<4x32xi32, #tpu.memory_space<vmem>> -> memref<1x32xi32, #tpu.memory_space<vmem>>
    %dma_start3A_47 = tpu.memref_squeeze %dma_start3A_46 : memref<1x32xi32, #tpu.memory_space<vmem>> -> memref<32xi32, #tpu.memory_space<vmem>>
    %dma_start3A_48 = arith.constant 0 : i32
    %dma_start3A_49 = arith.constant 0 : i32
    %dma_start3A_50 = tpu.memref_slice %arg15[%dma_start3A_48, %dma_start3A_49] : memref<10240x128xf32, #tpu.memory_space<vmem_shared>> -> memref<10240x128xf32, #tpu.memory_space<vmem_shared>>
    tpu.enqueue_indirect_dma source(%dma_start3A_44 : memref<32x128xf32, #tpu.memory_space<vmem>>) target(%dma_start3A_50 : memref<10240x128xf32, #tpu.memory_space<vmem_shared>>) offsets(%dma_start3A_47 : memref<32xi32, #tpu.memory_space<vmem>>) semaphore(%arg22 : memref<!tpu.dma_semaphore, #tpu.memory_space<semaphore_mem>>) {add = true}
    %dma_start3A_51 = arith.constant 3 : i32
    %dma_start3A_52 = arith.constant 3 : i32
    %dma_start3A_53 = arith.constant 0 : i32
    %dma_start3A_54 = arith.constant 0 : i32
    %dma_start3A_55 = tpu.memref_slice %arg12[%dma_start3A_51, %dma_start3A_53, %dma_start3A_54] : memref<4x32x128xf32, #tpu.memory_space<vmem>> -> memref<1x32x128xf32, #tpu.memory_space<vmem>>
    %dma_start3A_56 = tpu.memref_squeeze %dma_start3A_55 : memref<1x32x128xf32, #tpu.memory_space<vmem>> -> memref<32x128xf32, #tpu.memory_space<vmem>>
    %dma_start3A_57 = arith.constant 0 : i32
    %dma_start3A_58 = tpu.memref_slice %arg10[%dma_start3A_52, %dma_start3A_57] : memref<4x32xi32, #tpu.memory_space<vmem>> -> memref<1x32xi32, #tpu.memory_space<vmem>>
    %dma_start3A_59 = tpu.memref_squeeze %dma_start3A_58 : memref<1x32xi32, #tpu.memory_space<vmem>> -> memref<32xi32, #tpu.memory_space<vmem>>
    %dma_start3A_60 = arith.constant 0 : i32
    %dma_start3A_61 = arith.constant 0 : i32
    %dma_start3A_62 = tpu.memref_slice %arg15[%dma_start3A_60, %dma_start3A_61] : memref<10240x128xf32, #tpu.memory_space<vmem_shared>> -> memref<10240x128xf32, #tpu.memory_space<vmem_shared>>
    tpu.enqueue_indirect_dma source(%dma_start3A_56 : memref<32x128xf32, #tpu.memory_space<vmem>>) target(%dma_start3A_62 : memref<10240x128xf32, #tpu.memory_space<vmem_shared>>) offsets(%dma_start3A_59 : memref<32xi32, #tpu.memory_space<vmem>>) semaphore(%arg23 : memref<!tpu.dma_semaphore, #tpu.memory_space<semaphore_mem>>) {add = true}
    %run_scoped3A = arith.constant 0 : i32
    %run_scoped3A_63 = arith.constant 0 : i32
    "tpu.region"() ({
      %run_scoped3A_183 = tpu.sem_alloc : memref<!tpu.dma_semaphore, #tpu.memory_space<semaphore_mem>>
      %dma_start3A_184 = arith.constant 0 : i32
      %dma_start3A_185 = arith.constant 0 : i32
      %dma_start3A_186 = tpu.memref_slice %arg9[%run_scoped3A_63, %dma_start3A_184, %dma_start3A_185] : memref<4x2x32xi32, #tpu.memory_space<vmem>> -> memref<1x2x32xi32, #tpu.memory_space<vmem>>
      %dma_start3A_187 = tpu.memref_squeeze %dma_start3A_186 : memref<1x2x32xi32, #tpu.memory_space<vmem>> -> memref<2x32xi32, #tpu.memory_space<vmem>>
      %dma_start3A_188 = arith.constant 0 : i32
      %dma_start3A_189 = arith.constant 0 : i32
      %dma_start3A_190 = tpu.memref_slice %arg5[%add3A, %run_scoped3A, %dma_start3A_188, %dma_start3A_189] : memref<32x324x2x32xi32, #tpu.memory_space<hbm>> -> memref<1x1x2x32xi32, #tpu.memory_space<hbm>>
      %dma_start3A_191 = tpu.memref_squeeze %dma_start3A_190 : memref<1x1x2x32xi32, #tpu.memory_space<hbm>> -> memref<2x32xi32, #tpu.memory_space<hbm>>
      %dma_start3A_192 = arith.constant 0 : i32
      %dma_start3A_193 = arith.constant 0 : i32
      %dma_start3A_194 = tpu.memref_slice %arg9[%run_scoped3A_63, %dma_start3A_192, %dma_start3A_193] : memref<4x2x32xi32, #tpu.memory_space<vmem>> -> memref<1x2x32xi32, #tpu.memory_space<vmem>>
      %dma_start3A_195 = tpu.memref_squeeze %dma_start3A_194 : memref<1x2x32xi32, #tpu.memory_space<vmem>> -> memref<2x32xi32, #tpu.memory_space<vmem>>
      %dma_start3A_196 = arith.constant 0 : i32
      %dma_start3A_197 = arith.constant 0 : i32
      %dma_start3A_198 = tpu.memref_slice %arg5[%add3A, %run_scoped3A, %dma_start3A_196, %dma_start3A_197] : memref<32x324x2x32xi32, #tpu.memory_space<hbm>> -> memref<1x1x2x32xi32, #tpu.memory_space<hbm>>
      %dma_start3A_199 = tpu.memref_squeeze %dma_start3A_198 : memref<1x1x2x32xi32, #tpu.memory_space<hbm>> -> memref<2x32xi32, #tpu.memory_space<hbm>>
      tpu.enqueue_dma source(%dma_start3A_199 : memref<2x32xi32, #tpu.memory_space<hbm>>) target(%dma_start3A_195 : memref<2x32xi32, #tpu.memory_space<vmem>>) target_semaphore(%run_scoped3A_183 : memref<!tpu.dma_semaphore, #tpu.memory_space<semaphore_mem>>)
      %dma_wait3A_200 = arith.constant 0 : i32
      %dma_wait3A_201 = arith.constant 0 : i32
      %dma_wait3A_202 = tpu.memref_slice %arg9[%run_scoped3A_63, %dma_wait3A_200, %dma_wait3A_201] : memref<4x2x32xi32, #tpu.memory_space<vmem>> -> memref<1x2x32xi32, #tpu.memory_space<vmem>>
      %dma_wait3A_203 = tpu.memref_squeeze %dma_wait3A_202 : memref<1x2x32xi32, #tpu.memory_space<vmem>> -> memref<2x32xi32, #tpu.memory_space<vmem>>
      %dma_wait3A_204 = arith.constant 0 : i32
      %dma_wait3A_205 = arith.constant 0 : i32
      %dma_wait3A_206 = tpu.memref_slice %arg5[%add3A, %run_scoped3A, %dma_wait3A_204, %dma_wait3A_205] : memref<32x324x2x32xi32, #tpu.memory_space<hbm>> -> memref<1x1x2x32xi32, #tpu.memory_space<hbm>>
      %dma_wait3A_207 = tpu.memref_squeeze %dma_wait3A_206 : memref<1x1x2x32xi32, #tpu.memory_space<hbm>> -> memref<2x32xi32, #tpu.memory_space<hbm>>
      %dma_wait3A_208 = arith.constant 0 : i32
      %dma_wait3A_209 = arith.constant 0 : i32
      %dma_wait3A_210 = tpu.memref_slice %arg9[%run_scoped3A_63, %dma_wait3A_208, %dma_wait3A_209] : memref<4x2x32xi32, #tpu.memory_space<vmem>> -> memref<1x2x32xi32, #tpu.memory_space<vmem>>
      %dma_wait3A_211 = tpu.memref_squeeze %dma_wait3A_210 : memref<1x2x32xi32, #tpu.memory_space<vmem>> -> memref<2x32xi32, #tpu.memory_space<vmem>>
      %dma_wait3A_212 = arith.constant 0 : i32
      %dma_wait3A_213 = arith.constant 0 : i32
      %dma_wait3A_214 = tpu.memref_slice %arg5[%add3A, %run_scoped3A, %dma_wait3A_212, %dma_wait3A_213] : memref<32x324x2x32xi32, #tpu.memory_space<hbm>> -> memref<1x1x2x32xi32, #tpu.memory_space<hbm>>
      %dma_wait3A_215 = tpu.memref_squeeze %dma_wait3A_214 : memref<1x1x2x32xi32, #tpu.memory_space<hbm>> -> memref<2x32xi32, #tpu.memory_space<hbm>>
      tpu.wait_dma2 semaphore(%run_scoped3A_183 : memref<!tpu.dma_semaphore, #tpu.memory_space<semaphore_mem>>) src(%dma_wait3A_215 : memref<2x32xi32, #tpu.memory_space<hbm>>) dst(%dma_wait3A_211 : memref<2x32xi32, #tpu.memory_space<vmem>>)
      tpu.yield
    }) : () -> ()
    %dma_start3A_64 = arith.constant 1 : i32
    %dma_start3A_65 = arith.constant 1 : i32
    %dma_start3A_66 = arith.constant 0 : i32
    %dma_start3A_67 = arith.constant 0 : i32
    %dma_start3A_68 = tpu.memref_slice %arg9[%dma_start3A_65, %dma_start3A_66, %dma_start3A_67] : memref<4x2x32xi32, #tpu.memory_space<vmem>> -> memref<1x2x32xi32, #tpu.memory_space<vmem>>
    %dma_start3A_69 = tpu.memref_squeeze %dma_start3A_68 : memref<1x2x32xi32, #tpu.memory_space<vmem>> -> memref<2x32xi32, #tpu.memory_space<vmem>>
    %dma_start3A_70 = arith.constant 0 : i32
    %dma_start3A_71 = arith.constant 0 : i32
    %dma_start3A_72 = tpu.memref_slice %arg5[%add3A, %dma_start3A_64, %dma_start3A_70, %dma_start3A_71] : memref<32x324x2x32xi32, #tpu.memory_space<hbm>> -> memref<1x1x2x32xi32, #tpu.memory_space<hbm>>
    %dma_start3A_73 = tpu.memref_squeeze %dma_start3A_72 : memref<1x1x2x32xi32, #tpu.memory_space<hbm>> -> memref<2x32xi32, #tpu.memory_space<hbm>>
    %dma_start3A_74 = arith.constant 0 : i32
    %dma_start3A_75 = arith.constant 0 : i32
    %dma_start3A_76 = tpu.memref_slice %arg9[%dma_start3A_65, %dma_start3A_74, %dma_start3A_75] : memref<4x2x32xi32, #tpu.memory_space<vmem>> -> memref<1x2x32xi32, #tpu.memory_space<vmem>>
    %dma_start3A_77 = tpu.memref_squeeze %dma_start3A_76 : memref<1x2x32xi32, #tpu.memory_space<vmem>> -> memref<2x32xi32, #tpu.memory_space<vmem>>
    %dma_start3A_78 = arith.constant 0 : i32
    %dma_start3A_79 = arith.constant 0 : i32
    %dma_start3A_80 = tpu.memref_slice %arg5[%add3A, %dma_start3A_64, %dma_start3A_78, %dma_start3A_79] : memref<32x324x2x32xi32, #tpu.memory_space<hbm>> -> memref<1x1x2x32xi32, #tpu.memory_space<hbm>>
    %dma_start3A_81 = tpu.memref_squeeze %dma_start3A_80 : memref<1x1x2x32xi32, #tpu.memory_space<hbm>> -> memref<2x32xi32, #tpu.memory_space<hbm>>
    tpu.enqueue_dma source(%dma_start3A_81 : memref<2x32xi32, #tpu.memory_space<hbm>>) target(%dma_start3A_77 : memref<2x32xi32, #tpu.memory_space<vmem>>) target_semaphore(%arg25 : memref<!tpu.dma_semaphore, #tpu.memory_space<semaphore_mem>>)
    %dma_start3A_82 = arith.constant 0 : i32
    %dma_start3A_83 = arith.constant 0 : i32
    %dma_start3A_84 = arith.constant 0 : i32
    %dma_start3A_85 = arith.constant 0 : i32
    %dma_start3A_86 = arith.constant 0 : i32
    %dma_start3A_87 = tpu.memref_slice %arg12[%dma_start3A_84, %dma_start3A_85, %dma_start3A_86] : memref<4x32x128xf32, #tpu.memory_space<vmem>> -> memref<1x32x128xf32, #tpu.memory_space<vmem>>
    %dma_start3A_88 = tpu.memref_squeeze %dma_start3A_87 : memref<1x32x128xf32, #tpu.memory_space<vmem>> -> memref<32x128xf32, #tpu.memory_space<vmem>>
    %dma_start3A_89 = arith.constant 0 : i32
    %dma_start3A_90 = tpu.memref_slice %arg9[%dma_start3A_82, %dma_start3A_83, %dma_start3A_89] : memref<4x2x32xi32, #tpu.memory_space<vmem>> -> memref<1x1x32xi32, #tpu.memory_space<vmem>>
    %dma_start3A_91 = tpu.memref_squeeze %dma_start3A_90 : memref<1x1x32xi32, #tpu.memory_space<vmem>> -> memref<32xi32, #tpu.memory_space<vmem>>
    %dma_start3A_92 = arith.constant 0 : i32
    %dma_start3A_93 = arith.constant 0 : i32
    %dma_start3A_94 = tpu.memref_slice %arg2[%dma_start3A_92, %dma_start3A_93] : memref<10240x128xf32, #tpu.memory_space<hbm>> -> memref<10240x128xf32, #tpu.memory_space<hbm>>
    tpu.enqueue_indirect_dma source(%dma_start3A_94 : memref<10240x128xf32, #tpu.memory_space<hbm>>) target(%dma_start3A_88 : memref<32x128xf32, #tpu.memory_space<vmem>>) offsets(%dma_start3A_91 : memref<32xi32, #tpu.memory_space<vmem>>) semaphore(%arg16 : memref<!tpu.dma_semaphore, #tpu.memory_space<semaphore_mem>>)
    %scan3A_95 = arith.constant 0 : i32
    %scan3A_96 = arith.constant 81 : i32
    %scan3A_97 = arith.addi %scan3A_95, %scan3A_96 : i32
    %scan3A_98 = arith.constant 1 : i32
    scf.for %scan3A_183 = %scan3A_95 to %scan3A_97 step %scan3A_98  : i32 {
      %mul3A_184 = arith.constant 4 : i32
      %mul3A_185 = arith.muli %scan3A_183, %mul3A_184 : i32
      %add3A_186 = arith.constant 0 : i32
      %add3A_187 = arith.addi %add3A_186, %mul3A_185 : i32
      %add3A_188 = arith.constant 0 : i32
      %add3A_189 = arith.addi %add3A_187, %add3A_188 : i32
      %dma_wait3A_190 = arith.constant 0 : i32
      %dma_wait3A_191 = arith.constant 1 : i32
      %dma_wait3A_192 = arith.constant 0 : i32
      %dma_wait3A_193 = arith.constant 0 : i32
      %dma_wait3A_194 = tpu.memref_slice %arg9[%dma_wait3A_191, %dma_wait3A_192, %dma_wait3A_193] : memref<4x2x32xi32, #tpu.memory_space<vmem>> -> memref<1x2x32xi32, #tpu.memory_space<vmem>>
      %dma_wait3A_195 = tpu.memref_squeeze %dma_wait3A_194 : memref<1x2x32xi32, #tpu.memory_space<vmem>> -> memref<2x32xi32, #tpu.memory_space<vmem>>
      %dma_wait3A_196 = arith.constant 0 : i32
      %dma_wait3A_197 = arith.constant 0 : i32
      %dma_wait3A_198 = tpu.memref_slice %arg5[%add3A, %dma_wait3A_190, %dma_wait3A_196, %dma_wait3A_197] : memref<32x324x2x32xi32, #tpu.memory_space<hbm>> -> memref<1x1x2x32xi32, #tpu.memory_space<hbm>>
      %dma_wait3A_199 = tpu.memref_squeeze %dma_wait3A_198 : memref<1x1x2x32xi32, #tpu.memory_space<hbm>> -> memref<2x32xi32, #tpu.memory_space<hbm>>
      %dma_wait3A_200 = arith.constant 0 : i32
      %dma_wait3A_201 = arith.constant 0 : i32
      %dma_wait3A_202 = tpu.memref_slice %arg9[%dma_wait3A_191, %dma_wait3A_200, %dma_wait3A_201] : memref<4x2x32xi32, #tpu.memory_space<vmem>> -> memref<1x2x32xi32, #tpu.memory_space<vmem>>
      %dma_wait3A_203 = tpu.memref_squeeze %dma_wait3A_202 : memref<1x2x32xi32, #tpu.memory_space<vmem>> -> memref<2x32xi32, #tpu.memory_space<vmem>>
      %dma_wait3A_204 = arith.constant 0 : i32
      %dma_wait3A_205 = arith.constant 0 : i32
      %dma_wait3A_206 = tpu.memref_slice %arg5[%add3A, %dma_wait3A_190, %dma_wait3A_204, %dma_wait3A_205] : memref<32x324x2x32xi32, #tpu.memory_space<hbm>> -> memref<1x1x2x32xi32, #tpu.memory_space<hbm>>
      %dma_wait3A_207 = tpu.memref_squeeze %dma_wait3A_206 : memref<1x1x2x32xi32, #tpu.memory_space<hbm>> -> memref<2x32xi32, #tpu.memory_space<hbm>>
      tpu.wait_dma2 semaphore(%arg25 : memref<!tpu.dma_semaphore, #tpu.memory_space<semaphore_mem>>) src(%dma_wait3A_207 : memref<2x32xi32, #tpu.memory_space<hbm>>) dst(%dma_wait3A_203 : memref<2x32xi32, #tpu.memory_space<vmem>>)
      %dma_wait3A_208 = arith.constant 1 : i32
      %dma_wait3A_209 = arith.constant 0 : i32
      %dma_wait3A_210 = arith.constant 0 : i32
      %dma_wait3A_211 = tpu.memref_slice %arg12[%dma_wait3A_208, %dma_wait3A_209, %dma_wait3A_210] : memref<4x32x128xf32, #tpu.memory_space<vmem>> -> memref<1x32x128xf32, #tpu.memory_space<vmem>>
      %dma_wait3A_212 = tpu.memref_squeeze %dma_wait3A_211 : memref<1x32x128xf32, #tpu.memory_space<vmem>> -> memref<32x128xf32, #tpu.memory_space<vmem>>
      %dma_wait3A_213 = arith.constant 0 : i32
      %dma_wait3A_214 = arith.constant 0 : i32
      %dma_wait3A_215 = tpu.memref_slice %arg2[%dma_wait3A_213, %dma_wait3A_214] : memref<10240x128xf32, #tpu.memory_space<hbm>> -> memref<32x128xf32, #tpu.memory_space<hbm>>
      %dma_wait3A_216 = arith.constant 0 : i32
      %dma_wait3A_217 = arith.constant 0 : i32
      %dma_wait3A_218 = tpu.memref_slice %arg12[%dma_wait3A_208, %dma_wait3A_216, %dma_wait3A_217] : memref<4x32x128xf32, #tpu.memory_space<vmem>> -> memref<1x32x128xf32, #tpu.memory_space<vmem>>
      %dma_wait3A_219 = tpu.memref_squeeze %dma_wait3A_218 : memref<1x32x128xf32, #tpu.memory_space<vmem>> -> memref<32x128xf32, #tpu.memory_space<vmem>>
      %dma_wait3A_220 = arith.constant 0 : i32
      %dma_wait3A_221 = arith.constant 0 : i32
      %dma_wait3A_222 = tpu.memref_slice %arg2[%dma_wait3A_220, %dma_wait3A_221] : memref<10240x128xf32, #tpu.memory_space<hbm>> -> memref<32x128xf32, #tpu.memory_space<hbm>>
      tpu.wait_dma2 semaphore(%arg21 : memref<!tpu.dma_semaphore, #tpu.memory_space<semaphore_mem>>) src(%dma_wait3A_222 : memref<32x128xf32, #tpu.memory_space<hbm>>) dst(%dma_wait3A_219 : memref<32x128xf32, #tpu.memory_space<vmem>>)
      %dma_start3A_223 = arith.constant 1 : i32
      %dma_start3A_224 = arith.constant 0 : i32
      %dma_start3A_225 = arith.constant 0 : i32
      %dma_start3A_226 = tpu.memref_slice %arg12[%dma_start3A_223, %dma_start3A_224, %dma_start3A_225] : memref<4x32x128xf32, #tpu.memory_space<vmem>> -> memref<1x32x128xf32, #tpu.memory_space<vmem>>
      %dma_start3A_227 = tpu.memref_squeeze %dma_start3A_226 : memref<1x32x128xf32, #tpu.memory_space<vmem>> -> memref<32x128xf32, #tpu.memory_space<vmem>>
      %dma_start3A_228 = arith.constant 0 : i32
      %dma_start3A_229 = arith.constant 0 : i32
      %dma_start3A_230 = tpu.memref_slice %arg2[%dma_start3A_228, %dma_start3A_229] : memref<10240x128xf32, #tpu.memory_space<hbm>> -> memref<32x128xf32, #tpu.memory_space<hbm>>
      %dma_start3A_231 = arith.constant 0 : i32
      %dma_start3A_232 = arith.constant 0 : i32
      %dma_start3A_233 = tpu.memref_slice %arg12[%dma_start3A_223, %dma_start3A_231, %dma_start3A_232] : memref<4x32x128xf32, #tpu.memory_space<vmem>> -> memref<1x32x128xf32, #tpu.memory_space<vmem>>
      %dma_start3A_234 = tpu.memref_squeeze %dma_start3A_233 : memref<1x32x128xf32, #tpu.memory_space<vmem>> -> memref<32x128xf32, #tpu.memory_space<vmem>>
      %dma_start3A_235 = arith.constant 0 : i32
      %dma_start3A_236 = arith.constant 0 : i32
      %dma_start3A_237 = tpu.memref_slice %arg2[%dma_start3A_235, %dma_start3A_236] : memref<10240x128xf32, #tpu.memory_space<hbm>> -> memref<32x128xf32, #tpu.memory_space<hbm>>
      tpu.enqueue_dma source(%dma_start3A_237 : memref<32x128xf32, #tpu.memory_space<hbm>>) target(%dma_start3A_234 : memref<32x128xf32, #tpu.memory_space<vmem>>) target_semaphore(%arg17 : memref<!tpu.dma_semaphore, #tpu.memory_space<semaphore_mem>>)
      %parallel_loop3A = arith.constant 0 : i32
      %parallel_loop3A_238 = arith.constant 32 : i32
      %parallel_loop3A_239 = arith.constant 16 : i32
      scf.for %parallel_loop3A_614 = %parallel_loop3A to %parallel_loop3A_238 step %parallel_loop3A_239  : i32 {
        %parallel_loop3A_615 = arith.constant 0 : i32
        %parallel_loop3A_616 = arith.constant 0 : i32
        %parallel_loop3A_617 = arith.index_cast %parallel_loop3A_615 : i32 to index
        %parallel_loop3A_618 = arith.index_cast %parallel_loop3A_616 : i32 to index
        %parallel_loop3A_619 = arith.index_cast %parallel_loop3A_614 : i32 to index
        %parallel_loop3A_620 = tpu.vector_load %arg9[%parallel_loop3A_617, %parallel_loop3A_618, %parallel_loop3A_619] {strides = array<i32>} : memref<4x2x32xi32, #tpu.memory_space<vmem>>, vector<16xi32>,
        %parallel_loop3A_621 = arith.constant 0 : i32
        %parallel_loop3A_622 = arith.constant 1 : i32
        %parallel_loop3A_623 = arith.index_cast %parallel_loop3A_621 : i32 to index
        %parallel_loop3A_624 = arith.index_cast %parallel_loop3A_622 : i32 to index
        %parallel_loop3A_625 = arith.index_cast %parallel_loop3A_614 : i32 to index
        %parallel_loop3A_626 = tpu.vector_load %arg9[%parallel_loop3A_623, %parallel_loop3A_624, %parallel_loop3A_625] {strides = array<i32>} : memref<4x2x32xi32, #tpu.memory_space<vmem>>, vector<16xi32>,
        %parallel_loop3A_627 = tpu.vector_load_idx %arg7[%parallel_loop3A_620] : memref<10240xf32, #tpu.memory_space<vmem>>[vector<16xi32>], vector<16xf32>,
        %parallel_loop3A_628 = tpu.vector_load_idx %arg8[%parallel_loop3A_626] : memref<10240xf32, #tpu.memory_space<vmem>>[vector<16xi32>], vector<16xf32>,
        %parallel_loop3A_629 = arith.addf %parallel_loop3A_627, %parallel_loop3A_628 : vector<16xf32>
        %parallel_loop3A_630 = arith.constant 0.000000e+00 : f32
        %parallel_loop3A_631 = vector.broadcast %parallel_loop3A_630 : f32 to vector<16xf32>
        %parallel_loop3A_632 = arith.cmpf oge, %parallel_loop3A_629, %parallel_loop3A_631 : vector<16xf32>
        %parallel_loop3A_633 = arith.constant 2.000000e-01 : f32
        %parallel_loop3A_634 = vector.broadcast %parallel_loop3A_633 : f32 to vector<16xf32>
        %parallel_loop3A_635 = arith.mulf %parallel_loop3A_634, %parallel_loop3A_629 : vector<16xf32>
        %parallel_loop3A_636 = arith.select %parallel_loop3A_632, %parallel_loop3A_629, %parallel_loop3A_635 : vector<16xi1>, vector<16xf32>
        %parallel_loop3A_637 = math.exp %parallel_loop3A_636 : vector<16xf32>
        %parallel_loop3A_638 = arith.index_cast %parallel_loop3A_614 : i32 to index
        %parallel_loop3A_639 = tpu.vector_load %arg11[%parallel_loop3A_638] {strides = array<i32>} : memref<32xf32, #tpu.memory_space<vmem>>, vector<16xf32>,
        tpu.vector_store %arg11[%parallel_loop3A_638], %parallel_loop3A_637 {strides = array<i32>} : memref<32xf32, #tpu.memory_space<vmem>>, vector<16xf32>,
        %parallel_loop3A_640 = arith.constant 7 : i32
        %parallel_loop3A_641 = vector.broadcast %parallel_loop3A_640 : i32 to vector<16xi32>
        %parallel_loop3A_642 = arith.shrui %parallel_loop3A_626, %parallel_loop3A_641 : vector<16xi32>
        %parallel_loop3A_643 = arith.constant 127 : i32
        %parallel_loop3A_644 = vector.broadcast %parallel_loop3A_643 : i32 to vector<16xi32>
        %parallel_loop3A_645 = arith.andi %parallel_loop3A_626, %parallel_loop3A_644 : vector<16xi32>
        tpu.vector_store_idx %arg13[%parallel_loop3A_642, %parallel_loop3A_645], %parallel_loop3A_637 {add = true} : memref<80x128xf32, #tpu.memory_space<vmem>>[vector<16xi32>, vector<16xi32>], vector<16xf32>,
        %parallel_loop3A_646 = arith.constant 0 : i32
        %parallel_loop3A_647 = arith.index_cast %parallel_loop3A_646 : i32 to index
        %parallel_loop3A_648 = arith.index_cast %parallel_loop3A_614 : i32 to index
        %parallel_loop3A_649 = tpu.vector_load %arg10[%parallel_loop3A_647, %parallel_loop3A_648] {strides = array<i32>} : memref<4x32xi32, #tpu.memory_space<vmem>>, vector<16xi32>,
        tpu.vector_store %arg10[%parallel_loop3A_647, %parallel_loop3A_648], %parallel_loop3A_626 {strides = array<i32>} : memref<4x32xi32, #tpu.memory_space<vmem>>, vector<16xi32>,
      } {sc.loop_unroll_factor = 2 : i64, sc.parallel_access}
      %dma_wait3A_240 = arith.constant 0 : i32
      %dma_wait3A_241 = arith.constant 0 : i32
      %dma_wait3A_242 = arith.constant 0 : i32
      %dma_wait3A_243 = tpu.memref_slice %arg12[%dma_wait3A_240, %dma_wait3A_241, %dma_wait3A_242] : memref<4x32x128xf32, #tpu.memory_space<vmem>> -> memref<1x32x128xf32, #tpu.memory_space<vmem>>
      %dma_wait3A_244 = tpu.memref_squeeze %dma_wait3A_243 : memref<1x32x128xf32, #tpu.memory_space<vmem>> -> memref<32x128xf32, #tpu.memory_space<vmem>>
      %dma_wait3A_245 = arith.constant 0 : i32
      %dma_wait3A_246 = arith.constant 0 : i32
      %dma_wait3A_247 = tpu.memref_slice %arg2[%dma_wait3A_245, %dma_wait3A_246] : memref<10240x128xf32, #tpu.memory_space<hbm>> -> memref<32x128xf32, #tpu.memory_space<hbm>>
      %dma_wait3A_248 = arith.constant 0 : i32
      %dma_wait3A_249 = arith.constant 0 : i32
      %dma_wait3A_250 = tpu.memref_slice %arg12[%dma_wait3A_240, %dma_wait3A_248, %dma_wait3A_249] : memref<4x32x128xf32, #tpu.memory_space<vmem>> -> memref<1x32x128xf32, #tpu.memory_space<vmem>>
      %dma_wait3A_251 = tpu.memref_squeeze %dma_wait3A_250 : memref<1x32x128xf32, #tpu.memory_space<vmem>> -> memref<32x128xf32, #tpu.memory_space<vmem>>
      %dma_wait3A_252 = arith.constant 0 : i32
      %dma_wait3A_253 = arith.constant 0 : i32
      %dma_wait3A_254 = tpu.memref_slice %arg2[%dma_wait3A_252, %dma_wait3A_253] : memref<10240x128xf32, #tpu.memory_space<hbm>> -> memref<32x128xf32, #tpu.memory_space<hbm>>
      tpu.wait_dma2 semaphore(%arg16 : memref<!tpu.dma_semaphore, #tpu.memory_space<semaphore_mem>>) src(%dma_wait3A_254 : memref<32x128xf32, #tpu.memory_space<hbm>>) dst(%dma_wait3A_251 : memref<32x128xf32, #tpu.memory_space<vmem>>)
      %add3A_255 = arith.constant 2 : i32
      %add3A_256 = arith.addi %add3A_189, %add3A_255 : i32
      %min3A = arith.constant 323 : i32
      %min3A_257 = arith.minsi %add3A_256, %min3A : i32
      %dma_start3A_258 = arith.constant 2 : i32
      %dma_start3A_259 = arith.constant 0 : i32
      %dma_start3A_260 = arith.constant 0 : i32
      %dma_start3A_261 = tpu.memref_slice %arg9[%dma_start3A_258, %dma_start3A_259, %dma_start3A_260] : memref<4x2x32xi32, #tpu.memory_space<vmem>> -> memref<1x2x32xi32, #tpu.memory_space<vmem>>
      %dma_start3A_262 = tpu.memref_squeeze %dma_start3A_261 : memref<1x2x32xi32, #tpu.memory_space<vmem>> -> memref<2x32xi32, #tpu.memory_space<vmem>>
      %dma_start3A_263 = arith.constant 0 : i32
      %dma_start3A_264 = arith.constant 0 : i32
      %dma_start3A_265 = tpu.memref_slice %arg5[%add3A, %min3A_257, %dma_start3A_263, %dma_start3A_264] : memref<32x324x2x32xi32, #tpu.memory_space<hbm>> -> memref<1x1x2x32xi32, #tpu.memory_space<hbm>>
      %dma_start3A_266 = tpu.memref_squeeze %dma_start3A_265 : memref<1x1x2x32xi32, #tpu.memory_space<hbm>> -> memref<2x32xi32, #tpu.memory_space<hbm>>
      %dma_start3A_267 = arith.constant 0 : i32
      %dma_start3A_268 = arith.constant 0 : i32
      %dma_start3A_269 = tpu.memref_slice %arg9[%dma_start3A_258, %dma_start3A_267, %dma_start3A_268] : memref<4x2x32xi32, #tpu.memory_space<vmem>> -> memref<1x2x32xi32, #tpu.memory_space<vmem>>
      %dma_start3A_270 = tpu.memref_squeeze %dma_start3A_269 : memref<1x2x32xi32, #tpu.memory_space<vmem>> -> memref<2x32xi32, #tpu.memory_space<vmem>>
      %dma_start3A_271 = arith.constant 0 : i32
      %dma_start3A_272 = arith.constant 0 : i32
      %dma_start3A_273 = tpu.memref_slice %arg5[%add3A, %min3A_257, %dma_start3A_271, %dma_start3A_272] : memref<32x324x2x32xi32, #tpu.memory_space<hbm>> -> memref<1x1x2x32xi32, #tpu.memory_space<hbm>>
      %dma_start3A_274 = tpu.memref_squeeze %dma_start3A_273 : memref<1x1x2x32xi32, #tpu.memory_space<hbm>> -> memref<2x32xi32, #tpu.memory_space<hbm>>
      tpu.enqueue_dma source(%dma_start3A_274 : memref<2x32xi32, #tpu.memory_space<hbm>>) target(%dma_start3A_270 : memref<2x32xi32, #tpu.memory_space<vmem>>) target_semaphore(%arg26 : memref<!tpu.dma_semaphore, #tpu.memory_space<semaphore_mem>>)
      %parallel_loop3A_275 = arith.constant 0 : i32
      %parallel_loop3A_276 = arith.constant 0 : i32
      %parallel_loop3A_277 = arith.constant 1 : i32
      scf.for %parallel_loop3A_614 = %parallel_loop3A_275 to %parallel_loop3A_276 step %parallel_loop3A_277  : i32 {
        %parallel_loop3A_615 = vector.broadcast %parallel_loop3A_614 : i32 to vector<16xi32>
        %parallel_loop3A_616 = arith.addi %broadcast_in_dim3A_3, %parallel_loop3A_615 : vector<16xi32>
        %parallel_loop3A_617 = tpu.vector_load_idx %arg11[%parallel_loop3A_616] : memref<32xf32, #tpu.memory_space<vmem>>[vector<16xi32>], vector<16xf32>,
        %parallel_loop3A_618 = arith.constant 0 : i32
        %parallel_loop3A_619 = arith.index_cast %parallel_loop3A_618 : i32 to index
        %parallel_loop3A_620 = arith.index_cast %parallel_loop3A_614 : i32 to index
        %parallel_loop3A_621 = arith.constant 0 : index
        %parallel_loop3A_622 = tpu.vector_load %arg12[%parallel_loop3A_619, %parallel_loop3A_620, %parallel_loop3A_621] {strides = array<i32>} : memref<4x32x128xf32, #tpu.memory_space<vmem>>, vector<16xf32>,
        %parallel_loop3A_623 = arith.mulf %parallel_loop3A_622, %parallel_loop3A_617 : vector<16xf32>
        %parallel_loop3A_624 = arith.constant 0 : i32
        %parallel_loop3A_625 = arith.index_cast %parallel_loop3A_624 : i32 to index
        %parallel_loop3A_626 = arith.index_cast %parallel_loop3A_614 : i32 to index
        %parallel_loop3A_627 = arith.constant 0 : index
        %parallel_loop3A_628 = tpu.vector_load %arg12[%parallel_loop3A_625, %parallel_loop3A_626, %parallel_loop3A_627] {strides = array<i32>} : memref<4x32x128xf32, #tpu.memory_space<vmem>>, vector<16xf32>,
        tpu.vector_store %arg12[%parallel_loop3A_625, %parallel_loop3A_626, %parallel_loop3A_627], %parallel_loop3A_623 {strides = array<i32>} : memref<4x32x128xf32, #tpu.memory_space<vmem>>, vector<16xf32>,
        %parallel_loop3A_629 = arith.constant 0 : i32
        %parallel_loop3A_630 = arith.index_cast %parallel_loop3A_629 : i32 to index
        %parallel_loop3A_631 = arith.index_cast %parallel_loop3A_614 : i32 to index
        %parallel_loop3A_632 = arith.constant 16 : index
        %parallel_loop3A_633 = tpu.vector_load %arg12[%parallel_loop3A_630, %parallel_loop3A_631, %parallel_loop3A_632] {strides = array<i32>} : memref<4x32x128xf32, #tpu.memory_space<vmem>>, vector<16xf32>,
        %parallel_loop3A_634 = arith.mulf %parallel_loop3A_633, %parallel_loop3A_617 : vector<16xf32>
        %parallel_loop3A_635 = arith.constant 0 : i32
        %parallel_loop3A_636 = arith.index_cast %parallel_loop3A_635 : i32 to index
        %parallel_loop3A_637 = arith.index_cast %parallel_loop3A_614 : i32 to index
        %parallel_loop3A_638 = arith.constant 16 : index
        %parallel_loop3A_639 = tpu.vector_load %arg12[%parallel_loop3A_636, %parallel_loop3A_637, %parallel_loop3A_638] {strides = array<i32>} : memref<4x32x128xf32, #tpu.memory_space<vmem>>, vector<16xf32>,
        tpu.vector_store %arg12[%parallel_loop3A_636, %parallel_loop3A_637, %parallel_loop3A_638], %parallel_loop3A_634 {strides = array<i32>} : memref<4x32x128xf32, #tpu.memory_space<vmem>>, vector<16xf32>,
        %parallel_loop3A_640 = arith.constant 0 : i32
        %parallel_loop3A_641 = arith.index_cast %parallel_loop3A_640 : i32 to index
        %parallel_loop3A_642 = arith.index_cast %parallel_loop3A_614 : i32 to index
        %parallel_loop3A_643 = arith.constant 32 : index
        %parallel_loop3A_644 = tpu.vector_load %arg12[%parallel_loop3A_641, %parallel_loop3A_642, %parallel_loop3A_643] {strides = array<i32>} : memref<4x32x128xf32, #tpu.memory_space<vmem>>, vector<16xf32>,
        %parallel_loop3A_645 = arith.mulf %parallel_loop3A_644, %parallel_loop3A_617 : vector<16xf32>
        %parallel_loop3A_646 = arith.constant 0 : i32
        %parallel_loop3A_647 = arith.index_cast %parallel_loop3A_646 : i32 to index
        %parallel_loop3A_648 = arith.index_cast %parallel_loop3A_614 : i32 to index
        %parallel_loop3A_649 = arith.constant 32 : index
        %parallel_loop3A_650 = tpu.vector_load %arg12[%parallel_loop3A_647, %parallel_loop3A_648, %parallel_loop3A_649] {strides = array<i32>} : memref<4x32x128xf32, #tpu.memory_space<vmem>>, vector<16xf32>,
        tpu.vector_store %arg12[%parallel_loop3A_647, %parallel_loop3A_648, %parallel_loop3A_649], %parallel_loop3A_645 {strides = array<i32>} : memref<4x32x128xf32, #tpu.memory_space<vmem>>, vector<16xf32>,
        %parallel_loop3A_651 = arith.constant 0 : i32
        %parallel_loop3A_652 = arith.index_cast %parallel_loop3A_651 : i32 to index
        %parallel_loop3A_653 = arith.index_cast %parallel_loop3A_614 : i32 to index
        %parallel_loop3A_654 = arith.constant 48 : index
        %parallel_loop3A_655 = tpu.vector_load %arg12[%parallel_loop3A_652, %parallel_loop3A_653, %parallel_loop3A_654] {strides = array<i32>} : memref<4x32x128xf32, #tpu.memory_space<vmem>>, vector<16xf32>,
        %parallel_loop3A_656 = arith.mulf %parallel_loop3A_655, %parallel_loop3A_617 : vector<16xf32>
        %parallel_loop3A_657 = arith.constant 0 : i32
        %parallel_loop3A_658 = arith.index_cast %parallel_loop3A_657 : i32 to index
        %parallel_loop3A_659 = arith.index_cast %parallel_loop3A_614 : i32 to index
        %parallel_loop3A_660 = arith.constant 48 : index
        %parallel_loop3A_661 = tpu.vector_load %arg12[%parallel_loop3A_658, %parallel_loop3A_659, %parallel_loop3A_660] {strides = array<i32>} : memref<4x32x128xf32, #tpu.memory_space<vmem>>, vector<16xf32>,
        tpu.vector_store %arg12[%parallel_loop3A_658, %parallel_loop3A_659, %parallel_loop3A_660], %parallel_loop3A_656 {strides = array<i32>} : memref<4x32x128xf32, #tpu.memory_space<vmem>>, vector<16xf32>,
        %parallel_loop3A_662 = arith.constant 0 : i32
        %parallel_loop3A_663 = arith.index_cast %parallel_loop3A_662 : i32 to index
        %parallel_loop3A_664 = arith.index_cast %parallel_loop3A_614 : i32 to index
        %parallel_loop3A_665 = arith.constant 64 : index
        %parallel_loop3A_666 = tpu.vector_load %arg12[%parallel_loop3A_663, %parallel_loop3A_664, %parallel_loop3A_665] {strides = array<i32>} : memref<4x32x128xf32, #tpu.memory_space<vmem>>, vector<16xf32>,
        %parallel_loop3A_667 = arith.mulf %parallel_loop3A_666, %parallel_loop3A_617 : vector<16xf32>
        %parallel_loop3A_668 = arith.constant 0 : i32
        %parallel_loop3A_669 = arith.index_cast %parallel_loop3A_668 : i32 to index
        %parallel_loop3A_670 = arith.index_cast %parallel_loop3A_614 : i32 to index
        %parallel_loop3A_671 = arith.constant 64 : index
        %parallel_loop3A_672 = tpu.vector_load %arg12[%parallel_loop3A_669, %parallel_loop3A_670, %parallel_loop3A_671] {strides = array<i32>} : memref<4x32x128xf32, #tpu.memory_space<vmem>>, vector<16xf32>,
        tpu.vector_store %arg12[%parallel_loop3A_669, %parallel_loop3A_670, %parallel_loop3A_671], %parallel_loop3A_667 {strides = array<i32>} : memref<4x32x128xf32, #tpu.memory_space<vmem>>, vector<16xf32>,
        %parallel_loop3A_673 = arith.constant 0 : i32
        %parallel_loop3A_674 = arith.index_cast %parallel_loop3A_673 : i32 to index
        %parallel_loop3A_675 = arith.index_cast %parallel_loop3A_614 : i32 to index
        %parallel_loop3A_676 = arith.constant 80 : index
        %parallel_loop3A_677 = tpu.vector_load %arg12[%parallel_loop3A_674, %parallel_loop3A_675, %parallel_loop3A_676] {strides = array<i32>} : memref<4x32x128xf32, #tpu.memory_space<vmem>>, vector<16xf32>,
        %parallel_loop3A_678 = arith.mulf %parallel_loop3A_677, %parallel_loop3A_617 : vector<16xf32>
        %parallel_loop3A_679 = arith.constant 0 : i32
        %parallel_loop3A_680 = arith.index_cast %parallel_loop3A_679 : i32 to index
        %parallel_loop3A_681 = arith.index_cast %parallel_loop3A_614 : i32 to index
        %parallel_loop3A_682 = arith.constant 80 : index
        %parallel_loop3A_683 = tpu.vector_load %arg12[%parallel_loop3A_680, %parallel_loop3A_681, %parallel_loop3A_682] {strides = array<i32>} : memref<4x32x128xf32, #tpu.memory_space<vmem>>, vector<16xf32>,
        tpu.vector_store %arg12[%parallel_loop3A_680, %parallel_loop3A_681, %parallel_loop3A_682], %parallel_loop3A_678 {strides = array<i32>} : memref<4x32x128xf32, #tpu.memory_space<vmem>>, vector<16xf32>,
        %parallel_loop3A_684 = arith.constant 0 : i32
        %parallel_loop3A_685 = arith.index_cast %parallel_loop3A_684 : i32 to index
        %parallel_loop3A_686 = arith.index_cast %parallel_loop3A_614 : i32 to index
        %parallel_loop3A_687 = arith.constant 96 : index
        %parallel_loop3A_688 = tpu.vector_load %arg12[%parallel_loop3A_685, %parallel_loop3A_686, %parallel_loop3A_687] {strides = array<i32>} : memref<4x32x128xf32, #tpu.memory_space<vmem>>, vector<16xf32>,
        %parallel_loop3A_689 = arith.mulf %parallel_loop3A_688, %parallel_loop3A_617 : vector<16xf32>
        %parallel_loop3A_690 = arith.constant 0 : i32
        %parallel_loop3A_691 = arith.index_cast %parallel_loop3A_690 : i32 to index
        %parallel_loop3A_692 = arith.index_cast %parallel_loop3A_614 : i32 to index
        %parallel_loop3A_693 = arith.constant 96 : index
        %parallel_loop3A_694 = tpu.vector_load %arg12[%parallel_loop3A_691, %parallel_loop3A_692, %parallel_loop3A_693] {strides = array<i32>} : memref<4x32x128xf32, #tpu.memory_space<vmem>>, vector<16xf32>,
        tpu.vector_store %arg12[%parallel_loop3A_691, %parallel_loop3A_692, %parallel_loop3A_693], %parallel_loop3A_689 {strides = array<i32>} : memref<4x32x128xf32, #tpu.memory_space<vmem>>, vector<16xf32>,
        %parallel_loop3A_695 = arith.constant 0 : i32
        %parallel_loop3A_696 = arith.index_cast %parallel_loop3A_695 : i32 to index
        %parallel_loop3A_697 = arith.index_cast %parallel_loop3A_614 : i32 to index
        %parallel_loop3A_698 = arith.constant 112 : index
        %parallel_loop3A_699 = tpu.vector_load %arg12[%parallel_loop3A_696, %parallel_loop3A_697, %parallel_loop3A_698] {strides = array<i32>} : memref<4x32x128xf32, #tpu.memory_space<vmem>>, vector<16xf32>,
        %parallel_loop3A_700 = arith.mulf %parallel_loop3A_699, %parallel_loop3A_617 : vector<16xf32>
        %parallel_loop3A_701 = arith.constant 0 : i32
        %parallel_loop3A_702 = arith.index_cast %parallel_loop3A_701 : i32 to index
        %parallel_loop3A_703 = arith.index_cast %parallel_loop3A_614 : i32 to index
        %parallel_loop3A_704 = arith.constant 112 : index
        %parallel_loop3A_705 = tpu.vector_load %arg12[%parallel_loop3A_702, %parallel_loop3A_703, %parallel_loop3A_704] {strides = array<i32>} : memref<4x32x128xf32, #tpu.memory_space<vmem>>, vector<16xf32>,
        tpu.vector_store %arg12[%parallel_loop3A_702, %parallel_loop3A_703, %parallel_loop3A_704], %parallel_loop3A_700 {strides = array<i32>} : memref<4x32x128xf32, #tpu.memory_space<vmem>>, vector<16xf32>,
      } {sc.loop_unroll_factor = 4 : i64, sc.parallel_access}
      %mul3A_278 = arith.constant 640 : i32
      %mul3A_279 = arith.muli %arg1, %mul3A_278 : i32
      %dma_start3A_280 = arith.constant 0 : i32
      %dma_start3A_281 = arith.constant 0 : i32
      %dma_start3A_282 = arith.constant 0 : i32
      %dma_start3A_283 = tpu.memref_slice %arg12[%dma_start3A_280, %dma_start3A_281, %dma_start3A_282] : memref<4x32x128xf32, #tpu.memory_space<vmem>> -> memref<1x32x128xf32, #tpu.memory_space<vmem>>
      %dma_start3A_284 = tpu.memref_squeeze %dma_start3A_283 : memref<1x32x128xf32, #tpu.memory_space<vmem>> -> memref<32x128xf32, #tpu.memory_space<vmem>>
      %dma_start3A_285 = arith.constant 0 : i32
      %dma_start3A_286 = tpu.memref_slice %arg15[%mul3A_279, %dma_start3A_285] : memref<10240x128xf32, #tpu.memory_space<vmem_shared>> -> memref<32x128xf32, #tpu.memory_space<vmem_shared>>
      %dma_start3A_287 = arith.constant 0 : i32
      %dma_start3A_288 = tpu.memref_slice %arg15[%mul3A_279, %dma_start3A_287] : memref<10240x128xf32, #tpu.memory_space<vmem_shared>> -> memref<32x128xf32, #tpu.memory_space<vmem_shared>>
      %dma_start3A_289 = arith.constant 0 : i32
      %dma_start3A_290 = arith.constant 0 : i32
      %dma_start3A_291 = tpu.memref_slice %arg12[%dma_start3A_280, %dma_start3A_289, %dma_start3A_290] : memref<4x32x128xf32, #tpu.memory_space<vmem>> -> memref<1x32x128xf32, #tpu.memory_space<vmem>>
      %dma_start3A_292 = tpu.memref_squeeze %dma_start3A_291 : memref<1x32x128xf32, #tpu.memory_space<vmem>> -> memref<32x128xf32, #tpu.memory_space<vmem>>
      tpu.enqueue_dma source(%dma_start3A_292 : memref<32x128xf32, #tpu.memory_space<vmem>>) target(%dma_start3A_288 : memref<32x128xf32, #tpu.memory_space<vmem_shared>>) target_semaphore(%arg20 : memref<!tpu.dma_semaphore, #tpu.memory_space<semaphore_mem>>)
      %add3A_293 = arith.constant 1 : i32
      %add3A_294 = arith.addi %add3A_187, %add3A_293 : i32
      %dma_wait3A_295 = arith.constant 0 : i32
      %dma_wait3A_296 = arith.constant 2 : i32
      %dma_wait3A_297 = arith.constant 0 : i32
      %dma_wait3A_298 = arith.constant 0 : i32
      %dma_wait3A_299 = tpu.memref_slice %arg9[%dma_wait3A_296, %dma_wait3A_297, %dma_wait3A_298] : memref<4x2x32xi32, #tpu.memory_space<vmem>> -> memref<1x2x32xi32, #tpu.memory_space<vmem>>
      %dma_wait3A_300 = tpu.memref_squeeze %dma_wait3A_299 : memref<1x2x32xi32, #tpu.memory_space<vmem>> -> memref<2x32xi32, #tpu.memory_space<vmem>>
      %dma_wait3A_301 = arith.constant 0 : i32
      %dma_wait3A_302 = arith.constant 0 : i32
      %dma_wait3A_303 = tpu.memref_slice %arg5[%add3A, %dma_wait3A_295, %dma_wait3A_301, %dma_wait3A_302] : memref<32x324x2x32xi32, #tpu.memory_space<hbm>> -> memref<1x1x2x32xi32, #tpu.memory_space<hbm>>
      %dma_wait3A_304 = tpu.memref_squeeze %dma_wait3A_303 : memref<1x1x2x32xi32, #tpu.memory_space<hbm>> -> memref<2x32xi32, #tpu.memory_space<hbm>>
      %dma_wait3A_305 = arith.constant 0 : i32
      %dma_wait3A_306 = arith.constant 0 : i32
      %dma_wait3A_307 = tpu.memref_slice %arg9[%dma_wait3A_296, %dma_wait3A_305, %dma_wait3A_306] : memref<4x2x32xi32, #tpu.memory_space<vmem>> -> memref<1x2x32xi32, #tpu.memory_space<vmem>>
      %dma_wait3A_308 = tpu.memref_squeeze %dma_wait3A_307 : memref<1x2x32xi32, #tpu.memory_space<vmem>> -> memref<2x32xi32, #tpu.memory_space<vmem>>
      %dma_wait3A_309 = arith.constant 0 : i32
      %dma_wait3A_310 = arith.constant 0 : i32
      %dma_wait3A_311 = tpu.memref_slice %arg5[%add3A, %dma_wait3A_295, %dma_wait3A_309, %dma_wait3A_310] : memref<32x324x2x32xi32, #tpu.memory_space<hbm>> -> memref<1x1x2x32xi32, #tpu.memory_space<hbm>>
      %dma_wait3A_312 = tpu.memref_squeeze %dma_wait3A_311 : memref<1x1x2x32xi32, #tpu.memory_space<hbm>> -> memref<2x32xi32, #tpu.memory_space<hbm>>
      tpu.wait_dma2 semaphore(%arg26 : memref<!tpu.dma_semaphore, #tpu.memory_space<semaphore_mem>>) src(%dma_wait3A_312 : memref<2x32xi32, #tpu.memory_space<hbm>>) dst(%dma_wait3A_308 : memref<2x32xi32, #tpu.memory_space<vmem>>)
      %dma_wait3A_313 = arith.constant 2 : i32
      %dma_wait3A_314 = arith.constant 0 : i32
      %dma_wait3A_315 = arith.constant 0 : i32
      %dma_wait3A_316 = tpu.memref_slice %arg12[%dma_wait3A_313, %dma_wait3A_314, %dma_wait3A_315] : memref<4x32x128xf32, #tpu.memory_space<vmem>> -> memref<1x32x128xf32, #tpu.memory_space<vmem>>
      %dma_wait3A_317 = tpu.memref_squeeze %dma_wait3A_316 : memref<1x32x128xf32, #tpu.memory_space<vmem>> -> memref<32x128xf32, #tpu.memory_space<vmem>>
      %dma_wait3A_318 = arith.constant 0 : i32
      %dma_wait3A_319 = arith.constant 0 : i32
      %dma_wait3A_320 = tpu.memref_slice %arg2[%dma_wait3A_318, %dma_wait3A_319] : memref<10240x128xf32, #tpu.memory_space<hbm>> -> memref<32x128xf32, #tpu.memory_space<hbm>>
      %dma_wait3A_321 = arith.constant 0 : i32
      %dma_wait3A_322 = arith.constant 0 : i32
      %dma_wait3A_323 = tpu.memref_slice %arg12[%dma_wait3A_313, %dma_wait3A_321, %dma_wait3A_322] : memref<4x32x128xf32, #tpu.memory_space<vmem>> -> memref<1x32x128xf32, #tpu.memory_space<vmem>>
      %dma_wait3A_324 = tpu.memref_squeeze %dma_wait3A_323 : memref<1x32x128xf32, #tpu.memory_space<vmem>> -> memref<32x128xf32, #tpu.memory_space<vmem>>
      %dma_wait3A_325 = arith.constant 0 : i32
      %dma_wait3A_326 = arith.constant 0 : i32
      %dma_wait3A_327 = tpu.memref_slice %arg2[%dma_wait3A_325, %dma_wait3A_326] : memref<10240x128xf32, #tpu.memory_space<hbm>> -> memref<32x128xf32, #tpu.memory_space<hbm>>
      tpu.wait_dma2 semaphore(%arg22 : memref<!tpu.dma_semaphore, #tpu.memory_space<semaphore_mem>>) src(%dma_wait3A_327 : memref<32x128xf32, #tpu.memory_space<hbm>>) dst(%dma_wait3A_324 : memref<32x128xf32, #tpu.memory_space<vmem>>)
      %dma_start3A_328 = arith.constant 2 : i32
      %dma_start3A_329 = arith.constant 0 : i32
      %dma_start3A_330 = arith.constant 0 : i32
      %dma_start3A_331 = tpu.memref_slice %arg12[%dma_start3A_328, %dma_start3A_329, %dma_start3A_330] : memref<4x32x128xf32, #tpu.memory_space<vmem>> -> memref<1x32x128xf32, #tpu.memory_space<vmem>>
      %dma_start3A_332 = tpu.memref_squeeze %dma_start3A_331 : memref<1x32x128xf32, #tpu.memory_space<vmem>> -> memref<32x128xf32, #tpu.memory_space<vmem>>
      %dma_start3A_333 = arith.constant 0 : i32
      %dma_start3A_334 = arith.constant 0 : i32
      %dma_start3A_335 = tpu.memref_slice %arg2[%dma_start3A_333, %dma_start3A_334] : memref<10240x128xf32, #tpu.memory_space<hbm>> -> memref<32x128xf32, #tpu.memory_space<hbm>>
      %dma_start3A_336 = arith.constant 0 : i32
      %dma_start3A_337 = arith.constant 0 : i32
      %dma_start3A_338 = tpu.memref_slice %arg12[%dma_start3A_328, %dma_start3A_336, %dma_start3A_337] : memref<4x32x128xf32, #tpu.memory_space<vmem>> -> memref<1x32x128xf32, #tpu.memory_space<vmem>>
      %dma_start3A_339 = tpu.memref_squeeze %dma_start3A_338 : memref<1x32x128xf32, #tpu.memory_space<vmem>> -> memref<32x128xf32, #tpu.memory_space<vmem>>
      %dma_start3A_340 = arith.constant 0 : i32
      %dma_start3A_341 = arith.constant 0 : i32
      %dma_start3A_342 = tpu.memref_slice %arg2[%dma_start3A_340, %dma_start3A_341] : memref<10240x128xf32, #tpu.memory_space<hbm>> -> memref<32x128xf32, #tpu.memory_space<hbm>>
      tpu.enqueue_dma source(%dma_start3A_342 : memref<32x128xf32, #tpu.memory_space<hbm>>) target(%dma_start3A_339 : memref<32x128xf32, #tpu.memory_space<vmem>>) target_semaphore(%arg18 : memref<!tpu.dma_semaphore, #tpu.memory_space<semaphore_mem>>)
      %parallel_loop3A_343 = arith.constant 0 : i32
      %parallel_loop3A_344 = arith.constant 32 : i32
      %parallel_loop3A_345 = arith.constant 16 : i32
      scf.for %parallel_loop3A_614 = %parallel_loop3A_343 to %parallel_loop3A_344 step %parallel_loop3A_345  : i32 {
        %parallel_loop3A_615 = arith.constant 1 : i32
        %parallel_loop3A_616 = arith.constant 0 : i32
        %parallel_loop3A_617 = arith.index_cast %parallel_loop3A_615 : i32 to index
        %parallel_loop3A_618 = arith.index_cast %parallel_loop3A_616 : i32 to index
        %parallel_loop3A_619 = arith.index_cast %parallel_loop3A_614 : i32 to index
        %parallel_loop3A_620 = tpu.vector_load %arg9[%parallel_loop3A_617, %parallel_loop3A_618, %parallel_loop3A_619] {strides = array<i32>} : memref<4x2x32xi32, #tpu.memory_space<vmem>>, vector<16xi32>,
        %parallel_loop3A_621 = arith.constant 1 : i32
        %parallel_loop3A_622 = arith.constant 1 : i32
        %parallel_loop3A_623 = arith.index_cast %parallel_loop3A_621 : i32 to index
        %parallel_loop3A_624 = arith.index_cast %parallel_loop3A_622 : i32 to index
        %parallel_loop3A_625 = arith.index_cast %parallel_loop3A_614 : i32 to index
        %parallel_loop3A_626 = tpu.vector_load %arg9[%parallel_loop3A_623, %parallel_loop3A_624, %parallel_loop3A_625] {strides = array<i32>} : memref<4x2x32xi32, #tpu.memory_space<vmem>>, vector<16xi32>,
        %parallel_loop3A_627 = tpu.vector_load_idx %arg7[%parallel_loop3A_620] : memref<10240xf32, #tpu.memory_space<vmem>>[vector<16xi32>], vector<16xf32>,
        %parallel_loop3A_628 = tpu.vector_load_idx %arg8[%parallel_loop3A_626] : memref<10240xf32, #tpu.memory_space<vmem>>[vector<16xi32>], vector<16xf32>,
        %parallel_loop3A_629 = arith.addf %parallel_loop3A_627, %parallel_loop3A_628 : vector<16xf32>
        %parallel_loop3A_630 = arith.constant 0.000000e+00 : f32
        %parallel_loop3A_631 = vector.broadcast %parallel_loop3A_630 : f32 to vector<16xf32>
        %parallel_loop3A_632 = arith.cmpf oge, %parallel_loop3A_629, %parallel_loop3A_631 : vector<16xf32>
        %parallel_loop3A_633 = arith.constant 2.000000e-01 : f32
        %parallel_loop3A_634 = vector.broadcast %parallel_loop3A_633 : f32 to vector<16xf32>
        %parallel_loop3A_635 = arith.mulf %parallel_loop3A_634, %parallel_loop3A_629 : vector<16xf32>
        %parallel_loop3A_636 = arith.select %parallel_loop3A_632, %parallel_loop3A_629, %parallel_loop3A_635 : vector<16xi1>, vector<16xf32>
        %parallel_loop3A_637 = math.exp %parallel_loop3A_636 : vector<16xf32>
        %parallel_loop3A_638 = arith.index_cast %parallel_loop3A_614 : i32 to index
        %parallel_loop3A_639 = tpu.vector_load %arg11[%parallel_loop3A_638] {strides = array<i32>} : memref<32xf32, #tpu.memory_space<vmem>>, vector<16xf32>,
        tpu.vector_store %arg11[%parallel_loop3A_638], %parallel_loop3A_637 {strides = array<i32>} : memref<32xf32, #tpu.memory_space<vmem>>, vector<16xf32>,
        %parallel_loop3A_640 = arith.constant 7 : i32
        %parallel_loop3A_641 = vector.broadcast %parallel_loop3A_640 : i32 to vector<16xi32>
        %parallel_loop3A_642 = arith.shrui %parallel_loop3A_626, %parallel_loop3A_641 : vector<16xi32>
        %parallel_loop3A_643 = arith.constant 127 : i32
        %parallel_loop3A_644 = vector.broadcast %parallel_loop3A_643 : i32 to vector<16xi32>
        %parallel_loop3A_645 = arith.andi %parallel_loop3A_626, %parallel_loop3A_644 : vector<16xi32>
        tpu.vector_store_idx %arg13[%parallel_loop3A_642, %parallel_loop3A_645], %parallel_loop3A_637 {add = true} : memref<80x128xf32, #tpu.memory_space<vmem>>[vector<16xi32>, vector<16xi32>], vector<16xf32>,
        %parallel_loop3A_646 = arith.constant 1 : i32
        %parallel_loop3A_647 = arith.index_cast %parallel_loop3A_646 : i32 to index
        %parallel_loop3A_648 = arith.index_cast %parallel_loop3A_614 : i32 to index
        %parallel_loop3A_649 = tpu.vector_load %arg10[%parallel_loop3A_647, %parallel_loop3A_648] {strides = array<i32>} : memref<4x32xi32, #tpu.memory_space<vmem>>, vector<16xi32>,
        tpu.vector_store %arg10[%parallel_loop3A_647, %parallel_loop3A_648], %parallel_loop3A_626 {strides = array<i32>} : memref<4x32xi32, #tpu.memory_space<vmem>>, vector<16xi32>,
      } {sc.loop_unroll_factor = 2 : i64, sc.parallel_access}
      %dma_wait3A_346 = arith.constant 1 : i32
      %dma_wait3A_347 = arith.constant 0 : i32
      %dma_wait3A_348 = arith.constant 0 : i32
      %dma_wait3A_349 = tpu.memref_slice %arg12[%dma_wait3A_346, %dma_wait3A_347, %dma_wait3A_348] : memref<4x32x128xf32, #tpu.memory_space<vmem>> -> memref<1x32x128xf32, #tpu.memory_space<vmem>>
      %dma_wait3A_350 = tpu.memref_squeeze %dma_wait3A_349 : memref<1x32x128xf32, #tpu.memory_space<vmem>> -> memref<32x128xf32, #tpu.memory_space<vmem>>
      %dma_wait3A_351 = arith.constant 0 : i32
      %dma_wait3A_352 = arith.constant 0 : i32
      %dma_wait3A_353 = tpu.memref_slice %arg2[%dma_wait3A_351, %dma_wait3A_352] : memref<10240x128xf32, #tpu.memory_space<hbm>> -> memref<32x128xf32, #tpu.memory_space<hbm>>
      %dma_wait3A_354 = arith.constant 0 : i32
      %dma_wait3A_355 = arith.constant 0 : i32
      %dma_wait3A_356 = tpu.memref_slice %arg12[%dma_wait3A_346, %dma_wait3A_354, %dma_wait3A_355] : memref<4x32x128xf32, #tpu.memory_space<vmem>> -> memref<1x32x128xf32, #tpu.memory_space<vmem>>
      %dma_wait3A_357 = tpu.memref_squeeze %dma_wait3A_356 : memref<1x32x128xf32, #tpu.memory_space<vmem>> -> memref<32x128xf32, #tpu.memory_space<vmem>>
      %dma_wait3A_358 = arith.constant 0 : i32
      %dma_wait3A_359 = arith.constant 0 : i32
      %dma_wait3A_360 = tpu.memref_slice %arg2[%dma_wait3A_358, %dma_wait3A_359] : memref<10240x128xf32, #tpu.memory_space<hbm>> -> memref<32x128xf32, #tpu.memory_space<hbm>>
      tpu.wait_dma2 semaphore(%arg17 : memref<!tpu.dma_semaphore, #tpu.memory_space<semaphore_mem>>) src(%dma_wait3A_360 : memref<32x128xf32, #tpu.memory_space<hbm>>) dst(%dma_wait3A_357 : memref<32x128xf32, #tpu.memory_space<vmem>>)
      %add3A_361 = arith.constant 2 : i32
      %add3A_362 = arith.addi %add3A_294, %add3A_361 : i32
      %min3A_363 = arith.constant 323 : i32
      %min3A_364 = arith.minsi %add3A_362, %min3A_363 : i32
      %dma_start3A_365 = arith.constant 3 : i32
      %dma_start3A_366 = arith.constant 0 : i32
      %dma_start3A_367 = arith.constant 0 : i32
      %dma_start3A_368 = tpu.memref_slice %arg9[%dma_start3A_365, %dma_start3A_366, %dma_start3A_367] : memref<4x2x32xi32, #tpu.memory_space<vmem>> -> memref<1x2x32xi32, #tpu.memory_space<vmem>>
      %dma_start3A_369 = tpu.memref_squeeze %dma_start3A_368 : memref<1x2x32xi32, #tpu.memory_space<vmem>> -> memref<2x32xi32, #tpu.memory_space<vmem>>
      %dma_start3A_370 = arith.constant 0 : i32
      %dma_start3A_371 = arith.constant 0 : i32
      %dma_start3A_372 = tpu.memref_slice %arg5[%add3A, %min3A_364, %dma_start3A_370, %dma_start3A_371] : memref<32x324x2x32xi32, #tpu.memory_space<hbm>> -> memref<1x1x2x32xi32, #tpu.memory_space<hbm>>
      %dma_start3A_373 = tpu.memref_squeeze %dma_start3A_372 : memref<1x1x2x32xi32, #tpu.memory_space<hbm>> -> memref<2x32xi32, #tpu.memory_space<hbm>>
      %dma_start3A_374 = arith.constant 0 : i32
      %dma_start3A_375 = arith.constant 0 : i32
      %dma_start3A_376 = tpu.memref_slice %arg9[%dma_start3A_365, %dma_start3A_374, %dma_start3A_375] : memref<4x2x32xi32, #tpu.memory_space<vmem>> -> memref<1x2x32xi32, #tpu.memory_space<vmem>>
      %dma_start3A_377 = tpu.memref_squeeze %dma_start3A_376 : memref<1x2x32xi32, #tpu.memory_space<vmem>> -> memref<2x32xi32, #tpu.memory_space<vmem>>
      %dma_start3A_378 = arith.constant 0 : i32
      %dma_start3A_379 = arith.constant 0 : i32
      %dma_start3A_380 = tpu.memref_slice %arg5[%add3A, %min3A_364, %dma_start3A_378, %dma_start3A_379] : memref<32x324x2x32xi32, #tpu.memory_space<hbm>> -> memref<1x1x2x32xi32, #tpu.memory_space<hbm>>
      %dma_start3A_381 = tpu.memref_squeeze %dma_start3A_380 : memref<1x1x2x32xi32, #tpu.memory_space<hbm>> -> memref<2x32xi32, #tpu.memory_space<hbm>>
      tpu.enqueue_dma source(%dma_start3A_381 : memref<2x32xi32, #tpu.memory_space<hbm>>) target(%dma_start3A_377 : memref<2x32xi32, #tpu.memory_space<vmem>>) target_semaphore(%arg27 : memref<!tpu.dma_semaphore, #tpu.memory_space<semaphore_mem>>)
      %parallel_loop3A_382 = arith.constant 0 : i32
      %parallel_loop3A_383 = arith.constant 0 : i32
      %parallel_loop3A_384 = arith.constant 1 : i32
      scf.for %parallel_loop3A_614 = %parallel_loop3A_382 to %parallel_loop3A_383 step %parallel_loop3A_384  : i32 {
        %parallel_loop3A_615 = vector.broadcast %parallel_loop3A_614 : i32 to vector<16xi32>
        %parallel_loop3A_616 = arith.addi %broadcast_in_dim3A_3, %parallel_loop3A_615 : vector<16xi32>
        %parallel_loop3A_617 = tpu.vector_load_idx %arg11[%parallel_loop3A_616] : memref<32xf32, #tpu.memory_space<vmem>>[vector<16xi32>], vector<16xf32>,
        %parallel_loop3A_618 = arith.constant 1 : i32
        %parallel_loop3A_619 = arith.index_cast %parallel_loop3A_618 : i32 to index
        %parallel_loop3A_620 = arith.index_cast %parallel_loop3A_614 : i32 to index
        %parallel_loop3A_621 = arith.constant 0 : index
        %parallel_loop3A_622 = tpu.vector_load %arg12[%parallel_loop3A_619, %parallel_loop3A_620, %parallel_loop3A_621] {strides = array<i32>} : memref<4x32x128xf32, #tpu.memory_space<vmem>>, vector<16xf32>,
        %parallel_loop3A_623 = arith.mulf %parallel_loop3A_622, %parallel_loop3A_617 : vector<16xf32>
        %parallel_loop3A_624 = arith.constant 1 : i32
        %parallel_loop3A_625 = arith.index_cast %parallel_loop3A_624 : i32 to index
        %parallel_loop3A_626 = arith.index_cast %parallel_loop3A_614 : i32 to index
        %parallel_loop3A_627 = arith.constant 0 : index
        %parallel_loop3A_628 = tpu.vector_load %arg12[%parallel_loop3A_625, %parallel_loop3A_626, %parallel_loop3A_627] {strides = array<i32>} : memref<4x32x128xf32, #tpu.memory_space<vmem>>, vector<16xf32>,
        tpu.vector_store %arg12[%parallel_loop3A_625, %parallel_loop3A_626, %parallel_loop3A_627], %parallel_loop3A_623 {strides = array<i32>} : memref<4x32x128xf32, #tpu.memory_space<vmem>>, vector<16xf32>,
        %parallel_loop3A_629 = arith.constant 1 : i32
        %parallel_loop3A_630 = arith.index_cast %parallel_loop3A_629 : i32 to index
        %parallel_loop3A_631 = arith.index_cast %parallel_loop3A_614 : i32 to index
        %parallel_loop3A_632 = arith.constant 16 : index
        %parallel_loop3A_633 = tpu.vector_load %arg12[%parallel_loop3A_630, %parallel_loop3A_631, %parallel_loop3A_632] {strides = array<i32>} : memref<4x32x128xf32, #tpu.memory_space<vmem>>, vector<16xf32>,
        %parallel_loop3A_634 = arith.mulf %parallel_loop3A_633, %parallel_loop3A_617 : vector<16xf32>
        %parallel_loop3A_635 = arith.constant 1 : i32
        %parallel_loop3A_636 = arith.index_cast %parallel_loop3A_635 : i32 to index
        %parallel_loop3A_637 = arith.index_cast %parallel_loop3A_614 : i32 to index
        %parallel_loop3A_638 = arith.constant 16 : index
        %parallel_loop3A_639 = tpu.vector_load %arg12[%parallel_loop3A_636, %parallel_loop3A_637, %parallel_loop3A_638] {strides = array<i32>} : memref<4x32x128xf32, #tpu.memory_space<vmem>>, vector<16xf32>,
        tpu.vector_store %arg12[%parallel_loop3A_636, %parallel_loop3A_637, %parallel_loop3A_638], %parallel_loop3A_634 {strides = array<i32>} : memref<4x32x128xf32, #tpu.memory_space<vmem>>, vector<16xf32>,
        %parallel_loop3A_640 = arith.constant 1 : i32
        %parallel_loop3A_641 = arith.index_cast %parallel_loop3A_640 : i32 to index
        %parallel_loop3A_642 = arith.index_cast %parallel_loop3A_614 : i32 to index
        %parallel_loop3A_643 = arith.constant 32 : index
        %parallel_loop3A_644 = tpu.vector_load %arg12[%parallel_loop3A_641, %parallel_loop3A_642, %parallel_loop3A_643] {strides = array<i32>} : memref<4x32x128xf32, #tpu.memory_space<vmem>>, vector<16xf32>,
        %parallel_loop3A_645 = arith.mulf %parallel_loop3A_644, %parallel_loop3A_617 : vector<16xf32>
        %parallel_loop3A_646 = arith.constant 1 : i32
        %parallel_loop3A_647 = arith.index_cast %parallel_loop3A_646 : i32 to index
        %parallel_loop3A_648 = arith.index_cast %parallel_loop3A_614 : i32 to index
        %parallel_loop3A_649 = arith.constant 32 : index
        %parallel_loop3A_650 = tpu.vector_load %arg12[%parallel_loop3A_647, %parallel_loop3A_648, %parallel_loop3A_649] {strides = array<i32>} : memref<4x32x128xf32, #tpu.memory_space<vmem>>, vector<16xf32>,
        tpu.vector_store %arg12[%parallel_loop3A_647, %parallel_loop3A_648, %parallel_loop3A_649], %parallel_loop3A_645 {strides = array<i32>} : memref<4x32x128xf32, #tpu.memory_space<vmem>>, vector<16xf32>,
        %parallel_loop3A_651 = arith.constant 1 : i32
        %parallel_loop3A_652 = arith.index_cast %parallel_loop3A_651 : i32 to index
        %parallel_loop3A_653 = arith.index_cast %parallel_loop3A_614 : i32 to index
        %parallel_loop3A_654 = arith.constant 48 : index
        %parallel_loop3A_655 = tpu.vector_load %arg12[%parallel_loop3A_652, %parallel_loop3A_653, %parallel_loop3A_654] {strides = array<i32>} : memref<4x32x128xf32, #tpu.memory_space<vmem>>, vector<16xf32>,
        %parallel_loop3A_656 = arith.mulf %parallel_loop3A_655, %parallel_loop3A_617 : vector<16xf32>
        %parallel_loop3A_657 = arith.constant 1 : i32
        %parallel_loop3A_658 = arith.index_cast %parallel_loop3A_657 : i32 to index
        %parallel_loop3A_659 = arith.index_cast %parallel_loop3A_614 : i32 to index
        %parallel_loop3A_660 = arith.constant 48 : index
        %parallel_loop3A_661 = tpu.vector_load %arg12[%parallel_loop3A_658, %parallel_loop3A_659, %parallel_loop3A_660] {strides = array<i32>} : memref<4x32x128xf32, #tpu.memory_space<vmem>>, vector<16xf32>,
        tpu.vector_store %arg12[%parallel_loop3A_658, %parallel_loop3A_659, %parallel_loop3A_660], %parallel_loop3A_656 {strides = array<i32>} : memref<4x32x128xf32, #tpu.memory_space<vmem>>, vector<16xf32>,
        %parallel_loop3A_662 = arith.constant 1 : i32
        %parallel_loop3A_663 = arith.index_cast %parallel_loop3A_662 : i32 to index
        %parallel_loop3A_664 = arith.index_cast %parallel_loop3A_614 : i32 to index
        %parallel_loop3A_665 = arith.constant 64 : index
        %parallel_loop3A_666 = tpu.vector_load %arg12[%parallel_loop3A_663, %parallel_loop3A_664, %parallel_loop3A_665] {strides = array<i32>} : memref<4x32x128xf32, #tpu.memory_space<vmem>>, vector<16xf32>,
        %parallel_loop3A_667 = arith.mulf %parallel_loop3A_666, %parallel_loop3A_617 : vector<16xf32>
        %parallel_loop3A_668 = arith.constant 1 : i32
        %parallel_loop3A_669 = arith.index_cast %parallel_loop3A_668 : i32 to index
        %parallel_loop3A_670 = arith.index_cast %parallel_loop3A_614 : i32 to index
        %parallel_loop3A_671 = arith.constant 64 : index
        %parallel_loop3A_672 = tpu.vector_load %arg12[%parallel_loop3A_669, %parallel_loop3A_670, %parallel_loop3A_671] {strides = array<i32>} : memref<4x32x128xf32, #tpu.memory_space<vmem>>, vector<16xf32>,
        tpu.vector_store %arg12[%parallel_loop3A_669, %parallel_loop3A_670, %parallel_loop3A_671], %parallel_loop3A_667 {strides = array<i32>} : memref<4x32x128xf32, #tpu.memory_space<vmem>>, vector<16xf32>,
        %parallel_loop3A_673 = arith.constant 1 : i32
        %parallel_loop3A_674 = arith.index_cast %parallel_loop3A_673 : i32 to index
        %parallel_loop3A_675 = arith.index_cast %parallel_loop3A_614 : i32 to index
        %parallel_loop3A_676 = arith.constant 80 : index
        %parallel_loop3A_677 = tpu.vector_load %arg12[%parallel_loop3A_674, %parallel_loop3A_675, %parallel_loop3A_676] {strides = array<i32>} : memref<4x32x128xf32, #tpu.memory_space<vmem>>, vector<16xf32>,
        %parallel_loop3A_678 = arith.mulf %parallel_loop3A_677, %parallel_loop3A_617 : vector<16xf32>
        %parallel_loop3A_679 = arith.constant 1 : i32
        %parallel_loop3A_680 = arith.index_cast %parallel_loop3A_679 : i32 to index
        %parallel_loop3A_681 = arith.index_cast %parallel_loop3A_614 : i32 to index
        %parallel_loop3A_682 = arith.constant 80 : index
        %parallel_loop3A_683 = tpu.vector_load %arg12[%parallel_loop3A_680, %parallel_loop3A_681, %parallel_loop3A_682] {strides = array<i32>} : memref<4x32x128xf32, #tpu.memory_space<vmem>>, vector<16xf32>,
        tpu.vector_store %arg12[%parallel_loop3A_680, %parallel_loop3A_681, %parallel_loop3A_682], %parallel_loop3A_678 {strides = array<i32>} : memref<4x32x128xf32, #tpu.memory_space<vmem>>, vector<16xf32>,
        %parallel_loop3A_684 = arith.constant 1 : i32
        %parallel_loop3A_685 = arith.index_cast %parallel_loop3A_684 : i32 to index
        %parallel_loop3A_686 = arith.index_cast %parallel_loop3A_614 : i32 to index
        %parallel_loop3A_687 = arith.constant 96 : index
        %parallel_loop3A_688 = tpu.vector_load %arg12[%parallel_loop3A_685, %parallel_loop3A_686, %parallel_loop3A_687] {strides = array<i32>} : memref<4x32x128xf32, #tpu.memory_space<vmem>>, vector<16xf32>,
        %parallel_loop3A_689 = arith.mulf %parallel_loop3A_688, %parallel_loop3A_617 : vector<16xf32>
        %parallel_loop3A_690 = arith.constant 1 : i32
        %parallel_loop3A_691 = arith.index_cast %parallel_loop3A_690 : i32 to index
        %parallel_loop3A_692 = arith.index_cast %parallel_loop3A_614 : i32 to index
        %parallel_loop3A_693 = arith.constant 96 : index
        %parallel_loop3A_694 = tpu.vector_load %arg12[%parallel_loop3A_691, %parallel_loop3A_692, %parallel_loop3A_693] {strides = array<i32>} : memref<4x32x128xf32, #tpu.memory_space<vmem>>, vector<16xf32>,
        tpu.vector_store %arg12[%parallel_loop3A_691, %parallel_loop3A_692, %parallel_loop3A_693], %parallel_loop3A_689 {strides = array<i32>} : memref<4x32x128xf32, #tpu.memory_space<vmem>>, vector<16xf32>,
        %parallel_loop3A_695 = arith.constant 1 : i32
        %parallel_loop3A_696 = arith.index_cast %parallel_loop3A_695 : i32 to index
        %parallel_loop3A_697 = arith.index_cast %parallel_loop3A_614 : i32 to index
        %parallel_loop3A_698 = arith.constant 112 : index
        %parallel_loop3A_699 = tpu.vector_load %arg12[%parallel_loop3A_696, %parallel_loop3A_697, %parallel_loop3A_698] {strides = array<i32>} : memref<4x32x128xf32, #tpu.memory_space<vmem>>, vector<16xf32>,
        %parallel_loop3A_700 = arith.mulf %parallel_loop3A_699, %parallel_loop3A_617 : vector<16xf32>
        %parallel_loop3A_701 = arith.constant 1 : i32
        %parallel_loop3A_702 = arith.index_cast %parallel_loop3A_701 : i32 to index
        %parallel_loop3A_703 = arith.index_cast %parallel_loop3A_614 : i32 to index
        %parallel_loop3A_704 = arith.constant 112 : index
        %parallel_loop3A_705 = tpu.vector_load %arg12[%parallel_loop3A_702, %parallel_loop3A_703, %parallel_loop3A_704] {strides = array<i32>} : memref<4x32x128xf32, #tpu.memory_space<vmem>>, vector<16xf32>,
        tpu.vector_store %arg12[%parallel_loop3A_702, %parallel_loop3A_703, %parallel_loop3A_704], %parallel_loop3A_700 {strides = array<i32>} : memref<4x32x128xf32, #tpu.memory_space<vmem>>, vector<16xf32>,
      } {sc.loop_unroll_factor = 4 : i64, sc.parallel_access}
      %mul3A_385 = arith.constant 640 : i32
      %mul3A_386 = arith.muli %arg1, %mul3A_385 : i32
      %dma_start3A_387 = arith.constant 1 : i32
      %dma_start3A_388 = arith.constant 0 : i32
      %dma_start3A_389 = arith.constant 0 : i32
      %dma_start3A_390 = tpu.memref_slice %arg12[%dma_start3A_387, %dma_start3A_388, %dma_start3A_389] : memref<4x32x128xf32, #tpu.memory_space<vmem>> -> memref<1x32x128xf32, #tpu.memory_space<vmem>>
      %dma_start3A_391 = tpu.memref_squeeze %dma_start3A_390 : memref<1x32x128xf32, #tpu.memory_space<vmem>> -> memref<32x128xf32, #tpu.memory_space<vmem>>
      %dma_start3A_392 = arith.constant 0 : i32
      %dma_start3A_393 = tpu.memref_slice %arg15[%mul3A_386, %dma_start3A_392] : memref<10240x128xf32, #tpu.memory_space<vmem_shared>> -> memref<32x128xf32, #tpu.memory_space<vmem_shared>>
      %dma_start3A_394 = arith.constant 0 : i32
      %dma_start3A_395 = tpu.memref_slice %arg15[%mul3A_386, %dma_start3A_394] : memref<10240x128xf32, #tpu.memory_space<vmem_shared>> -> memref<32x128xf32, #tpu.memory_space<vmem_shared>>
      %dma_start3A_396 = arith.constant 0 : i32
      %dma_start3A_397 = arith.constant 0 : i32
      %dma_start3A_398 = tpu.memref_slice %arg12[%dma_start3A_387, %dma_start3A_396, %dma_start3A_397] : memref<4x32x128xf32, #tpu.memory_space<vmem>> -> memref<1x32x128xf32, #tpu.memory_space<vmem>>
      %dma_start3A_399 = tpu.memref_squeeze %dma_start3A_398 : memref<1x32x128xf32, #tpu.memory_space<vmem>> -> memref<32x128xf32, #tpu.memory_space<vmem>>
      tpu.enqueue_dma source(%dma_start3A_399 : memref<32x128xf32, #tpu.memory_space<vmem>>) target(%dma_start3A_395 : memref<32x128xf32, #tpu.memory_space<vmem_shared>>) target_semaphore(%arg21 : memref<!tpu.dma_semaphore, #tpu.memory_space<semaphore_mem>>)
      %add3A_400 = arith.constant 2 : i32
      %add3A_401 = arith.addi %add3A_187, %add3A_400 : i32
      %dma_wait3A_402 = arith.constant 0 : i32
      %dma_wait3A_403 = arith.constant 3 : i32
      %dma_wait3A_404 = arith.constant 0 : i32
      %dma_wait3A_405 = arith.constant 0 : i32
      %dma_wait3A_406 = tpu.memref_slice %arg9[%dma_wait3A_403, %dma_wait3A_404, %dma_wait3A_405] : memref<4x2x32xi32, #tpu.memory_space<vmem>> -> memref<1x2x32xi32, #tpu.memory_space<vmem>>
      %dma_wait3A_407 = tpu.memref_squeeze %dma_wait3A_406 : memref<1x2x32xi32, #tpu.memory_space<vmem>> -> memref<2x32xi32, #tpu.memory_space<vmem>>
      %dma_wait3A_408 = arith.constant 0 : i32
      %dma_wait3A_409 = arith.constant 0 : i32
      %dma_wait3A_410 = tpu.memref_slice %arg5[%add3A, %dma_wait3A_402, %dma_wait3A_408, %dma_wait3A_409] : memref<32x324x2x32xi32, #tpu.memory_space<hbm>> -> memref<1x1x2x32xi32, #tpu.memory_space<hbm>>
      %dma_wait3A_411 = tpu.memref_squeeze %dma_wait3A_410 : memref<1x1x2x32xi32, #tpu.memory_space<hbm>> -> memref<2x32xi32, #tpu.memory_space<hbm>>
      %dma_wait3A_412 = arith.constant 0 : i32
      %dma_wait3A_413 = arith.constant 0 : i32
      %dma_wait3A_414 = tpu.memref_slice %arg9[%dma_wait3A_403, %dma_wait3A_412, %dma_wait3A_413] : memref<4x2x32xi32, #tpu.memory_space<vmem>> -> memref<1x2x32xi32, #tpu.memory_space<vmem>>
      %dma_wait3A_415 = tpu.memref_squeeze %dma_wait3A_414 : memref<1x2x32xi32, #tpu.memory_space<vmem>> -> memref<2x32xi32, #tpu.memory_space<vmem>>
      %dma_wait3A_416 = arith.constant 0 : i32
      %dma_wait3A_417 = arith.constant 0 : i32
      %dma_wait3A_418 = tpu.memref_slice %arg5[%add3A, %dma_wait3A_402, %dma_wait3A_416, %dma_wait3A_417] : memref<32x324x2x32xi32, #tpu.memory_space<hbm>> -> memref<1x1x2x32xi32, #tpu.memory_space<hbm>>
      %dma_wait3A_419 = tpu.memref_squeeze %dma_wait3A_418 : memref<1x1x2x32xi32, #tpu.memory_space<hbm>> -> memref<2x32xi32, #tpu.memory_space<hbm>>
      tpu.wait_dma2 semaphore(%arg27 : memref<!tpu.dma_semaphore, #tpu.memory_space<semaphore_mem>>) src(%dma_wait3A_419 : memref<2x32xi32, #tpu.memory_space<hbm>>) dst(%dma_wait3A_415 : memref<2x32xi32, #tpu.memory_space<vmem>>)
      %dma_wait3A_420 = arith.constant 3 : i32
      %dma_wait3A_421 = arith.constant 0 : i32
      %dma_wait3A_422 = arith.constant 0 : i32
      %dma_wait3A_423 = tpu.memref_slice %arg12[%dma_wait3A_420, %dma_wait3A_421, %dma_wait3A_422] : memref<4x32x128xf32, #tpu.memory_space<vmem>> -> memref<1x32x128xf32, #tpu.memory_space<vmem>>
      %dma_wait3A_424 = tpu.memref_squeeze %dma_wait3A_423 : memref<1x32x128xf32, #tpu.memory_space<vmem>> -> memref<32x128xf32, #tpu.memory_space<vmem>>
      %dma_wait3A_425 = arith.constant 0 : i32
      %dma_wait3A_426 = arith.constant 0 : i32
      %dma_wait3A_427 = tpu.memref_slice %arg2[%dma_wait3A_425, %dma_wait3A_426] : memref<10240x128xf32, #tpu.memory_space<hbm>> -> memref<32x128xf32, #tpu.memory_space<hbm>>
      %dma_wait3A_428 = arith.constant 0 : i32
      %dma_wait3A_429 = arith.constant 0 : i32
      %dma_wait3A_430 = tpu.memref_slice %arg12[%dma_wait3A_420, %dma_wait3A_428, %dma_wait3A_429] : memref<4x32x128xf32, #tpu.memory_space<vmem>> -> memref<1x32x128xf32, #tpu.memory_space<vmem>>
      %dma_wait3A_431 = tpu.memref_squeeze %dma_wait3A_430 : memref<1x32x128xf32, #tpu.memory_space<vmem>> -> memref<32x128xf32, #tpu.memory_space<vmem>>
      %dma_wait3A_432 = arith.constant 0 : i32
      %dma_wait3A_433 = arith.constant 0 : i32
      %dma_wait3A_434 = tpu.memref_slice %arg2[%dma_wait3A_432, %dma_wait3A_433] : memref<10240x128xf32, #tpu.memory_space<hbm>> -> memref<32x128xf32, #tpu.memory_space<hbm>>
      tpu.wait_dma2 semaphore(%arg23 : memref<!tpu.dma_semaphore, #tpu.memory_space<semaphore_mem>>) src(%dma_wait3A_434 : memref<32x128xf32, #tpu.memory_space<hbm>>) dst(%dma_wait3A_431 : memref<32x128xf32, #tpu.memory_space<vmem>>)
      %dma_start3A_435 = arith.constant 3 : i32
      %dma_start3A_436 = arith.constant 0 : i32
      %dma_start3A_437 = arith.constant 0 : i32
      %dma_start3A_438 = tpu.memref_slice %arg12[%dma_start3A_435, %dma_start3A_436, %dma_start3A_437] : memref<4x32x128xf32, #tpu.memory_space<vmem>> -> memref<1x32x128xf32, #tpu.memory_space<vmem>>
      %dma_start3A_439 = tpu.memref_squeeze %dma_start3A_438 : memref<1x32x128xf32, #tpu.memory_space<vmem>> -> memref<32x128xf32, #tpu.memory_space<vmem>>
      %dma_start3A_440 = arith.constant 0 : i32
      %dma_start3A_441 = arith.constant 0 : i32
      %dma_start3A_442 = tpu.memref_slice %arg2[%dma_start3A_440, %dma_start3A_441] : memref<10240x128xf32, #tpu.memory_space<hbm>> -> memref<32x128xf32, #tpu.memory_space<hbm>>
      %dma_start3A_443 = arith.constant 0 : i32
      %dma_start3A_444 = arith.constant 0 : i32
      %dma_start3A_445 = tpu.memref_slice %arg12[%dma_start3A_435, %dma_start3A_443, %dma_start3A_444] : memref<4x32x128xf32, #tpu.memory_space<vmem>> -> memref<1x32x128xf32, #tpu.memory_space<vmem>>
      %dma_start3A_446 = tpu.memref_squeeze %dma_start3A_445 : memref<1x32x128xf32, #tpu.memory_space<vmem>> -> memref<32x128xf32, #tpu.memory_space<vmem>>
      %dma_start3A_447 = arith.constant 0 : i32
      %dma_start3A_448 = arith.constant 0 : i32
      %dma_start3A_449 = tpu.memref_slice %arg2[%dma_start3A_447, %dma_start3A_448] : memref<10240x128xf32, #tpu.memory_space<hbm>> -> memref<32x128xf32, #tpu.memory_space<hbm>>
      tpu.enqueue_dma source(%dma_start3A_449 : memref<32x128xf32, #tpu.memory_space<hbm>>) target(%dma_start3A_446 : memref<32x128xf32, #tpu.memory_space<vmem>>) target_semaphore(%arg19 : memref<!tpu.dma_semaphore, #tpu.memory_space<semaphore_mem>>)
      %parallel_loop3A_450 = arith.constant 0 : i32
      %parallel_loop3A_451 = arith.constant 32 : i32
      %parallel_loop3A_452 = arith.constant 16 : i32
      scf.for %parallel_loop3A_614 = %parallel_loop3A_450 to %parallel_loop3A_451 step %parallel_loop3A_452  : i32 {
        %parallel_loop3A_615 = arith.constant 2 : i32
        %parallel_loop3A_616 = arith.constant 0 : i32
        %parallel_loop3A_617 = arith.index_cast %parallel_loop3A_615 : i32 to index
        %parallel_loop3A_618 = arith.index_cast %parallel_loop3A_616 : i32 to index
        %parallel_loop3A_619 = arith.index_cast %parallel_loop3A_614 : i32 to index
        %parallel_loop3A_620 = tpu.vector_load %arg9[%parallel_loop3A_617, %parallel_loop3A_618, %parallel_loop3A_619] {strides = array<i32>} : memref<4x2x32xi32, #tpu.memory_space<vmem>>, vector<16xi32>,
        %parallel_loop3A_621 = arith.constant 2 : i32
        %parallel_loop3A_622 = arith.constant 1 : i32
        %parallel_loop3A_623 = arith.index_cast %parallel_loop3A_621 : i32 to index
        %parallel_loop3A_624 = arith.index_cast %parallel_loop3A_622 : i32 to index
        %parallel_loop3A_625 = arith.index_cast %parallel_loop3A_614 : i32 to index
        %parallel_loop3A_626 = tpu.vector_load %arg9[%parallel_loop3A_623, %parallel_loop3A_624, %parallel_loop3A_625] {strides = array<i32>} : memref<4x2x32xi32, #tpu.memory_space<vmem>>, vector<16xi32>,
        %parallel_loop3A_627 = tpu.vector_load_idx %arg7[%parallel_loop3A_620] : memref<10240xf32, #tpu.memory_space<vmem>>[vector<16xi32>], vector<16xf32>,
        %parallel_loop3A_628 = tpu.vector_load_idx %arg8[%parallel_loop3A_626] : memref<10240xf32, #tpu.memory_space<vmem>>[vector<16xi32>], vector<16xf32>,
        %parallel_loop3A_629 = arith.addf %parallel_loop3A_627, %parallel_loop3A_628 : vector<16xf32>
        %parallel_loop3A_630 = arith.constant 0.000000e+00 : f32
        %parallel_loop3A_631 = vector.broadcast %parallel_loop3A_630 : f32 to vector<16xf32>
        %parallel_loop3A_632 = arith.cmpf oge, %parallel_loop3A_629, %parallel_loop3A_631 : vector<16xf32>
        %parallel_loop3A_633 = arith.constant 2.000000e-01 : f32
        %parallel_loop3A_634 = vector.broadcast %parallel_loop3A_633 : f32 to vector<16xf32>
        %parallel_loop3A_635 = arith.mulf %parallel_loop3A_634, %parallel_loop3A_629 : vector<16xf32>
        %parallel_loop3A_636 = arith.select %parallel_loop3A_632, %parallel_loop3A_629, %parallel_loop3A_635 : vector<16xi1>, vector<16xf32>
        %parallel_loop3A_637 = math.exp %parallel_loop3A_636 : vector<16xf32>
        %parallel_loop3A_638 = arith.index_cast %parallel_loop3A_614 : i32 to index
        %parallel_loop3A_639 = tpu.vector_load %arg11[%parallel_loop3A_638] {strides = array<i32>} : memref<32xf32, #tpu.memory_space<vmem>>, vector<16xf32>,
        tpu.vector_store %arg11[%parallel_loop3A_638], %parallel_loop3A_637 {strides = array<i32>} : memref<32xf32, #tpu.memory_space<vmem>>, vector<16xf32>,
        %parallel_loop3A_640 = arith.constant 7 : i32
        %parallel_loop3A_641 = vector.broadcast %parallel_loop3A_640 : i32 to vector<16xi32>
        %parallel_loop3A_642 = arith.shrui %parallel_loop3A_626, %parallel_loop3A_641 : vector<16xi32>
        %parallel_loop3A_643 = arith.constant 127 : i32
        %parallel_loop3A_644 = vector.broadcast %parallel_loop3A_643 : i32 to vector<16xi32>
        %parallel_loop3A_645 = arith.andi %parallel_loop3A_626, %parallel_loop3A_644 : vector<16xi32>
        tpu.vector_store_idx %arg13[%parallel_loop3A_642, %parallel_loop3A_645], %parallel_loop3A_637 {add = true} : memref<80x128xf32, #tpu.memory_space<vmem>>[vector<16xi32>, vector<16xi32>], vector<16xf32>,
        %parallel_loop3A_646 = arith.constant 2 : i32
        %parallel_loop3A_647 = arith.index_cast %parallel_loop3A_646 : i32 to index
        %parallel_loop3A_648 = arith.index_cast %parallel_loop3A_614 : i32 to index
        %parallel_loop3A_649 = tpu.vector_load %arg10[%parallel_loop3A_647, %parallel_loop3A_648] {strides = array<i32>} : memref<4x32xi32, #tpu.memory_space<vmem>>, vector<16xi32>,
        tpu.vector_store %arg10[%parallel_loop3A_647, %parallel_loop3A_648], %parallel_loop3A_626 {strides = array<i32>} : memref<4x32xi32, #tpu.memory_space<vmem>>, vector<16xi32>,
      } {sc.loop_unroll_factor = 2 : i64, sc.parallel_access}
      %dma_wait3A_453 = arith.constant 2 : i32
      %dma_wait3A_454 = arith.constant 0 : i32
      %dma_wait3A_455 = arith.constant 0 : i32
      %dma_wait3A_456 = tpu.memref_slice %arg12[%dma_wait3A_453, %dma_wait3A_454, %dma_wait3A_455] : memref<4x32x128xf32, #tpu.memory_space<vmem>> -> memref<1x32x128xf32, #tpu.memory_space<vmem>>
      %dma_wait3A_457 = tpu.memref_squeeze %dma_wait3A_456 : memref<1x32x128xf32, #tpu.memory_space<vmem>> -> memref<32x128xf32, #tpu.memory_space<vmem>>
      %dma_wait3A_458 = arith.constant 0 : i32
      %dma_wait3A_459 = arith.constant 0 : i32
      %dma_wait3A_460 = tpu.memref_slice %arg2[%dma_wait3A_458, %dma_wait3A_459] : memref<10240x128xf32, #tpu.memory_space<hbm>> -> memref<32x128xf32, #tpu.memory_space<hbm>>
      %dma_wait3A_461 = arith.constant 0 : i32
      %dma_wait3A_462 = arith.constant 0 : i32
      %dma_wait3A_463 = tpu.memref_slice %arg12[%dma_wait3A_453, %dma_wait3A_461, %dma_wait3A_462] : memref<4x32x128xf32, #tpu.memory_space<vmem>> -> memref<1x32x128xf32, #tpu.memory_space<vmem>>
      %dma_wait3A_464 = tpu.memref_squeeze %dma_wait3A_463 : memref<1x32x128xf32, #tpu.memory_space<vmem>> -> memref<32x128xf32, #tpu.memory_space<vmem>>
      %dma_wait3A_465 = arith.constant 0 : i32
      %dma_wait3A_466 = arith.constant 0 : i32
      %dma_wait3A_467 = tpu.memref_slice %arg2[%dma_wait3A_465, %dma_wait3A_466] : memref<10240x128xf32, #tpu.memory_space<hbm>> -> memref<32x128xf32, #tpu.memory_space<hbm>>
      tpu.wait_dma2 semaphore(%arg18 : memref<!tpu.dma_semaphore, #tpu.memory_space<semaphore_mem>>) src(%dma_wait3A_467 : memref<32x128xf32, #tpu.memory_space<hbm>>) dst(%dma_wait3A_464 : memref<32x128xf32, #tpu.memory_space<vmem>>)
      %add3A_468 = arith.constant 2 : i32
      %add3A_469 = arith.addi %add3A_401, %add3A_468 : i32
      %min3A_470 = arith.constant 323 : i32
      %min3A_471 = arith.minsi %add3A_469, %min3A_470 : i32
      %dma_start3A_472 = arith.constant 0 : i32
      %dma_start3A_473 = arith.constant 0 : i32
      %dma_start3A_474 = arith.constant 0 : i32
      %dma_start3A_475 = tpu.memref_slice %arg9[%dma_start3A_472, %dma_start3A_473, %dma_start3A_474] : memref<4x2x32xi32, #tpu.memory_space<vmem>> -> memref<1x2x32xi32, #tpu.memory_space<vmem>>
      %dma_start3A_476 = tpu.memref_squeeze %dma_start3A_475 : memref<1x2x32xi32, #tpu.memory_space<vmem>> -> memref<2x32xi32, #tpu.memory_space<vmem>>
      %dma_start3A_477 = arith.constant 0 : i32
      %dma_start3A_478 = arith.constant 0 : i32
      %dma_start3A_479 = tpu.memref_slice %arg5[%add3A, %min3A_471, %dma_start3A_477, %dma_start3A_478] : memref<32x324x2x32xi32, #tpu.memory_space<hbm>> -> memref<1x1x2x32xi32, #tpu.memory_space<hbm>>
      %dma_start3A_480 = tpu.memref_squeeze %dma_start3A_479 : memref<1x1x2x32xi32, #tpu.memory_space<hbm>> -> memref<2x32xi32, #tpu.memory_space<hbm>>
      %dma_start3A_481 = arith.constant 0 : i32
      %dma_start3A_482 = arith.constant 0 : i32
      %dma_start3A_483 = tpu.memref_slice %arg9[%dma_start3A_472, %dma_start3A_481, %dma_start3A_482] : memref<4x2x32xi32, #tpu.memory_space<vmem>> -> memref<1x2x32xi32, #tpu.memory_space<vmem>>
      %dma_start3A_484 = tpu.memref_squeeze %dma_start3A_483 : memref<1x2x32xi32, #tpu.memory_space<vmem>> -> memref<2x32xi32, #tpu.memory_space<vmem>>
      %dma_start3A_485 = arith.constant 0 : i32
      %dma_start3A_486 = arith.constant 0 : i32
      %dma_start3A_487 = tpu.memref_slice %arg5[%add3A, %min3A_471, %dma_start3A_485, %dma_start3A_486] : memref<32x324x2x32xi32, #tpu.memory_space<hbm>> -> memref<1x1x2x32xi32, #tpu.memory_space<hbm>>
      %dma_start3A_488 = tpu.memref_squeeze %dma_start3A_487 : memref<1x1x2x32xi32, #tpu.memory_space<hbm>> -> memref<2x32xi32, #tpu.memory_space<hbm>>
      tpu.enqueue_dma source(%dma_start3A_488 : memref<2x32xi32, #tpu.memory_space<hbm>>) target(%dma_start3A_484 : memref<2x32xi32, #tpu.memory_space<vmem>>) target_semaphore(%arg24 : memref<!tpu.dma_semaphore, #tpu.memory_space<semaphore_mem>>)
      %parallel_loop3A_489 = arith.constant 0 : i32
      %parallel_loop3A_490 = arith.constant 0 : i32
      %parallel_loop3A_491 = arith.constant 1 : i32
      scf.for %parallel_loop3A_614 = %parallel_loop3A_489 to %parallel_loop3A_490 step %parallel_loop3A_491  : i32 {
        %parallel_loop3A_615 = vector.broadcast %parallel_loop3A_614 : i32 to vector<16xi32>
        %parallel_loop3A_616 = arith.addi %broadcast_in_dim3A_3, %parallel_loop3A_615 : vector<16xi32>
        %parallel_loop3A_617 = tpu.vector_load_idx %arg11[%parallel_loop3A_616] : memref<32xf32, #tpu.memory_space<vmem>>[vector<16xi32>], vector<16xf32>,
        %parallel_loop3A_618 = arith.constant 2 : i32
        %parallel_loop3A_619 = arith.index_cast %parallel_loop3A_618 : i32 to index
        %parallel_loop3A_620 = arith.index_cast %parallel_loop3A_614 : i32 to index
        %parallel_loop3A_621 = arith.constant 0 : index
        %parallel_loop3A_622 = tpu.vector_load %arg12[%parallel_loop3A_619, %parallel_loop3A_620, %parallel_loop3A_621] {strides = array<i32>} : memref<4x32x128xf32, #tpu.memory_space<vmem>>, vector<16xf32>,
        %parallel_loop3A_623 = arith.mulf %parallel_loop3A_622, %parallel_loop3A_617 : vector<16xf32>
        %parallel_loop3A_624 = arith.constant 2 : i32
        %parallel_loop3A_625 = arith.index_cast %parallel_loop3A_624 : i32 to index
        %parallel_loop3A_626 = arith.index_cast %parallel_loop3A_614 : i32 to index
        %parallel_loop3A_627 = arith.constant 0 : index
        %parallel_loop3A_628 = tpu.vector_load %arg12[%parallel_loop3A_625, %parallel_loop3A_626, %parallel_loop3A_627] {strides = array<i32>} : memref<4x32x128xf32, #tpu.memory_space<vmem>>, vector<16xf32>,
        tpu.vector_store %arg12[%parallel_loop3A_625, %parallel_loop3A_626, %parallel_loop3A_627], %parallel_loop3A_623 {strides = array<i32>} : memref<4x32x128xf32, #tpu.memory_space<vmem>>, vector<16xf32>,
        %parallel_loop3A_629 = arith.constant 2 : i32
        %parallel_loop3A_630 = arith.index_cast %parallel_loop3A_629 : i32 to index
        %parallel_loop3A_631 = arith.index_cast %parallel_loop3A_614 : i32 to index
        %parallel_loop3A_632 = arith.constant 16 : index
        %parallel_loop3A_633 = tpu.vector_load %arg12[%parallel_loop3A_630, %parallel_loop3A_631, %parallel_loop3A_632] {strides = array<i32>} : memref<4x32x128xf32, #tpu.memory_space<vmem>>, vector<16xf32>,
        %parallel_loop3A_634 = arith.mulf %parallel_loop3A_633, %parallel_loop3A_617 : vector<16xf32>
        %parallel_loop3A_635 = arith.constant 2 : i32
        %parallel_loop3A_636 = arith.index_cast %parallel_loop3A_635 : i32 to index
        %parallel_loop3A_637 = arith.index_cast %parallel_loop3A_614 : i32 to index
        %parallel_loop3A_638 = arith.constant 16 : index
        %parallel_loop3A_639 = tpu.vector_load %arg12[%parallel_loop3A_636, %parallel_loop3A_637, %parallel_loop3A_638] {strides = array<i32>} : memref<4x32x128xf32, #tpu.memory_space<vmem>>, vector<16xf32>,
        tpu.vector_store %arg12[%parallel_loop3A_636, %parallel_loop3A_637, %parallel_loop3A_638], %parallel_loop3A_634 {strides = array<i32>} : memref<4x32x128xf32, #tpu.memory_space<vmem>>, vector<16xf32>,
        %parallel_loop3A_640 = arith.constant 2 : i32
        %parallel_loop3A_641 = arith.index_cast %parallel_loop3A_640 : i32 to index
        %parallel_loop3A_642 = arith.index_cast %parallel_loop3A_614 : i32 to index
        %parallel_loop3A_643 = arith.constant 32 : index
        %parallel_loop3A_644 = tpu.vector_load %arg12[%parallel_loop3A_641, %parallel_loop3A_642, %parallel_loop3A_643] {strides = array<i32>} : memref<4x32x128xf32, #tpu.memory_space<vmem>>, vector<16xf32>,
        %parallel_loop3A_645 = arith.mulf %parallel_loop3A_644, %parallel_loop3A_617 : vector<16xf32>
        %parallel_loop3A_646 = arith.constant 2 : i32
        %parallel_loop3A_647 = arith.index_cast %parallel_loop3A_646 : i32 to index
        %parallel_loop3A_648 = arith.index_cast %parallel_loop3A_614 : i32 to index
        %parallel_loop3A_649 = arith.constant 32 : index
        %parallel_loop3A_650 = tpu.vector_load %arg12[%parallel_loop3A_647, %parallel_loop3A_648, %parallel_loop3A_649] {strides = array<i32>} : memref<4x32x128xf32, #tpu.memory_space<vmem>>, vector<16xf32>,
        tpu.vector_store %arg12[%parallel_loop3A_647, %parallel_loop3A_648, %parallel_loop3A_649], %parallel_loop3A_645 {strides = array<i32>} : memref<4x32x128xf32, #tpu.memory_space<vmem>>, vector<16xf32>,
        %parallel_loop3A_651 = arith.constant 2 : i32
        %parallel_loop3A_652 = arith.index_cast %parallel_loop3A_651 : i32 to index
        %parallel_loop3A_653 = arith.index_cast %parallel_loop3A_614 : i32 to index
        %parallel_loop3A_654 = arith.constant 48 : index
        %parallel_loop3A_655 = tpu.vector_load %arg12[%parallel_loop3A_652, %parallel_loop3A_653, %parallel_loop3A_654] {strides = array<i32>} : memref<4x32x128xf32, #tpu.memory_space<vmem>>, vector<16xf32>,
        %parallel_loop3A_656 = arith.mulf %parallel_loop3A_655, %parallel_loop3A_617 : vector<16xf32>
        %parallel_loop3A_657 = arith.constant 2 : i32
        %parallel_loop3A_658 = arith.index_cast %parallel_loop3A_657 : i32 to index
        %parallel_loop3A_659 = arith.index_cast %parallel_loop3A_614 : i32 to index
        %parallel_loop3A_660 = arith.constant 48 : index
        %parallel_loop3A_661 = tpu.vector_load %arg12[%parallel_loop3A_658, %parallel_loop3A_659, %parallel_loop3A_660] {strides = array<i32>} : memref<4x32x128xf32, #tpu.memory_space<vmem>>, vector<16xf32>,
        tpu.vector_store %arg12[%parallel_loop3A_658, %parallel_loop3A_659, %parallel_loop3A_660], %parallel_loop3A_656 {strides = array<i32>} : memref<4x32x128xf32, #tpu.memory_space<vmem>>, vector<16xf32>,
        %parallel_loop3A_662 = arith.constant 2 : i32
        %parallel_loop3A_663 = arith.index_cast %parallel_loop3A_662 : i32 to index
        %parallel_loop3A_664 = arith.index_cast %parallel_loop3A_614 : i32 to index
        %parallel_loop3A_665 = arith.constant 64 : index
        %parallel_loop3A_666 = tpu.vector_load %arg12[%parallel_loop3A_663, %parallel_loop3A_664, %parallel_loop3A_665] {strides = array<i32>} : memref<4x32x128xf32, #tpu.memory_space<vmem>>, vector<16xf32>,
        %parallel_loop3A_667 = arith.mulf %parallel_loop3A_666, %parallel_loop3A_617 : vector<16xf32>
        %parallel_loop3A_668 = arith.constant 2 : i32
        %parallel_loop3A_669 = arith.index_cast %parallel_loop3A_668 : i32 to index
        %parallel_loop3A_670 = arith.index_cast %parallel_loop3A_614 : i32 to index
        %parallel_loop3A_671 = arith.constant 64 : index
        %parallel_loop3A_672 = tpu.vector_load %arg12[%parallel_loop3A_669, %parallel_loop3A_670, %parallel_loop3A_671] {strides = array<i32>} : memref<4x32x128xf32, #tpu.memory_space<vmem>>, vector<16xf32>,
        tpu.vector_store %arg12[%parallel_loop3A_669, %parallel_loop3A_670, %parallel_loop3A_671], %parallel_loop3A_667 {strides = array<i32>} : memref<4x32x128xf32, #tpu.memory_space<vmem>>, vector<16xf32>,
        %parallel_loop3A_673 = arith.constant 2 : i32
        %parallel_loop3A_674 = arith.index_cast %parallel_loop3A_673 : i32 to index
        %parallel_loop3A_675 = arith.index_cast %parallel_loop3A_614 : i32 to index
        %parallel_loop3A_676 = arith.constant 80 : index
        %parallel_loop3A_677 = tpu.vector_load %arg12[%parallel_loop3A_674, %parallel_loop3A_675, %parallel_loop3A_676] {strides = array<i32>} : memref<4x32x128xf32, #tpu.memory_space<vmem>>, vector<16xf32>,
        %parallel_loop3A_678 = arith.mulf %parallel_loop3A_677, %parallel_loop3A_617 : vector<16xf32>
        %parallel_loop3A_679 = arith.constant 2 : i32
        %parallel_loop3A_680 = arith.index_cast %parallel_loop3A_679 : i32 to index
        %parallel_loop3A_681 = arith.index_cast %parallel_loop3A_614 : i32 to index
        %parallel_loop3A_682 = arith.constant 80 : index
        %parallel_loop3A_683 = tpu.vector_load %arg12[%parallel_loop3A_680, %parallel_loop3A_681, %parallel_loop3A_682] {strides = array<i32>} : memref<4x32x128xf32, #tpu.memory_space<vmem>>, vector<16xf32>,
        tpu.vector_store %arg12[%parallel_loop3A_680, %parallel_loop3A_681, %parallel_loop3A_682], %parallel_loop3A_678 {strides = array<i32>} : memref<4x32x128xf32, #tpu.memory_space<vmem>>, vector<16xf32>,
        %parallel_loop3A_684 = arith.constant 2 : i32
        %parallel_loop3A_685 = arith.index_cast %parallel_loop3A_684 : i32 to index
        %parallel_loop3A_686 = arith.index_cast %parallel_loop3A_614 : i32 to index
        %parallel_loop3A_687 = arith.constant 96 : index
        %parallel_loop3A_688 = tpu.vector_load %arg12[%parallel_loop3A_685, %parallel_loop3A_686, %parallel_loop3A_687] {strides = array<i32>} : memref<4x32x128xf32, #tpu.memory_space<vmem>>, vector<16xf32>,
        %parallel_loop3A_689 = arith.mulf %parallel_loop3A_688, %parallel_loop3A_617 : vector<16xf32>
        %parallel_loop3A_690 = arith.constant 2 : i32
        %parallel_loop3A_691 = arith.index_cast %parallel_loop3A_690 : i32 to index
        %parallel_loop3A_692 = arith.index_cast %parallel_loop3A_614 : i32 to index
        %parallel_loop3A_693 = arith.constant 96 : index
        %parallel_loop3A_694 = tpu.vector_load %arg12[%parallel_loop3A_691, %parallel_loop3A_692, %parallel_loop3A_693] {strides = array<i32>} : memref<4x32x128xf32, #tpu.memory_space<vmem>>, vector<16xf32>,
        tpu.vector_store %arg12[%parallel_loop3A_691, %parallel_loop3A_692, %parallel_loop3A_693], %parallel_loop3A_689 {strides = array<i32>} : memref<4x32x128xf32, #tpu.memory_space<vmem>>, vector<16xf32>,
        %parallel_loop3A_695 = arith.constant 2 : i32
        %parallel_loop3A_696 = arith.index_cast %parallel_loop3A_695 : i32 to index
        %parallel_loop3A_697 = arith.index_cast %parallel_loop3A_614 : i32 to index
        %parallel_loop3A_698 = arith.constant 112 : index
        %parallel_loop3A_699 = tpu.vector_load %arg12[%parallel_loop3A_696, %parallel_loop3A_697, %parallel_loop3A_698] {strides = array<i32>} : memref<4x32x128xf32, #tpu.memory_space<vmem>>, vector<16xf32>,
        %parallel_loop3A_700 = arith.mulf %parallel_loop3A_699, %parallel_loop3A_617 : vector<16xf32>
        %parallel_loop3A_701 = arith.constant 2 : i32
        %parallel_loop3A_702 = arith.index_cast %parallel_loop3A_701 : i32 to index
        %parallel_loop3A_703 = arith.index_cast %parallel_loop3A_614 : i32 to index
        %parallel_loop3A_704 = arith.constant 112 : index
        %parallel_loop3A_705 = tpu.vector_load %arg12[%parallel_loop3A_702, %parallel_loop3A_703, %parallel_loop3A_704] {strides = array<i32>} : memref<4x32x128xf32, #tpu.memory_space<vmem>>, vector<16xf32>,
        tpu.vector_store %arg12[%parallel_loop3A_702, %parallel_loop3A_703, %parallel_loop3A_704], %parallel_loop3A_700 {strides = array<i32>} : memref<4x32x128xf32, #tpu.memory_space<vmem>>, vector<16xf32>,
      } {sc.loop_unroll_factor = 4 : i64, sc.parallel_access}
      %mul3A_492 = arith.constant 640 : i32
      %mul3A_493 = arith.muli %arg1, %mul3A_492 : i32
      %dma_start3A_494 = arith.constant 2 : i32
      %dma_start3A_495 = arith.constant 0 : i32
      %dma_start3A_496 = arith.constant 0 : i32
      %dma_start3A_497 = tpu.memref_slice %arg12[%dma_start3A_494, %dma_start3A_495, %dma_start3A_496] : memref<4x32x128xf32, #tpu.memory_space<vmem>> -> memref<1x32x128xf32, #tpu.memory_space<vmem>>
      %dma_start3A_498 = tpu.memref_squeeze %dma_start3A_497 : memref<1x32x128xf32, #tpu.memory_space<vmem>> -> memref<32x128xf32, #tpu.memory_space<vmem>>
      %dma_start3A_499 = arith.constant 0 : i32
      %dma_start3A_500 = tpu.memref_slice %arg15[%mul3A_493, %dma_start3A_499] : memref<10240x128xf32, #tpu.memory_space<vmem_shared>> -> memref<32x128xf32, #tpu.memory_space<vmem_shared>>
      %dma_start3A_501 = arith.constant 0 : i32
      %dma_start3A_502 = tpu.memref_slice %arg15[%mul3A_493, %dma_start3A_501] : memref<10240x128xf32, #tpu.memory_space<vmem_shared>> -> memref<32x128xf32, #tpu.memory_space<vmem_shared>>
      %dma_start3A_503 = arith.constant 0 : i32
      %dma_start3A_504 = arith.constant 0 : i32
      %dma_start3A_505 = tpu.memref_slice %arg12[%dma_start3A_494, %dma_start3A_503, %dma_start3A_504] : memref<4x32x128xf32, #tpu.memory_space<vmem>> -> memref<1x32x128xf32, #tpu.memory_space<vmem>>
      %dma_start3A_506 = tpu.memref_squeeze %dma_start3A_505 : memref<1x32x128xf32, #tpu.memory_space<vmem>> -> memref<32x128xf32, #tpu.memory_space<vmem>>
      tpu.enqueue_dma source(%dma_start3A_506 : memref<32x128xf32, #tpu.memory_space<vmem>>) target(%dma_start3A_502 : memref<32x128xf32, #tpu.memory_space<vmem_shared>>) target_semaphore(%arg22 : memref<!tpu.dma_semaphore, #tpu.memory_space<semaphore_mem>>)
      %add3A_507 = arith.constant 3 : i32
      %add3A_508 = arith.addi %add3A_187, %add3A_507 : i32
      %dma_wait3A_509 = arith.constant 0 : i32
      %dma_wait3A_510 = arith.constant 0 : i32
      %dma_wait3A_511 = arith.constant 0 : i32
      %dma_wait3A_512 = arith.constant 0 : i32
      %dma_wait3A_513 = tpu.memref_slice %arg9[%dma_wait3A_510, %dma_wait3A_511, %dma_wait3A_512] : memref<4x2x32xi32, #tpu.memory_space<vmem>> -> memref<1x2x32xi32, #tpu.memory_space<vmem>>
      %dma_wait3A_514 = tpu.memref_squeeze %dma_wait3A_513 : memref<1x2x32xi32, #tpu.memory_space<vmem>> -> memref<2x32xi32, #tpu.memory_space<vmem>>
      %dma_wait3A_515 = arith.constant 0 : i32
      %dma_wait3A_516 = arith.constant 0 : i32
      %dma_wait3A_517 = tpu.memref_slice %arg5[%add3A, %dma_wait3A_509, %dma_wait3A_515, %dma_wait3A_516] : memref<32x324x2x32xi32, #tpu.memory_space<hbm>> -> memref<1x1x2x32xi32, #tpu.memory_space<hbm>>
      %dma_wait3A_518 = tpu.memref_squeeze %dma_wait3A_517 : memref<1x1x2x32xi32, #tpu.memory_space<hbm>> -> memref<2x32xi32, #tpu.memory_space<hbm>>
      %dma_wait3A_519 = arith.constant 0 : i32
      %dma_wait3A_520 = arith.constant 0 : i32
      %dma_wait3A_521 = tpu.memref_slice %arg9[%dma_wait3A_510, %dma_wait3A_519, %dma_wait3A_520] : memref<4x2x32xi32, #tpu.memory_space<vmem>> -> memref<1x2x32xi32, #tpu.memory_space<vmem>>
      %dma_wait3A_522 = tpu.memref_squeeze %dma_wait3A_521 : memref<1x2x32xi32, #tpu.memory_space<vmem>> -> memref<2x32xi32, #tpu.memory_space<vmem>>
      %dma_wait3A_523 = arith.constant 0 : i32
      %dma_wait3A_524 = arith.constant 0 : i32
      %dma_wait3A_525 = tpu.memref_slice %arg5[%add3A, %dma_wait3A_509, %dma_wait3A_523, %dma_wait3A_524] : memref<32x324x2x32xi32, #tpu.memory_space<hbm>> -> memref<1x1x2x32xi32, #tpu.memory_space<hbm>>
      %dma_wait3A_526 = tpu.memref_squeeze %dma_wait3A_525 : memref<1x1x2x32xi32, #tpu.memory_space<hbm>> -> memref<2x32xi32, #tpu.memory_space<hbm>>
      tpu.wait_dma2 semaphore(%arg24 : memref<!tpu.dma_semaphore, #tpu.memory_space<semaphore_mem>>) src(%dma_wait3A_526 : memref<2x32xi32, #tpu.memory_space<hbm>>) dst(%dma_wait3A_522 : memref<2x32xi32, #tpu.memory_space<vmem>>)
      %dma_wait3A_527 = arith.constant 0 : i32
      %dma_wait3A_528 = arith.constant 0 : i32
      %dma_wait3A_529 = arith.constant 0 : i32
      %dma_wait3A_530 = tpu.memref_slice %arg12[%dma_wait3A_527, %dma_wait3A_528, %dma_wait3A_529] : memref<4x32x128xf32, #tpu.memory_space<vmem>> -> memref<1x32x128xf32, #tpu.memory_space<vmem>>
      %dma_wait3A_531 = tpu.memref_squeeze %dma_wait3A_530 : memref<1x32x128xf32, #tpu.memory_space<vmem>> -> memref<32x128xf32, #tpu.memory_space<vmem>>
      %dma_wait3A_532 = arith.constant 0 : i32
      %dma_wait3A_533 = arith.constant 0 : i32
      %dma_wait3A_534 = tpu.memref_slice %arg2[%dma_wait3A_532, %dma_wait3A_533] : memref<10240x128xf32, #tpu.memory_space<hbm>> -> memref<32x128xf32, #tpu.memory_space<hbm>>
      %dma_wait3A_535 = arith.constant 0 : i32
      %dma_wait3A_536 = arith.constant 0 : i32
      %dma_wait3A_537 = tpu.memref_slice %arg12[%dma_wait3A_527, %dma_wait3A_535, %dma_wait3A_536] : memref<4x32x128xf32, #tpu.memory_space<vmem>> -> memref<1x32x128xf32, #tpu.memory_space<vmem>>
      %dma_wait3A_538 = tpu.memref_squeeze %dma_wait3A_537 : memref<1x32x128xf32, #tpu.memory_space<vmem>> -> memref<32x128xf32, #tpu.memory_space<vmem>>
      %dma_wait3A_539 = arith.constant 0 : i32
      %dma_wait3A_540 = arith.constant 0 : i32
      %dma_wait3A_541 = tpu.memref_slice %arg2[%dma_wait3A_539, %dma_wait3A_540] : memref<10240x128xf32, #tpu.memory_space<hbm>> -> memref<32x128xf32, #tpu.memory_space<hbm>>
      tpu.wait_dma2 semaphore(%arg20 : memref<!tpu.dma_semaphore, #tpu.memory_space<semaphore_mem>>) src(%dma_wait3A_541 : memref<32x128xf32, #tpu.memory_space<hbm>>) dst(%dma_wait3A_538 : memref<32x128xf32, #tpu.memory_space<vmem>>)
      %dma_start3A_542 = arith.constant 0 : i32
      %dma_start3A_543 = arith.constant 0 : i32
      %dma_start3A_544 = arith.constant 0 : i32
      %dma_start3A_545 = tpu.memref_slice %arg12[%dma_start3A_542, %dma_start3A_543, %dma_start3A_544] : memref<4x32x128xf32, #tpu.memory_space<vmem>> -> memref<1x32x128xf32, #tpu.memory_space<vmem>>
      %dma_start3A_546 = tpu.memref_squeeze %dma_start3A_545 : memref<1x32x128xf32, #tpu.memory_space<vmem>> -> memref<32x128xf32, #tpu.memory_space<vmem>>
      %dma_start3A_547 = arith.constant 0 : i32
      %dma_start3A_548 = arith.constant 0 : i32
      %dma_start3A_549 = tpu.memref_slice %arg2[%dma_start3A_547, %dma_start3A_548] : memref<10240x128xf32, #tpu.memory_space<hbm>> -> memref<32x128xf32, #tpu.memory_space<hbm>>
      %dma_start3A_550 = arith.constant 0 : i32
      %dma_start3A_551 = arith.constant 0 : i32
      %dma_start3A_552 = tpu.memref_slice %arg12[%dma_start3A_542, %dma_start3A_550, %dma_start3A_551] : memref<4x32x128xf32, #tpu.memory_space<vmem>> -> memref<1x32x128xf32, #tpu.memory_space<vmem>>
      %dma_start3A_553 = tpu.memref_squeeze %dma_start3A_552 : memref<1x32x128xf32, #tpu.memory_space<vmem>> -> memref<32x128xf32, #tpu.memory_space<vmem>>
      %dma_start3A_554 = arith.constant 0 : i32
      %dma_start3A_555 = arith.constant 0 : i32
      %dma_start3A_556 = tpu.memref_slice %arg2[%dma_start3A_554, %dma_start3A_555] : memref<10240x128xf32, #tpu.memory_space<hbm>> -> memref<32x128xf32, #tpu.memory_space<hbm>>
      tpu.enqueue_dma source(%dma_start3A_556 : memref<32x128xf32, #tpu.memory_space<hbm>>) target(%dma_start3A_553 : memref<32x128xf32, #tpu.memory_space<vmem>>) target_semaphore(%arg16 : memref<!tpu.dma_semaphore, #tpu.memory_space<semaphore_mem>>)
      %parallel_loop3A_557 = arith.constant 0 : i32
      %parallel_loop3A_558 = arith.constant 32 : i32
      %parallel_loop3A_559 = arith.constant 16 : i32
      scf.for %parallel_loop3A_614 = %parallel_loop3A_557 to %parallel_loop3A_558 step %parallel_loop3A_559  : i32 {
        %parallel_loop3A_615 = arith.constant 3 : i32
        %parallel_loop3A_616 = arith.constant 0 : i32
        %parallel_loop3A_617 = arith.index_cast %parallel_loop3A_615 : i32 to index
        %parallel_loop3A_618 = arith.index_cast %parallel_loop3A_616 : i32 to index
        %parallel_loop3A_619 = arith.index_cast %parallel_loop3A_614 : i32 to index
        %parallel_loop3A_620 = tpu.vector_load %arg9[%parallel_loop3A_617, %parallel_loop3A_618, %parallel_loop3A_619] {strides = array<i32>} : memref<4x2x32xi32, #tpu.memory_space<vmem>>, vector<16xi32>,
        %parallel_loop3A_621 = arith.constant 3 : i32
        %parallel_loop3A_622 = arith.constant 1 : i32
        %parallel_loop3A_623 = arith.index_cast %parallel_loop3A_621 : i32 to index
        %parallel_loop3A_624 = arith.index_cast %parallel_loop3A_622 : i32 to index
        %parallel_loop3A_625 = arith.index_cast %parallel_loop3A_614 : i32 to index
        %parallel_loop3A_626 = tpu.vector_load %arg9[%parallel_loop3A_623, %parallel_loop3A_624, %parallel_loop3A_625] {strides = array<i32>} : memref<4x2x32xi32, #tpu.memory_space<vmem>>, vector<16xi32>,
        %parallel_loop3A_627 = tpu.vector_load_idx %arg7[%parallel_loop3A_620] : memref<10240xf32, #tpu.memory_space<vmem>>[vector<16xi32>], vector<16xf32>,
        %parallel_loop3A_628 = tpu.vector_load_idx %arg8[%parallel_loop3A_626] : memref<10240xf32, #tpu.memory_space<vmem>>[vector<16xi32>], vector<16xf32>,
        %parallel_loop3A_629 = arith.addf %parallel_loop3A_627, %parallel_loop3A_628 : vector<16xf32>
        %parallel_loop3A_630 = arith.constant 0.000000e+00 : f32
        %parallel_loop3A_631 = vector.broadcast %parallel_loop3A_630 : f32 to vector<16xf32>
        %parallel_loop3A_632 = arith.cmpf oge, %parallel_loop3A_629, %parallel_loop3A_631 : vector<16xf32>
        %parallel_loop3A_633 = arith.constant 2.000000e-01 : f32
        %parallel_loop3A_634 = vector.broadcast %parallel_loop3A_633 : f32 to vector<16xf32>
        %parallel_loop3A_635 = arith.mulf %parallel_loop3A_634, %parallel_loop3A_629 : vector<16xf32>
        %parallel_loop3A_636 = arith.select %parallel_loop3A_632, %parallel_loop3A_629, %parallel_loop3A_635 : vector<16xi1>, vector<16xf32>
        %parallel_loop3A_637 = math.exp %parallel_loop3A_636 : vector<16xf32>
        %parallel_loop3A_638 = arith.index_cast %parallel_loop3A_614 : i32 to index
        %parallel_loop3A_639 = tpu.vector_load %arg11[%parallel_loop3A_638] {strides = array<i32>} : memref<32xf32, #tpu.memory_space<vmem>>, vector<16xf32>,
        tpu.vector_store %arg11[%parallel_loop3A_638], %parallel_loop3A_637 {strides = array<i32>} : memref<32xf32, #tpu.memory_space<vmem>>, vector<16xf32>,
        %parallel_loop3A_640 = arith.constant 7 : i32
        %parallel_loop3A_641 = vector.broadcast %parallel_loop3A_640 : i32 to vector<16xi32>
        %parallel_loop3A_642 = arith.shrui %parallel_loop3A_626, %parallel_loop3A_641 : vector<16xi32>
        %parallel_loop3A_643 = arith.constant 127 : i32
        %parallel_loop3A_644 = vector.broadcast %parallel_loop3A_643 : i32 to vector<16xi32>
        %parallel_loop3A_645 = arith.andi %parallel_loop3A_626, %parallel_loop3A_644 : vector<16xi32>
        tpu.vector_store_idx %arg13[%parallel_loop3A_642, %parallel_loop3A_645], %parallel_loop3A_637 {add = true} : memref<80x128xf32, #tpu.memory_space<vmem>>[vector<16xi32>, vector<16xi32>], vector<16xf32>,
        %parallel_loop3A_646 = arith.constant 3 : i32
        %parallel_loop3A_647 = arith.index_cast %parallel_loop3A_646 : i32 to index
        %parallel_loop3A_648 = arith.index_cast %parallel_loop3A_614 : i32 to index
        %parallel_loop3A_649 = tpu.vector_load %arg10[%parallel_loop3A_647, %parallel_loop3A_648] {strides = array<i32>} : memref<4x32xi32, #tpu.memory_space<vmem>>, vector<16xi32>,
        tpu.vector_store %arg10[%parallel_loop3A_647, %parallel_loop3A_648], %parallel_loop3A_626 {strides = array<i32>} : memref<4x32xi32, #tpu.memory_space<vmem>>, vector<16xi32>,
      } {sc.loop_unroll_factor = 2 : i64, sc.parallel_access}
      %dma_wait3A_560 = arith.constant 3 : i32
      %dma_wait3A_561 = arith.constant 0 : i32
      %dma_wait3A_562 = arith.constant 0 : i32
      %dma_wait3A_563 = tpu.memref_slice %arg12[%dma_wait3A_560, %dma_wait3A_561, %dma_wait3A_562] : memref<4x32x128xf32, #tpu.memory_space<vmem>> -> memref<1x32x128xf32, #tpu.memory_space<vmem>>
      %dma_wait3A_564 = tpu.memref_squeeze %dma_wait3A_563 : memref<1x32x128xf32, #tpu.memory_space<vmem>> -> memref<32x128xf32, #tpu.memory_space<vmem>>
      %dma_wait3A_565 = arith.constant 0 : i32
      %dma_wait3A_566 = arith.constant 0 : i32
      %dma_wait3A_567 = tpu.memref_slice %arg2[%dma_wait3A_565, %dma_wait3A_566] : memref<10240x128xf32, #tpu.memory_space<hbm>> -> memref<32x128xf32, #tpu.memory_space<hbm>>
      %dma_wait3A_568 = arith.constant 0 : i32
      %dma_wait3A_569 = arith.constant 0 : i32
      %dma_wait3A_570 = tpu.memref_slice %arg12[%dma_wait3A_560, %dma_wait3A_568, %dma_wait3A_569] : memref<4x32x128xf32, #tpu.memory_space<vmem>> -> memref<1x32x128xf32, #tpu.memory_space<vmem>>
      %dma_wait3A_571 = tpu.memref_squeeze %dma_wait3A_570 : memref<1x32x128xf32, #tpu.memory_space<vmem>> -> memref<32x128xf32, #tpu.memory_space<vmem>>
      %dma_wait3A_572 = arith.constant 0 : i32
      %dma_wait3A_573 = arith.constant 0 : i32
      %dma_wait3A_574 = tpu.memref_slice %arg2[%dma_wait3A_572, %dma_wait3A_573] : memref<10240x128xf32, #tpu.memory_space<hbm>> -> memref<32x128xf32, #tpu.memory_space<hbm>>
      tpu.wait_dma2 semaphore(%arg19 : memref<!tpu.dma_semaphore, #tpu.memory_space<semaphore_mem>>) src(%dma_wait3A_574 : memref<32x128xf32, #tpu.memory_space<hbm>>) dst(%dma_wait3A_571 : memref<32x128xf32, #tpu.memory_space<vmem>>)
      %add3A_575 = arith.constant 2 : i32
      %add3A_576 = arith.addi %add3A_508, %add3A_575 : i32
      %min3A_577 = arith.constant 323 : i32
      %min3A_578 = arith.minsi %add3A_576, %min3A_577 : i32
      %dma_start3A_579 = arith.constant 1 : i32
      %dma_start3A_580 = arith.constant 0 : i32
      %dma_start3A_581 = arith.constant 0 : i32
      %dma_start3A_582 = tpu.memref_slice %arg9[%dma_start3A_579, %dma_start3A_580, %dma_start3A_581] : memref<4x2x32xi32, #tpu.memory_space<vmem>> -> memref<1x2x32xi32, #tpu.memory_space<vmem>>
      %dma_start3A_583 = tpu.memref_squeeze %dma_start3A_582 : memref<1x2x32xi32, #tpu.memory_space<vmem>> -> memref<2x32xi32, #tpu.memory_space<vmem>>
      %dma_start3A_584 = arith.constant 0 : i32
      %dma_start3A_585 = arith.constant 0 : i32
      %dma_start3A_586 = tpu.memref_slice %arg5[%add3A, %min3A_578, %dma_start3A_584, %dma_start3A_585] : memref<32x324x2x32xi32, #tpu.memory_space<hbm>> -> memref<1x1x2x32xi32, #tpu.memory_space<hbm>>
      %dma_start3A_587 = tpu.memref_squeeze %dma_start3A_586 : memref<1x1x2x32xi32, #tpu.memory_space<hbm>> -> memref<2x32xi32, #tpu.memory_space<hbm>>
      %dma_start3A_588 = arith.constant 0 : i32
      %dma_start3A_589 = arith.constant 0 : i32
      %dma_start3A_590 = tpu.memref_slice %arg9[%dma_start3A_579, %dma_start3A_588, %dma_start3A_589] : memref<4x2x32xi32, #tpu.memory_space<vmem>> -> memref<1x2x32xi32, #tpu.memory_space<vmem>>
      %dma_start3A_591 = tpu.memref_squeeze %dma_start3A_590 : memref<1x2x32xi32, #tpu.memory_space<vmem>> -> memref<2x32xi32, #tpu.memory_space<vmem>>
      %dma_start3A_592 = arith.constant 0 : i32
      %dma_start3A_593 = arith.constant 0 : i32
      %dma_start3A_594 = tpu.memref_slice %arg5[%add3A, %min3A_578, %dma_start3A_592, %dma_start3A_593] : memref<32x324x2x32xi32, #tpu.memory_space<hbm>> -> memref<1x1x2x32xi32, #tpu.memory_space<hbm>>
      %dma_start3A_595 = tpu.memref_squeeze %dma_start3A_594 : memref<1x1x2x32xi32, #tpu.memory_space<hbm>> -> memref<2x32xi32, #tpu.memory_space<hbm>>
      tpu.enqueue_dma source(%dma_start3A_595 : memref<2x32xi32, #tpu.memory_space<hbm>>) target(%dma_start3A_591 : memref<2x32xi32, #tpu.memory_space<vmem>>) target_semaphore(%arg25 : memref<!tpu.dma_semaphore, #tpu.memory_space<semaphore_mem>>)
      %parallel_loop3A_596 = arith.constant 0 : i32
      %parallel_loop3A_597 = arith.constant 0 : i32
      %parallel_loop3A_598 = arith.constant 1 : i32
      scf.for %parallel_loop3A_614 = %parallel_loop3A_596 to %parallel_loop3A_597 step %parallel_loop3A_598  : i32 {
        %parallel_loop3A_615 = vector.broadcast %parallel_loop3A_614 : i32 to vector<16xi32>
        %parallel_loop3A_616 = arith.addi %broadcast_in_dim3A_3, %parallel_loop3A_615 : vector<16xi32>
        %parallel_loop3A_617 = tpu.vector_load_idx %arg11[%parallel_loop3A_616] : memref<32xf32, #tpu.memory_space<vmem>>[vector<16xi32>], vector<16xf32>,
        %parallel_loop3A_618 = arith.constant 3 : i32
        %parallel_loop3A_619 = arith.index_cast %parallel_loop3A_618 : i32 to index
        %parallel_loop3A_620 = arith.index_cast %parallel_loop3A_614 : i32 to index
        %parallel_loop3A_621 = arith.constant 0 : index
        %parallel_loop3A_622 = tpu.vector_load %arg12[%parallel_loop3A_619, %parallel_loop3A_620, %parallel_loop3A_621] {strides = array<i32>} : memref<4x32x128xf32, #tpu.memory_space<vmem>>, vector<16xf32>,
        %parallel_loop3A_623 = arith.mulf %parallel_loop3A_622, %parallel_loop3A_617 : vector<16xf32>
        %parallel_loop3A_624 = arith.constant 3 : i32
        %parallel_loop3A_625 = arith.index_cast %parallel_loop3A_624 : i32 to index
        %parallel_loop3A_626 = arith.index_cast %parallel_loop3A_614 : i32 to index
        %parallel_loop3A_627 = arith.constant 0 : index
        %parallel_loop3A_628 = tpu.vector_load %arg12[%parallel_loop3A_625, %parallel_loop3A_626, %parallel_loop3A_627] {strides = array<i32>} : memref<4x32x128xf32, #tpu.memory_space<vmem>>, vector<16xf32>,
        tpu.vector_store %arg12[%parallel_loop3A_625, %parallel_loop3A_626, %parallel_loop3A_627], %parallel_loop3A_623 {strides = array<i32>} : memref<4x32x128xf32, #tpu.memory_space<vmem>>, vector<16xf32>,
        %parallel_loop3A_629 = arith.constant 3 : i32
        %parallel_loop3A_630 = arith.index_cast %parallel_loop3A_629 : i32 to index
        %parallel_loop3A_631 = arith.index_cast %parallel_loop3A_614 : i32 to index
        %parallel_loop3A_632 = arith.constant 16 : index
        %parallel_loop3A_633 = tpu.vector_load %arg12[%parallel_loop3A_630, %parallel_loop3A_631, %parallel_loop3A_632] {strides = array<i32>} : memref<4x32x128xf32, #tpu.memory_space<vmem>>, vector<16xf32>,
        %parallel_loop3A_634 = arith.mulf %parallel_loop3A_633, %parallel_loop3A_617 : vector<16xf32>
        %parallel_loop3A_635 = arith.constant 3 : i32
        %parallel_loop3A_636 = arith.index_cast %parallel_loop3A_635 : i32 to index
        %parallel_loop3A_637 = arith.index_cast %parallel_loop3A_614 : i32 to index
        %parallel_loop3A_638 = arith.constant 16 : index
        %parallel_loop3A_639 = tpu.vector_load %arg12[%parallel_loop3A_636, %parallel_loop3A_637, %parallel_loop3A_638] {strides = array<i32>} : memref<4x32x128xf32, #tpu.memory_space<vmem>>, vector<16xf32>,
        tpu.vector_store %arg12[%parallel_loop3A_636, %parallel_loop3A_637, %parallel_loop3A_638], %parallel_loop3A_634 {strides = array<i32>} : memref<4x32x128xf32, #tpu.memory_space<vmem>>, vector<16xf32>,
        %parallel_loop3A_640 = arith.constant 3 : i32
        %parallel_loop3A_641 = arith.index_cast %parallel_loop3A_640 : i32 to index
        %parallel_loop3A_642 = arith.index_cast %parallel_loop3A_614 : i32 to index
        %parallel_loop3A_643 = arith.constant 32 : index
        %parallel_loop3A_644 = tpu.vector_load %arg12[%parallel_loop3A_641, %parallel_loop3A_642, %parallel_loop3A_643] {strides = array<i32>} : memref<4x32x128xf32, #tpu.memory_space<vmem>>, vector<16xf32>,
        %parallel_loop3A_645 = arith.mulf %parallel_loop3A_644, %parallel_loop3A_617 : vector<16xf32>
        %parallel_loop3A_646 = arith.constant 3 : i32
        %parallel_loop3A_647 = arith.index_cast %parallel_loop3A_646 : i32 to index
        %parallel_loop3A_648 = arith.index_cast %parallel_loop3A_614 : i32 to index
        %parallel_loop3A_649 = arith.constant 32 : index
        %parallel_loop3A_650 = tpu.vector_load %arg12[%parallel_loop3A_647, %parallel_loop3A_648, %parallel_loop3A_649] {strides = array<i32>} : memref<4x32x128xf32, #tpu.memory_space<vmem>>, vector<16xf32>,
        tpu.vector_store %arg12[%parallel_loop3A_647, %parallel_loop3A_648, %parallel_loop3A_649], %parallel_loop3A_645 {strides = array<i32>} : memref<4x32x128xf32, #tpu.memory_space<vmem>>, vector<16xf32>,
        %parallel_loop3A_651 = arith.constant 3 : i32
        %parallel_loop3A_652 = arith.index_cast %parallel_loop3A_651 : i32 to index
        %parallel_loop3A_653 = arith.index_cast %parallel_loop3A_614 : i32 to index
        %parallel_loop3A_654 = arith.constant 48 : index
        %parallel_loop3A_655 = tpu.vector_load %arg12[%parallel_loop3A_652, %parallel_loop3A_653, %parallel_loop3A_654] {strides = array<i32>} : memref<4x32x128xf32, #tpu.memory_space<vmem>>, vector<16xf32>,
        %parallel_loop3A_656 = arith.mulf %parallel_loop3A_655, %parallel_loop3A_617 : vector<16xf32>
        %parallel_loop3A_657 = arith.constant 3 : i32
        %parallel_loop3A_658 = arith.index_cast %parallel_loop3A_657 : i32 to index
        %parallel_loop3A_659 = arith.index_cast %parallel_loop3A_614 : i32 to index
        %parallel_loop3A_660 = arith.constant 48 : index
        %parallel_loop3A_661 = tpu.vector_load %arg12[%parallel_loop3A_658, %parallel_loop3A_659, %parallel_loop3A_660] {strides = array<i32>} : memref<4x32x128xf32, #tpu.memory_space<vmem>>, vector<16xf32>,
        tpu.vector_store %arg12[%parallel_loop3A_658, %parallel_loop3A_659, %parallel_loop3A_660], %parallel_loop3A_656 {strides = array<i32>} : memref<4x32x128xf32, #tpu.memory_space<vmem>>, vector<16xf32>,
        %parallel_loop3A_662 = arith.constant 3 : i32
        %parallel_loop3A_663 = arith.index_cast %parallel_loop3A_662 : i32 to index
        %parallel_loop3A_664 = arith.index_cast %parallel_loop3A_614 : i32 to index
        %parallel_loop3A_665 = arith.constant 64 : index
        %parallel_loop3A_666 = tpu.vector_load %arg12[%parallel_loop3A_663, %parallel_loop3A_664, %parallel_loop3A_665] {strides = array<i32>} : memref<4x32x128xf32, #tpu.memory_space<vmem>>, vector<16xf32>,
        %parallel_loop3A_667 = arith.mulf %parallel_loop3A_666, %parallel_loop3A_617 : vector<16xf32>
        %parallel_loop3A_668 = arith.constant 3 : i32
        %parallel_loop3A_669 = arith.index_cast %parallel_loop3A_668 : i32 to index
        %parallel_loop3A_670 = arith.index_cast %parallel_loop3A_614 : i32 to index
        %parallel_loop3A_671 = arith.constant 64 : index
        %parallel_loop3A_672 = tpu.vector_load %arg12[%parallel_loop3A_669, %parallel_loop3A_670, %parallel_loop3A_671] {strides = array<i32>} : memref<4x32x128xf32, #tpu.memory_space<vmem>>, vector<16xf32>,
        tpu.vector_store %arg12[%parallel_loop3A_669, %parallel_loop3A_670, %parallel_loop3A_671], %parallel_loop3A_667 {strides = array<i32>} : memref<4x32x128xf32, #tpu.memory_space<vmem>>, vector<16xf32>,
        %parallel_loop3A_673 = arith.constant 3 : i32
        %parallel_loop3A_674 = arith.index_cast %parallel_loop3A_673 : i32 to index
        %parallel_loop3A_675 = arith.index_cast %parallel_loop3A_614 : i32 to index
        %parallel_loop3A_676 = arith.constant 80 : index
        %parallel_loop3A_677 = tpu.vector_load %arg12[%parallel_loop3A_674, %parallel_loop3A_675, %parallel_loop3A_676] {strides = array<i32>} : memref<4x32x128xf32, #tpu.memory_space<vmem>>, vector<16xf32>,
        %parallel_loop3A_678 = arith.mulf %parallel_loop3A_677, %parallel_loop3A_617 : vector<16xf32>
        %parallel_loop3A_679 = arith.constant 3 : i32
        %parallel_loop3A_680 = arith.index_cast %parallel_loop3A_679 : i32 to index
        %parallel_loop3A_681 = arith.index_cast %parallel_loop3A_614 : i32 to index
        %parallel_loop3A_682 = arith.constant 80 : index
        %parallel_loop3A_683 = tpu.vector_load %arg12[%parallel_loop3A_680, %parallel_loop3A_681, %parallel_loop3A_682] {strides = array<i32>} : memref<4x32x128xf32, #tpu.memory_space<vmem>>, vector<16xf32>,
        tpu.vector_store %arg12[%parallel_loop3A_680, %parallel_loop3A_681, %parallel_loop3A_682], %parallel_loop3A_678 {strides = array<i32>} : memref<4x32x128xf32, #tpu.memory_space<vmem>>, vector<16xf32>,
        %parallel_loop3A_684 = arith.constant 3 : i32
        %parallel_loop3A_685 = arith.index_cast %parallel_loop3A_684 : i32 to index
        %parallel_loop3A_686 = arith.index_cast %parallel_loop3A_614 : i32 to index
        %parallel_loop3A_687 = arith.constant 96 : index
        %parallel_loop3A_688 = tpu.vector_load %arg12[%parallel_loop3A_685, %parallel_loop3A_686, %parallel_loop3A_687] {strides = array<i32>} : memref<4x32x128xf32, #tpu.memory_space<vmem>>, vector<16xf32>,
        %parallel_loop3A_689 = arith.mulf %parallel_loop3A_688, %parallel_loop3A_617 : vector<16xf32>
        %parallel_loop3A_690 = arith.constant 3 : i32
        %parallel_loop3A_691 = arith.index_cast %parallel_loop3A_690 : i32 to index
        %parallel_loop3A_692 = arith.index_cast %parallel_loop3A_614 : i32 to index
        %parallel_loop3A_693 = arith.constant 96 : index
        %parallel_loop3A_694 = tpu.vector_load %arg12[%parallel_loop3A_691, %parallel_loop3A_692, %parallel_loop3A_693] {strides = array<i32>} : memref<4x32x128xf32, #tpu.memory_space<vmem>>, vector<16xf32>,
        tpu.vector_store %arg12[%parallel_loop3A_691, %parallel_loop3A_692, %parallel_loop3A_693], %parallel_loop3A_689 {strides = array<i32>} : memref<4x32x128xf32, #tpu.memory_space<vmem>>, vector<16xf32>,
        %parallel_loop3A_695 = arith.constant 3 : i32
        %parallel_loop3A_696 = arith.index_cast %parallel_loop3A_695 : i32 to index
        %parallel_loop3A_697 = arith.index_cast %parallel_loop3A_614 : i32 to index
        %parallel_loop3A_698 = arith.constant 112 : index
        %parallel_loop3A_699 = tpu.vector_load %arg12[%parallel_loop3A_696, %parallel_loop3A_697, %parallel_loop3A_698] {strides = array<i32>} : memref<4x32x128xf32, #tpu.memory_space<vmem>>, vector<16xf32>,
        %parallel_loop3A_700 = arith.mulf %parallel_loop3A_699, %parallel_loop3A_617 : vector<16xf32>
        %parallel_loop3A_701 = arith.constant 3 : i32
        %parallel_loop3A_702 = arith.index_cast %parallel_loop3A_701 : i32 to index
        %parallel_loop3A_703 = arith.index_cast %parallel_loop3A_614 : i32 to index
        %parallel_loop3A_704 = arith.constant 112 : index
        %parallel_loop3A_705 = tpu.vector_load %arg12[%parallel_loop3A_702, %parallel_loop3A_703, %parallel_loop3A_704] {strides = array<i32>} : memref<4x32x128xf32, #tpu.memory_space<vmem>>, vector<16xf32>,
        tpu.vector_store %arg12[%parallel_loop3A_702, %parallel_loop3A_703, %parallel_loop3A_704], %parallel_loop3A_700 {strides = array<i32>} : memref<4x32x128xf32, #tpu.memory_space<vmem>>, vector<16xf32>,
      } {sc.loop_unroll_factor = 4 : i64, sc.parallel_access}
      %mul3A_599 = arith.constant 640 : i32
      %mul3A_600 = arith.muli %arg1, %mul3A_599 : i32
      %dma_start3A_601 = arith.constant 3 : i32
      %dma_start3A_602 = arith.constant 0 : i32
      %dma_start3A_603 = arith.constant 0 : i32
      %dma_start3A_604 = tpu.memref_slice %arg12[%dma_start3A_601, %dma_start3A_602, %dma_start3A_603] : memref<4x32x128xf32, #tpu.memory_space<vmem>> -> memref<1x32x128xf32, #tpu.memory_space<vmem>>
      %dma_start3A_605 = tpu.memref_squeeze %dma_start3A_604 : memref<1x32x128xf32, #tpu.memory_space<vmem>> -> memref<32x128xf32, #tpu.memory_space<vmem>>
      %dma_start3A_606 = arith.constant 0 : i32
      %dma_start3A_607 = tpu.memref_slice %arg15[%mul3A_600, %dma_start3A_606] : memref<10240x128xf32, #tpu.memory_space<vmem_shared>> -> memref<32x128xf32, #tpu.memory_space<vmem_shared>>
      %dma_start3A_608 = arith.constant 0 : i32
      %dma_start3A_609 = tpu.memref_slice %arg15[%mul3A_600, %dma_start3A_608] : memref<10240x128xf32, #tpu.memory_space<vmem_shared>> -> memref<32x128xf32, #tpu.memory_space<vmem_shared>>
      %dma_start3A_610 = arith.constant 0 : i32
      %dma_start3A_611 = arith.constant 0 : i32
      %dma_start3A_612 = tpu.memref_slice %arg12[%dma_start3A_601, %dma_start3A_610, %dma_start3A_611] : memref<4x32x128xf32, #tpu.memory_space<vmem>> -> memref<1x32x128xf32, #tpu.memory_space<vmem>>
      %dma_start3A_613 = tpu.memref_squeeze %dma_start3A_612 : memref<1x32x128xf32, #tpu.memory_space<vmem>> -> memref<32x128xf32, #tpu.memory_space<vmem>>
      tpu.enqueue_dma source(%dma_start3A_613 : memref<32x128xf32, #tpu.memory_space<vmem>>) target(%dma_start3A_609 : memref<32x128xf32, #tpu.memory_space<vmem_shared>>) target_semaphore(%arg23 : memref<!tpu.dma_semaphore, #tpu.memory_space<semaphore_mem>>)
    }
    %scan3A_99 = arith.constant 81 : i32
    %dma_wait3A = arith.constant 1 : i32
    %dma_wait3A_100 = arith.constant 0 : i32
    %dma_wait3A_101 = arith.constant 0 : i32
    %dma_wait3A_102 = tpu.memref_slice %arg12[%dma_wait3A, %dma_wait3A_100, %dma_wait3A_101] : memref<4x32x128xf32, #tpu.memory_space<vmem>> -> memref<1x32x128xf32, #tpu.memory_space<vmem>>
    %dma_wait3A_103 = tpu.memref_squeeze %dma_wait3A_102 : memref<1x32x128xf32, #tpu.memory_space<vmem>> -> memref<32x128xf32, #tpu.memory_space<vmem>>
    %dma_wait3A_104 = arith.constant 0 : i32
    %dma_wait3A_105 = arith.constant 0 : i32
    %dma_wait3A_106 = tpu.memref_slice %arg2[%dma_wait3A_104, %dma_wait3A_105] : memref<10240x128xf32, #tpu.memory_space<hbm>> -> memref<32x128xf32, #tpu.memory_space<hbm>>
    %dma_wait3A_107 = arith.constant 0 : i32
    %dma_wait3A_108 = arith.constant 0 : i32
    %dma_wait3A_109 = tpu.memref_slice %arg12[%dma_wait3A, %dma_wait3A_107, %dma_wait3A_108] : memref<4x32x128xf32, #tpu.memory_space<vmem>> -> memref<1x32x128xf32, #tpu.memory_space<vmem>>
    %dma_wait3A_110 = tpu.memref_squeeze %dma_wait3A_109 : memref<1x32x128xf32, #tpu.memory_space<vmem>> -> memref<32x128xf32, #tpu.memory_space<vmem>>
    %dma_wait3A_111 = arith.constant 0 : i32
    %dma_wait3A_112 = arith.constant 0 : i32
    %dma_wait3A_113 = tpu.memref_slice %arg2[%dma_wait3A_111, %dma_wait3A_112] : memref<10240x128xf32, #tpu.memory_space<hbm>> -> memref<32x128xf32, #tpu.memory_space<hbm>>
    tpu.wait_dma2 semaphore(%arg21 : memref<!tpu.dma_semaphore, #tpu.memory_space<semaphore_mem>>) src(%dma_wait3A_113 : memref<32x128xf32, #tpu.memory_space<hbm>>) dst(%dma_wait3A_110 : memref<32x128xf32, #tpu.memory_space<vmem>>)
    %dma_wait3A_114 = arith.constant 2 : i32
    %dma_wait3A_115 = arith.constant 0 : i32
    %dma_wait3A_116 = arith.constant 0 : i32
    %dma_wait3A_117 = tpu.memref_slice %arg12[%dma_wait3A_114, %dma_wait3A_115, %dma_wait3A_116] : memref<4x32x128xf32, #tpu.memory_space<vmem>> -> memref<1x32x128xf32, #tpu.memory_space<vmem>>
    %dma_wait3A_118 = tpu.memref_squeeze %dma_wait3A_117 : memref<1x32x128xf32, #tpu.memory_space<vmem>> -> memref<32x128xf32, #tpu.memory_space<vmem>>
    %dma_wait3A_119 = arith.constant 0 : i32
    %dma_wait3A_120 = arith.constant 0 : i32
    %dma_wait3A_121 = tpu.memref_slice %arg2[%dma_wait3A_119, %dma_wait3A_120] : memref<10240x128xf32, #tpu.memory_space<hbm>> -> memref<32x128xf32, #tpu.memory_space<hbm>>
    %dma_wait3A_122 = arith.constant 0 : i32
    %dma_wait3A_123 = arith.constant 0 : i32
    %dma_wait3A_124 = tpu.memref_slice %arg12[%dma_wait3A_114, %dma_wait3A_122, %dma_wait3A_123] : memref<4x32x128xf32, #tpu.memory_space<vmem>> -> memref<1x32x128xf32, #tpu.memory_space<vmem>>
    %dma_wait3A_125 = tpu.memref_squeeze %dma_wait3A_124 : memref<1x32x128xf32, #tpu.memory_space<vmem>> -> memref<32x128xf32, #tpu.memory_space<vmem>>
    %dma_wait3A_126 = arith.constant 0 : i32
    %dma_wait3A_127 = arith.constant 0 : i32
    %dma_wait3A_128 = tpu.memref_slice %arg2[%dma_wait3A_126, %dma_wait3A_127] : memref<10240x128xf32, #tpu.memory_space<hbm>> -> memref<32x128xf32, #tpu.memory_space<hbm>>
    tpu.wait_dma2 semaphore(%arg22 : memref<!tpu.dma_semaphore, #tpu.memory_space<semaphore_mem>>) src(%dma_wait3A_128 : memref<32x128xf32, #tpu.memory_space<hbm>>) dst(%dma_wait3A_125 : memref<32x128xf32, #tpu.memory_space<vmem>>)
    %dma_wait3A_129 = arith.constant 3 : i32
    %dma_wait3A_130 = arith.constant 0 : i32
    %dma_wait3A_131 = arith.constant 0 : i32
    %dma_wait3A_132 = tpu.memref_slice %arg12[%dma_wait3A_129, %dma_wait3A_130, %dma_wait3A_131] : memref<4x32x128xf32, #tpu.memory_space<vmem>> -> memref<1x32x128xf32, #tpu.memory_space<vmem>>
    %dma_wait3A_133 = tpu.memref_squeeze %dma_wait3A_132 : memref<1x32x128xf32, #tpu.memory_space<vmem>> -> memref<32x128xf32, #tpu.memory_space<vmem>>
    %dma_wait3A_134 = arith.constant 0 : i32
    %dma_wait3A_135 = arith.constant 0 : i32
    %dma_wait3A_136 = tpu.memref_slice %arg2[%dma_wait3A_134, %dma_wait3A_135] : memref<10240x128xf32, #tpu.memory_space<hbm>> -> memref<32x128xf32, #tpu.memory_space<hbm>>
    %dma_wait3A_137 = arith.constant 0 : i32
    %dma_wait3A_138 = arith.constant 0 : i32
    %dma_wait3A_139 = tpu.memref_slice %arg12[%dma_wait3A_129, %dma_wait3A_137, %dma_wait3A_138] : memref<4x32x128xf32, #tpu.memory_space<vmem>> -> memref<1x32x128xf32, #tpu.memory_space<vmem>>
    %dma_wait3A_140 = tpu.memref_squeeze %dma_wait3A_139 : memref<1x32x128xf32, #tpu.memory_space<vmem>> -> memref<32x128xf32, #tpu.memory_space<vmem>>
    %dma_wait3A_141 = arith.constant 0 : i32
    %dma_wait3A_142 = arith.constant 0 : i32
    %dma_wait3A_143 = tpu.memref_slice %arg2[%dma_wait3A_141, %dma_wait3A_142] : memref<10240x128xf32, #tpu.memory_space<hbm>> -> memref<32x128xf32, #tpu.memory_space<hbm>>
    tpu.wait_dma2 semaphore(%arg23 : memref<!tpu.dma_semaphore, #tpu.memory_space<semaphore_mem>>) src(%dma_wait3A_143 : memref<32x128xf32, #tpu.memory_space<hbm>>) dst(%dma_wait3A_140 : memref<32x128xf32, #tpu.memory_space<vmem>>)
    %dma_wait3A_144 = arith.constant 0 : i32
    %dma_wait3A_145 = arith.constant 0 : i32
    %dma_wait3A_146 = arith.constant 0 : i32
    %dma_wait3A_147 = tpu.memref_slice %arg12[%dma_wait3A_144, %dma_wait3A_145, %dma_wait3A_146] : memref<4x32x128xf32, #tpu.memory_space<vmem>> -> memref<1x32x128xf32, #tpu.memory_space<vmem>>
    %dma_wait3A_148 = tpu.memref_squeeze %dma_wait3A_147 : memref<1x32x128xf32, #tpu.memory_space<vmem>> -> memref<32x128xf32, #tpu.memory_space<vmem>>
    %dma_wait3A_149 = arith.constant 0 : i32
    %dma_wait3A_150 = arith.constant 0 : i32
    %dma_wait3A_151 = tpu.memref_slice %arg2[%dma_wait3A_149, %dma_wait3A_150] : memref<10240x128xf32, #tpu.memory_space<hbm>> -> memref<32x128xf32, #tpu.memory_space<hbm>>
    %dma_wait3A_152 = arith.constant 0 : i32
    %dma_wait3A_153 = arith.constant 0 : i32
    %dma_wait3A_154 = tpu.memref_slice %arg12[%dma_wait3A_144, %dma_wait3A_152, %dma_wait3A_153] : memref<4x32x128xf32, #tpu.memory_space<vmem>> -> memref<1x32x128xf32, #tpu.memory_space<vmem>>
    %dma_wait3A_155 = tpu.memref_squeeze %dma_wait3A_154 : memref<1x32x128xf32, #tpu.memory_space<vmem>> -> memref<32x128xf32, #tpu.memory_space<vmem>>
    %dma_wait3A_156 = arith.constant 0 : i32
    %dma_wait3A_157 = arith.constant 0 : i32
    %dma_wait3A_158 = tpu.memref_slice %arg2[%dma_wait3A_156, %dma_wait3A_157] : memref<10240x128xf32, #tpu.memory_space<hbm>> -> memref<32x128xf32, #tpu.memory_space<hbm>>
    tpu.wait_dma2 semaphore(%arg16 : memref<!tpu.dma_semaphore, #tpu.memory_space<semaphore_mem>>) src(%dma_wait3A_158 : memref<32x128xf32, #tpu.memory_space<hbm>>) dst(%dma_wait3A_155 : memref<32x128xf32, #tpu.memory_space<vmem>>)
    %dma_wait3A_159 = arith.constant 0 : i32
    %dma_wait3A_160 = arith.constant 1 : i32
    %dma_wait3A_161 = arith.constant 0 : i32
    %dma_wait3A_162 = arith.constant 0 : i32
    %dma_wait3A_163 = tpu.memref_slice %arg9[%dma_wait3A_160, %dma_wait3A_161, %dma_wait3A_162] : memref<4x2x32xi32, #tpu.memory_space<vmem>> -> memref<1x2x32xi32, #tpu.memory_space<vmem>>
    %dma_wait3A_164 = tpu.memref_squeeze %dma_wait3A_163 : memref<1x2x32xi32, #tpu.memory_space<vmem>> -> memref<2x32xi32, #tpu.memory_space<vmem>>
    %dma_wait3A_165 = arith.constant 0 : i32
    %dma_wait3A_166 = arith.constant 0 : i32
    %dma_wait3A_167 = tpu.memref_slice %arg5[%add3A, %dma_wait3A_159, %dma_wait3A_165, %dma_wait3A_166] : memref<32x324x2x32xi32, #tpu.memory_space<hbm>> -> memref<1x1x2x32xi32, #tpu.memory_space<hbm>>
    %dma_wait3A_168 = tpu.memref_squeeze %dma_wait3A_167 : memref<1x1x2x32xi32, #tpu.memory_space<hbm>> -> memref<2x32xi32, #tpu.memory_space<hbm>>
    %dma_wait3A_169 = arith.constant 0 : i32
    %dma_wait3A_170 = arith.constant 0 : i32
    %dma_wait3A_171 = tpu.memref_slice %arg9[%dma_wait3A_160, %dma_wait3A_169, %dma_wait3A_170] : memref<4x2x32xi32, #tpu.memory_space<vmem>> -> memref<1x2x32xi32, #tpu.memory_space<vmem>>
    %dma_wait3A_172 = tpu.memref_squeeze %dma_wait3A_171 : memref<1x2x32xi32, #tpu.memory_space<vmem>> -> memref<2x32xi32, #tpu.memory_space<vmem>>
    %dma_wait3A_173 = arith.constant 0 : i32
    %dma_wait3A_174 = arith.constant 0 : i32
    %dma_wait3A_175 = tpu.memref_slice %arg5[%add3A, %dma_wait3A_159, %dma_wait3A_173, %dma_wait3A_174] : memref<32x324x2x32xi32, #tpu.memory_space<hbm>> -> memref<1x1x2x32xi32, #tpu.memory_space<hbm>>
    %dma_wait3A_176 = tpu.memref_squeeze %dma_wait3A_175 : memref<1x1x2x32xi32, #tpu.memory_space<hbm>> -> memref<2x32xi32, #tpu.memory_space<hbm>>
    tpu.wait_dma2 semaphore(%arg25 : memref<!tpu.dma_semaphore, #tpu.memory_space<semaphore_mem>>) src(%dma_wait3A_176 : memref<2x32xi32, #tpu.memory_space<hbm>>) dst(%dma_wait3A_172 : memref<2x32xi32, #tpu.memory_space<vmem>>)
    "tpu.region"() ({
      %run_scoped3A_183 = tpu.sem_alloc : memref<!tpu.dma_semaphore, #tpu.memory_space<semaphore_mem>>
      %dma_start3A_184 = arith.constant 0 : i32
      %dma_start3A_185 = arith.constant 0 : i32
      %dma_start3A_186 = tpu.memref_slice %arg15[%dma_start3A_184, %dma_start3A_185] : memref<10240x128xf32, #tpu.memory_space<vmem_shared>> -> memref<10240x128xf32, #tpu.memory_space<vmem_shared>>
      tpu.enqueue_indirect_dma source(%arg13 : memref<80x128xf32, #tpu.memory_space<vmem>>) target(%dma_start3A_186 : memref<10240x128xf32, #tpu.memory_space<vmem_shared>>) offsets(%arg14 : memref<80xi32, #tpu.memory_space<vmem>>) semaphore(%run_scoped3A_183 : memref<!tpu.dma_semaphore, #tpu.memory_space<semaphore_mem>>) {add = true}
      %dma_wait3A_187 = arith.constant 0 : i32
      %dma_wait3A_188 = arith.constant 0 : i32
      %dma_wait3A_189 = tpu.memref_slice %arg15[%dma_wait3A_187, %dma_wait3A_188] : memref<10240x128xf32, #tpu.memory_space<vmem_shared>> -> memref<10240x128xf32, #tpu.memory_space<vmem_shared>>
      tpu.wait_indirect_dma semaphore(%run_scoped3A_183 : memref<!tpu.dma_semaphore, #tpu.memory_space<semaphore_mem>>) src(%arg13 : memref<80x128xf32, #tpu.memory_space<vmem>>) dst(%dma_wait3A_189 : memref<10240x128xf32, #tpu.memory_space<vmem_shared>>)
      tpu.yield
    }) : () -> ()
    %barrier3A_177 = arith.constant 0 : index
    tpu.barrier barrier_id(%barrier3A_177)
    %scan3A_178 = arith.constant 0 : i32
    %scan3A_179 = arith.constant 10 : i32
    %scan3A_180 = arith.addi %scan3A_178, %scan3A_179 : i32
    %scan3A_181 = arith.constant 1 : i32
    scf.for %scan3A_183 = %scan3A_178 to %scan3A_180 step %scan3A_181  : i32 {
      %mul3A_184 = arith.constant 64 : i32
      %mul3A_185 = arith.muli %scan3A_183, %mul3A_184 : i32
      %add3A_186 = arith.constant 0 : i32
      %add3A_187 = arith.addi %add3A_186, %mul3A_185 : i32
      %mul3A_188 = arith.constant 640 : i32
      %mul3A_189 = arith.muli %arg1, %mul3A_188 : i32
      %add3A_190 = arith.addi %mul3A_189, %add3A_187 : i32
      "tpu.region"() ({
        %run_scoped3A_191 = tpu.sem_alloc : memref<!tpu.dma_semaphore, #tpu.memory_space<semaphore_mem>>
        %dma_start3A_192 = arith.constant 0 : i32
        %dma_start3A_193 = tpu.memref_slice %arg6[%arg0, %add3A_190, %dma_start3A_192] : memref<2x10240x128xf32, #tpu.memory_space<hbm>> -> memref<1x64x128xf32, #tpu.memory_space<hbm>>
        %dma_start3A_194 = tpu.memref_squeeze %dma_start3A_193 : memref<1x64x128xf32, #tpu.memory_space<hbm>> -> memref<64x128xf32, #tpu.memory_space<hbm>>
        %dma_start3A_195 = arith.constant 0 : i32
        %dma_start3A_196 = tpu.memref_slice %arg15[%add3A_190, %dma_start3A_195] : memref<10240x128xf32, #tpu.memory_space<vmem_shared>> -> memref<64x128xf32, #tpu.memory_space<vmem_shared>>
        tpu.enqueue_dma source(%dma_start3A_196 : memref<64x128xf32, #tpu.memory_space<vmem_shared>>) target(%dma_start3A_194 : memref<64x128xf32, #tpu.memory_space<hbm>>) target_semaphore(%run_scoped3A_191 : memref<!tpu.dma_semaphore, #tpu.memory_space<semaphore_mem>>)
        %dma_wait3A_197 = arith.constant 0 : i32
        %dma_wait3A_198 = tpu.memref_slice %arg6[%arg0, %add3A_190, %dma_wait3A_197] : memref<2x10240x128xf32, #tpu.memory_space<hbm>> -> memref<1x64x128xf32, #tpu.memory_space<hbm>>
        %dma_wait3A_199 = tpu.memref_squeeze %dma_wait3A_198 : memref<1x64x128xf32, #tpu.memory_space<hbm>> -> memref<64x128xf32, #tpu.memory_space<hbm>>
        %dma_wait3A_200 = arith.constant 0 : i32
        %dma_wait3A_201 = tpu.memref_slice %arg15[%add3A_190, %dma_wait3A_200] : memref<10240x128xf32, #tpu.memory_space<vmem_shared>> -> memref<64x128xf32, #tpu.memory_space<vmem_shared>>
        tpu.wait_dma2 semaphore(%run_scoped3A_191 : memref<!tpu.dma_semaphore, #tpu.memory_space<semaphore_mem>>) src(%dma_wait3A_201 : memref<64x128xf32, #tpu.memory_space<vmem_shared>>) dst(%dma_wait3A_199 : memref<64x128xf32, #tpu.memory_space<hbm>>)
        tpu.yield
      }) : () -> ()
    }
    %scan3A_182 = arith.constant 10 : i32
    return
  }
}

module attributes {stable_mosaic.version = 14 : i64} {
  func.func @_project_kernel(%arg0: i32, %arg1: memref<1280x128xf32, #tpu.memory_space<vmem>>, %arg2: memref<128x128xf32, #tpu.memory_space<vmem>>, %arg3: memref<2x128xf32, #tpu.memory_space<vmem>>, %arg4: memref<1280x128xf32, #tpu.memory_space<vmem>>, %arg5: memref<1280x2xf32, #tpu.memory_space<vmem>>) attributes {dimension_semantics = [#tpu.dimension_semantics<arbitrary>], iteration_bounds = array<i64: 8>, scalar_prefetch = 0 : i64, scratch_operands = 0 : i64, tpu.core_type = #tpu.core_type<tc>, window_params = [{transform_indices = @transform_0, window_bounds = array<i64: 1280, 128>}, {pipeline_mode = #tpu.pipeline_mode<synchronous>, transform_indices = @transform_1, window_bounds = array<i64: 128, 128>}, {pipeline_mode = #tpu.pipeline_mode<synchronous>, transform_indices = @transform_2, window_bounds = array<i64: 2, 128>}, {transform_indices = @transform_3, window_bounds = array<i64: 1280, 128>}, {transform_indices = @transform_4, window_bounds = array<i64: 1280, 2>}]} {
    %get3A = arith.constant 0 : index
    %get3A_0 = arith.constant 0 : index
    %get3A_1 = vector.load %arg1[%get3A, %get3A_0] : memref<1280x128xf32, #tpu.memory_space<vmem>>, vector<1280x128xf32>
    %get3A_2 = arith.constant 0 : index
    %get3A_3 = arith.constant 0 : index
    %get3A_4 = vector.load %arg2[%get3A_2, %get3A_3] : memref<128x128xf32, #tpu.memory_space<vmem>>, vector<128x128xf32>
    %dot_general3A = arith.constant dense<0.000000e+00> : vector<1280x128xf32>
    %dot_general3A_5 = tpu.matmul %get3A_1, %get3A_4, %dot_general3A {dimension_numbers = #tpu.dot_dimension_numbers<[1], [1], [0], [0], [0, 0, 1, 0], [], []>, transpose_lhs_hint = false} : vector<1280x128xf32>, vector<128x128xf32>, vector<1280x128xf32> -> vector<1280x128xf32>
    %swap3A = arith.constant 0 : index
    %swap3A_6 = arith.constant 0 : index
    %swap3A_7 = vector.load %arg4[%swap3A, %swap3A_6] : memref<1280x128xf32, #tpu.memory_space<vmem>>, vector<1280x128xf32>
    tpu.vector_store %arg4[%swap3A, %swap3A_6], %dot_general3A_5 {strides = array<i32>} : memref<1280x128xf32, #tpu.memory_space<vmem>>, vector<1280x128xf32>,
    %get3A_8 = arith.constant 0 : index
    %get3A_9 = arith.constant 0 : index
    %get3A_10 = vector.load %arg3[%get3A_8, %get3A_9] : memref<2x128xf32, #tpu.memory_space<vmem>>, vector<2x128xf32>
    %dot_general3A_11 = arith.constant dense<0.000000e+00> : vector<1280x2xf32>
    %dot_general3A_12 = tpu.matmul %dot_general3A_5, %get3A_10, %dot_general3A_11 {dimension_numbers = #tpu.dot_dimension_numbers<[1], [1], [0], [0], [0, 0, 1, 0], [], []>, transpose_lhs_hint = false} : vector<1280x128xf32>, vector<2x128xf32>, vector<1280x2xf32> -> vector<1280x2xf32>
    %swap3A_13 = arith.constant 0 : index
    %swap3A_14 = arith.constant 0 : index
    %swap3A_15 = vector.load %arg5[%swap3A_13, %swap3A_14] : memref<1280x2xf32, #tpu.memory_space<vmem>>, vector<1280x2xf32>
    tpu.vector_store %arg5[%swap3A_13, %swap3A_14], %dot_general3A_12 {strides = array<i32>} : memref<1280x2xf32, #tpu.memory_space<vmem>>, vector<1280x2xf32>,
    return
  }
  func.func @transform_0(%arg0: i32) -> (i32, i32) {
    %c0_i32 = arith.constant 0 : i32
    %c0_i32_0 = arith.constant 0 : i32
    return %arg0, %c0_i32 : i32, i32
  }
  func.func @transform_1(%arg0: i32) -> (i32, i32) {
    %c0_i32 = arith.constant 0 : i32
    %c0_i32_0 = arith.constant 0 : i32
    %c0_i32_1 = arith.constant 0 : i32
    return %c0_i32, %c0_i32_0 : i32, i32
  }
  func.func @transform_2(%arg0: i32) -> (i32, i32) {
    %c0_i32 = arith.constant 0 : i32
    %c0_i32_0 = arith.constant 0 : i32
    %c0_i32_1 = arith.constant 0 : i32
    return %c0_i32, %c0_i32_0 : i32, i32
  }
  func.func @transform_3(%arg0: i32) -> (i32, i32) {
    %c0_i32 = arith.constant 0 : i32
    %c0_i32_0 = arith.constant 0 : i32
    return %arg0, %c0_i32 : i32, i32
  }
  func.func @transform_4(%arg0: i32) -> (i32, i32) {
    %c0_i32 = arith.constant 0 : i32
    %c0_i32_0 = arith.constant 0 : i32
    return %arg0, %c0_i32 : i32, i32
  }
}

module attributes {stable_mosaic.version = 14 : i64} {
  func.func @_combine_project_kernel(%arg0: i32, %arg1: memref<2x1280x128xf32, #tpu.memory_space<vmem>>, %arg2: memref<2x1280x1xf32, #tpu.memory_space<vmem>>, %arg3: memref<1x128xf32, #tpu.memory_space<vmem>>, %arg4: memref<128x128xf32, #tpu.memory_space<vmem>>, %arg5: memref<2x128xf32, #tpu.memory_space<vmem>>, %arg6: memref<1280x128xf32, #tpu.memory_space<vmem>>, %arg7: memref<1280x2xf32, #tpu.memory_space<vmem>>) attributes {dimension_semantics = [#tpu.dimension_semantics<arbitrary>], iteration_bounds = array<i64: 8>, scalar_prefetch = 0 : i64, scratch_operands = 0 : i64, tpu.core_type = #tpu.core_type<tc>, window_params = [{transform_indices = @transform_0, window_bounds = array<i64: 2, 1280, 128>}, {transform_indices = @transform_1, window_bounds = array<i64: 2, 1280, 1>}, {pipeline_mode = #tpu.pipeline_mode<synchronous>, transform_indices = @transform_2, window_bounds = array<i64: 1, 128>}, {pipeline_mode = #tpu.pipeline_mode<synchronous>, transform_indices = @transform_3, window_bounds = array<i64: 128, 128>}, {pipeline_mode = #tpu.pipeline_mode<synchronous>, transform_indices = @transform_4, window_bounds = array<i64: 2, 128>}, {transform_indices = @transform_5, window_bounds = array<i64: 1280, 128>}, {transform_indices = @transform_6, window_bounds = array<i64: 1280, 2>}]} {
    %get3A = arith.constant 0 : index
    %get3A_0 = arith.constant 0 : index
    %get3A_1 = arith.constant 0 : index
    %get3A_2 = vector.load %arg1[%get3A, %get3A_0, %get3A_1] : memref<2x1280x128xf32, #tpu.memory_space<vmem>>, vector<2x1280x128xf32>
    %get3A_3 = arith.constant 0 : index
    %get3A_4 = arith.constant 0 : index
    %get3A_5 = arith.constant 0 : index
    %get3A_6 = vector.load %arg2[%get3A_3, %get3A_4, %get3A_5] : memref<2x1280x1xf32, #tpu.memory_space<vmem>>, vector<2x1280x1xf32>
    %slice3A = vector.extract_strided_slice %get3A_2 {offsets = [0, 0, 0], sizes = [1, 1280, 128], strides = [1, 1, 1]} : vector<2x1280x128xf32> to vector<1x1280x128xf32>
    %squeeze3A = vector.shape_cast %slice3A : vector<1x1280x128xf32> to vector<1280x128xf32>
    %slice3A_7 = vector.extract_strided_slice %get3A_2 {offsets = [1, 0, 0], sizes = [1, 1280, 128], strides = [1, 1, 1]} : vector<2x1280x128xf32> to vector<1x1280x128xf32>
    %squeeze3A_8 = vector.shape_cast %slice3A_7 : vector<1x1280x128xf32> to vector<1280x128xf32>
    %add3A = arith.addf %squeeze3A, %squeeze3A_8 : vector<1280x128xf32>
    %slice3A_9 = vector.extract_strided_slice %get3A_6 {offsets = [0, 0, 0], sizes = [1, 1280, 1], strides = [1, 1, 1]} : vector<2x1280x1xf32> to vector<1x1280x1xf32>
    %squeeze3A_10 = vector.shape_cast %slice3A_9 : vector<1x1280x1xf32> to vector<1280x1xf32>
    %slice3A_11 = vector.extract_strided_slice %get3A_6 {offsets = [1, 0, 0], sizes = [1, 1280, 1], strides = [1, 1, 1]} : vector<2x1280x1xf32> to vector<1x1280x1xf32>
    %squeeze3A_12 = vector.shape_cast %slice3A_11 : vector<1x1280x1xf32> to vector<1280x1xf32>
    %add3A_13 = arith.addf %squeeze3A_10, %squeeze3A_12 : vector<1280x1xf32>
    %add3A_14 = arith.constant 1.000000e-16 : f32
    %add3A_15 = vector.broadcast %add3A_14 : f32 to vector<1280x1xf32>
    %add3A_16 = arith.addf %add3A_13, %add3A_15 : vector<1280x1xf32>
    %div3A = vector.broadcast %add3A_16 : vector<1280x1xf32> to vector<1280x128xf32>
    %div3A_17 = arith.divf %add3A, %div3A : vector<1280x128xf32>
    %get3A_18 = arith.constant 0 : index
    %get3A_19 = arith.constant 0 : index
    %get3A_20 = vector.load %arg3[%get3A_18, %get3A_19] : memref<1x128xf32, #tpu.memory_space<vmem>>, vector<1x128xf32>
    %add3A_21 = vector.broadcast %get3A_20 : vector<1x128xf32> to vector<1280x128xf32>
    %add3A_22 = arith.addf %div3A_17, %add3A_21 : vector<1280x128xf32>
    %tanh3A = math.tanh %add3A_22 : vector<1280x128xf32>
    %mul3A = arith.constant 1280 : i32
    %mul3A_23 = arith.muli %arg0, %mul3A : i32
    %iota3A = tpu.iota {dimensions = array<i32: 0>} : vector<1280x1xi32>
    %add3A_24 = vector.broadcast %mul3A_23 : i32 to vector<1280x1xi32>
    %add3A_25 = arith.addi %add3A_24, %iota3A : vector<1280x1xi32>
    %lt3A = arith.constant 10000 : i32
    %lt3A_26 = vector.broadcast %lt3A : i32 to vector<1280x1xi32>
    %lt3A_27 = arith.cmpi slt, %add3A_25, %lt3A_26 : vector<1280x1xi32>
    %jit3A = arith.constant 0.000000e+00 : f32
    %broadcast_in_dim3A = vector.shape_cast %lt3A_27 : vector<1280x1xi1> to vector<1280x1xi1>
    %broadcast_in_dim3A_28 = vector.broadcast %broadcast_in_dim3A : vector<1280x1xi1> to vector<1280x128xi1>
    %broadcast_in_dim3A_29 = vector.broadcast %jit3A : f32 to vector<1280x128xf32>
    %select_n3A = arith.select %broadcast_in_dim3A_28, %tanh3A, %broadcast_in_dim3A_29 : vector<1280x128xi1>, vector<1280x128xf32>
    %get3A_30 = arith.constant 0 : index
    %get3A_31 = arith.constant 0 : index
    %get3A_32 = vector.load %arg4[%get3A_30, %get3A_31] : memref<128x128xf32, #tpu.memory_space<vmem>>, vector<128x128xf32>
    %dot_general3A = arith.constant dense<0.000000e+00> : vector<1280x128xf32>
    %dot_general3A_33 = tpu.matmul %select_n3A, %get3A_32, %dot_general3A {dimension_numbers = #tpu.dot_dimension_numbers<[1], [1], [0], [0], [0, 0, 1, 0], [], []>, transpose_lhs_hint = false} : vector<1280x128xf32>, vector<128x128xf32>, vector<1280x128xf32> -> vector<1280x128xf32>
    %swap3A = arith.constant 0 : index
    %swap3A_34 = arith.constant 0 : index
    %swap3A_35 = vector.load %arg6[%swap3A, %swap3A_34] : memref<1280x128xf32, #tpu.memory_space<vmem>>, vector<1280x128xf32>
    tpu.vector_store %arg6[%swap3A, %swap3A_34], %dot_general3A_33 {strides = array<i32>} : memref<1280x128xf32, #tpu.memory_space<vmem>>, vector<1280x128xf32>,
    %get3A_36 = arith.constant 0 : index
    %get3A_37 = arith.constant 0 : index
    %get3A_38 = vector.load %arg5[%get3A_36, %get3A_37] : memref<2x128xf32, #tpu.memory_space<vmem>>, vector<2x128xf32>
    %dot_general3A_39 = arith.constant dense<0.000000e+00> : vector<1280x2xf32>
    %dot_general3A_40 = tpu.matmul %dot_general3A_33, %get3A_38, %dot_general3A_39 {dimension_numbers = #tpu.dot_dimension_numbers<[1], [1], [0], [0], [0, 0, 1, 0], [], []>, transpose_lhs_hint = false} : vector<1280x128xf32>, vector<2x128xf32>, vector<1280x2xf32> -> vector<1280x2xf32>
    %swap3A_41 = arith.constant 0 : index
    %swap3A_42 = arith.constant 0 : index
    %swap3A_43 = vector.load %arg7[%swap3A_41, %swap3A_42] : memref<1280x2xf32, #tpu.memory_space<vmem>>, vector<1280x2xf32>
    tpu.vector_store %arg7[%swap3A_41, %swap3A_42], %dot_general3A_40 {strides = array<i32>} : memref<1280x2xf32, #tpu.memory_space<vmem>>, vector<1280x2xf32>,
    return
  }
  func.func @transform_0(%arg0: i32) -> (i32, i32, i32) {
    %c0_i32 = arith.constant 0 : i32
    %c0_i32_0 = arith.constant 0 : i32
    %c0_i32_1 = arith.constant 0 : i32
    return %c0_i32, %arg0, %c0_i32_0 : i32, i32, i32
  }
  func.func @transform_1(%arg0: i32) -> (i32, i32, i32) {
    %c0_i32 = arith.constant 0 : i32
    %c0_i32_0 = arith.constant 0 : i32
    %c0_i32_1 = arith.constant 0 : i32
    return %c0_i32, %arg0, %c0_i32_0 : i32, i32, i32
  }
  func.func @transform_2(%arg0: i32) -> (i32, i32) {
    %c0_i32 = arith.constant 0 : i32
    %c0_i32_0 = arith.constant 0 : i32
    %c0_i32_1 = arith.constant 0 : i32
    return %c0_i32, %c0_i32_0 : i32, i32
  }
  func.func @transform_3(%arg0: i32) -> (i32, i32) {
    %c0_i32 = arith.constant 0 : i32
    %c0_i32_0 = arith.constant 0 : i32
    %c0_i32_1 = arith.constant 0 : i32
    return %c0_i32, %c0_i32_0 : i32, i32
  }
  func.func @transform_4(%arg0: i32) -> (i32, i32) {
    %c0_i32 = arith.constant 0 : i32
    %c0_i32_0 = arith.constant 0 : i32
    %c0_i32_1 = arith.constant 0 : i32
    return %c0_i32, %c0_i32_0 : i32, i32
  }
  func.func @transform_5(%arg0: i32) -> (i32, i32) {
    %c0_i32 = arith.constant 0 : i32
    %c0_i32_0 = arith.constant 0 : i32
    return %arg0, %c0_i32 : i32, i32
  }
  func.func @transform_6(%arg0: i32) -> (i32, i32) {
    %c0_i32 = arith.constant 0 : i32
    %c0_i32_0 = arith.constant 0 : i32
    return %arg0, %c0_i32 : i32, i32
  }
}

module attributes {stable_mosaic.version = 14 : i64} {
  func.func @_combine_pool_kernel(%arg0: i32, %arg1: memref<2x1280x128xf32, #tpu.memory_space<vmem>>, %arg2: memref<2x1280x1xf32, #tpu.memory_space<vmem>>, %arg3: memref<1x128xf32, #tpu.memory_space<vmem>>, %arg4: memref<1280x1xi32, #tpu.memory_space<vmem>>, %arg5: memref<128x128xf32, #tpu.memory_space<vmem>>, %arg6: memref<1x128xf32, #tpu.memory_space<vmem>>, %arg7: memref<64x128xf32, #tpu.memory_space<vmem>>, %arg8: memref<64x128xf32, #tpu.memory_space<vmem>>, %arg9: memref<64x128xf32, #tpu.memory_space<vmem>>) attributes {dimension_semantics = [#tpu.dimension_semantics<arbitrary>], iteration_bounds = array<i64: 8>, scalar_prefetch = 0 : i64, scratch_operands = 2 : i64, tpu.core_type = #tpu.core_type<tc>, window_params = [{transform_indices = @transform_0, window_bounds = array<i64: 2, 1280, 128>}, {transform_indices = @transform_1, window_bounds = array<i64: 2, 1280, 1>}, {pipeline_mode = #tpu.pipeline_mode<synchronous>, transform_indices = @transform_2, window_bounds = array<i64: 1, 128>}, {transform_indices = @transform_3, window_bounds = array<i64: 1280, 1>}, {pipeline_mode = #tpu.pipeline_mode<synchronous>, transform_indices = @transform_4, window_bounds = array<i64: 128, 128>}, {pipeline_mode = #tpu.pipeline_mode<synchronous>, transform_indices = @transform_5, window_bounds = array<i64: 1, 128>}, {pipeline_mode = #tpu.pipeline_mode<synchronous>, transform_indices = @transform_6, window_bounds = array<i64: 64, 128>}]} {
    %eq3A = arith.constant 0 : i32
    %eq3A_0 = arith.cmpi eq, %arg0, %eq3A : i32
    %convert_element_type3A = arith.extui %eq3A_0 : i1 to i32
    %cond3A = arith.constant 0 : i32
    %cond3A_1 = arith.cmpi ne, %convert_element_type3A, %cond3A : i32
    scf.if %cond3A_1 {
      %broadcast_in_dim3A_63 = arith.constant 0.000000e+00 : f32
      %broadcast_in_dim3A_64 = vector.broadcast %broadcast_in_dim3A_63 : f32 to vector<64x128xf32>
      %swap3A_65 = arith.constant 0 : index
      %swap3A_66 = arith.constant 0 : index
      %swap3A_67 = vector.load %arg8[%swap3A_65, %swap3A_66] : memref<64x128xf32, #tpu.memory_space<vmem>>, vector<64x128xf32>
      tpu.vector_store %arg8[%swap3A_65, %swap3A_66], %broadcast_in_dim3A_64 {strides = array<i32>} : memref<64x128xf32, #tpu.memory_space<vmem>>, vector<64x128xf32>,
      %broadcast_in_dim3A_68 = arith.constant 0.000000e+00 : f32
      %broadcast_in_dim3A_69 = vector.broadcast %broadcast_in_dim3A_68 : f32 to vector<64x128xf32>
      %swap3A_70 = arith.constant 0 : index
      %swap3A_71 = arith.constant 0 : index
      %swap3A_72 = vector.load %arg9[%swap3A_70, %swap3A_71] : memref<64x128xf32, #tpu.memory_space<vmem>>, vector<64x128xf32>
      tpu.vector_store %arg9[%swap3A_70, %swap3A_71], %broadcast_in_dim3A_69 {strides = array<i32>} : memref<64x128xf32, #tpu.memory_space<vmem>>, vector<64x128xf32>,
    } else {
    }
    %get3A = arith.constant 0 : index
    %get3A_2 = arith.constant 0 : index
    %get3A_3 = arith.constant 0 : index
    %get3A_4 = vector.load %arg1[%get3A, %get3A_2, %get3A_3] : memref<2x1280x128xf32, #tpu.memory_space<vmem>>, vector<2x1280x128xf32>
    %get3A_5 = arith.constant 0 : index
    %get3A_6 = arith.constant 0 : index
    %get3A_7 = arith.constant 0 : index
    %get3A_8 = vector.load %arg2[%get3A_5, %get3A_6, %get3A_7] : memref<2x1280x1xf32, #tpu.memory_space<vmem>>, vector<2x1280x1xf32>
    %slice3A = vector.extract_strided_slice %get3A_4 {offsets = [0, 0, 0], sizes = [1, 1280, 128], strides = [1, 1, 1]} : vector<2x1280x128xf32> to vector<1x1280x128xf32>
    %squeeze3A = vector.shape_cast %slice3A : vector<1x1280x128xf32> to vector<1280x128xf32>
    %slice3A_9 = vector.extract_strided_slice %get3A_4 {offsets = [1, 0, 0], sizes = [1, 1280, 128], strides = [1, 1, 1]} : vector<2x1280x128xf32> to vector<1x1280x128xf32>
    %squeeze3A_10 = vector.shape_cast %slice3A_9 : vector<1x1280x128xf32> to vector<1280x128xf32>
    %add3A = arith.addf %squeeze3A, %squeeze3A_10 : vector<1280x128xf32>
    %slice3A_11 = vector.extract_strided_slice %get3A_8 {offsets = [0, 0, 0], sizes = [1, 1280, 1], strides = [1, 1, 1]} : vector<2x1280x1xf32> to vector<1x1280x1xf32>
    %squeeze3A_12 = vector.shape_cast %slice3A_11 : vector<1x1280x1xf32> to vector<1280x1xf32>
    %slice3A_13 = vector.extract_strided_slice %get3A_8 {offsets = [1, 0, 0], sizes = [1, 1280, 1], strides = [1, 1, 1]} : vector<2x1280x1xf32> to vector<1x1280x1xf32>
    %squeeze3A_14 = vector.shape_cast %slice3A_13 : vector<1x1280x1xf32> to vector<1280x1xf32>
    %add3A_15 = arith.addf %squeeze3A_12, %squeeze3A_14 : vector<1280x1xf32>
    %add3A_16 = arith.constant 1.000000e-16 : f32
    %add3A_17 = vector.broadcast %add3A_16 : f32 to vector<1280x1xf32>
    %add3A_18 = arith.addf %add3A_15, %add3A_17 : vector<1280x1xf32>
    %div3A = vector.broadcast %add3A_18 : vector<1280x1xf32> to vector<1280x128xf32>
    %div3A_19 = arith.divf %add3A, %div3A : vector<1280x128xf32>
    %get3A_20 = arith.constant 0 : index
    %get3A_21 = arith.constant 0 : index
    %get3A_22 = vector.load %arg3[%get3A_20, %get3A_21] : memref<1x128xf32, #tpu.memory_space<vmem>>, vector<1x128xf32>
    %add3A_23 = vector.broadcast %get3A_22 : vector<1x128xf32> to vector<1280x128xf32>
    %add3A_24 = arith.addf %div3A_19, %add3A_23 : vector<1280x128xf32>
    %tanh3A = math.tanh %add3A_24 : vector<1280x128xf32>
    %mul3A = arith.constant 1280 : i32
    %mul3A_25 = arith.muli %arg0, %mul3A : i32
    %iota3A = tpu.iota {dimensions = array<i32: 0>} : vector<1280x1xi32>
    %add3A_26 = vector.broadcast %mul3A_25 : i32 to vector<1280x1xi32>
    %add3A_27 = arith.addi %add3A_26, %iota3A : vector<1280x1xi32>
    %lt3A = arith.constant 10000 : i32
    %lt3A_28 = vector.broadcast %lt3A : i32 to vector<1280x1xi32>
    %lt3A_29 = arith.cmpi slt, %add3A_27, %lt3A_28 : vector<1280x1xi32>
    %jit3A = arith.constant 0.000000e+00 : f32
    %broadcast_in_dim3A = vector.shape_cast %lt3A_29 : vector<1280x1xi1> to vector<1280x1xi1>
    %broadcast_in_dim3A_30 = vector.broadcast %broadcast_in_dim3A : vector<1280x1xi1> to vector<1280x128xi1>
    %broadcast_in_dim3A_31 = vector.broadcast %jit3A : f32 to vector<1280x128xf32>
    %select_n3A = arith.select %broadcast_in_dim3A_30, %tanh3A, %broadcast_in_dim3A_31 : vector<1280x128xi1>, vector<1280x128xf32>
    %get3A_32 = arith.constant 0 : index
    %get3A_33 = arith.constant 0 : index
    %get3A_34 = vector.load %arg4[%get3A_32, %get3A_33] : memref<1280x1xi32, #tpu.memory_space<vmem>>, vector<1280x1xi32>
    %iota3A_35 = tpu.iota {dimensions = array<i32: 1>} : vector<1280x64xi32>
    %eq3A_36 = vector.broadcast %get3A_34 : vector<1280x1xi32> to vector<1280x64xi32>
    %eq3A_37 = arith.cmpi eq, %eq3A_36, %iota3A_35 : vector<1280x64xi32>
    %convert_element_type3A_38 = arith.extui %eq3A_37 : vector<1280x64xi1> to vector<1280x64xi32>
    %convert_element_type3A_39 = arith.sitofp %convert_element_type3A_38 : vector<1280x64xi32> to vector<1280x64xf32>
    %get3A_40 = arith.constant 0 : index
    %get3A_41 = arith.constant 0 : index
    %get3A_42 = vector.load %arg8[%get3A_40, %get3A_41] : memref<64x128xf32, #tpu.memory_space<vmem>>, vector<64x128xf32>
    %dot_general3A = arith.constant dense<0.000000e+00> : vector<64x128xf32>
    %dot_general3A_43 = tpu.matmul %convert_element_type3A_39, %select_n3A, %dot_general3A {dimension_numbers = #tpu.dot_dimension_numbers<[0], [0], [1], [1], [0, 1, 1, 1], [], []>, transpose_lhs_hint = false} : vector<1280x64xf32>, vector<1280x128xf32>, vector<64x128xf32> -> vector<64x128xf32>
    %add3A_44 = arith.addf %get3A_42, %dot_general3A_43 : vector<64x128xf32>
    %swap3A = arith.constant 0 : index
    %swap3A_45 = arith.constant 0 : index
    %swap3A_46 = vector.load %arg8[%swap3A, %swap3A_45] : memref<64x128xf32, #tpu.memory_space<vmem>>, vector<64x128xf32>
    tpu.vector_store %arg8[%swap3A, %swap3A_45], %add3A_44 {strides = array<i32>} : memref<64x128xf32, #tpu.memory_space<vmem>>, vector<64x128xf32>,
    %get3A_47 = arith.constant 0 : index
    %get3A_48 = arith.constant 0 : index
    %get3A_49 = vector.load %arg9[%get3A_47, %get3A_48] : memref<64x128xf32, #tpu.memory_space<vmem>>, vector<64x128xf32>
    %broadcast_in_dim3A_50 = arith.constant 1.000000e+00 : f32
    %broadcast_in_dim3A_51 = vector.broadcast %broadcast_in_dim3A_50 : f32 to vector<1280x128xf32>
    %dot_general3A_52 = arith.constant dense<0.000000e+00> : vector<64x128xf32>
    %dot_general3A_53 = tpu.matmul %convert_element_type3A_39, %broadcast_in_dim3A_51, %dot_general3A_52 {dimension_numbers = #tpu.dot_dimension_numbers<[0], [0], [1], [1], [0, 1, 1, 1], [], []>, transpose_lhs_hint = false} : vector<1280x64xf32>, vector<1280x128xf32>, vector<64x128xf32> -> vector<64x128xf32>
    %add3A_54 = arith.addf %get3A_49, %dot_general3A_53 : vector<64x128xf32>
    %swap3A_55 = arith.constant 0 : index
    %swap3A_56 = arith.constant 0 : index
    %swap3A_57 = vector.load %arg9[%swap3A_55, %swap3A_56] : memref<64x128xf32, #tpu.memory_space<vmem>>, vector<64x128xf32>
    tpu.vector_store %arg9[%swap3A_55, %swap3A_56], %add3A_54 {strides = array<i32>} : memref<64x128xf32, #tpu.memory_space<vmem>>, vector<64x128xf32>,
    %eq3A_58 = arith.constant 7 : i32
    %eq3A_59 = arith.cmpi eq, %arg0, %eq3A_58 : i32
    %convert_element_type3A_60 = arith.extui %eq3A_59 : i1 to i32
    %cond3A_61 = arith.constant 0 : i32
    %cond3A_62 = arith.cmpi ne, %convert_element_type3A_60, %cond3A_61 : i32
    scf.if %cond3A_62 {
      %get3A_63 = arith.constant 0 : index
      %get3A_64 = arith.constant 0 : index
      %get3A_65 = vector.load %arg8[%get3A_63, %get3A_64] : memref<64x128xf32, #tpu.memory_space<vmem>>, vector<64x128xf32>
      %get3A_66 = arith.constant 0 : index
      %get3A_67 = arith.constant 0 : index
      %get3A_68 = vector.load %arg9[%get3A_66, %get3A_67] : memref<64x128xf32, #tpu.memory_space<vmem>>, vector<64x128xf32>
      %max3A = arith.constant 1.000000e+00 : f32
      %max3A_69 = vector.broadcast %max3A : f32 to vector<64x128xf32>
      %max3A_70 = arith.maximumf %get3A_68, %max3A_69 : vector<64x128xf32>
      %div3A_71 = arith.divf %get3A_65, %max3A_70 : vector<64x128xf32>
      %get3A_72 = arith.constant 0 : index
      %get3A_73 = arith.constant 0 : index
      %get3A_74 = vector.load %arg5[%get3A_72, %get3A_73] : memref<128x128xf32, #tpu.memory_space<vmem>>, vector<128x128xf32>
      %dot_general3A_75 = arith.constant dense<0.000000e+00> : vector<64x128xf32>
      %dot_general3A_76 = tpu.matmul %div3A_71, %get3A_74, %dot_general3A_75 {dimension_numbers = #tpu.dot_dimension_numbers<[1], [1], [0], [0], [0, 0, 1, 0], [], []>, transpose_lhs_hint = false} : vector<64x128xf32>, vector<128x128xf32>, vector<64x128xf32> -> vector<64x128xf32>
      %get3A_77 = arith.constant 0 : index
      %get3A_78 = arith.constant 0 : index
      %get3A_79 = vector.load %arg6[%get3A_77, %get3A_78] : memref<1x128xf32, #tpu.memory_space<vmem>>, vector<1x128xf32>
      %add3A_80 = vector.broadcast %get3A_79 : vector<1x128xf32> to vector<64x128xf32>
      %add3A_81 = arith.addf %dot_general3A_76, %add3A_80 : vector<64x128xf32>
      %tanh3A_82 = math.tanh %add3A_81 : vector<64x128xf32>
      %swap3A_83 = arith.constant 0 : index
      %swap3A_84 = arith.constant 0 : index
      %swap3A_85 = vector.load %arg7[%swap3A_83, %swap3A_84] : memref<64x128xf32, #tpu.memory_space<vmem>>, vector<64x128xf32>
      tpu.vector_store %arg7[%swap3A_83, %swap3A_84], %tanh3A_82 {strides = array<i32>} : memref<64x128xf32, #tpu.memory_space<vmem>>, vector<64x128xf32>,
    } else {
    }
    return
  }
  func.func @transform_0(%arg0: i32) -> (i32, i32, i32) {
    %c0_i32 = arith.constant 0 : i32
    %c0_i32_0 = arith.constant 0 : i32
    %c0_i32_1 = arith.constant 0 : i32
    return %c0_i32, %arg0, %c0_i32_0 : i32, i32, i32
  }
  func.func @transform_1(%arg0: i32) -> (i32, i32, i32) {
    %c0_i32 = arith.constant 0 : i32
    %c0_i32_0 = arith.constant 0 : i32
    %c0_i32_1 = arith.constant 0 : i32
    return %c0_i32, %arg0, %c0_i32_0 : i32, i32, i32
  }
  func.func @transform_2(%arg0: i32) -> (i32, i32) {
    %c0_i32 = arith.constant 0 : i32
    %c0_i32_0 = arith.constant 0 : i32
    %c0_i32_1 = arith.constant 0 : i32
    return %c0_i32, %c0_i32_0 : i32, i32
  }
  func.func @transform_3(%arg0: i32) -> (i32, i32) {
    %c0_i32 = arith.constant 0 : i32
    %c0_i32_0 = arith.constant 0 : i32
    return %arg0, %c0_i32 : i32, i32
  }
  func.func @transform_4(%arg0: i32) -> (i32, i32) {
    %c0_i32 = arith.constant 0 : i32
    %c0_i32_0 = arith.constant 0 : i32
    %c0_i32_1 = arith.constant 0 : i32
    return %c0_i32, %c0_i32_0 : i32, i32
  }
  func.func @transform_5(%arg0: i32) -> (i32, i32) {
    %c0_i32 = arith.constant 0 : i32
    %c0_i32_0 = arith.constant 0 : i32
    %c0_i32_1 = arith.constant 0 : i32
    return %c0_i32, %c0_i32_0 : i32, i32
  }
  func.func @transform_6(%arg0: i32) -> (i32, i32) {
    %c0_i32 = arith.constant 0 : i32
    %c0_i32_0 = arith.constant 0 : i32
    %c0_i32_1 = arith.constant 0 : i32
    return %c0_i32, %c0_i32_0 : i32, i32
  }
}

</mosaic_0001>

<sc_bundles>
// kernel: kernel.11.cloned.1.call-start
scs
__scs_entry_jumppad:
0x0: {  	(pc) =	sbr.rel $0x88, $3  }
0x1: {  	(tag) =	ssettag $0x0;
	lr =	simm.s32 $0x1  }
0x2: {  	[smem:$0x3F93] =	sst lr;
	_ =	strace $0xD0000000  }
0x3: {  	_ = 	snop  }
0x4: {  	_ = 	snop  }
0x5: {  	_ = 	snop  }
0x6: {  	_ = 	snop  }
0x7: {  	_ = 	snop  }
__scs_overlays_trampoline_lowered:
0x8: {  	[smem:$0x3FA2] =	sst s0  }
0x9: {  	[smem:$0x3FA3] =	sst s1  }
0xa: {  	[smem:$0x3FA4] =	sst s2  }
0xb: {  	[smem:$0x3FA5] =	sst s3  }
0xc: {  	[smem:$0x3FA6] =	sst s4  }
0xd: {  	[smem:$0x3FA7] =	sst s5  }
0xe: {  	[smem:$0x3FA8] =	sst s6  }
0xf: {  	[smem:$0x3FA9] =	sst s7  }
0x10: {  	[smem:$0x3FAA] =	sst s8  }
0x11: {  	[smem:$0x3FAB] =	sst s9;
	s0 =	simm.s32 @!p0 $0x0  }
0x12: {  	s1 =	sld [smem:$0x3F91];
	s0 =	simm.s32 @p0 $0x1  }
0x13: {  	[smem:$0x3FAC] =	sst s0;
	s0 =	simm.s32 @!p1 $0x0  }
0x14: {  	s2 =	sld [smem:$0x3F90];
	s0 =	simm.s32 @p1 $0x1  }
0x15: {  	[smem:$0x3FAD] =	sst s0;
	s0 =	simm.s32 @!p2 $0x0  }
0x16: {  	s3 =	sld [smem:$0x3FDB];
	s0 =	simm.s32 @p2 $0x1  }
0x17: {  	s4 =	simm.s32 $0x1BF5;
	[smem:$0x3FAF] =	sst s0  }
0x18: {  	s0 =	sld [smem:$0x3F92];
	_ =	swait.ge [sflag:s4], $0x0  }
0x19: {  	s7 =	sld [smem:$0x3F93]  }
0x1a: {  	s8 =	sadd.s32 $0xFFFFE003, lr  }
0x1b: {  	s9 =	sadd.s32 $0xFFFFFEF7, lr;
	s5 =	simm.s32 $0xFFFFFFFF;
	p2 =	slt.u32 s8, $0xFFFFF086  }
0x1c: {  	p1 =	slt.u32 s9, $0xF7A;
	s5 =	simm.s32 @!p2 $0x0  }
0x1d: {  	s5 =	simm.s32 @p1 $0x1;
	p0 =	seq.s32 s7, s2  }
0x1e: {  	s7 =	smul.u32 @!p0 $0xF7A, s2;
	p2 =	seq.s32 @!p0 s5, $0x0  }
0x1f: {  	s9 =	smul.u32 $0xF7A, s1;
	s8 =	simm.s32 @!p0 $0x1BF5;
	p2 =	por !p2, p0  }
0x20: {  	[sflag:s8] =	ssyncset.s32 @!p0 $0xFFFFF086;
	s6 =	sadd.s32 @!p0 s3, s7;
	s7 =	simm.s32 @!p0 $0x108  }
0x21: {  	s3 =	sadd.s32 s3, s9;
	s6 =	sadd.s32 @!p0 $0x88, s6;
	s7 =	simm.s32 @p2 $0x1082  }
0x22: {  	[simem:s7], [sflag:s8] =	dma.local @!p0 [hbm:s6], $0xF7A  }
0x23: {  	s9 =	sor.u32 $0xD0000000, s2;
	s6 =	simm.s32 $0x108;
	_ =	swait.ge @!p0 [sflag:s8], $0x0  }
0x24: {  	s3 =	sadd.s32 $0x88, s3;
	s6 =	simm.s32 @!p1 $0x1082;
	[sflag:s4] =	ssyncset.s32 $0xFFFFF086  }
0x25: {  	[simem:s6], [sflag:s4] =	dma.local [hbm:s3], $0xF7A  }
0x26: {  	[smem:$0x3F93] =	sst s1;
	(tag) =	ssettag s2;
	_ =	strace s9  }
0x27: {  	s1 =	sld [smem:$0x3FA3]  }
0x28: {  	s2 =	sld [smem:$0x3FA4]  }
0x29: {  	s4 =	sld [smem:$0x3FA6]  }
0x2a: {  	p0 =	seq.s32 s5, $0x0;
	s5 =	sld [smem:$0x3FA7]  }
0x2b: {  	s6 =	sld [smem:$0x3FA8]  }
0x2c: {  	s7 =	sld [smem:$0x3FA9]  }
0x2d: {  	s3 =	simm.s32 $0x108;
	s8 =	sld [smem:$0x3FAA]  }
0x2e: {  	s3 =	simm.s32 @!p0 $0x1082;
	s9 =	sld [smem:$0x3FAB]  }
0x2f: {  	lr =	sadd.s32 s0, s3;
	s0 =	sld [smem:$0x3FA2]  }
0x30: {  	s3 =	sld [smem:$0x3FA5]  }
0x31: {  	[smem:$0x3FAE] =	sst s10  }
0x32: {  	s10 =	sld [smem:$0x3FAC];
	_ =	sdelay $0x3  }
0x33: {  	p0 =	seq.s32 s10, $0x1;
	s10 =	sld [smem:$0x3FAE];
	_ =	sdelay $0x3  }
0x34: {  	[smem:$0x3FAE] =	sst s10  }
0x35: {  	s10 =	sld [smem:$0x3FAD];
	_ =	sdelay $0x3  }
0x36: {  	p1 =	seq.s32 s10, $0x1;
	s10 =	sld [smem:$0x3FAE];
	_ =	sdelay $0x3  }
0x37: {  	[smem:$0x3FAE] =	sst s10  }
0x38: {  	s10 =	sld [smem:$0x3FAF]  }
0x39: {  	_ = 	snop;
	(pc) =	sbr.ind lr, $3  }
0x3a: {  	_ = 	snop  }
0x3b: {  	_ = 	snop  }
0x3c: {  	p2 =	seq.s32 s10, $0x1;
	s10 =	sld [smem:$0x3FAE]  }
0x3d: {  	_ =	shalt  }
0x3e: {  	_ =	shalt  }
0x3f: {  	_ =	shalt  }
0x40: {  	_ =	shalt  }
0x41: {  	_ =	shalt  }
0x42: {  	_ =	shalt  }
0x43: {  	_ =	shalt  }
0x44: {  	_ =	shalt  }
0x45: {  	_ =	shalt  }
0x46: {  	_ =	shalt  }
0x47: {  	_ =	shalt  }
0x48: {  	_ =	shalt  }
0x49: {  	_ =	shalt  }
0x4a: {  	_ =	shalt  }
0x4b: {  	_ =	shalt  }
0x4c: {  	_ =	shalt  }
0x4d: {  	_ =	shalt  }
0x4e: {  	_ =	shalt  }
0x4f: {  	_ =	shalt  }
0x50: {  	_ =	shalt  }
0x51: {  	_ =	shalt  }
0x52: {  	_ =	shalt  }
0x53: {  	_ =	shalt  }
0x54: {  	_ =	shalt  }
0x55: {  	_ =	shalt  }
0x56: {  	_ =	shalt  }
0x57: {  	_ =	shalt  }
0x58: {  	_ =	shalt  }
0x59: {  	_ =	shalt  }
0x5a: {  	_ =	shalt  }
0x5b: {  	_ =	shalt  }
0x5c: {  	_ =	shalt  }
0x5d: {  	_ =	shalt  }
0x5e: {  	_ =	shalt  }
0x5f: {  	_ =	shalt  }
0x60: {  	_ =	shalt  }
0x61: {  	_ =	shalt  }
0x62: {  	_ =	shalt  }
0x63: {  	_ =	shalt  }
0x64: {  	_ =	shalt  }
0x65: {  	_ =	shalt  }
0x66: {  	_ =	shalt  }
0x67: {  	_ =	shalt  }
0x68: {  	_ =	shalt  }
0x69: {  	_ =	shalt  }
0x6a: {  	_ =	shalt  }
0x6b: {  	_ =	shalt  }
0x6c: {  	_ =	shalt  }
0x6d: {  	_ =	shalt  }
0x6e: {  	_ =	shalt  }
0x6f: {  	_ =	shalt  }
0x70: {  	_ =	shalt  }
0x71: {  	_ =	shalt  }
0x72: {  	_ =	shalt  }
0x73: {  	_ =	shalt  }
0x74: {  	_ =	shalt  }
0x75: {  	_ =	shalt  }
0x76: {  	_ =	shalt  }
0x77: {  	_ =	shalt  }
0x78: {  	_ =	shalt  }
0x79: {  	_ =	shalt  }
0x7a: {  	_ =	shalt  }
0x7b: {  	_ =	shalt  }
0x7c: {  	_ =	shalt  }
0x7d: {  	_ =	shalt  }
0x7e: {  	_ =	shalt  }
0x7f: {  	_ =	shalt  }
0x80: {  	_ =	shalt  }
0x81: {  	_ =	shalt  }
0x82: {  	_ =	shalt  }
0x83: {  	_ =	shalt  }
0x84: {  	_ =	shalt  }
0x85: {  	_ =	shalt  }
0x86: {  	_ =	shalt  }
0x87: {  	_ =	shalt  }
.Lfunc_end0:
.L_simem_size_0:
called_computation.1_lowered:
.L_overlay_start_0:
0x88: {  	s2 =	sld [smem:$0x3FD9]  }
0x89: {  	s3 =	sld [smem:$0x3FFE];
	_ =	sdelay $0x1  }
0x8a: {  	s1 =	srdreg.scid  }
0x8b: {  	s0 =	sand.u32 $0x1, s1  }
0x8c: {  	s16 =	sshll.u32 s0, $0xA;
	s2 =	sadd.s32 s3, s2  }
0x8d: {  	s2 =	sadd.s32 s2, s16  }
0x8e: {  	[smem:$0x3FBA] =	sst s2  }
0x8f: {  	_ = 	snop  }
0x90: {  	(tm) =	ssettm $0x1  }
0x91: {  	s17 =	sld [smem:$0x3FFB];
	_ =	sdelay $0x3  }
0x92: {  	_ =	strace s17  }
0x93: {  	s2 =	sld [smem:$0x3FFC];
	_ =	sdelay $0x3  }
0x94: {  	_ =	strace s2  }
0x95: {  	s2 =	sld [smem:$0x3FFD];
	_ =	sdelay $0x3  }
0x96: {  	_ =	strace s2  }
0x97: {  	_ =	strace $0x8FFFFFFF  }
0x98: {  	s18 =	sld [smem:$0x3FDB];
	_ =	sdelay $0x1  }
0x99: {  	s19 =	simm.s32 $_scs_section_size  }
0x9a: {  	s4 =	simm.s32 $_size__tile_overlayer_lowered;
	s5 =	simm.s32 $_tile_overlayer_lowered  }
0x9b: {  	s22 =	simm.s32 $0x1BFF;
	s21 =	sshll.u32 s5, $0x1;
	s2 =	sadd.s32 s19, s18  }
0x9c: {  	s6 =	simm.s32 $0x0;
	s20 =	sshll.u32 s4, $0x1;
	s4 =	sadd.s32 s21, s2  }
0x9d: {  	[timem:s6], [sflag:s22] =	dma.local [hbm:s4], s20  }
0x9e: {  	_ =	swait.ge [sflag:s22], s20  }
0x9f: {  	s3 =	ssub.s32 $0x0, s20;
	[sflag:s22] =	ssyncset.done $0x0  }
0xa0: {  	[sflag:s22] =	ssyncadd.s32 s3;
	_ =	sdelay $0x1  }
0xa1: {  	s23 =	simm.s32 $0x1B8B  }
0xa2: {  	_ =	swait.ge [sflag:s23], $0x1  }
0xa3: {  	[sflag:s23] =	ssyncset.done $0x0  }
0xa4: {  	s25 =	simm.s32 $0x1B8E;
	s24 =	sld [smem:$0x3FFE];
	[sflag:s23] =	ssyncadd.s32 $0xFFFFFFFF  }
0xa5: {  	s26 =	simm.s32 $execute0_lowered;
	[smem:$0x3FD2] =	sst s25  }
0xa6: {  	s4 =	sshll.u32 s26, $0x1;
	_ =	strace $0x80000049;
	[dreg:$0x1] =	wrdreg $0xFFFFFFFF  }
0xa7: {  	s28 =	simm.s32 $_size_execute0_lowered;
	s2 =	sadd.s32 s2, s4;
	[dreg:$0x0] =	wrdreg $0x0  }
0xa8: {  	s4 =	sshll.u32 s28, $0x1;
	[dreg:$0x2] =	wrdreg s2  }
0xa9: {  	[dreg:$0x3] =	wrdreg s4  }
0xaa: {  	[dreg:$0x4] =	wrdreg $0xC0  }
0xab: {  	_ =	task [dreg:s6], $0x5FFFF  }
0xac: {  	[dreg:$0x1] =	wrdreg $0xFFFFFFFF  }
0xad: {  	[dreg:$0x0] =	wrdreg $0x60  }
0xae: {  	[dreg:$0x2] =	wrdreg s24  }
0xaf: {  	[dreg:$0x3] =	wrdreg $0xBF000  }
0xb0: {  	[dreg:$0x4] =	wrdreg $0x9  }
0xb1: {  	_ =	task.clear_ibuf [dreg:s6], $0x5FFFF;
	_ =	strace $0x90000049  }
0xb2: {  	s29 =	simm.s32 $0x9;
	_ =	strace $0x8000004B  }
0xb3: {  	_ =	swait.ge [sflag:s29], $0x1  }
0xb4: {  	[sflag:s29] =	ssyncadd.s32 $0xFFFFFFFF  }
0xb5: {  	_ =	strace $0x9000004B  }
0xb6: {  	_ =	sfence  }
0xb7: {  	s30 =	sld [smem:$0x0];
	_ =	sdelay $0x2  }
0xb8: {  	s31 =	sshll.u32 s1, $0xD;
	s1 =	sshrl.u32 s1, $0x2  }
0xb9: {  	s3 =	sand.u32 $0x4000, s31;
	s1 =	sadd.s32 s1, s30  }
0xba: {  	s0 =	sor.u32 s3, s0;
	s1 =	sshll.u32 s1, $0x11  }
0xbb: {  	s0 =	sor.u32 s1, s0  }
0xbc: {  	s0 =	sadd.s32 $0x8F2B, s0  }
0xbd: {  	[sflag:s0] =	ssyncadd.remote.s32 $0x1  }
0xbe: {  	_ =	sfence.sel $0xFFFF  }
0xbf: {  	[dreg:$0x0] =	wrdreg $0xFFFFFFFF;
	(pc) =	sbr.abs _section_cstart, $3  }
0xc0: {  	[dreg:$0x1] =	wrdreg $0xFFFFFFFF  }
0xc1: {  	_ =	task.clear_ibuf [dreg:s6], $0x2FFFF;
	_ =	strace $0x9FFFFFFF  }
0xc2: {  	(tm) =	ssettm $0x7FFFFFFF  }
0xc3: {  	_ =	shalt  }
tec
execute0_lowered:
.L_overlay_start_1:
0x0: {  	(tag) =	ssettag $0x1  }
0x1: {  	s0 =	rddreg [dreg:$0x0]  }
0x2: {  	s26 =	rddreg [dreg:$0x1]  }
0x3: {  	s1 =	srdreg.scid;
	s2 =	stileid.u32;
	s3 =	simm.s32 $0x0  }
0x4: {  	s28 =	simm.s32 $0xD;
	s29 =	simm.s32 $0x5680;
	s4 =	sand.u32 $0x1, s1  }
0x5: {  	s15 =	sshll.u32 s2, $0x1;
	[smem:$0x7FF] =	sst s3;
	s10 =	smul.u32 $0x14000, s2  }
0x6: {  	s5 =	sadd.s32 $0x7B200, s0;
	s1 =	sor.u32 s4, s15;
	s7 =	smul.u32 $0x140000, s4  }
0x7: {  	_ =	strace $0x8000004A;
	s6 =	ssub.s32 $0x2, s4;
	s1 =	smul.u32 $0x14400, s1  }
0x8: {  	s8 =	sshrl.u32 s6, $0x1;
	s12 =	sadd.s32 $0x4000, s10;
	s13 =	sadd.s32 $0x8000, s10  }
0x9: {  	s15 =	sadd.s32 $0xA000, s10;
	s6 =	ssub.s32 s6, s8;
	s17 =	sadd.s32 s7, s10  }
0xa: {  	s19 =	sadd.s32 s7, s12;
	s14 =	sadd.s32 s7, s13;
	s23 =	sadd.s32 s7, s15  }
0xb: {  	s9 =	sadd.s32 $0x400, s1;
	s16 =	sadd.s32 $0x500, s1;
	s8 =	sshrl.u32 s17, $0x3  }
0xc: {  	s20 =	sshrl.u32 s19, $0x3;
	s22 =	sshrl.u32 s14, $0x3;
	s24 =	sshrl.u32 s23, $0x3  }
0xd: {  	s19 =	sadd.s32 $0xE000, s10;
	s23 =	simm.s32 $0x5300;
	[dreg:$0x3] =	wrdreg s9  }
0xe: {  	s1 =	sshrl.u32 s1, $0x3;
	[dreg:$0x4] =	wrdreg s16;
	s9 =	sor.u32 $0x2000, s10  }
0xf: {  	s8 =	sadd.s32 s5, s8;
	s16 =	sadd.s32 $0xC000, s10;
	[dreg:$0x6] =	wrdreg s23  }
0x10: {  	s30 =	sadd.s32 s7, s19;
	s11 =	sadd.s32 s7, s9;
	[dreg:$0x7] =	wrdreg s8  }
0x11: {  	s14 =	sshrl.u32 s30, $0x3;
	s30 =	sadd.s32 $0x29600, s0;
	s18 =	sshrl.u32 s11, $0x3  }
0x12: {  	s11 =	sadd.s32 $0x6000, s10;
	[dreg:$0x12] =	wrdreg s30;
	s8 =	sadd.s32 s5, s18  }
0x13: {  	s25 =	sadd.s32 s7, s16;
	s21 =	sadd.s32 s7, s11;
	[dreg:$0x8] =	wrdreg s8  }
0x14: {  	s8 =	sadd.s32 s5, s20;
	s20 =	sadd.s32 $0x10000, s10;
	s10 =	sadd.s32 $0x12000, s10  }
0x15: {  	[dreg:$0x9] =	wrdreg s8;
	s8 =	sshrl.u32 s21, $0x3;
	s17 =	sadd.s32 s7, s20  }
0x16: {  	s7 =	sadd.s32 s7, s10;
	s21 =	smul.u32 $0x28800, s2;
	s8 =	sadd.s32 s5, s8  }
0x17: {  	s10 =	sadd.s32 s10, s26;
	[dreg:$0xa] =	wrdreg s8;
	s8 =	sadd.s32 s5, s22  }
0x18: {  	s18 =	sshrl.u32 s17, $0x3;
	s22 =	simm.s32 $0x5200;
	[dreg:$0xb] =	wrdreg s8  }
0x19: {  	s7 =	sshrl.u32 s7, $0x3;
	s8 =	sadd.s32 s5, s24;
	[dreg:$0x5] =	wrdreg s22  }
0x1a: {  	[dreg:$0xc] =	wrdreg s8;
	s8 =	sshrl.u32 s25, $0x3;
	s25 =	sadd.s32 $0x7AC00, s0  }
0x1b: {  	s24 =	smul.u32 $0x50000, s2;
	s8 =	sadd.s32 s5, s8;
	[dreg:$0x11] =	wrdreg s25  }
0x1c: {  	s17 =	sadd.s32 $0x29C00, s0;
	[dreg:$0xd] =	wrdreg s8;
	s8 =	sadd.s32 s5, s14  }
0x1d: {  	s2 =	sshrl.u32 s24, $0x2;
	[dreg:$0xe] =	wrdreg s8;
	s8 =	sadd.s32 s5, s18  }
0x1e: {  	s5 =	sadd.s32 s5, s7;
	s18 =	sadd.s32 s2, s26;
	[dreg:$0xf] =	wrdreg s8  }
0x1f: {  	s2 =	sadd.s32 s17, s1;
	s1 =	sshrl.u32 s10, $0x3;
	[dreg:$0x10] =	wrdreg s5  }
0x20: {  	s7 =	sadd.s32 s12, s26;
	s12 =	sadd.s32 s15, s26;
	[dreg:$0x1f] =	wrdreg s1  }
0x21: {  	s15 =	sadd.s32 s19, s26;
	s5 =	smax.u32 s6, $0x1;
	[dreg:$0x13] =	wrdreg s2  }
0x22: {  	s19 =	sadd.s32 s20, s26;
	s20 =	sshrl.u32 s7, $0x3;
	[dreg:$0x14] =	wrdreg s5  }
0x23: {  	s4 =	smul.u32 $0x14400, s4;
	s23 =	sshrl.u32 s12, $0x3;
	[dreg:$0x18] =	wrdreg s20  }
0x24: {  	s31 =	simm.s32 $0x6680;
	s25 =	sshrl.u32 s15, $0x3;
	[dreg:$0x1b] =	wrdreg s23  }
0x25: {  	s4 =	sadd.s32 s4, s21;
	s30 =	sshrl.u32 s19, $0x3;
	[dreg:$0x1d] =	wrdreg s25  }
0x26: {  	s14 =	sadd.s32 $0x1600, s0;
	s7 =	sadd.s32 $0x3000, s18;
	[dreg:$0x1e] =	wrdreg s30  }
0x27: {  	s6 =	sadd.s32 s9, s26;
	s10 =	sadd.s32 $0x6000, s18;
	[smem:$0x7ED] =	sst s7  }
0x28: {  	s8 =	sadd.s32 s11, s26;
	s12 =	sadd.s32 $0x8000, s18;
	[smem:$0x7F0] =	sst s10  }
0x29: {  	s9 =	sadd.s32 s13, s26;
	s15 =	sadd.s32 $0xA000, s18;
	[smem:$0x7F2] =	sst s12  }
0x2a: {  	s13 =	sadd.s32 s16, s26;
	s19 =	sadd.s32 $0xC000, s18;
	[smem:$0x7F4] =	sst s15  }
0x2b: {  	s16 =	sor.u32 $0x300, s4;
	s0 =	sshrl.u32 s6, $0x3;
	[smem:$0x7F6] =	sst s19  }
0x2c: {  	s4 =	sor.u32 $0x200, s4;
	s21 =	sshrl.u32 s8, $0x3;
	[dreg:$0x17] =	wrdreg s0  }
0x2d: {  	s1 =	simm.s32 $0x8680;
	s22 =	sshrl.u32 s9, $0x3;
	[dreg:$0x19] =	wrdreg s21  }
0x2e: {  	s11 =	sshrl.u32 s16, $0x3;
	s24 =	sshrl.u32 s13, $0x3;
	[dreg:$0x1a] =	wrdreg s22  }
0x2f: {  	s4 =	sshrl.u32 s4, $0x3;
	s5 =	sadd.s32 $0x1000, s18;
	[dreg:$0x1c] =	wrdreg s24  }
0x30: {  	s6 =	sadd.s32 $0x2000, s18;
	s8 =	sadd.s32 $0x4000, s18;
	[smem:$0x7EB] =	sst s5  }
0x31: {  	s9 =	sadd.s32 $0x5000, s18;
	s13 =	sadd.s32 $0x9000, s18;
	[smem:$0x7EC] =	sst s6  }
0x32: {  	s16 =	sadd.s32 $0xB000, s18;
	s20 =	sadd.s32 $0xD000, s18;
	[smem:$0x7EE] =	sst s8  }
0x33: {  	s23 =	sadd.s32 $0x10000, s18;
	s25 =	sadd.s32 $0x12000, s18;
	[smem:$0x7EF] =	sst s9  }
0x34: {  	s30 =	sadd.s32 $0x13000, s18;
	s7 =	simm.s32 $0x6;
	[smem:$0x7F3] =	sst s13  }
0x35: {  	s10 =	simm.s32 $0xB;
	s12 =	simm.s32 $0x2;
	[smem:$0x7F5] =	sst s16  }
0x36: {  	s15 =	simm.s32 $0x8;
	s19 =	simm.s32 $0x4;
	[smem:$0x7F7] =	sst s20  }
0x37: {  	s11 =	sadd.s32 s11, s17;
	s4 =	sadd.s32 s4, s17;
	[smem:$0x7FA] =	sst s23  }
0x38: {  	s21 =	sadd.s32 $0xE000, s18;
	s22 =	sadd.s32 $0xF000, s18;
	[smem:$0x7FC] =	sst s25  }
0x39: {  	s24 =	sadd.s32 $0x11000, s18;
	[smem:$0x7FD] =	sst s30;
	s0 =	simm.s32 $0x7680  }
0x3a: {  	s5 =	simm.s32 $0x5100;
	s6 =	simm.s32 $0xA;
	[dreg:$0x15] =	wrdreg s11  }
0x3b: {  	s8 =	simm.s32 $0x9680;
	s9 =	simm.s32 $0x1;
	[dreg:$0x16] =	wrdreg s4  }
0x3c: {  	s13 =	simm.s32 $0xC;
	s16 =	simm.s32 $0x3;
	[smem:$0x7F8] =	sst s21  }
0x3d: {  	s20 =	simm.s32 $0x9;
	s23 =	simm.s32 $0x5;
	[smem:$0x7F9] =	sst s22  }
0x3e: {  	v0 =	vimm.f32 $0.0e+00;
	v6 =	vlaneseq.u32;
	s4 =	sadd.s32 $0x20, s2;
	s11 =	sadd.s32 $0x7000, s18;
	[smem:$0x7FB] =	sst s24  }
0x3f: {  	v1 =	vimm.s32 $0x0;
	v2 =	vor.u32 $0x2780, v6;
	v3 =	vor.u32 $0x2790, v6;
	s22 =	simm.s32 $0x2800;
	s24 =	simm.s32 $0x0;
	[smem:$0x7EA] =	sst s4  }
0x40: {  	v4 =	vor.u32 $0x27A0, v6;
	v5 =	vor.u32 $0x27B0, v6;
	v6 =	vor.u32 $0x27C0, v6;
	[smem:$0x7F1] =	sst s11;
	s4 =	simm.s32 $0x5000;
	s11 =	simm.s32 $0x7  }
.LBB2_1:
0x41: {  	s2 =	rddreg [dreg:$0x11]  }
0x42: {  	[tilespmem:s3], [sflag:$0xD] =	stream.linear.gather [hbm4b:s2+s3], $0x2800, $0x38;
	[tilespmem:$0x1FF00] =	vst v63  }
0x43: {  	_ =	swait.ge [sflag:s28], $0x2800  }
0x44: {  	[sflag:s28] =	ssyncset.done $0x0  }
0x45: {  	s30 =	rddreg [dreg:$0x12];
	[sflag:s28] =	ssyncadd.s32 $0xFFFFD800  }
0x46: {  	[tilespmem:s22], [sflag:$0xD] =	stream.linear.gather [hbm4b:s30+s3], $0x2800, $0x38;
	[tilespmem:$0x1FF00] =	vst v63  }
0x47: {  	_ =	swait.ge [sflag:s28], $0x2800  }
0x48: {  	[sflag:s28] =	ssyncset.done $0x0  }
0x49: {  	s21 =	simm.s32 $0xFFFFF000;
	s25 =	simm.s32 $0xFFFFC200;
	[sflag:s28] =	ssyncadd.s32 $0xFFFFD800  }
.LBB2_2:
0x4a: {  	p0 =	sne.s32 s25, $0xFFFFFE00;
	[tilespmem:s21+$0x96F0] =	vst v0  }
0x4b: {  	[tilespmem:s21+$0x6680] =	vst v0  }
0x4c: {  	[tilespmem:s21+$0x6690] =	vst v0  }
0x4d: {  	[tilespmem:s21+$0x66A0] =	vst v0  }
0x4e: {  	[tilespmem:s21+$0x66B0] =	vst v0  }
0x4f: {  	[tilespmem:s21+$0x66C0] =	vst v0  }
0x50: {  	[tilespmem:s21+$0x66D0] =	vst v0  }
0x51: {  	[tilespmem:s21+$0x66E0] =	vst v0  }
0x52: {  	[tilespmem:s21+$0x66F0] =	vst v0  }
0x53: {  	[tilespmem:s21+$0x7680] =	vst v0  }
0x54: {  	[tilespmem:s21+$0x7690] =	vst v0  }
0x55: {  	[tilespmem:s21+$0x76A0] =	vst v0  }
0x56: {  	[tilespmem:s21+$0x76B0] =	vst v0  }
0x57: {  	[tilespmem:s21+$0x76C0] =	vst v0  }
0x58: {  	[tilespmem:s21+$0x76D0] =	vst v0  }
0x59: {  	[tilespmem:s21+$0x76E0] =	vst v0  }
0x5a: {  	[tilespmem:s21+$0x76F0] =	vst v0  }
0x5b: {  	[tilespmem:s21+$0x8680] =	vst v0  }
0x5c: {  	[tilespmem:s21+$0x8690] =	vst v0  }
0x5d: {  	[tilespmem:s21+$0x86A0] =	vst v0  }
0x5e: {  	[tilespmem:s21+$0x86B0] =	vst v0  }
0x5f: {  	[tilespmem:s21+$0x86C0] =	vst v0  }
0x60: {  	[tilespmem:s21+$0x86D0] =	vst v0  }
0x61: {  	[tilespmem:s21+$0x86E0] =	vst v0  }
0x62: {  	[tilespmem:s21+$0x86F0] =	vst v0  }
0x63: {  	[tilespmem:s21+$0x9680] =	vst v0  }
0x64: {  	[tilespmem:s21+$0x9690] =	vst v0  }
.Ltmp0:
0x65: {  	[tilespmem:s21+$0x96A0] =	vst v0;
	(pc) =	sbr.rel @p0 .LBB2_2-.Ltmp0, $4  }
0x66: {  	[tilespmem:s21+$0x96B0] =	vst v0  }
0x67: {  	[tilespmem:s21+$0x96C0] =	vst v0  }
0x68: {  	[tilespmem:s21+$0x96D0] =	vst v0  }
0x69: {  	[tilespmem:s21+$0x96E0] =	vst v0;
	s21 =	sshra.s32 s25, $0x2;
	s25 =	sadd.s32 $0x200, s25  }
0x6a: {  	[tilespmem:s21+$0x96F0] =	vst v0  }
0x6b: {  	[tilespmem:s21+$0x6680] =	vst v0  }
0x6c: {  	[tilespmem:s21+$0x6690] =	vst v0  }
0x6d: {  	[tilespmem:s21+$0x66A0] =	vst v0  }
0x6e: {  	[tilespmem:s21+$0x66B0] =	vst v0  }
0x6f: {  	[tilespmem:s21+$0x66C0] =	vst v0  }
0x70: {  	[tilespmem:s21+$0x66D0] =	vst v0  }
0x71: {  	[tilespmem:s21+$0x66E0] =	vst v0  }
0x72: {  	[tilespmem:s21+$0x66F0] =	vst v0  }
0x73: {  	[tilespmem:s21+$0x7680] =	vst v0  }
0x74: {  	[tilespmem:s21+$0x7690] =	vst v0  }
0x75: {  	[tilespmem:s21+$0x76A0] =	vst v0  }
0x76: {  	[tilespmem:s21+$0x76B0] =	vst v0  }
0x77: {  	[tilespmem:s21+$0x76C0] =	vst v0  }
0x78: {  	[tilespmem:s21+$0x76D0] =	vst v0  }
0x79: {  	[tilespmem:s21+$0x76E0] =	vst v0  }
0x7a: {  	[tilespmem:s21+$0x76F0] =	vst v0  }
0x7b: {  	[tilespmem:s21+$0x8680] =	vst v0  }
0x7c: {  	[tilespmem:s21+$0x8690] =	vst v0  }
0x7d: {  	[tilespmem:s21+$0x86A0] =	vst v0  }
0x7e: {  	[tilespmem:s21+$0x86B0] =	vst v0  }
0x7f: {  	[tilespmem:s21+$0x86C0] =	vst v0  }
0x80: {  	[tilespmem:s21+$0x86D0] =	vst v0  }
0x81: {  	[tilespmem:s21+$0x86E0] =	vst v0  }
0x82: {  	[tilespmem:s21+$0x86F0] =	vst v0  }
0x83: {  	[tilespmem:s21+$0x9680] =	vst v0  }
0x84: {  	[tilespmem:s21+$0x9690] =	vst v0  }
0x85: {  	[tilespmem:s21+$0x96A0] =	vst v0  }
0x86: {  	[tilespmem:s21+$0x96B0] =	vst v0  }
0x87: {  	[tilespmem:s21+$0x96C0] =	vst v0  }
0x88: {  	[tilespmem:s21+$0x96D0] =	vst v0  }
0x89: {  	[tilespmem:s21+$0x96E0] =	vst v0  }
0x8a: {  	[tilespmem:$0x5400] =	vst v1  }
0x8b: {  	[tilespmem:$0x5480] =	vst v1  }
0x8c: {  	[tilespmem:$0x5500] =	vst v1  }
0x8d: {  	[tilespmem:$0x5580] =	vst v1  }
0x8e: {  	[tilespmem:$0x5410] =	vst v1  }
0x8f: {  	[tilespmem:$0x5490] =	vst v1  }
0x90: {  	[tilespmem:$0x5510] =	vst v1  }
0x91: {  	s21 =	simm.s32 $0x70;
	s25 =	simm.s32 $0x3C0;
	[tilespmem:$0x5590] =	vst v1  }
.LBB2_4:
0x92: {  	p0 =	sne.s32 s25, $0x9FC0;
	[tilespmem:s21+$0x9680] =	vst v0  }
0x93: {  	[tilespmem:s21+$0x9610] =	vst v0  }
0x94: {  	[tilespmem:s21+$0x9620] =	vst v0  }
.Ltmp1:
0x95: {  	[tilespmem:s21+$0x9630] =	vst v0;
	(pc) =	sbr.rel @p0 .LBB2_4-.Ltmp1, $4  }
0x96: {  	[tilespmem:s21+$0x9640] =	vst v0  }
0x97: {  	[tilespmem:s21+$0x9650] =	vst v0  }
0x98: {  	[tilespmem:s21+$0x9660] =	vst v0  }
0x99: {  	[tilespmem:s21+$0x9670] =	vst v0;
	s21 =	sshra.s32 s25, $0x2;
	s25 =	sadd.s32 $0x200, s25  }
0x9a: {  	[tilespmem:s21+$0x9680] =	vst v0  }
0x9b: {  	[tilespmem:s21+$0x9610] =	vst v0  }
0x9c: {  	[tilespmem:s21+$0x9620] =	vst v0  }
0x9d: {  	[tilespmem:s21+$0x9630] =	vst v0  }
0x9e: {  	[tilespmem:s21+$0x9640] =	vst v0  }
0x9f: {  	[tilespmem:s21+$0x9650] =	vst v0  }
0xa0: {  	[tilespmem:s21+$0x9660] =	vst v0  }
0xa1: {  	[tilespmem:s21+$0x9670] =	vst v0  }
0xa2: {  	[tilespmem:$0xBE80] =	vst v2  }
0xa3: {  	[tilespmem:$0xBE90] =	vst v3  }
0xa4: {  	[tilespmem:$0xBEA0] =	vst v4  }
0xa5: {  	[tilespmem:$0xBEB0] =	vst v5  }
0xa6: {  	[tilespmem:$0xBEC0] =	vst v6  }
0xa7: {  	[spmem:s18] =	stream.linear.scatter [tilespmem:s29], [sflag:$0xD], $0x1000, $0x38;
	[tilespmem:$0x1FF00] =	vst v63  }
0xa8: {  	_ =	swait.ge [sflag:s28], $0x1000  }
0xa9: {  	s2 =	sld [smem:$0x7EB]  }
0xaa: {  	[sflag:s28] =	ssyncset.done $0x0  }
0xab: {  	[sflag:s28] =	ssyncadd.s32 $0xFFFFF000  }
0xac: {  	[spmem:s2] =	stream.linear.scatter [tilespmem:s29], [sflag:$0xD], $0x1000, $0x38;
	[tilespmem:$0x1FF00] =	vst v63  }
0xad: {  	_ =	swait.ge [sflag:s28], $0x1000  }
0xae: {  	s25 =	sld [smem:$0x7EC]  }
0xaf: {  	[sflag:s28] =	ssyncset.done $0x0  }
0xb0: {  	[sflag:s28] =	ssyncadd.s32 $0xFFFFF000  }
0xb1: {  	[spmem:s25] =	stream.linear.scatter [tilespmem:s29], [sflag:$0xD], $0x1000, $0x38;
	[tilespmem:$0x1FF00] =	vst v63  }
0xb2: {  	_ =	swait.ge [sflag:s28], $0x1000  }
0xb3: {  	s30 =	sld [smem:$0x7ED]  }
0xb4: {  	[sflag:s28] =	ssyncset.done $0x0  }
0xb5: {  	[sflag:s28] =	ssyncadd.s32 $0xFFFFF000  }
0xb6: {  	[spmem:s30] =	stream.linear.scatter [tilespmem:s29], [sflag:$0xD], $0x1000, $0x38;
	[tilespmem:$0x1FF00] =	vst v63  }
0xb7: {  	_ =	swait.ge [sflag:s28], $0x1000  }
0xb8: {  	s21 =	sld [smem:$0x7EE]  }
0xb9: {  	[sflag:s28] =	ssyncset.done $0x0  }
0xba: {  	[sflag:s28] =	ssyncadd.s32 $0xFFFFF000  }
0xbb: {  	[spmem:s21] =	stream.linear.scatter [tilespmem:s29], [sflag:$0xD], $0x1000, $0x38;
	[tilespmem:$0x1FF00] =	vst v63  }
0xbc: {  	_ =	swait.ge [sflag:s28], $0x1000  }
0xbd: {  	s25 =	sld [smem:$0x7EF]  }
0xbe: {  	[sflag:s28] =	ssyncset.done $0x0  }
0xbf: {  	[sflag:s28] =	ssyncadd.s32 $0xFFFFF000  }
0xc0: {  	[spmem:s25] =	stream.linear.scatter [tilespmem:s29], [sflag:$0xD], $0x1000, $0x38;
	[tilespmem:$0x1FF00] =	vst v63  }
0xc1: {  	_ =	swait.ge [sflag:s28], $0x1000  }
0xc2: {  	s30 =	sld [smem:$0x7F0]  }
0xc3: {  	[sflag:s28] =	ssyncset.done $0x0  }
0xc4: {  	[sflag:s28] =	ssyncadd.s32 $0xFFFFF000  }
0xc5: {  	[spmem:s30] =	stream.linear.scatter [tilespmem:s29], [sflag:$0xD], $0x1000, $0x38;
	[tilespmem:$0x1FF00] =	vst v63  }
0xc6: {  	_ =	swait.ge [sflag:s28], $0x1000  }
0xc7: {  	s21 =	sld [smem:$0x7F1]  }
0xc8: {  	[sflag:s28] =	ssyncset.done $0x0  }
0xc9: {  	[sflag:s28] =	ssyncadd.s32 $0xFFFFF000  }
0xca: {  	[spmem:s21] =	stream.linear.scatter [tilespmem:s29], [sflag:$0xD], $0x1000, $0x38;
	[tilespmem:$0x1FF00] =	vst v63  }
0xcb: {  	_ =	swait.ge [sflag:s28], $0x1000  }
0xcc: {  	s25 =	sld [smem:$0x7F2]  }
0xcd: {  	[sflag:s28] =	ssyncset.done $0x0  }
0xce: {  	[sflag:s28] =	ssyncadd.s32 $0xFFFFF000  }
0xcf: {  	[spmem:s25] =	stream.linear.scatter [tilespmem:s29], [sflag:$0xD], $0x1000, $0x38;
	[tilespmem:$0x1FF00] =	vst v63  }
0xd0: {  	_ =	swait.ge [sflag:s28], $0x1000  }
0xd1: {  	s30 =	sld [smem:$0x7F3]  }
0xd2: {  	[sflag:s28] =	ssyncset.done $0x0  }
0xd3: {  	[sflag:s28] =	ssyncadd.s32 $0xFFFFF000  }
0xd4: {  	[spmem:s30] =	stream.linear.scatter [tilespmem:s29], [sflag:$0xD], $0x1000, $0x38;
	[tilespmem:$0x1FF00] =	vst v63  }
0xd5: {  	_ =	swait.ge [sflag:s28], $0x1000  }
0xd6: {  	s21 =	sld [smem:$0x7F4]  }
0xd7: {  	[sflag:s28] =	ssyncset.done $0x0  }
0xd8: {  	[sflag:s28] =	ssyncadd.s32 $0xFFFFF000  }
0xd9: {  	[spmem:s21] =	stream.linear.scatter [tilespmem:s29], [sflag:$0xD], $0x1000, $0x38;
	[tilespmem:$0x1FF00] =	vst v63  }
0xda: {  	_ =	swait.ge [sflag:s28], $0x1000  }
0xdb: {  	s25 =	sld [smem:$0x7F5]  }
0xdc: {  	[sflag:s28] =	ssyncset.done $0x0  }
0xdd: {  	[sflag:s28] =	ssyncadd.s32 $0xFFFFF000  }
0xde: {  	[spmem:s25] =	stream.linear.scatter [tilespmem:s29], [sflag:$0xD], $0x1000, $0x38;
	[tilespmem:$0x1FF00] =	vst v63  }
0xdf: {  	_ =	swait.ge [sflag:s28], $0x1000  }
0xe0: {  	s30 =	sld [smem:$0x7F6]  }
0xe1: {  	[sflag:s28] =	ssyncset.done $0x0  }
0xe2: {  	[sflag:s28] =	ssyncadd.s32 $0xFFFFF000  }
0xe3: {  	[spmem:s30] =	stream.linear.scatter [tilespmem:s29], [sflag:$0xD], $0x1000, $0x38;
	[tilespmem:$0x1FF00] =	vst v63  }
0xe4: {  	_ =	swait.ge [sflag:s28], $0x1000  }
0xe5: {  	s21 =	sld [smem:$0x7F7]  }
0xe6: {  	[sflag:s28] =	ssyncset.done $0x0  }
0xe7: {  	[sflag:s28] =	ssyncadd.s32 $0xFFFFF000  }
0xe8: {  	[spmem:s21] =	stream.linear.scatter [tilespmem:s29], [sflag:$0xD], $0x1000, $0x38;
	[tilespmem:$0x1FF00] =	vst v63  }
0xe9: {  	_ =	swait.ge [sflag:s28], $0x1000  }
0xea: {  	s25 =	sld [smem:$0x7F8]  }
0xeb: {  	[sflag:s28] =	ssyncset.done $0x0  }
0xec: {  	[sflag:s28] =	ssyncadd.s32 $0xFFFFF000  }
0xed: {  	[spmem:s25] =	stream.linear.scatter [tilespmem:s29], [sflag:$0xD], $0x1000, $0x38;
	[tilespmem:$0x1FF00] =	vst v63  }
0xee: {  	_ =	swait.ge [sflag:s28], $0x1000  }
0xef: {  	s30 =	sld [smem:$0x7F9]  }
0xf0: {  	[sflag:s28] =	ssyncset.done $0x0  }
0xf1: {  	[sflag:s28] =	ssyncadd.s32 $0xFFFFF000  }
0xf2: {  	[spmem:s30] =	stream.linear.scatter [tilespmem:s29], [sflag:$0xD], $0x1000, $0x38;
	[tilespmem:$0x1FF00] =	vst v63  }
0xf3: {  	_ =	swait.ge [sflag:s28], $0x1000  }
0xf4: {  	s21 =	sld [smem:$0x7FA]  }
0xf5: {  	[sflag:s28] =	ssyncset.done $0x0  }
0xf6: {  	[sflag:s28] =	ssyncadd.s32 $0xFFFFF000  }
0xf7: {  	[spmem:s21] =	stream.linear.scatter [tilespmem:s29], [sflag:$0xD], $0x1000, $0x38;
	[tilespmem:$0x1FF00] =	vst v63  }
0xf8: {  	_ =	swait.ge [sflag:s28], $0x1000  }
0xf9: {  	s25 =	sld [smem:$0x7FB]  }
0xfa: {  	[sflag:s28] =	ssyncset.done $0x0  }
0xfb: {  	[sflag:s28] =	ssyncadd.s32 $0xFFFFF000  }
0xfc: {  	[spmem:s25] =	stream.linear.scatter [tilespmem:s29], [sflag:$0xD], $0x1000, $0x38;
	[tilespmem:$0x1FF00] =	vst v63  }
0xfd: {  	_ =	swait.ge [sflag:s28], $0x1000  }
0xfe: {  	s30 =	sld [smem:$0x7FC]  }
0xff: {  	[sflag:s28] =	ssyncset.done $0x0  }
0x100: {  	[sflag:s28] =	ssyncadd.s32 $0xFFFFF000  }
0x101: {  	[spmem:s30] =	stream.linear.scatter [tilespmem:s29], [sflag:$0xD], $0x1000, $0x38;
	[tilespmem:$0x1FF00] =	vst v63  }
0x102: {  	_ =	swait.ge [sflag:s28], $0x1000  }
0x103: {  	s21 =	sld [smem:$0x7FD]  }
0x104: {  	[sflag:s28] =	ssyncset.done $0x0  }
0x105: {  	[sflag:s28] =	ssyncadd.s32 $0xFFFFF000  }
0x106: {  	[spmem:s21] =	stream.linear.scatter [tilespmem:s29], [sflag:$0xD], $0x1000, $0x38;
	[tilespmem:$0x1FF00] =	vst v63  }
0x107: {  	_ =	swait.ge [sflag:s28], $0x1000  }
0x108: {  	[sflag:s28] =	ssyncset.done $0x0  }
0x109: {  	[sflag:s28] =	ssyncadd.s32 $0xFFFFF000  }
0x10a: {  	s25 =	simm.s32 $0x5480;
	s21 =	simm.s32 $0x20;
	[bflag:$0x0] =	sbarrier.arrive $0xFFFF  }
0x10b: {  	[spmem:s26] =	stream.indirect.scatter.add.f32 [tilespmem:s31], [sflag:$0x6], $0x80, s25, s21, $0xb8;
	[tilespmem:$0x1FF00] =	vst v63  }
0x10c: {  	s30 =	simm.s32 $0x5500  }
0x10d: {  	[spmem:s26] =	stream.indirect.scatter.add.f32 [tilespmem:s0], [sflag:$0x7], $0x80, s30, s21, $0xb8;
	[tilespmem:$0x1FF00] =	vst v63  }
0x10e: {  	s25 =	simm.s32 $0x5580  }
0x10f: {  	[spmem:s26] =	stream.indirect.scatter.add.f32 [tilespmem:s1], [sflag:$0x8], $0x80, s25, s21, $0xb8;
	[tilespmem:$0x1FF00] =	vst v63  }
0x110: {  	s25 =	simm.s32 $0x0;
	s26 =	rddreg [dreg:$0x13]  }
0x111: {  	[tilespmem:s4], [sflag:$0xD] =	stream.linear.gather [hbm4b:s26+s25], $0x100, $0x38;
	[tilespmem:$0x1FF00] =	vst v63  }
0x112: {  	_ =	swait.ge [sflag:s28], $0x100  }
0x113: {  	s30 =	sld [smem:$0x7EA]  }
0x114: {  	[sflag:s28] =	ssyncset.done $0x0  }
0x115: {  	[sflag:s28] =	ssyncadd.s32 $0xFFFFFF00  }
0x116: {  	[tilespmem:s5], [sflag:$0xA] =	stream.linear.gather [hbm4b:s30+s25], $0x100, $0x38;
	[tilespmem:$0x1FF00] =	vst v63  }
0x117: {  	s26 =	rddreg [dreg:$0x16]  }
0x118: {  	[tilespmem:s29], [sflag:$0x1] =	stream.indirect.gather [hbm4b:s14+s21], $0x80, s4, s21, $0xb8;
	[tilespmem:$0x1FF00] =	vst v63  }
0x119: {  	s21 =	rddreg [dreg:$0x15]  }
.LBB2_6:
0x11a: {  	_ =	swait.ge [sflag:s6], $0x100  }
0x11b: {  	[sflag:s6] =	ssyncset.done $0x0  }
0x11c: {  	[sflag:s6] =	ssyncadd.s32 $0xFFFFFF00  }
0x11d: {  	_ =	swait.ge [sflag:s7], $0x1000  }
0x11e: {  	[sflag:s7] =	ssyncset.done $0x0  }
0x11f: {  	[sflag:s7] =	ssyncadd.s32 $0xFFFFF000  }
0x120: {  	[tilespmem:s31], [sflag:$0x2] =	stream.linear.gather [hbm4b:s14+s3], $0x1000, $0x38;
	[tilespmem:$0x1FF00] =	vst v63  }
0x121: {  	v7 =	vld [tilespmem:$0x5000]  }
0x122: {  	v8 =	vld [tilespmem:$0x5080];
	_ =	sdelay $0x1  }
0x123: {  	v9 =	vld [tilespmem:$0x5010]  }
0x124: {  	v10 =	vld [tilespmem:$0x5090];
	_ =	sdelay $0x3  }
0x125: {  	v7 =	vld.idx.msk [tilespmem:v7+s3+$0x0], $0xffff  }
0x126: {  	v11 =	vld.idx.msk [tilespmem:v8+s22+$0x0], $0xffff;
	_ =	sdelay $0x1  }
0x127: {  	v9 =	vld.idx.msk [tilespmem:v9+s3+$0x0], $0xffff  }
0x128: {  	v12 =	vld.idx.msk [tilespmem:v10+s22+$0x0], $0xffff;
	_ =	sdelay $0x1  }
0x129: {  	v7 =	vadd.f32 v11, v7;
	_ =	sdelay $0x1  }
0x12a: {  	v11 =	vmul.f32 $2.000000030e-01, v7  }
0x12b: {  	v9 =	vadd.f32 v12, v9;
	vm0 =	vge.f32 v7, $0.0e+00  }
0x12c: {  	v7 =	vsel vm0, v7, v11  }
0x12d: {  	v48 =	vmul.f32 $2.000000030e-01, v9;
	v7 =	vmul.f32 $1.442695020e+00, v7  }
0x12e: {  	vm9 =	vge.f32 v9, $0.0e+00  }
0x12f: {  	(erf) = vpow2.f32 v7;
	v7 =	vsel vm9, v9, v48  }
0x130: {  	v7 =	vmul.f32 $1.442695020e+00, v7;
	_ =	sdelay $0x1  }
0x131: {  	(erf) = vpow2.f32 v7;
	_ =	sdelay $0x5  }
0x132: {  	v7 =	vpop (erf)  }
0x133: {  	[tilespmem:$0x5600] =	vst v7  }
0x134: {  	[tilespmem:v8+s8+$0x0] =	vst.idx.add.f32.msk $0xffff, v7  }
0x135: {  	[tilespmem:$0x5400] =	vst v8;
	v7 =	vpop (erf)  }
0x136: {  	[tilespmem:$0x5610] =	vst v7  }
0x137: {  	[tilespmem:v10+s8+$0x0] =	vst.idx.add.f32.msk $0xffff, v7  }
0x138: {  	[tilespmem:$0x5410] =	vst v10  }
0x139: {  	_ =	swait.ge [sflag:s9], $0x1000  }
0x13a: {  	[sflag:s9] =	ssyncset.done $0x0  }
0x13b: {  	s2 =	rddreg [dreg:$0x5];
	[sflag:s9] =	ssyncadd.s32 $0xFFFFF000  }
0x13c: {  	[tilespmem:s2], [sflag:$0xB] =	stream.linear.gather [hbm4b:s26+s3], $0x100, $0x38;
	[tilespmem:$0x1FF00] =	vst v63  }
0x13d: {  	_ = 	snop  }
0x13e: {  	[spmem:s18] =	stream.linear.scatter [tilespmem:s29], [sflag:$0x5], $0x1000, $0x38;
	[tilespmem:$0x1FF00] =	vst v63  }
0x13f: {  	_ =	swait.ge [sflag:s10], $0x100  }
0x140: {  	[sflag:s10] =	ssyncset.done $0x0  }
0x141: {  	[sflag:s10] =	ssyncadd.s32 $0xFFFFFF00  }
0x142: {  	_ =	swait.ge [sflag:s11], $0x1000  }
0x143: {  	[sflag:s11] =	ssyncset.done $0x0  }
0x144: {  	[sflag:s11] =	ssyncadd.s32 $0xFFFFF000  }
0x145: {  	[tilespmem:s0], [sflag:$0x3] =	stream.linear.gather [hbm4b:s14+s3], $0x1000, $0x38;
	[tilespmem:$0x1FF00] =	vst v63  }
0x146: {  	v7 =	vld [tilespmem:$0x5100]  }
0x147: {  	v8 =	vld [tilespmem:$0x5180];
	_ =	sdelay $0x1  }
0x148: {  	v49 =	vld [tilespmem:$0x5110]  }
0x149: {  	v50 =	vld [tilespmem:$0x5190];
	_ =	sdelay $0x3  }
0x14a: {  	v7 =	vld.idx.msk [tilespmem:v7+s3+$0x0], $0xffff  }
0x14b: {  	v51 =	vld.idx.msk [tilespmem:v8+s22+$0x0], $0xffff;
	_ =	sdelay $0x1  }
0x14c: {  	v9 =	vld.idx.msk [tilespmem:v49+s3+$0x0], $0xffff  }
0x14d: {  	v52 =	vld.idx.msk [tilespmem:v50+s22+$0x0], $0xffff;
	_ =	sdelay $0x1  }
0x14e: {  	v7 =	vadd.f32 v51, v7;
	_ =	sdelay $0x1  }
0x14f: {  	v11 =	vmul.f32 $2.000000030e-01, v7  }
0x150: {  	v9 =	vadd.f32 v52, v9;
	vm10 =	vge.f32 v7, $0.0e+00  }
0x151: {  	v7 =	vsel vm10, v7, v11  }
0x152: {  	v53 =	vmul.f32 $2.000000030e-01, v9;
	v7 =	vmul.f32 $1.442695020e+00, v7  }
0x153: {  	vm11 =	vge.f32 v9, $0.0e+00  }
0x154: {  	(erf) = vpow2.f32 v7;
	v7 =	vsel vm11, v9, v53  }
0x155: {  	v7 =	vmul.f32 $1.442695020e+00, v7;
	_ =	sdelay $0x1  }
0x156: {  	(erf) = vpow2.f32 v7;
	_ =	sdelay $0x5  }
0x157: {  	v7 =	vpop (erf)  }
0x158: {  	[tilespmem:$0x5600] =	vst v7  }
0x159: {  	[tilespmem:v8+s8+$0x0] =	vst.idx.add.f32.msk $0xffff, v7  }
0x15a: {  	[tilespmem:$0x5480] =	vst v8;
	v7 =	vpop (erf)  }
0x15b: {  	[tilespmem:$0x5610] =	vst v7  }
0x15c: {  	[tilespmem:v50+s8+$0x0] =	vst.idx.add.f32.msk $0xffff, v7  }
0x15d: {  	[tilespmem:$0x5490] =	vst v50  }
0x15e: {  	_ =	swait.ge [sflag:s12], $0x1000  }
0x15f: {  	[sflag:s12] =	ssyncset.done $0x0  }
0x160: {  	s30 =	rddreg [dreg:$0x6];
	[sflag:s12] =	ssyncadd.s32 $0xFFFFF000  }
0x161: {  	[tilespmem:s30], [sflag:$0xC] =	stream.linear.gather [hbm4b:s21+s3], $0x100, $0x38;
	[tilespmem:$0x1FF00] =	vst v63  }
0x162: {  	_ = 	snop  }
0x163: {  	[spmem:s18] =	stream.linear.scatter [tilespmem:s31], [sflag:$0x6], $0x1000, $0x38;
	[tilespmem:$0x1FF00] =	vst v63  }
0x164: {  	_ =	swait.ge [sflag:s13], $0x100  }
0x165: {  	[sflag:s13] =	ssyncset.done $0x0  }
0x166: {  	[sflag:s13] =	ssyncadd.s32 $0xFFFFFF00  }
0x167: {  	_ =	swait.ge [sflag:s15], $0x1000  }
0x168: {  	[sflag:s15] =	ssyncset.done $0x0  }
0x169: {  	[sflag:s15] =	ssyncadd.s32 $0xFFFFF000  }
0x16a: {  	[tilespmem:s1], [sflag:$0x4] =	stream.linear.gather [hbm4b:s14+s3], $0x1000, $0x38;
	[tilespmem:$0x1FF00] =	vst v63  }
0x16b: {  	v7 =	vld [tilespmem:$0x5200]  }
0x16c: {  	v8 =	vld [tilespmem:$0x5280];
	_ =	sdelay $0x1  }
0x16d: {  	v54 =	vld [tilespmem:$0x5210]  }
0x16e: {  	v55 =	vld [tilespmem:$0x5290];
	_ =	sdelay $0x3  }
0x16f: {  	v7 =	vld.idx.msk [tilespmem:v7+s3+$0x0], $0xffff  }
0x170: {  	v56 =	vld.idx.msk [tilespmem:v8+s22+$0x0], $0xffff;
	_ =	sdelay $0x1  }
0x171: {  	v9 =	vld.idx.msk [tilespmem:v54+s3+$0x0], $0xffff  }
0x172: {  	v57 =	vld.idx.msk [tilespmem:v55+s22+$0x0], $0xffff;
	_ =	sdelay $0x1  }
0x173: {  	v7 =	vadd.f32 v56, v7;
	_ =	sdelay $0x1  }
0x174: {  	v11 =	vmul.f32 $2.000000030e-01, v7  }
0x175: {  	v9 =	vadd.f32 v57, v9;
	vm12 =	vge.f32 v7, $0.0e+00  }
0x176: {  	v7 =	vsel vm12, v7, v11  }
0x177: {  	v58 =	vmul.f32 $2.000000030e-01, v9;
	v7 =	vmul.f32 $1.442695020e+00, v7  }
0x178: {  	vm13 =	vge.f32 v9, $0.0e+00  }
0x179: {  	(erf) = vpow2.f32 v7;
	v7 =	vsel vm13, v9, v58  }
0x17a: {  	v7 =	vmul.f32 $1.442695020e+00, v7;
	_ =	sdelay $0x1  }
0x17b: {  	(erf) = vpow2.f32 v7;
	_ =	sdelay $0x5  }
0x17c: {  	v7 =	vpop (erf)  }
0x17d: {  	[tilespmem:$0x5600] =	vst v7  }
0x17e: {  	[tilespmem:v8+s8+$0x0] =	vst.idx.add.f32.msk $0xffff, v7  }
0x17f: {  	[tilespmem:$0x5500] =	vst v8;
	v7 =	vpop (erf)  }
0x180: {  	[tilespmem:$0x5610] =	vst v7  }
0x181: {  	[tilespmem:v55+s8+$0x0] =	vst.idx.add.f32.msk $0xffff, v7  }
0x182: {  	[tilespmem:$0x5510] =	vst v55  }
0x183: {  	s30 =	smin.u32 s25, $0x13F;
	_ =	swait.ge [sflag:s16], $0x1000  }
0x184: {  	s30 =	sshll.u32 s30, $0x8;
	s2 =	rddreg [dreg:$0x3]  }
0x185: {  	s2 =	sadd.s32 s30, s2  }
0x186: {  	[sflag:s16] =	ssyncset.done $0x0;
	s2 =	sshrl.u32 s2, $0x3  }
0x187: {  	[sflag:s16] =	ssyncadd.s32 $0xFFFFF000;
	s2 =	sadd.s32 s17, s2  }
0x188: {  	[tilespmem:s4], [sflag:$0x9] =	stream.linear.gather [hbm4b:s2+s3], $0x100, $0x38;
	[tilespmem:$0x1FF00] =	vst v63  }
0x189: {  	_ = 	snop  }
0x18a: {  	[spmem:s18] =	stream.linear.scatter [tilespmem:s0], [sflag:$0x7], $0x1000, $0x38;
	[tilespmem:$0x1FF00] =	vst v63  }
0x18b: {  	_ =	swait.ge [sflag:s20], $0x100  }
0x18c: {  	[sflag:s20] =	ssyncset.done $0x0  }
0x18d: {  	[sflag:s20] =	ssyncadd.s32 $0xFFFFFF00  }
0x18e: {  	_ =	swait.ge [sflag:s23], $0x1000  }
0x18f: {  	[sflag:s23] =	ssyncset.done $0x0  }
0x190: {  	[sflag:s23] =	ssyncadd.s32 $0xFFFFF000  }
0x191: {  	[tilespmem:s29], [sflag:$0x1] =	stream.linear.gather [hbm4b:s14+s3], $0x1000, $0x38;
	[tilespmem:$0x1FF00] =	vst v63  }
0x192: {  	v7 =	vld [tilespmem:$0x5300]  }
0x193: {  	v8 =	vld [tilespmem:$0x5380];
	_ =	sdelay $0x1  }
0x194: {  	v59 =	vld [tilespmem:$0x5310]  }
0x195: {  	v60 =	vld [tilespmem:$0x5390];
	_ =	sdelay $0x3  }
0x196: {  	v7 =	vld.idx.msk [tilespmem:v7+s3+$0x0], $0xffff  }
0x197: {  	v61 =	vld.idx.msk [tilespmem:v8+s22+$0x0], $0xffff;
	_ =	sdelay $0x1  }
0x198: {  	v9 =	vld.idx.msk [tilespmem:v59+s3+$0x0], $0xffff  }
0x199: {  	v62 =	vld.idx.msk [tilespmem:v60+s22+$0x0], $0xffff;
	_ =	sdelay $0x1  }
0x19a: {  	v7 =	vadd.f32 v61, v7;
	_ =	sdelay $0x1  }
0x19b: {  	v11 =	vmul.f32 $2.000000030e-01, v7  }
0x19c: {  	v9 =	vadd.f32 v62, v9;
	vm14 =	vge.f32 v7, $0.0e+00  }
0x19d: {  	v7 =	vsel vm14, v7, v11  }
0x19e: {  	v63 =	vmul.f32 $2.000000030e-01, v9;
	v7 =	vmul.f32 $1.442695020e+00, v7  }
0x19f: {  	vm15 =	vge.f32 v9, $0.0e+00  }
0x1a0: {  	(erf) = vpow2.f32 v7;
	v7 =	vsel vm15, v9, v63  }
0x1a1: {  	v7 =	vmul.f32 $1.442695020e+00, v7;
	_ =	sdelay $0x1  }
0x1a2: {  	(erf) = vpow2.f32 v7;
	_ =	sdelay $0x5  }
0x1a3: {  	v7 =	vpop (erf)  }
0x1a4: {  	[tilespmem:$0x5600] =	vst v7  }
0x1a5: {  	[tilespmem:v8+s8+$0x0] =	vst.idx.add.f32.msk $0xffff, v7  }
0x1a6: {  	[tilespmem:$0x5580] =	vst v8;
	v7 =	vpop (erf)  }
0x1a7: {  	[tilespmem:$0x5610] =	vst v7  }
0x1a8: {  	[tilespmem:v60+s8+$0x0] =	vst.idx.add.f32.msk $0xffff, v7  }
0x1a9: {  	[tilespmem:$0x5590] =	vst v60  }
0x1aa: {  	s30 =	smin.u32 s25, $0x13E;
	_ =	swait.ge [sflag:s19], $0x1000  }
0x1ab: {  	s30 =	sshll.u32 s30, $0x8;
	s2 =	rddreg [dreg:$0x4]  }
0x1ac: {  	p0 =	sne.s32 s25, $0x140;
	s2 =	sadd.s32 s30, s2  }
.Ltmp2:
0x1ad: {  	[sflag:s19] =	ssyncset.done $0x0;
	s2 =	sshrl.u32 s2, $0x3;
	(pc) =	sbr.rel @p0 .LBB2_6-.Ltmp2, $4  }
0x1ae: {  	[sflag:s19] =	ssyncadd.s32 $0xFFFFF000;
	s2 =	sadd.s32 s17, s2  }
0x1af: {  	[tilespmem:s5], [sflag:$0xA] =	stream.linear.gather [hbm4b:s2+s3], $0x100, $0x38;
	[tilespmem:$0x1FF00] =	vst v63  }
0x1b0: {  	s26 =	sadd.s32 $0x80, s26;
	s21 =	sadd.s32 $0x80, s21;
	s25 =	sadd.s32 $0x4, s25  }
0x1b1: {  	[spmem:s18] =	stream.linear.scatter [tilespmem:s1], [sflag:$0x8], $0x1000, $0x38;
	[tilespmem:$0x1FF00] =	vst v63  }
0x1b2: {  	_ =	swait.ge [sflag:s7], $0x1000  }
0x1b3: {  	[sflag:s7] =	ssyncset.done $0x0  }
0x1b4: {  	[sflag:s7] =	ssyncadd.s32 $0xFFFFF000  }
0x1b5: {  	_ =	swait.ge [sflag:s11], $0x1000  }
0x1b6: {  	[sflag:s11] =	ssyncset.done $0x0  }
0x1b7: {  	[sflag:s11] =	ssyncadd.s32 $0xFFFFF000  }
0x1b8: {  	_ =	swait.ge [sflag:s15], $0x1000  }
0x1b9: {  	[sflag:s15] =	ssyncset.done $0x0  }
0x1ba: {  	[sflag:s15] =	ssyncadd.s32 $0xFFFFF000  }
0x1bb: {  	_ =	swait.ge [sflag:s9], $0x1000  }
0x1bc: {  	[sflag:s9] =	ssyncset.done $0x0  }
0x1bd: {  	[sflag:s9] =	ssyncadd.s32 $0xFFFFF000  }
0x1be: {  	_ =	swait.ge [sflag:s6], $0x100  }
0x1bf: {  	[sflag:s6] =	ssyncset.done $0x0  }
0x1c0: {  	[sflag:s6] =	ssyncadd.s32 $0xFFFFFF00  }
0x1c1: {  	s2 =	simm.s32 $0x50;
	s21 =	simm.s32 $0xBE80;
	s26 =	rddreg [dreg:$0x1]  }
0x1c2: {  	[spmem:s26] =	stream.indirect.scatter.add.f32 [tilespmem:s8], [sflag:$0xD], $0x80, s21, s2, $0xb8;
	[tilespmem:$0x1FF00] =	vst v63  }
0x1c3: {  	_ =	swait.ge [sflag:s28], $0x2800  }
0x1c4: {  	[sflag:s28] =	ssyncset.done $0x0  }
0x1c5: {  	s25 =	stileid.u32;
	[sflag:s28] =	ssyncadd.s32 $0xFFFFD800  }
0x1c6: {  	s2 =	sshll.u32 s25, $0x6;
	[bflag:$0x0] =	sbarrier.arrive $0xFFFF  }
0x1c7: {  	s30 =	sshrl.u32 s18, $0x3;
	s2 =	sor.u32 $0x1C0D, s2;
	s25 =	rddreg [dreg:$0x7]  }
0x1c8: {  	[hbm:s25], [sflag:s2] =	dma.local [spmem:s30], $0x400  }
0x1c9: {  	_ =	swait.ge [sflag:s28], $0x400  }
0x1ca: {  	[sflag:s28] =	ssyncset.done $0x0;
	s25 =	rddreg [dreg:$0x8]  }
0x1cb: {  	s30 =	rddreg [dreg:$0x17];
	[sflag:s28] =	ssyncadd.s32 $0xFFFFFC00  }
0x1cc: {  	[hbm:s25], [sflag:s2] =	dma.local [spmem:s30], $0x400  }
0x1cd: {  	_ =	swait.ge [sflag:s28], $0x400  }
0x1ce: {  	[sflag:s28] =	ssyncset.done $0x0;
	s25 =	rddreg [dreg:$0x9]  }
0x1cf: {  	s30 =	rddreg [dreg:$0x18];
	[sflag:s28] =	ssyncadd.s32 $0xFFFFFC00  }
0x1d0: {  	[hbm:s25], [sflag:s2] =	dma.local [spmem:s30], $0x400  }
0x1d1: {  	_ =	swait.ge [sflag:s28], $0x400  }
0x1d2: {  	[sflag:s28] =	ssyncset.done $0x0;
	s25 =	rddreg [dreg:$0xa]  }
0x1d3: {  	s30 =	rddreg [dreg:$0x19];
	[sflag:s28] =	ssyncadd.s32 $0xFFFFFC00  }
0x1d4: {  	[hbm:s25], [sflag:s2] =	dma.local [spmem:s30], $0x400  }
0x1d5: {  	_ =	swait.ge [sflag:s28], $0x400  }
0x1d6: {  	[sflag:s28] =	ssyncset.done $0x0;
	s25 =	rddreg [dreg:$0xb]  }
0x1d7: {  	s30 =	rddreg [dreg:$0x1a];
	[sflag:s28] =	ssyncadd.s32 $0xFFFFFC00  }
0x1d8: {  	[hbm:s25], [sflag:s2] =	dma.local [spmem:s30], $0x400  }
0x1d9: {  	_ =	swait.ge [sflag:s28], $0x400  }
0x1da: {  	[sflag:s28] =	ssyncset.done $0x0;
	s25 =	rddreg [dreg:$0xc]  }
0x1db: {  	s30 =	rddreg [dreg:$0x1b];
	[sflag:s28] =	ssyncadd.s32 $0xFFFFFC00  }
0x1dc: {  	[hbm:s25], [sflag:s2] =	dma.local [spmem:s30], $0x400  }
0x1dd: {  	_ =	swait.ge [sflag:s28], $0x400  }
0x1de: {  	[sflag:s28] =	ssyncset.done $0x0;
	s25 =	rddreg [dreg:$0xd]  }
0x1df: {  	s30 =	rddreg [dreg:$0x1c];
	[sflag:s28] =	ssyncadd.s32 $0xFFFFFC00  }
0x1e0: {  	[hbm:s25], [sflag:s2] =	dma.local [spmem:s30], $0x400  }
0x1e1: {  	_ =	swait.ge [sflag:s28], $0x400  }
0x1e2: {  	[sflag:s28] =	ssyncset.done $0x0;
	s25 =	rddreg [dreg:$0xe]  }
0x1e3: {  	s30 =	rddreg [dreg:$0x1d];
	[sflag:s28] =	ssyncadd.s32 $0xFFFFFC00  }
0x1e4: {  	[hbm:s25], [sflag:s2] =	dma.local [spmem:s30], $0x400  }
0x1e5: {  	_ =	swait.ge [sflag:s28], $0x400  }
0x1e6: {  	[sflag:s28] =	ssyncset.done $0x0;
	s25 =	rddreg [dreg:$0xf]  }
0x1e7: {  	s30 =	rddreg [dreg:$0x1e];
	[sflag:s28] =	ssyncadd.s32 $0xFFFFFC00  }
0x1e8: {  	[hbm:s25], [sflag:s2] =	dma.local [spmem:s30], $0x400  }
0x1e9: {  	_ =	swait.ge [sflag:s28], $0x400  }
0x1ea: {  	[sflag:s28] =	ssyncset.done $0x0;
	s25 =	rddreg [dreg:$0x10]  }
0x1eb: {  	s30 =	rddreg [dreg:$0x1f];
	[sflag:s28] =	ssyncadd.s32 $0xFFFFFC00  }
0x1ec: {  	[hbm:s25], [sflag:s2] =	dma.local [spmem:s30], $0x400  }
0x1ed: {  	_ =	swait.ge [sflag:s28], $0x400  }
0x1ee: {  	s24 =	sadd.s32 $0x1, s24;
	s30 =	rddreg [dreg:$0x14]  }
0x1ef: {  	p0 =	sne.s32 s24, s30  }
.Ltmp3:
0x1f0: {  	_ = 	snop;
	(pc) =	sbr.rel @p0 .LBB2_1-.Ltmp3, $3  }
0x1f1: {  	_ =	sdelay $0x1  }
0x1f2: {  	[sflag:s28] =	ssyncset.done $0x0  }
0x1f3: {  	[sflag:s28] =	ssyncadd.s32 $0xFFFFFC00  }
0x1f4: {  	_ =	sfence.sel $0x180000  }
0x1f5: {  	[bflag:$0x0] =	sbarrier.arrive $0xFFFF  }
0x1f6: {  	_ =	strace $0x9000004A  }
0x1f7: {  	s0 =	stileid.u32;
	[bflag:$0x2] =	sbarrier.arrive $0xFFFF  }
0x1f8: {  	p0 =	sne.s32 s0, $0x0;
	s0 =	rddreg [dreg:$0x2]  }
0x1f9: {  	s0 =	sadd.s32 @!p0 $0x100000, s0  }
0x1fa: {  	[sflag:s0] =	ssyncadd.tile.s32 @!p0 $0x1;
	_ =	shalt  }
.Lfunc_end2:
_tile_overlayer_lowered:
.L_overlay_start_2:
0x1fb: {  	(tag) =	ssettag $0x2  }
0x1fc: {  	s0 =	rddreg [dreg:$0x0];
	s2 =	stileid.u32  }
0x1fd: {  	s1 =	rddreg [dreg:$0x1];
	p0 =	sne.s32 s2, $0x0  }
0x1fe: {  	s3 =	rddreg [dreg:$0x2];
	[bflag:$0x3] =	sbarrier.arrive $0xFFFF;
	s2 =	simm.s32 @!p0 $0x1C0D  }
0x1ff: {  	[timem:s3], [sflag:s2] =	dma.local @!p0 [hbm:s0], s1  }
0x200: {  	s0 =	simm.s32 @!p0 $0xD  }
0x201: {  	_ =	swait.ge @!p0 [sflag:s0], s1  }
0x202: {  	s1 =	ssub.s32 @!p0 $0x0, s1;
	[sflag:s0] =	ssyncset.done @!p0 $0x0  }
0x203: {  	[sflag:s0] =	ssyncadd.s32 @!p0 s1  }
0x204: {  	[bflag:$0x3] =	sbarrier.arrive $0xFFFF  }
0x205: {  	_ =	shalt  }

// kernel: kernel.14.cloned.1.call-start
scs
__scs_entry_jumppad:
0x0: {  	(pc) =	sbr.rel $0x88, $3  }
0x1: {  	(tag) =	ssettag $0x0;
	lr =	simm.s32 $0x1  }
0x2: {  	[smem:$0x3F93] =	sst lr;
	_ =	strace $0xD0000000  }
0x3: {  	_ = 	snop  }
0x4: {  	_ = 	snop  }
0x5: {  	_ = 	snop  }
0x6: {  	_ = 	snop  }
0x7: {  	_ = 	snop  }
__scs_overlays_trampoline_lowered:
0x8: {  	[smem:$0x3FA2] =	sst s0  }
0x9: {  	[smem:$0x3FA3] =	sst s1  }
0xa: {  	[smem:$0x3FA4] =	sst s2  }
0xb: {  	[smem:$0x3FA5] =	sst s3  }
0xc: {  	[smem:$0x3FA6] =	sst s4  }
0xd: {  	[smem:$0x3FA7] =	sst s5  }
0xe: {  	[smem:$0x3FA8] =	sst s6  }
0xf: {  	[smem:$0x3FA9] =	sst s7  }
0x10: {  	[smem:$0x3FAA] =	sst s8  }
0x11: {  	[smem:$0x3FAB] =	sst s9;
	s0 =	simm.s32 @!p0 $0x0  }
0x12: {  	s1 =	sld [smem:$0x3F91];
	s0 =	simm.s32 @p0 $0x1  }
0x13: {  	[smem:$0x3FAC] =	sst s0;
	s0 =	simm.s32 @!p1 $0x0  }
0x14: {  	s2 =	sld [smem:$0x3F90];
	s0 =	simm.s32 @p1 $0x1  }
0x15: {  	[smem:$0x3FAD] =	sst s0;
	s0 =	simm.s32 @!p2 $0x0  }
0x16: {  	s3 =	sld [smem:$0x3FDB];
	s0 =	simm.s32 @p2 $0x1  }
0x17: {  	s4 =	simm.s32 $0x1BF5;
	[smem:$0x3FAF] =	sst s0  }
0x18: {  	s0 =	sld [smem:$0x3F92];
	_ =	swait.ge [sflag:s4], $0x0  }
0x19: {  	s7 =	sld [smem:$0x3F93]  }
0x1a: {  	s8 =	sadd.s32 $0xFFFFE003, lr  }
0x1b: {  	s9 =	sadd.s32 $0xFFFFFEF7, lr;
	s5 =	simm.s32 $0xFFFFFFFF;
	p2 =	slt.u32 s8, $0xFFFFF086  }
0x1c: {  	p1 =	slt.u32 s9, $0xF7A;
	s5 =	simm.s32 @!p2 $0x0  }
0x1d: {  	s5 =	simm.s32 @p1 $0x1;
	p0 =	seq.s32 s7, s2  }
0x1e: {  	s7 =	smul.u32 @!p0 $0xF7A, s2;
	p2 =	seq.s32 @!p0 s5, $0x0  }
0x1f: {  	s9 =	smul.u32 $0xF7A, s1;
	s8 =	simm.s32 @!p0 $0x1BF5;
	p2 =	por !p2, p0  }
0x20: {  	[sflag:s8] =	ssyncset.s32 @!p0 $0xFFFFF086;
	s6 =	sadd.s32 @!p0 s3, s7;
	s7 =	simm.s32 @!p0 $0x108  }
0x21: {  	s3 =	sadd.s32 s3, s9;
	s6 =	sadd.s32 @!p0 $0x88, s6;
	s7 =	simm.s32 @p2 $0x1082  }
0x22: {  	[simem:s7], [sflag:s8] =	dma.local @!p0 [hbm:s6], $0xF7A  }
0x23: {  	s9 =	sor.u32 $0xD0000000, s2;
	s6 =	simm.s32 $0x108;
	_ =	swait.ge @!p0 [sflag:s8], $0x0  }
0x24: {  	s3 =	sadd.s32 $0x88, s3;
	s6 =	simm.s32 @!p1 $0x1082;
	[sflag:s4] =	ssyncset.s32 $0xFFFFF086  }
0x25: {  	[simem:s6], [sflag:s4] =	dma.local [hbm:s3], $0xF7A  }
0x26: {  	[smem:$0x3F93] =	sst s1;
	(tag) =	ssettag s2;
	_ =	strace s9  }
0x27: {  	s1 =	sld [smem:$0x3FA3]  }
0x28: {  	s2 =	sld [smem:$0x3FA4]  }
0x29: {  	s4 =	sld [smem:$0x3FA6]  }
0x2a: {  	p0 =	seq.s32 s5, $0x0;
	s5 =	sld [smem:$0x3FA7]  }
0x2b: {  	s6 =	sld [smem:$0x3FA8]  }
0x2c: {  	s7 =	sld [smem:$0x3FA9]  }
0x2d: {  	s3 =	simm.s32 $0x108;
	s8 =	sld [smem:$0x3FAA]  }
0x2e: {  	s3 =	simm.s32 @!p0 $0x1082;
	s9 =	sld [smem:$0x3FAB]  }
0x2f: {  	lr =	sadd.s32 s0, s3;
	s0 =	sld [smem:$0x3FA2]  }
0x30: {  	s3 =	sld [smem:$0x3FA5]  }
0x31: {  	[smem:$0x3FAE] =	sst s10  }
0x32: {  	s10 =	sld [smem:$0x3FAC];
	_ =	sdelay $0x3  }
0x33: {  	p0 =	seq.s32 s10, $0x1;
	s10 =	sld [smem:$0x3FAE];
	_ =	sdelay $0x3  }
0x34: {  	[smem:$0x3FAE] =	sst s10  }
0x35: {  	s10 =	sld [smem:$0x3FAD];
	_ =	sdelay $0x3  }
0x36: {  	p1 =	seq.s32 s10, $0x1;
	s10 =	sld [smem:$0x3FAE];
	_ =	sdelay $0x3  }
0x37: {  	[smem:$0x3FAE] =	sst s10  }
0x38: {  	s10 =	sld [smem:$0x3FAF]  }
0x39: {  	_ = 	snop;
	(pc) =	sbr.ind lr, $3  }
0x3a: {  	_ = 	snop  }
0x3b: {  	_ = 	snop  }
0x3c: {  	p2 =	seq.s32 s10, $0x1;
	s10 =	sld [smem:$0x3FAE]  }
0x3d: {  	_ =	shalt  }
0x3e: {  	_ =	shalt  }
0x3f: {  	_ =	shalt  }
0x40: {  	_ =	shalt  }
0x41: {  	_ =	shalt  }
0x42: {  	_ =	shalt  }
0x43: {  	_ =	shalt  }
0x44: {  	_ =	shalt  }
0x45: {  	_ =	shalt  }
0x46: {  	_ =	shalt  }
0x47: {  	_ =	shalt  }
0x48: {  	_ =	shalt  }
0x49: {  	_ =	shalt  }
0x4a: {  	_ =	shalt  }
0x4b: {  	_ =	shalt  }
0x4c: {  	_ =	shalt  }
0x4d: {  	_ =	shalt  }
0x4e: {  	_ =	shalt  }
0x4f: {  	_ =	shalt  }
0x50: {  	_ =	shalt  }
0x51: {  	_ =	shalt  }
0x52: {  	_ =	shalt  }
0x53: {  	_ =	shalt  }
0x54: {  	_ =	shalt  }
0x55: {  	_ =	shalt  }
0x56: {  	_ =	shalt  }
0x57: {  	_ =	shalt  }
0x58: {  	_ =	shalt  }
0x59: {  	_ =	shalt  }
0x5a: {  	_ =	shalt  }
0x5b: {  	_ =	shalt  }
0x5c: {  	_ =	shalt  }
0x5d: {  	_ =	shalt  }
0x5e: {  	_ =	shalt  }
0x5f: {  	_ =	shalt  }
0x60: {  	_ =	shalt  }
0x61: {  	_ =	shalt  }
0x62: {  	_ =	shalt  }
0x63: {  	_ =	shalt  }
0x64: {  	_ =	shalt  }
0x65: {  	_ =	shalt  }
0x66: {  	_ =	shalt  }
0x67: {  	_ =	shalt  }
0x68: {  	_ =	shalt  }
0x69: {  	_ =	shalt  }
0x6a: {  	_ =	shalt  }
0x6b: {  	_ =	shalt  }
0x6c: {  	_ =	shalt  }
0x6d: {  	_ =	shalt  }
0x6e: {  	_ =	shalt  }
0x6f: {  	_ =	shalt  }
0x70: {  	_ =	shalt  }
0x71: {  	_ =	shalt  }
0x72: {  	_ =	shalt  }
0x73: {  	_ =	shalt  }
0x74: {  	_ =	shalt  }
0x75: {  	_ =	shalt  }
0x76: {  	_ =	shalt  }
0x77: {  	_ =	shalt  }
0x78: {  	_ =	shalt  }
0x79: {  	_ =	shalt  }
0x7a: {  	_ =	shalt  }
0x7b: {  	_ =	shalt  }
0x7c: {  	_ =	shalt  }
0x7d: {  	_ =	shalt  }
0x7e: {  	_ =	shalt  }
0x7f: {  	_ =	shalt  }
0x80: {  	_ =	shalt  }
0x81: {  	_ =	shalt  }
0x82: {  	_ =	shalt  }
0x83: {  	_ =	shalt  }
0x84: {  	_ =	shalt  }
0x85: {  	_ =	shalt  }
0x86: {  	_ =	shalt  }
0x87: {  	_ =	shalt  }
.Lfunc_end0:
.L_simem_size_0:
called_computation.2_lowered:
.L_overlay_start_0:
0x88: {  	s2 =	sld [smem:$0x3FD9]  }
0x89: {  	s3 =	sld [smem:$0x3FFE];
	_ =	sdelay $0x1  }
0x8a: {  	s1 =	srdreg.scid  }
0x8b: {  	s0 =	sand.u32 $0x1, s1  }
0x8c: {  	s16 =	sshll.u32 s0, $0xA;
	s2 =	sadd.s32 s3, s2  }
0x8d: {  	s2 =	sadd.s32 s2, s16  }
0x8e: {  	[smem:$0x3FBA] =	sst s2  }
0x8f: {  	_ = 	snop  }
0x90: {  	(tm) =	ssettm $0x1  }
0x91: {  	s17 =	sld [smem:$0x3FFB];
	_ =	sdelay $0x3  }
0x92: {  	_ =	strace s17  }
0x93: {  	s2 =	sld [smem:$0x3FFC];
	_ =	sdelay $0x3  }
0x94: {  	_ =	strace s2  }
0x95: {  	s2 =	sld [smem:$0x3FFD];
	_ =	sdelay $0x3  }
0x96: {  	_ =	strace s2  }
0x97: {  	_ =	strace $0x8FFFFFFF  }
0x98: {  	s18 =	sld [smem:$0x3FDB];
	_ =	sdelay $0x1  }
0x99: {  	s19 =	simm.s32 $_scs_section_size  }
0x9a: {  	s4 =	simm.s32 $_size__tile_overlayer_lowered;
	s5 =	simm.s32 $_tile_overlayer_lowered  }
0x9b: {  	s22 =	simm.s32 $0x1BFF;
	s21 =	sshll.u32 s5, $0x1;
	s2 =	sadd.s32 s19, s18  }
0x9c: {  	s6 =	simm.s32 $0x0;
	s20 =	sshll.u32 s4, $0x1;
	s4 =	sadd.s32 s21, s2  }
0x9d: {  	[timem:s6], [sflag:s22] =	dma.local [hbm:s4], s20  }
0x9e: {  	_ =	swait.ge [sflag:s22], s20  }
0x9f: {  	s3 =	ssub.s32 $0x0, s20;
	[sflag:s22] =	ssyncset.done $0x0  }
0xa0: {  	[sflag:s22] =	ssyncadd.s32 s3;
	_ =	sdelay $0x1  }
0xa1: {  	s23 =	simm.s32 $0x1B8B  }
0xa2: {  	_ =	swait.ge [sflag:s23], $0x1  }
0xa3: {  	[sflag:s23] =	ssyncset.done $0x0  }
0xa4: {  	s25 =	simm.s32 $0x1B8E;
	s24 =	sld [smem:$0x3FFE];
	[sflag:s23] =	ssyncadd.s32 $0xFFFFFFFF  }
0xa5: {  	s26 =	simm.s32 $execute0_lowered;
	[smem:$0x3FD2] =	sst s25  }
0xa6: {  	s4 =	sshll.u32 s26, $0x1;
	_ =	strace $0x8000004C;
	[dreg:$0x1] =	wrdreg $0xFFFFFFFF  }
0xa7: {  	s28 =	simm.s32 $_size_execute0_lowered;
	s2 =	sadd.s32 s2, s4;
	[dreg:$0x0] =	wrdreg $0x0  }
0xa8: {  	s4 =	sshll.u32 s28, $0x1;
	[dreg:$0x2] =	wrdreg s2  }
0xa9: {  	[dreg:$0x3] =	wrdreg s4  }
0xaa: {  	[dreg:$0x4] =	wrdreg $0xC0  }
0xab: {  	_ =	task [dreg:s6], $0x5FFFF  }
0xac: {  	[dreg:$0x1] =	wrdreg $0xFFFFFFFF  }
0xad: {  	[dreg:$0x0] =	wrdreg $0x60  }
0xae: {  	[dreg:$0x2] =	wrdreg s24  }
0xaf: {  	[dreg:$0x3] =	wrdreg $0xBF000  }
0xb0: {  	[dreg:$0x4] =	wrdreg $0x9  }
0xb1: {  	_ =	task.clear_ibuf [dreg:s6], $0x5FFFF;
	_ =	strace $0x9000004C  }
0xb2: {  	s29 =	simm.s32 $0x9;
	_ =	strace $0x8000004E  }
0xb3: {  	_ =	swait.ge [sflag:s29], $0x1  }
0xb4: {  	[sflag:s29] =	ssyncadd.s32 $0xFFFFFFFF  }
0xb5: {  	_ =	strace $0x9000004E  }
0xb6: {  	_ =	sfence  }
0xb7: {  	s30 =	sld [smem:$0x0];
	_ =	sdelay $0x2  }
0xb8: {  	s31 =	sshll.u32 s1, $0xD;
	s1 =	sshrl.u32 s1, $0x2  }
0xb9: {  	s3 =	sand.u32 $0x4000, s31;
	s1 =	sadd.s32 s1, s30  }
0xba: {  	s0 =	sor.u32 s3, s0;
	s1 =	sshll.u32 s1, $0x11  }
0xbb: {  	s0 =	sor.u32 s1, s0  }
0xbc: {  	s0 =	sadd.s32 $0x8F2B, s0  }
0xbd: {  	[sflag:s0] =	ssyncadd.remote.s32 $0x1  }
0xbe: {  	_ =	sfence.sel $0xFFFF  }
0xbf: {  	[dreg:$0x0] =	wrdreg $0xFFFFFFFF;
	(pc) =	sbr.abs _section_cstart, $3  }
0xc0: {  	[dreg:$0x1] =	wrdreg $0xFFFFFFFF  }
0xc1: {  	_ =	task.clear_ibuf [dreg:s6], $0x2FFFF;
	_ =	strace $0x9FFFFFFF  }
0xc2: {  	(tm) =	ssettm $0x7FFFFFFF  }
0xc3: {  	_ =	shalt  }
tec
execute0_lowered:
.L_overlay_start_1:
0x0: {  	(tag) =	ssettag $0x1  }
0x1: {  	s0 =	rddreg [dreg:$0x0]  }
0x2: {  	s26 =	rddreg [dreg:$0x1]  }
0x3: {  	s1 =	srdreg.scid;
	s2 =	stileid.u32;
	s3 =	simm.s32 $0x0  }
0x4: {  	s28 =	simm.s32 $0xD;
	s29 =	simm.s32 $0x5680;
	s4 =	sand.u32 $0x1, s1  }
0x5: {  	s15 =	sshll.u32 s2, $0x1;
	[smem:$0x7FF] =	sst s3;
	s10 =	smul.u32 $0x14000, s2  }
0x6: {  	s5 =	sadd.s32 $0x7B200, s0;
	s1 =	sor.u32 s4, s15;
	s7 =	smul.u32 $0x140000, s4  }
0x7: {  	_ =	strace $0x8000004D;
	s6 =	ssub.s32 $0x2, s4;
	s1 =	smul.u32 $0x14400, s1  }
0x8: {  	s8 =	sshrl.u32 s6, $0x1;
	s12 =	sadd.s32 $0x4000, s10;
	s13 =	sadd.s32 $0x8000, s10  }
0x9: {  	s15 =	sadd.s32 $0xA000, s10;
	s6 =	ssub.s32 s6, s8;
	s17 =	sadd.s32 s7, s10  }
0xa: {  	s19 =	sadd.s32 s7, s12;
	s14 =	sadd.s32 s7, s13;
	s23 =	sadd.s32 s7, s15  }
0xb: {  	s9 =	sadd.s32 $0x400, s1;
	s16 =	sadd.s32 $0x500, s1;
	s8 =	sshrl.u32 s17, $0x3  }
0xc: {  	s20 =	sshrl.u32 s19, $0x3;
	s22 =	sshrl.u32 s14, $0x3;
	s24 =	sshrl.u32 s23, $0x3  }
0xd: {  	s19 =	sadd.s32 $0xE000, s10;
	s23 =	simm.s32 $0x5300;
	[dreg:$0x3] =	wrdreg s9  }
0xe: {  	s1 =	sshrl.u32 s1, $0x3;
	[dreg:$0x4] =	wrdreg s16;
	s9 =	sor.u32 $0x2000, s10  }
0xf: {  	s8 =	sadd.s32 s5, s8;
	s16 =	sadd.s32 $0xC000, s10;
	[dreg:$0x6] =	wrdreg s23  }
0x10: {  	s30 =	sadd.s32 s7, s19;
	s11 =	sadd.s32 s7, s9;
	[dreg:$0x7] =	wrdreg s8  }
0x11: {  	s14 =	sshrl.u32 s30, $0x3;
	s30 =	sadd.s32 $0x29600, s0;
	s18 =	sshrl.u32 s11, $0x3  }
0x12: {  	s11 =	sadd.s32 $0x6000, s10;
	[dreg:$0x12] =	wrdreg s30;
	s8 =	sadd.s32 s5, s18  }
0x13: {  	s25 =	sadd.s32 s7, s16;
	s21 =	sadd.s32 s7, s11;
	[dreg:$0x8] =	wrdreg s8  }
0x14: {  	s8 =	sadd.s32 s5, s20;
	s20 =	sadd.s32 $0x10000, s10;
	s10 =	sadd.s32 $0x12000, s10  }
0x15: {  	[dreg:$0x9] =	wrdreg s8;
	s8 =	sshrl.u32 s21, $0x3;
	s17 =	sadd.s32 s7, s20  }
0x16: {  	s7 =	sadd.s32 s7, s10;
	s21 =	smul.u32 $0x28800, s2;
	s8 =	sadd.s32 s5, s8  }
0x17: {  	s10 =	sadd.s32 s10, s26;
	[dreg:$0xa] =	wrdreg s8;
	s8 =	sadd.s32 s5, s22  }
0x18: {  	s18 =	sshrl.u32 s17, $0x3;
	s22 =	simm.s32 $0x5200;
	[dreg:$0xb] =	wrdreg s8  }
0x19: {  	s7 =	sshrl.u32 s7, $0x3;
	s8 =	sadd.s32 s5, s24;
	[dreg:$0x5] =	wrdreg s22  }
0x1a: {  	[dreg:$0xc] =	wrdreg s8;
	s8 =	sshrl.u32 s25, $0x3;
	s25 =	sadd.s32 $0x7AC00, s0  }
0x1b: {  	s24 =	smul.u32 $0x50000, s2;
	s8 =	sadd.s32 s5, s8;
	[dreg:$0x11] =	wrdreg s25  }
0x1c: {  	s17 =	sadd.s32 $0x29C00, s0;
	[dreg:$0xd] =	wrdreg s8;
	s8 =	sadd.s32 s5, s14  }
0x1d: {  	s2 =	sshrl.u32 s24, $0x2;
	[dreg:$0xe] =	wrdreg s8;
	s8 =	sadd.s32 s5, s18  }
0x1e: {  	s5 =	sadd.s32 s5, s7;
	s18 =	sadd.s32 s2, s26;
	[dreg:$0xf] =	wrdreg s8  }
0x1f: {  	s2 =	sadd.s32 s17, s1;
	s1 =	sshrl.u32 s10, $0x3;
	[dreg:$0x10] =	wrdreg s5  }
0x20: {  	s7 =	sadd.s32 s12, s26;
	s12 =	sadd.s32 s15, s26;
	[dreg:$0x1f] =	wrdreg s1  }
0x21: {  	s15 =	sadd.s32 s19, s26;
	s5 =	smax.u32 s6, $0x1;
	[dreg:$0x13] =	wrdreg s2  }
0x22: {  	s19 =	sadd.s32 s20, s26;
	s20 =	sshrl.u32 s7, $0x3;
	[dreg:$0x14] =	wrdreg s5  }
0x23: {  	s4 =	smul.u32 $0x14400, s4;
	s23 =	sshrl.u32 s12, $0x3;
	[dreg:$0x18] =	wrdreg s20  }
0x24: {  	s31 =	simm.s32 $0x6680;
	s25 =	sshrl.u32 s15, $0x3;
	[dreg:$0x1b] =	wrdreg s23  }
0x25: {  	s4 =	sadd.s32 s4, s21;
	s30 =	sshrl.u32 s19, $0x3;
	[dreg:$0x1d] =	wrdreg s25  }
0x26: {  	s14 =	sadd.s32 $0x1600, s0;
	s7 =	sadd.s32 $0x3000, s18;
	[dreg:$0x1e] =	wrdreg s30  }
0x27: {  	s6 =	sadd.s32 s9, s26;
	s10 =	sadd.s32 $0x6000, s18;
	[smem:$0x7ED] =	sst s7  }
0x28: {  	s8 =	sadd.s32 s11, s26;
	s12 =	sadd.s32 $0x8000, s18;
	[smem:$0x7F0] =	sst s10  }
0x29: {  	s9 =	sadd.s32 s13, s26;
	s15 =	sadd.s32 $0xA000, s18;
	[smem:$0x7F2] =	sst s12  }
0x2a: {  	s13 =	sadd.s32 s16, s26;
	s19 =	sadd.s32 $0xC000, s18;
	[smem:$0x7F4] =	sst s15  }
0x2b: {  	s16 =	sor.u32 $0x300, s4;
	s0 =	sshrl.u32 s6, $0x3;
	[smem:$0x7F6] =	sst s19  }
0x2c: {  	s4 =	sor.u32 $0x200, s4;
	s21 =	sshrl.u32 s8, $0x3;
	[dreg:$0x17] =	wrdreg s0  }
0x2d: {  	s1 =	simm.s32 $0x8680;
	s22 =	sshrl.u32 s9, $0x3;
	[dreg:$0x19] =	wrdreg s21  }
0x2e: {  	s11 =	sshrl.u32 s16, $0x3;
	s24 =	sshrl.u32 s13, $0x3;
	[dreg:$0x1a] =	wrdreg s22  }
0x2f: {  	s4 =	sshrl.u32 s4, $0x3;
	s5 =	sadd.s32 $0x1000, s18;
	[dreg:$0x1c] =	wrdreg s24  }
0x30: {  	s6 =	sadd.s32 $0x2000, s18;
	s8 =	sadd.s32 $0x4000, s18;
	[smem:$0x7EB] =	sst s5  }
0x31: {  	s9 =	sadd.s32 $0x5000, s18;
	s13 =	sadd.s32 $0x9000, s18;
	[smem:$0x7EC] =	sst s6  }
0x32: {  	s16 =	sadd.s32 $0xB000, s18;
	s20 =	sadd.s32 $0xD000, s18;
	[smem:$0x7EE] =	sst s8  }
0x33: {  	s23 =	sadd.s32 $0x10000, s18;
	s25 =	sadd.s32 $0x12000, s18;
	[smem:$0x7EF] =	sst s9  }
0x34: {  	s30 =	sadd.s32 $0x13000, s18;
	s7 =	simm.s32 $0x6;
	[smem:$0x7F3] =	sst s13  }
0x35: {  	s10 =	simm.s32 $0xB;
	s12 =	simm.s32 $0x2;
	[smem:$0x7F5] =	sst s16  }
0x36: {  	s15 =	simm.s32 $0x8;
	s19 =	simm.s32 $0x4;
	[smem:$0x7F7] =	sst s20  }
0x37: {  	s11 =	sadd.s32 s11, s17;
	s4 =	sadd.s32 s4, s17;
	[smem:$0x7FA] =	sst s23  }
0x38: {  	s21 =	sadd.s32 $0xE000, s18;
	s22 =	sadd.s32 $0xF000, s18;
	[smem:$0x7FC] =	sst s25  }
0x39: {  	s24 =	sadd.s32 $0x11000, s18;
	[smem:$0x7FD] =	sst s30;
	s0 =	simm.s32 $0x7680  }
0x3a: {  	s5 =	simm.s32 $0x5100;
	s6 =	simm.s32 $0xA;
	[dreg:$0x15] =	wrdreg s11  }
0x3b: {  	s8 =	simm.s32 $0x9680;
	s9 =	simm.s32 $0x1;
	[dreg:$0x16] =	wrdreg s4  }
0x3c: {  	s13 =	simm.s32 $0xC;
	s16 =	simm.s32 $0x3;
	[smem:$0x7F8] =	sst s21  }
0x3d: {  	s20 =	simm.s32 $0x9;
	s23 =	simm.s32 $0x5;
	[smem:$0x7F9] =	sst s22  }
0x3e: {  	v0 =	vimm.f32 $0.0e+00;
	v6 =	vlaneseq.u32;
	s4 =	sadd.s32 $0x20, s2;
	s11 =	sadd.s32 $0x7000, s18;
	[smem:$0x7FB] =	sst s24  }
0x3f: {  	v1 =	vimm.s32 $0x0;
	v2 =	vor.u32 $0x2780, v6;
	v3 =	vor.u32 $0x2790, v6;
	s22 =	simm.s32 $0x2800;
	s24 =	simm.s32 $0x0;
	[smem:$0x7EA] =	sst s4  }
0x40: {  	v4 =	vor.u32 $0x27A0, v6;
	v5 =	vor.u32 $0x27B0, v6;
	v6 =	vor.u32 $0x27C0, v6;
	[smem:$0x7F1] =	sst s11;
	s4 =	simm.s32 $0x5000;
	s11 =	simm.s32 $0x7  }
.LBB2_1:
0x41: {  	s2 =	rddreg [dreg:$0x11]  }
0x42: {  	[tilespmem:s3], [sflag:$0xD] =	stream.linear.gather [hbm4b:s2+s3], $0x2800, $0x38;
	[tilespmem:$0x1FF00] =	vst v63  }
0x43: {  	_ =	swait.ge [sflag:s28], $0x2800  }
0x44: {  	[sflag:s28] =	ssyncset.done $0x0  }
0x45: {  	s30 =	rddreg [dreg:$0x12];
	[sflag:s28] =	ssyncadd.s32 $0xFFFFD800  }
0x46: {  	[tilespmem:s22], [sflag:$0xD] =	stream.linear.gather [hbm4b:s30+s3], $0x2800, $0x38;
	[tilespmem:$0x1FF00] =	vst v63  }
0x47: {  	_ =	swait.ge [sflag:s28], $0x2800  }
0x48: {  	[sflag:s28] =	ssyncset.done $0x0  }
0x49: {  	s21 =	simm.s32 $0xFFFFF000;
	s25 =	simm.s32 $0xFFFFC200;
	[sflag:s28] =	ssyncadd.s32 $0xFFFFD800  }
.LBB2_2:
0x4a: {  	p0 =	sne.s32 s25, $0xFFFFFE00;
	[tilespmem:s21+$0x96F0] =	vst v0  }
0x4b: {  	[tilespmem:s21+$0x6680] =	vst v0  }
0x4c: {  	[tilespmem:s21+$0x6690] =	vst v0  }
0x4d: {  	[tilespmem:s21+$0x66A0] =	vst v0  }
0x4e: {  	[tilespmem:s21+$0x66B0] =	vst v0  }
0x4f: {  	[tilespmem:s21+$0x66C0] =	vst v0  }
0x50: {  	[tilespmem:s21+$0x66D0] =	vst v0  }
0x51: {  	[tilespmem:s21+$0x66E0] =	vst v0  }
0x52: {  	[tilespmem:s21+$0x66F0] =	vst v0  }
0x53: {  	[tilespmem:s21+$0x7680] =	vst v0  }
0x54: {  	[tilespmem:s21+$0x7690] =	vst v0  }
0x55: {  	[tilespmem:s21+$0x76A0] =	vst v0  }
0x56: {  	[tilespmem:s21+$0x76B0] =	vst v0  }
0x57: {  	[tilespmem:s21+$0x76C0] =	vst v0  }
0x58: {  	[tilespmem:s21+$0x76D0] =	vst v0  }
0x59: {  	[tilespmem:s21+$0x76E0] =	vst v0  }
0x5a: {  	[tilespmem:s21+$0x76F0] =	vst v0  }
0x5b: {  	[tilespmem:s21+$0x8680] =	vst v0  }
0x5c: {  	[tilespmem:s21+$0x8690] =	vst v0  }
0x5d: {  	[tilespmem:s21+$0x86A0] =	vst v0  }
0x5e: {  	[tilespmem:s21+$0x86B0] =	vst v0  }
0x5f: {  	[tilespmem:s21+$0x86C0] =	vst v0  }
0x60: {  	[tilespmem:s21+$0x86D0] =	vst v0  }
0x61: {  	[tilespmem:s21+$0x86E0] =	vst v0  }
0x62: {  	[tilespmem:s21+$0x86F0] =	vst v0  }
0x63: {  	[tilespmem:s21+$0x9680] =	vst v0  }
0x64: {  	[tilespmem:s21+$0x9690] =	vst v0  }
.Ltmp0:
0x65: {  	[tilespmem:s21+$0x96A0] =	vst v0;
	(pc) =	sbr.rel @p0 .LBB2_2-.Ltmp0, $4  }
0x66: {  	[tilespmem:s21+$0x96B0] =	vst v0  }
0x67: {  	[tilespmem:s21+$0x96C0] =	vst v0  }
0x68: {  	[tilespmem:s21+$0x96D0] =	vst v0  }
0x69: {  	[tilespmem:s21+$0x96E0] =	vst v0;
	s21 =	sshra.s32 s25, $0x2;
	s25 =	sadd.s32 $0x200, s25  }
0x6a: {  	[tilespmem:s21+$0x96F0] =	vst v0  }
0x6b: {  	[tilespmem:s21+$0x6680] =	vst v0  }
0x6c: {  	[tilespmem:s21+$0x6690] =	vst v0  }
0x6d: {  	[tilespmem:s21+$0x66A0] =	vst v0  }
0x6e: {  	[tilespmem:s21+$0x66B0] =	vst v0  }
0x6f: {  	[tilespmem:s21+$0x66C0] =	vst v0  }
0x70: {  	[tilespmem:s21+$0x66D0] =	vst v0  }
0x71: {  	[tilespmem:s21+$0x66E0] =	vst v0  }
0x72: {  	[tilespmem:s21+$0x66F0] =	vst v0  }
0x73: {  	[tilespmem:s21+$0x7680] =	vst v0  }
0x74: {  	[tilespmem:s21+$0x7690] =	vst v0  }
0x75: {  	[tilespmem:s21+$0x76A0] =	vst v0  }
0x76: {  	[tilespmem:s21+$0x76B0] =	vst v0  }
0x77: {  	[tilespmem:s21+$0x76C0] =	vst v0  }
0x78: {  	[tilespmem:s21+$0x76D0] =	vst v0  }
0x79: {  	[tilespmem:s21+$0x76E0] =	vst v0  }
0x7a: {  	[tilespmem:s21+$0x76F0] =	vst v0  }
0x7b: {  	[tilespmem:s21+$0x8680] =	vst v0  }
0x7c: {  	[tilespmem:s21+$0x8690] =	vst v0  }
0x7d: {  	[tilespmem:s21+$0x86A0] =	vst v0  }
0x7e: {  	[tilespmem:s21+$0x86B0] =	vst v0  }
0x7f: {  	[tilespmem:s21+$0x86C0] =	vst v0  }
0x80: {  	[tilespmem:s21+$0x86D0] =	vst v0  }
0x81: {  	[tilespmem:s21+$0x86E0] =	vst v0  }
0x82: {  	[tilespmem:s21+$0x86F0] =	vst v0  }
0x83: {  	[tilespmem:s21+$0x9680] =	vst v0  }
0x84: {  	[tilespmem:s21+$0x9690] =	vst v0  }
0x85: {  	[tilespmem:s21+$0x96A0] =	vst v0  }
0x86: {  	[tilespmem:s21+$0x96B0] =	vst v0  }
0x87: {  	[tilespmem:s21+$0x96C0] =	vst v0  }
0x88: {  	[tilespmem:s21+$0x96D0] =	vst v0  }
0x89: {  	[tilespmem:s21+$0x96E0] =	vst v0  }
0x8a: {  	[tilespmem:$0x5400] =	vst v1  }
0x8b: {  	[tilespmem:$0x5480] =	vst v1  }
0x8c: {  	[tilespmem:$0x5500] =	vst v1  }
0x8d: {  	[tilespmem:$0x5580] =	vst v1  }
0x8e: {  	[tilespmem:$0x5410] =	vst v1  }
0x8f: {  	[tilespmem:$0x5490] =	vst v1  }
0x90: {  	[tilespmem:$0x5510] =	vst v1  }
0x91: {  	s21 =	simm.s32 $0x70;
	s25 =	simm.s32 $0x3C0;
	[tilespmem:$0x5590] =	vst v1  }
.LBB2_4:
0x92: {  	p0 =	sne.s32 s25, $0x9FC0;
	[tilespmem:s21+$0x9680] =	vst v0  }
0x93: {  	[tilespmem:s21+$0x9610] =	vst v0  }
0x94: {  	[tilespmem:s21+$0x9620] =	vst v0  }
.Ltmp1:
0x95: {  	[tilespmem:s21+$0x9630] =	vst v0;
	(pc) =	sbr.rel @p0 .LBB2_4-.Ltmp1, $4  }
0x96: {  	[tilespmem:s21+$0x9640] =	vst v0  }
0x97: {  	[tilespmem:s21+$0x9650] =	vst v0  }
0x98: {  	[tilespmem:s21+$0x9660] =	vst v0  }
0x99: {  	[tilespmem:s21+$0x9670] =	vst v0;
	s21 =	sshra.s32 s25, $0x2;
	s25 =	sadd.s32 $0x200, s25  }
0x9a: {  	[tilespmem:s21+$0x9680] =	vst v0  }
0x9b: {  	[tilespmem:s21+$0x9610] =	vst v0  }
0x9c: {  	[tilespmem:s21+$0x9620] =	vst v0  }
0x9d: {  	[tilespmem:s21+$0x9630] =	vst v0  }
0x9e: {  	[tilespmem:s21+$0x9640] =	vst v0  }
0x9f: {  	[tilespmem:s21+$0x9650] =	vst v0  }
0xa0: {  	[tilespmem:s21+$0x9660] =	vst v0  }
0xa1: {  	[tilespmem:s21+$0x9670] =	vst v0  }
0xa2: {  	[tilespmem:$0xBE80] =	vst v2  }
0xa3: {  	[tilespmem:$0xBE90] =	vst v3  }
0xa4: {  	[tilespmem:$0xBEA0] =	vst v4  }
0xa5: {  	[tilespmem:$0xBEB0] =	vst v5  }
0xa6: {  	[tilespmem:$0xBEC0] =	vst v6  }
0xa7: {  	[spmem:s18] =	stream.linear.scatter [tilespmem:s29], [sflag:$0xD], $0x1000, $0x38;
	[tilespmem:$0x1FF00] =	vst v63  }
0xa8: {  	_ =	swait.ge [sflag:s28], $0x1000  }
0xa9: {  	s2 =	sld [smem:$0x7EB]  }
0xaa: {  	[sflag:s28] =	ssyncset.done $0x0  }
0xab: {  	[sflag:s28] =	ssyncadd.s32 $0xFFFFF000  }
0xac: {  	[spmem:s2] =	stream.linear.scatter [tilespmem:s29], [sflag:$0xD], $0x1000, $0x38;
	[tilespmem:$0x1FF00] =	vst v63  }
0xad: {  	_ =	swait.ge [sflag:s28], $0x1000  }
0xae: {  	s25 =	sld [smem:$0x7EC]  }
0xaf: {  	[sflag:s28] =	ssyncset.done $0x0  }
0xb0: {  	[sflag:s28] =	ssyncadd.s32 $0xFFFFF000  }
0xb1: {  	[spmem:s25] =	stream.linear.scatter [tilespmem:s29], [sflag:$0xD], $0x1000, $0x38;
	[tilespmem:$0x1FF00] =	vst v63  }
0xb2: {  	_ =	swait.ge [sflag:s28], $0x1000  }
0xb3: {  	s30 =	sld [smem:$0x7ED]  }
0xb4: {  	[sflag:s28] =	ssyncset.done $0x0  }
0xb5: {  	[sflag:s28] =	ssyncadd.s32 $0xFFFFF000  }
0xb6: {  	[spmem:s30] =	stream.linear.scatter [tilespmem:s29], [sflag:$0xD], $0x1000, $0x38;
	[tilespmem:$0x1FF00] =	vst v63  }
0xb7: {  	_ =	swait.ge [sflag:s28], $0x1000  }
0xb8: {  	s21 =	sld [smem:$0x7EE]  }
0xb9: {  	[sflag:s28] =	ssyncset.done $0x0  }
0xba: {  	[sflag:s28] =	ssyncadd.s32 $0xFFFFF000  }
0xbb: {  	[spmem:s21] =	stream.linear.scatter [tilespmem:s29], [sflag:$0xD], $0x1000, $0x38;
	[tilespmem:$0x1FF00] =	vst v63  }
0xbc: {  	_ =	swait.ge [sflag:s28], $0x1000  }
0xbd: {  	s25 =	sld [smem:$0x7EF]  }
0xbe: {  	[sflag:s28] =	ssyncset.done $0x0  }
0xbf: {  	[sflag:s28] =	ssyncadd.s32 $0xFFFFF000  }
0xc0: {  	[spmem:s25] =	stream.linear.scatter [tilespmem:s29], [sflag:$0xD], $0x1000, $0x38;
	[tilespmem:$0x1FF00] =	vst v63  }
0xc1: {  	_ =	swait.ge [sflag:s28], $0x1000  }
0xc2: {  	s30 =	sld [smem:$0x7F0]  }
0xc3: {  	[sflag:s28] =	ssyncset.done $0x0  }
0xc4: {  	[sflag:s28] =	ssyncadd.s32 $0xFFFFF000  }
0xc5: {  	[spmem:s30] =	stream.linear.scatter [tilespmem:s29], [sflag:$0xD], $0x1000, $0x38;
	[tilespmem:$0x1FF00] =	vst v63  }
0xc6: {  	_ =	swait.ge [sflag:s28], $0x1000  }
0xc7: {  	s21 =	sld [smem:$0x7F1]  }
0xc8: {  	[sflag:s28] =	ssyncset.done $0x0  }
0xc9: {  	[sflag:s28] =	ssyncadd.s32 $0xFFFFF000  }
0xca: {  	[spmem:s21] =	stream.linear.scatter [tilespmem:s29], [sflag:$0xD], $0x1000, $0x38;
	[tilespmem:$0x1FF00] =	vst v63  }
0xcb: {  	_ =	swait.ge [sflag:s28], $0x1000  }
0xcc: {  	s25 =	sld [smem:$0x7F2]  }
0xcd: {  	[sflag:s28] =	ssyncset.done $0x0  }
0xce: {  	[sflag:s28] =	ssyncadd.s32 $0xFFFFF000  }
0xcf: {  	[spmem:s25] =	stream.linear.scatter [tilespmem:s29], [sflag:$0xD], $0x1000, $0x38;
	[tilespmem:$0x1FF00] =	vst v63  }
0xd0: {  	_ =	swait.ge [sflag:s28], $0x1000  }
0xd1: {  	s30 =	sld [smem:$0x7F3]  }
0xd2: {  	[sflag:s28] =	ssyncset.done $0x0  }
0xd3: {  	[sflag:s28] =	ssyncadd.s32 $0xFFFFF000  }
0xd4: {  	[spmem:s30] =	stream.linear.scatter [tilespmem:s29], [sflag:$0xD], $0x1000, $0x38;
	[tilespmem:$0x1FF00] =	vst v63  }
0xd5: {  	_ =	swait.ge [sflag:s28], $0x1000  }
0xd6: {  	s21 =	sld [smem:$0x7F4]  }
0xd7: {  	[sflag:s28] =	ssyncset.done $0x0  }
0xd8: {  	[sflag:s28] =	ssyncadd.s32 $0xFFFFF000  }
0xd9: {  	[spmem:s21] =	stream.linear.scatter [tilespmem:s29], [sflag:$0xD], $0x1000, $0x38;
	[tilespmem:$0x1FF00] =	vst v63  }
0xda: {  	_ =	swait.ge [sflag:s28], $0x1000  }
0xdb: {  	s25 =	sld [smem:$0x7F5]  }
0xdc: {  	[sflag:s28] =	ssyncset.done $0x0  }
0xdd: {  	[sflag:s28] =	ssyncadd.s32 $0xFFFFF000  }
0xde: {  	[spmem:s25] =	stream.linear.scatter [tilespmem:s29], [sflag:$0xD], $0x1000, $0x38;
	[tilespmem:$0x1FF00] =	vst v63  }
0xdf: {  	_ =	swait.ge [sflag:s28], $0x1000  }
0xe0: {  	s30 =	sld [smem:$0x7F6]  }
0xe1: {  	[sflag:s28] =	ssyncset.done $0x0  }
0xe2: {  	[sflag:s28] =	ssyncadd.s32 $0xFFFFF000  }
0xe3: {  	[spmem:s30] =	stream.linear.scatter [tilespmem:s29], [sflag:$0xD], $0x1000, $0x38;
	[tilespmem:$0x1FF00] =	vst v63  }
0xe4: {  	_ =	swait.ge [sflag:s28], $0x1000  }
0xe5: {  	s21 =	sld [smem:$0x7F7]  }
0xe6: {  	[sflag:s28] =	ssyncset.done $0x0  }
0xe7: {  	[sflag:s28] =	ssyncadd.s32 $0xFFFFF000  }
0xe8: {  	[spmem:s21] =	stream.linear.scatter [tilespmem:s29], [sflag:$0xD], $0x1000, $0x38;
	[tilespmem:$0x1FF00] =	vst v63  }
0xe9: {  	_ =	swait.ge [sflag:s28], $0x1000  }
0xea: {  	s25 =	sld [smem:$0x7F8]  }
0xeb: {  	[sflag:s28] =	ssyncset.done $0x0  }
0xec: {  	[sflag:s28] =	ssyncadd.s32 $0xFFFFF000  }
0xed: {  	[spmem:s25] =	stream.linear.scatter [tilespmem:s29], [sflag:$0xD], $0x1000, $0x38;
	[tilespmem:$0x1FF00] =	vst v63  }
0xee: {  	_ =	swait.ge [sflag:s28], $0x1000  }
0xef: {  	s30 =	sld [smem:$0x7F9]  }
0xf0: {  	[sflag:s28] =	ssyncset.done $0x0  }
0xf1: {  	[sflag:s28] =	ssyncadd.s32 $0xFFFFF000  }
0xf2: {  	[spmem:s30] =	stream.linear.scatter [tilespmem:s29], [sflag:$0xD], $0x1000, $0x38;
	[tilespmem:$0x1FF00] =	vst v63  }
0xf3: {  	_ =	swait.ge [sflag:s28], $0x1000  }
0xf4: {  	s21 =	sld [smem:$0x7FA]  }
0xf5: {  	[sflag:s28] =	ssyncset.done $0x0  }
0xf6: {  	[sflag:s28] =	ssyncadd.s32 $0xFFFFF000  }
0xf7: {  	[spmem:s21] =	stream.linear.scatter [tilespmem:s29], [sflag:$0xD], $0x1000, $0x38;
	[tilespmem:$0x1FF00] =	vst v63  }
0xf8: {  	_ =	swait.ge [sflag:s28], $0x1000  }
0xf9: {  	s25 =	sld [smem:$0x7FB]  }
0xfa: {  	[sflag:s28] =	ssyncset.done $0x0  }
0xfb: {  	[sflag:s28] =	ssyncadd.s32 $0xFFFFF000  }
0xfc: {  	[spmem:s25] =	stream.linear.scatter [tilespmem:s29], [sflag:$0xD], $0x1000, $0x38;
	[tilespmem:$0x1FF00] =	vst v63  }
0xfd: {  	_ =	swait.ge [sflag:s28], $0x1000  }
0xfe: {  	s30 =	sld [smem:$0x7FC]  }
0xff: {  	[sflag:s28] =	ssyncset.done $0x0  }
0x100: {  	[sflag:s28] =	ssyncadd.s32 $0xFFFFF000  }
0x101: {  	[spmem:s30] =	stream.linear.scatter [tilespmem:s29], [sflag:$0xD], $0x1000, $0x38;
	[tilespmem:$0x1FF00] =	vst v63  }
0x102: {  	_ =	swait.ge [sflag:s28], $0x1000  }
0x103: {  	s21 =	sld [smem:$0x7FD]  }
0x104: {  	[sflag:s28] =	ssyncset.done $0x0  }
0x105: {  	[sflag:s28] =	ssyncadd.s32 $0xFFFFF000  }
0x106: {  	[spmem:s21] =	stream.linear.scatter [tilespmem:s29], [sflag:$0xD], $0x1000, $0x38;
	[tilespmem:$0x1FF00] =	vst v63  }
0x107: {  	_ =	swait.ge [sflag:s28], $0x1000  }
0x108: {  	[sflag:s28] =	ssyncset.done $0x0  }
0x109: {  	[sflag:s28] =	ssyncadd.s32 $0xFFFFF000  }
0x10a: {  	s25 =	simm.s32 $0x5480;
	s21 =	simm.s32 $0x20;
	[bflag:$0x0] =	sbarrier.arrive $0xFFFF  }
0x10b: {  	[spmem:s26] =	stream.indirect.scatter.add.f32 [tilespmem:s31], [sflag:$0x6], $0x80, s25, s21, $0xb8;
	[tilespmem:$0x1FF00] =	vst v63  }
0x10c: {  	s30 =	simm.s32 $0x5500  }
0x10d: {  	[spmem:s26] =	stream.indirect.scatter.add.f32 [tilespmem:s0], [sflag:$0x7], $0x80, s30, s21, $0xb8;
	[tilespmem:$0x1FF00] =	vst v63  }
0x10e: {  	s25 =	simm.s32 $0x5580  }
0x10f: {  	[spmem:s26] =	stream.indirect.scatter.add.f32 [tilespmem:s1], [sflag:$0x8], $0x80, s25, s21, $0xb8;
	[tilespmem:$0x1FF00] =	vst v63  }
0x110: {  	s25 =	simm.s32 $0x0;
	s26 =	rddreg [dreg:$0x13]  }
0x111: {  	[tilespmem:s4], [sflag:$0xD] =	stream.linear.gather [hbm4b:s26+s25], $0x100, $0x38;
	[tilespmem:$0x1FF00] =	vst v63  }
0x112: {  	_ =	swait.ge [sflag:s28], $0x100  }
0x113: {  	s30 =	sld [smem:$0x7EA]  }
0x114: {  	[sflag:s28] =	ssyncset.done $0x0  }
0x115: {  	[sflag:s28] =	ssyncadd.s32 $0xFFFFFF00  }
0x116: {  	[tilespmem:s5], [sflag:$0xA] =	stream.linear.gather [hbm4b:s30+s25], $0x100, $0x38;
	[tilespmem:$0x1FF00] =	vst v63  }
0x117: {  	s26 =	rddreg [dreg:$0x16]  }
0x118: {  	[tilespmem:s29], [sflag:$0x1] =	stream.indirect.gather [hbm4b:s14+s21], $0x80, s4, s21, $0xb8;
	[tilespmem:$0x1FF00] =	vst v63  }
0x119: {  	s21 =	rddreg [dreg:$0x15]  }
.LBB2_6:
0x11a: {  	_ =	swait.ge [sflag:s6], $0x100  }
0x11b: {  	[sflag:s6] =	ssyncset.done $0x0  }
0x11c: {  	[sflag:s6] =	ssyncadd.s32 $0xFFFFFF00  }
0x11d: {  	_ =	swait.ge [sflag:s7], $0x1000  }
0x11e: {  	[sflag:s7] =	ssyncset.done $0x0  }
0x11f: {  	[sflag:s7] =	ssyncadd.s32 $0xFFFFF000  }
0x120: {  	[tilespmem:s31], [sflag:$0x2] =	stream.linear.gather [hbm4b:s14+s3], $0x1000, $0x38;
	[tilespmem:$0x1FF00] =	vst v63  }
0x121: {  	v7 =	vld [tilespmem:$0x5000]  }
0x122: {  	v8 =	vld [tilespmem:$0x5080];
	_ =	sdelay $0x1  }
0x123: {  	v9 =	vld [tilespmem:$0x5010]  }
0x124: {  	v10 =	vld [tilespmem:$0x5090];
	_ =	sdelay $0x3  }
0x125: {  	v7 =	vld.idx.msk [tilespmem:v7+s3+$0x0], $0xffff  }
0x126: {  	v11 =	vld.idx.msk [tilespmem:v8+s22+$0x0], $0xffff;
	_ =	sdelay $0x1  }
0x127: {  	v9 =	vld.idx.msk [tilespmem:v9+s3+$0x0], $0xffff  }
0x128: {  	v12 =	vld.idx.msk [tilespmem:v10+s22+$0x0], $0xffff;
	_ =	sdelay $0x1  }
0x129: {  	v7 =	vadd.f32 v11, v7;
	_ =	sdelay $0x1  }
0x12a: {  	v11 =	vmul.f32 $2.000000030e-01, v7  }
0x12b: {  	v9 =	vadd.f32 v12, v9;
	vm0 =	vge.f32 v7, $0.0e+00  }
0x12c: {  	v7 =	vsel vm0, v7, v11  }
0x12d: {  	v48 =	vmul.f32 $2.000000030e-01, v9;
	v7 =	vmul.f32 $1.442695020e+00, v7  }
0x12e: {  	vm9 =	vge.f32 v9, $0.0e+00  }
0x12f: {  	(erf) = vpow2.f32 v7;
	v7 =	vsel vm9, v9, v48  }
0x130: {  	v7 =	vmul.f32 $1.442695020e+00, v7;
	_ =	sdelay $0x1  }
0x131: {  	(erf) = vpow2.f32 v7;
	_ =	sdelay $0x5  }
0x132: {  	v7 =	vpop (erf)  }
0x133: {  	[tilespmem:$0x5600] =	vst v7  }
0x134: {  	[tilespmem:v8+s8+$0x0] =	vst.idx.add.f32.msk $0xffff, v7  }
0x135: {  	[tilespmem:$0x5400] =	vst v8;
	v7 =	vpop (erf)  }
0x136: {  	[tilespmem:$0x5610] =	vst v7  }
0x137: {  	[tilespmem:v10+s8+$0x0] =	vst.idx.add.f32.msk $0xffff, v7  }
0x138: {  	[tilespmem:$0x5410] =	vst v10  }
0x139: {  	_ =	swait.ge [sflag:s9], $0x1000  }
0x13a: {  	[sflag:s9] =	ssyncset.done $0x0  }
0x13b: {  	s2 =	rddreg [dreg:$0x5];
	[sflag:s9] =	ssyncadd.s32 $0xFFFFF000  }
0x13c: {  	[tilespmem:s2], [sflag:$0xB] =	stream.linear.gather [hbm4b:s26+s3], $0x100, $0x38;
	[tilespmem:$0x1FF00] =	vst v63  }
0x13d: {  	_ = 	snop  }
0x13e: {  	[spmem:s18] =	stream.linear.scatter [tilespmem:s29], [sflag:$0x5], $0x1000, $0x38;
	[tilespmem:$0x1FF00] =	vst v63  }
0x13f: {  	_ =	swait.ge [sflag:s10], $0x100  }
0x140: {  	[sflag:s10] =	ssyncset.done $0x0  }
0x141: {  	[sflag:s10] =	ssyncadd.s32 $0xFFFFFF00  }
0x142: {  	_ =	swait.ge [sflag:s11], $0x1000  }
0x143: {  	[sflag:s11] =	ssyncset.done $0x0  }
0x144: {  	[sflag:s11] =	ssyncadd.s32 $0xFFFFF000  }
0x145: {  	[tilespmem:s0], [sflag:$0x3] =	stream.linear.gather [hbm4b:s14+s3], $0x1000, $0x38;
	[tilespmem:$0x1FF00] =	vst v63  }
0x146: {  	v7 =	vld [tilespmem:$0x5100]  }
0x147: {  	v8 =	vld [tilespmem:$0x5180];
	_ =	sdelay $0x1  }
0x148: {  	v49 =	vld [tilespmem:$0x5110]  }
0x149: {  	v50 =	vld [tilespmem:$0x5190];
	_ =	sdelay $0x3  }
0x14a: {  	v7 =	vld.idx.msk [tilespmem:v7+s3+$0x0], $0xffff  }
0x14b: {  	v51 =	vld.idx.msk [tilespmem:v8+s22+$0x0], $0xffff;
	_ =	sdelay $0x1  }
0x14c: {  	v9 =	vld.idx.msk [tilespmem:v49+s3+$0x0], $0xffff  }
0x14d: {  	v52 =	vld.idx.msk [tilespmem:v50+s22+$0x0], $0xffff;
	_ =	sdelay $0x1  }
0x14e: {  	v7 =	vadd.f32 v51, v7;
	_ =	sdelay $0x1  }
0x14f: {  	v11 =	vmul.f32 $2.000000030e-01, v7  }
0x150: {  	v9 =	vadd.f32 v52, v9;
	vm10 =	vge.f32 v7, $0.0e+00  }
0x151: {  	v7 =	vsel vm10, v7, v11  }
0x152: {  	v53 =	vmul.f32 $2.000000030e-01, v9;
	v7 =	vmul.f32 $1.442695020e+00, v7  }
0x153: {  	vm11 =	vge.f32 v9, $0.0e+00  }
0x154: {  	(erf) = vpow2.f32 v7;
	v7 =	vsel vm11, v9, v53  }
0x155: {  	v7 =	vmul.f32 $1.442695020e+00, v7;
	_ =	sdelay $0x1  }
0x156: {  	(erf) = vpow2.f32 v7;
	_ =	sdelay $0x5  }
0x157: {  	v7 =	vpop (erf)  }
0x158: {  	[tilespmem:$0x5600] =	vst v7  }
0x159: {  	[tilespmem:v8+s8+$0x0] =	vst.idx.add.f32.msk $0xffff, v7  }
0x15a: {  	[tilespmem:$0x5480] =	vst v8;
	v7 =	vpop (erf)  }
0x15b: {  	[tilespmem:$0x5610] =	vst v7  }
0x15c: {  	[tilespmem:v50+s8+$0x0] =	vst.idx.add.f32.msk $0xffff, v7  }
0x15d: {  	[tilespmem:$0x5490] =	vst v50  }
0x15e: {  	_ =	swait.ge [sflag:s12], $0x1000  }
0x15f: {  	[sflag:s12] =	ssyncset.done $0x0  }
0x160: {  	s30 =	rddreg [dreg:$0x6];
	[sflag:s12] =	ssyncadd.s32 $0xFFFFF000  }
0x161: {  	[tilespmem:s30], [sflag:$0xC] =	stream.linear.gather [hbm4b:s21+s3], $0x100, $0x38;
	[tilespmem:$0x1FF00] =	vst v63  }
0x162: {  	_ = 	snop  }
0x163: {  	[spmem:s18] =	stream.linear.scatter [tilespmem:s31], [sflag:$0x6], $0x1000, $0x38;
	[tilespmem:$0x1FF00] =	vst v63  }
0x164: {  	_ =	swait.ge [sflag:s13], $0x100  }
0x165: {  	[sflag:s13] =	ssyncset.done $0x0  }
0x166: {  	[sflag:s13] =	ssyncadd.s32 $0xFFFFFF00  }
0x167: {  	_ =	swait.ge [sflag:s15], $0x1000  }
0x168: {  	[sflag:s15] =	ssyncset.done $0x0  }
0x169: {  	[sflag:s15] =	ssyncadd.s32 $0xFFFFF000  }
0x16a: {  	[tilespmem:s1], [sflag:$0x4] =	stream.linear.gather [hbm4b:s14+s3], $0x1000, $0x38;
	[tilespmem:$0x1FF00] =	vst v63  }
0x16b: {  	v7 =	vld [tilespmem:$0x5200]  }
0x16c: {  	v8 =	vld [tilespmem:$0x5280];
	_ =	sdelay $0x1  }
0x16d: {  	v54 =	vld [tilespmem:$0x5210]  }
0x16e: {  	v55 =	vld [tilespmem:$0x5290];
	_ =	sdelay $0x3  }
0x16f: {  	v7 =	vld.idx.msk [tilespmem:v7+s3+$0x0], $0xffff  }
0x170: {  	v56 =	vld.idx.msk [tilespmem:v8+s22+$0x0], $0xffff;
	_ =	sdelay $0x1  }
0x171: {  	v9 =	vld.idx.msk [tilespmem:v54+s3+$0x0], $0xffff  }
0x172: {  	v57 =	vld.idx.msk [tilespmem:v55+s22+$0x0], $0xffff;
	_ =	sdelay $0x1  }
0x173: {  	v7 =	vadd.f32 v56, v7;
	_ =	sdelay $0x1  }
0x174: {  	v11 =	vmul.f32 $2.000000030e-01, v7  }
0x175: {  	v9 =	vadd.f32 v57, v9;
	vm12 =	vge.f32 v7, $0.0e+00  }
0x176: {  	v7 =	vsel vm12, v7, v11  }
0x177: {  	v58 =	vmul.f32 $2.000000030e-01, v9;
	v7 =	vmul.f32 $1.442695020e+00, v7  }
0x178: {  	vm13 =	vge.f32 v9, $0.0e+00  }
0x179: {  	(erf) = vpow2.f32 v7;
	v7 =	vsel vm13, v9, v58  }
0x17a: {  	v7 =	vmul.f32 $1.442695020e+00, v7;
	_ =	sdelay $0x1  }
0x17b: {  	(erf) = vpow2.f32 v7;
	_ =	sdelay $0x5  }
0x17c: {  	v7 =	vpop (erf)  }
0x17d: {  	[tilespmem:$0x5600] =	vst v7  }
0x17e: {  	[tilespmem:v8+s8+$0x0] =	vst.idx.add.f32.msk $0xffff, v7  }
0x17f: {  	[tilespmem:$0x5500] =	vst v8;
	v7 =	vpop (erf)  }
0x180: {  	[tilespmem:$0x5610] =	vst v7  }
0x181: {  	[tilespmem:v55+s8+$0x0] =	vst.idx.add.f32.msk $0xffff, v7  }
0x182: {  	[tilespmem:$0x5510] =	vst v55  }
0x183: {  	s30 =	smin.u32 s25, $0x13F;
	_ =	swait.ge [sflag:s16], $0x1000  }
0x184: {  	s30 =	sshll.u32 s30, $0x8;
	s2 =	rddreg [dreg:$0x3]  }
0x185: {  	s2 =	sadd.s32 s30, s2  }
0x186: {  	[sflag:s16] =	ssyncset.done $0x0;
	s2 =	sshrl.u32 s2, $0x3  }
0x187: {  	[sflag:s16] =	ssyncadd.s32 $0xFFFFF000;
	s2 =	sadd.s32 s17, s2  }
0x188: {  	[tilespmem:s4], [sflag:$0x9] =	stream.linear.gather [hbm4b:s2+s3], $0x100, $0x38;
	[tilespmem:$0x1FF00] =	vst v63  }
0x189: {  	_ = 	snop  }
0x18a: {  	[spmem:s18] =	stream.linear.scatter [tilespmem:s0], [sflag:$0x7], $0x1000, $0x38;
	[tilespmem:$0x1FF00] =	vst v63  }
0x18b: {  	_ =	swait.ge [sflag:s20], $0x100  }
0x18c: {  	[sflag:s20] =	ssyncset.done $0x0  }
0x18d: {  	[sflag:s20] =	ssyncadd.s32 $0xFFFFFF00  }
0x18e: {  	_ =	swait.ge [sflag:s23], $0x1000  }
0x18f: {  	[sflag:s23] =	ssyncset.done $0x0  }
0x190: {  	[sflag:s23] =	ssyncadd.s32 $0xFFFFF000  }
0x191: {  	[tilespmem:s29], [sflag:$0x1] =	stream.linear.gather [hbm4b:s14+s3], $0x1000, $0x38;
	[tilespmem:$0x1FF00] =	vst v63  }
0x192: {  	v7 =	vld [tilespmem:$0x5300]  }
0x193: {  	v8 =	vld [tilespmem:$0x5380];
	_ =	sdelay $0x1  }
0x194: {  	v59 =	vld [tilespmem:$0x5310]  }
0x195: {  	v60 =	vld [tilespmem:$0x5390];
	_ =	sdelay $0x3  }
0x196: {  	v7 =	vld.idx.msk [tilespmem:v7+s3+$0x0], $0xffff  }
0x197: {  	v61 =	vld.idx.msk [tilespmem:v8+s22+$0x0], $0xffff;
	_ =	sdelay $0x1  }
0x198: {  	v9 =	vld.idx.msk [tilespmem:v59+s3+$0x0], $0xffff  }
0x199: {  	v62 =	vld.idx.msk [tilespmem:v60+s22+$0x0], $0xffff;
	_ =	sdelay $0x1  }
0x19a: {  	v7 =	vadd.f32 v61, v7;
	_ =	sdelay $0x1  }
0x19b: {  	v11 =	vmul.f32 $2.000000030e-01, v7  }
0x19c: {  	v9 =	vadd.f32 v62, v9;
	vm14 =	vge.f32 v7, $0.0e+00  }
0x19d: {  	v7 =	vsel vm14, v7, v11  }
0x19e: {  	v63 =	vmul.f32 $2.000000030e-01, v9;
	v7 =	vmul.f32 $1.442695020e+00, v7  }
0x19f: {  	vm15 =	vge.f32 v9, $0.0e+00  }
0x1a0: {  	(erf) = vpow2.f32 v7;
	v7 =	vsel vm15, v9, v63  }
0x1a1: {  	v7 =	vmul.f32 $1.442695020e+00, v7;
	_ =	sdelay $0x1  }
0x1a2: {  	(erf) = vpow2.f32 v7;
	_ =	sdelay $0x5  }
0x1a3: {  	v7 =	vpop (erf)  }
0x1a4: {  	[tilespmem:$0x5600] =	vst v7  }
0x1a5: {  	[tilespmem:v8+s8+$0x0] =	vst.idx.add.f32.msk $0xffff, v7  }
0x1a6: {  	[tilespmem:$0x5580] =	vst v8;
	v7 =	vpop (erf)  }
0x1a7: {  	[tilespmem:$0x5610] =	vst v7  }
0x1a8: {  	[tilespmem:v60+s8+$0x0] =	vst.idx.add.f32.msk $0xffff, v7  }
0x1a9: {  	[tilespmem:$0x5590] =	vst v60  }
0x1aa: {  	s30 =	smin.u32 s25, $0x13E;
	_ =	swait.ge [sflag:s19], $0x1000  }
0x1ab: {  	s30 =	sshll.u32 s30, $0x8;
	s2 =	rddreg [dreg:$0x4]  }
0x1ac: {  	p0 =	sne.s32 s25, $0x140;
	s2 =	sadd.s32 s30, s2  }
.Ltmp2:
0x1ad: {  	[sflag:s19] =	ssyncset.done $0x0;
	s2 =	sshrl.u32 s2, $0x3;
	(pc) =	sbr.rel @p0 .LBB2_6-.Ltmp2, $4  }
0x1ae: {  	[sflag:s19] =	ssyncadd.s32 $0xFFFFF000;
	s2 =	sadd.s32 s17, s2  }
0x1af: {  	[tilespmem:s5], [sflag:$0xA] =	stream.linear.gather [hbm4b:s2+s3], $0x100, $0x38;
	[tilespmem:$0x1FF00] =	vst v63  }
0x1b0: {  	s26 =	sadd.s32 $0x80, s26;
	s21 =	sadd.s32 $0x80, s21;
	s25 =	sadd.s32 $0x4, s25  }
0x1b1: {  	[spmem:s18] =	stream.linear.scatter [tilespmem:s1], [sflag:$0x8], $0x1000, $0x38;
	[tilespmem:$0x1FF00] =	vst v63  }
0x1b2: {  	_ =	swait.ge [sflag:s7], $0x1000  }
0x1b3: {  	[sflag:s7] =	ssyncset.done $0x0  }
0x1b4: {  	[sflag:s7] =	ssyncadd.s32 $0xFFFFF000  }
0x1b5: {  	_ =	swait.ge [sflag:s11], $0x1000  }
0x1b6: {  	[sflag:s11] =	ssyncset.done $0x0  }
0x1b7: {  	[sflag:s11] =	ssyncadd.s32 $0xFFFFF000  }
0x1b8: {  	_ =	swait.ge [sflag:s15], $0x1000  }
0x1b9: {  	[sflag:s15] =	ssyncset.done $0x0  }
0x1ba: {  	[sflag:s15] =	ssyncadd.s32 $0xFFFFF000  }
0x1bb: {  	_ =	swait.ge [sflag:s9], $0x1000  }
0x1bc: {  	[sflag:s9] =	ssyncset.done $0x0  }
0x1bd: {  	[sflag:s9] =	ssyncadd.s32 $0xFFFFF000  }
0x1be: {  	_ =	swait.ge [sflag:s6], $0x100  }
0x1bf: {  	[sflag:s6] =	ssyncset.done $0x0  }
0x1c0: {  	[sflag:s6] =	ssyncadd.s32 $0xFFFFFF00  }
0x1c1: {  	s2 =	simm.s32 $0x50;
	s21 =	simm.s32 $0xBE80;
	s26 =	rddreg [dreg:$0x1]  }
0x1c2: {  	[spmem:s26] =	stream.indirect.scatter.add.f32 [tilespmem:s8], [sflag:$0xD], $0x80, s21, s2, $0xb8;
	[tilespmem:$0x1FF00] =	vst v63  }
0x1c3: {  	_ =	swait.ge [sflag:s28], $0x2800  }
0x1c4: {  	[sflag:s28] =	ssyncset.done $0x0  }
0x1c5: {  	s25 =	stileid.u32;
	[sflag:s28] =	ssyncadd.s32 $0xFFFFD800  }
0x1c6: {  	s2 =	sshll.u32 s25, $0x6;
	[bflag:$0x0] =	sbarrier.arrive $0xFFFF  }
0x1c7: {  	s30 =	sshrl.u32 s18, $0x3;
	s2 =	sor.u32 $0x1C0D, s2;
	s25 =	rddreg [dreg:$0x7]  }
0x1c8: {  	[hbm:s25], [sflag:s2] =	dma.local [spmem:s30], $0x400  }
0x1c9: {  	_ =	swait.ge [sflag:s28], $0x400  }
0x1ca: {  	[sflag:s28] =	ssyncset.done $0x0;
	s25 =	rddreg [dreg:$0x8]  }
0x1cb: {  	s30 =	rddreg [dreg:$0x17];
	[sflag:s28] =	ssyncadd.s32 $0xFFFFFC00  }
0x1cc: {  	[hbm:s25], [sflag:s2] =	dma.local [spmem:s30], $0x400  }
0x1cd: {  	_ =	swait.ge [sflag:s28], $0x400  }
0x1ce: {  	[sflag:s28] =	ssyncset.done $0x0;
	s25 =	rddreg [dreg:$0x9]  }
0x1cf: {  	s30 =	rddreg [dreg:$0x18];
	[sflag:s28] =	ssyncadd.s32 $0xFFFFFC00  }
0x1d0: {  	[hbm:s25], [sflag:s2] =	dma.local [spmem:s30], $0x400  }
0x1d1: {  	_ =	swait.ge [sflag:s28], $0x400  }
0x1d2: {  	[sflag:s28] =	ssyncset.done $0x0;
	s25 =	rddreg [dreg:$0xa]  }
0x1d3: {  	s30 =	rddreg [dreg:$0x19];
	[sflag:s28] =	ssyncadd.s32 $0xFFFFFC00  }
0x1d4: {  	[hbm:s25], [sflag:s2] =	dma.local [spmem:s30], $0x400  }
0x1d5: {  	_ =	swait.ge [sflag:s28], $0x400  }
0x1d6: {  	[sflag:s28] =	ssyncset.done $0x0;
	s25 =	rddreg [dreg:$0xb]  }
0x1d7: {  	s30 =	rddreg [dreg:$0x1a];
	[sflag:s28] =	ssyncadd.s32 $0xFFFFFC00  }
0x1d8: {  	[hbm:s25], [sflag:s2] =	dma.local [spmem:s30], $0x400  }
0x1d9: {  	_ =	swait.ge [sflag:s28], $0x400  }
0x1da: {  	[sflag:s28] =	ssyncset.done $0x0;
	s25 =	rddreg [dreg:$0xc]  }
0x1db: {  	s30 =	rddreg [dreg:$0x1b];
	[sflag:s28] =	ssyncadd.s32 $0xFFFFFC00  }
0x1dc: {  	[hbm:s25], [sflag:s2] =	dma.local [spmem:s30], $0x400  }
0x1dd: {  	_ =	swait.ge [sflag:s28], $0x400  }
0x1de: {  	[sflag:s28] =	ssyncset.done $0x0;
	s25 =	rddreg [dreg:$0xd]  }
0x1df: {  	s30 =	rddreg [dreg:$0x1c];
	[sflag:s28] =	ssyncadd.s32 $0xFFFFFC00  }
0x1e0: {  	[hbm:s25], [sflag:s2] =	dma.local [spmem:s30], $0x400  }
0x1e1: {  	_ =	swait.ge [sflag:s28], $0x400  }
0x1e2: {  	[sflag:s28] =	ssyncset.done $0x0;
	s25 =	rddreg [dreg:$0xe]  }
0x1e3: {  	s30 =	rddreg [dreg:$0x1d];
	[sflag:s28] =	ssyncadd.s32 $0xFFFFFC00  }
0x1e4: {  	[hbm:s25], [sflag:s2] =	dma.local [spmem:s30], $0x400  }
0x1e5: {  	_ =	swait.ge [sflag:s28], $0x400  }
0x1e6: {  	[sflag:s28] =	ssyncset.done $0x0;
	s25 =	rddreg [dreg:$0xf]  }
0x1e7: {  	s30 =	rddreg [dreg:$0x1e];
	[sflag:s28] =	ssyncadd.s32 $0xFFFFFC00  }
0x1e8: {  	[hbm:s25], [sflag:s2] =	dma.local [spmem:s30], $0x400  }
0x1e9: {  	_ =	swait.ge [sflag:s28], $0x400  }
0x1ea: {  	[sflag:s28] =	ssyncset.done $0x0;
	s25 =	rddreg [dreg:$0x10]  }
0x1eb: {  	s30 =	rddreg [dreg:$0x1f];
	[sflag:s28] =	ssyncadd.s32 $0xFFFFFC00  }
0x1ec: {  	[hbm:s25], [sflag:s2] =	dma.local [spmem:s30], $0x400  }
0x1ed: {  	_ =	swait.ge [sflag:s28], $0x400  }
0x1ee: {  	s24 =	sadd.s32 $0x1, s24;
	s30 =	rddreg [dreg:$0x14]  }
0x1ef: {  	p0 =	sne.s32 s24, s30  }
.Ltmp3:
0x1f0: {  	_ = 	snop;
	(pc) =	sbr.rel @p0 .LBB2_1-.Ltmp3, $3  }
0x1f1: {  	_ =	sdelay $0x1  }
0x1f2: {  	[sflag:s28] =	ssyncset.done $0x0  }
0x1f3: {  	[sflag:s28] =	ssyncadd.s32 $0xFFFFFC00  }
0x1f4: {  	_ =	sfence.sel $0x180000  }
0x1f5: {  	[bflag:$0x0] =	sbarrier.arrive $0xFFFF  }
0x1f6: {  	_ =	strace $0x9000004D  }
0x1f7: {  	s0 =	stileid.u32;
	[bflag:$0x2] =	sbarrier.arrive $0xFFFF  }
0x1f8: {  	p0 =	sne.s32 s0, $0x0;
	s0 =	rddreg [dreg:$0x2]  }
0x1f9: {  	s0 =	sadd.s32 @!p0 $0x100000, s0  }
0x1fa: {  	[sflag:s0] =	ssyncadd.tile.s32 @!p0 $0x1;
	_ =	shalt  }
.Lfunc_end2:
_tile_overlayer_lowered:
.L_overlay_start_2:
0x1fb: {  	(tag) =	ssettag $0x2  }
0x1fc: {  	s0 =	rddreg [dreg:$0x0];
	s2 =	stileid.u32  }
0x1fd: {  	s1 =	rddreg [dreg:$0x1];
	p0 =	sne.s32 s2, $0x0  }
0x1fe: {  	s3 =	rddreg [dreg:$0x2];
	[bflag:$0x3] =	sbarrier.arrive $0xFFFF;
	s2 =	simm.s32 @!p0 $0x1C0D  }
0x1ff: {  	[timem:s3], [sflag:s2] =	dma.local @!p0 [hbm:s0], s1  }
0x200: {  	s0 =	simm.s32 @!p0 $0xD  }
0x201: {  	_ =	swait.ge @!p0 [sflag:s0], s1  }
0x202: {  	s1 =	ssub.s32 @!p0 $0x0, s1;
	[sflag:s0] =	ssyncset.done @!p0 $0x0  }
0x203: {  	[sflag:s0] =	ssyncadd.s32 @!p0 s1  }
0x204: {  	[bflag:$0x3] =	sbarrier.arrive $0xFFFF  }
0x205: {  	_ =	shalt  }

// kernel: kernel.8.cloned.1.call-start
scs
__scs_entry_jumppad:
0x0: {  	(pc) =	sbr.rel $0x88, $3  }
0x1: {  	(tag) =	ssettag $0x0;
	lr =	simm.s32 $0x1  }
0x2: {  	[smem:$0x3F93] =	sst lr;
	_ =	strace $0xD0000000  }
0x3: {  	_ = 	snop  }
0x4: {  	_ = 	snop  }
0x5: {  	_ = 	snop  }
0x6: {  	_ = 	snop  }
0x7: {  	_ = 	snop  }
__scs_overlays_trampoline_lowered:
0x8: {  	[smem:$0x3FA2] =	sst s0  }
0x9: {  	[smem:$0x3FA3] =	sst s1  }
0xa: {  	[smem:$0x3FA4] =	sst s2  }
0xb: {  	[smem:$0x3FA5] =	sst s3  }
0xc: {  	[smem:$0x3FA6] =	sst s4  }
0xd: {  	[smem:$0x3FA7] =	sst s5  }
0xe: {  	[smem:$0x3FA8] =	sst s6  }
0xf: {  	[smem:$0x3FA9] =	sst s7  }
0x10: {  	[smem:$0x3FAA] =	sst s8  }
0x11: {  	[smem:$0x3FAB] =	sst s9;
	s0 =	simm.s32 @!p0 $0x0  }
0x12: {  	s1 =	sld [smem:$0x3F91];
	s0 =	simm.s32 @p0 $0x1  }
0x13: {  	[smem:$0x3FAC] =	sst s0;
	s0 =	simm.s32 @!p1 $0x0  }
0x14: {  	s2 =	sld [smem:$0x3F90];
	s0 =	simm.s32 @p1 $0x1  }
0x15: {  	[smem:$0x3FAD] =	sst s0;
	s0 =	simm.s32 @!p2 $0x0  }
0x16: {  	s3 =	sld [smem:$0x3FDB];
	s0 =	simm.s32 @p2 $0x1  }
0x17: {  	s4 =	simm.s32 $0x1BF5;
	[smem:$0x3FAF] =	sst s0  }
0x18: {  	s0 =	sld [smem:$0x3F92];
	_ =	swait.ge [sflag:s4], $0x0  }
0x19: {  	s7 =	sld [smem:$0x3F93]  }
0x1a: {  	s8 =	sadd.s32 $0xFFFFE003, lr  }
0x1b: {  	s9 =	sadd.s32 $0xFFFFFEF7, lr;
	s5 =	simm.s32 $0xFFFFFFFF;
	p2 =	slt.u32 s8, $0xFFFFF086  }
0x1c: {  	p1 =	slt.u32 s9, $0xF7A;
	s5 =	simm.s32 @!p2 $0x0  }
0x1d: {  	s5 =	simm.s32 @p1 $0x1;
	p0 =	seq.s32 s7, s2  }
0x1e: {  	s7 =	smul.u32 @!p0 $0xF7A, s2;
	p2 =	seq.s32 @!p0 s5, $0x0  }
0x1f: {  	s9 =	smul.u32 $0xF7A, s1;
	s8 =	simm.s32 @!p0 $0x1BF5;
	p2 =	por !p2, p0  }
0x20: {  	[sflag:s8] =	ssyncset.s32 @!p0 $0xFFFFF086;
	s6 =	sadd.s32 @!p0 s3, s7;
	s7 =	simm.s32 @!p0 $0x108  }
0x21: {  	s3 =	sadd.s32 s3, s9;
	s6 =	sadd.s32 @!p0 $0x88, s6;
	s7 =	simm.s32 @p2 $0x1082  }
0x22: {  	[simem:s7], [sflag:s8] =	dma.local @!p0 [hbm:s6], $0xF7A  }
0x23: {  	s9 =	sor.u32 $0xD0000000, s2;
	s6 =	simm.s32 $0x108;
	_ =	swait.ge @!p0 [sflag:s8], $0x0  }
0x24: {  	s3 =	sadd.s32 $0x88, s3;
	s6 =	simm.s32 @!p1 $0x1082;
	[sflag:s4] =	ssyncset.s32 $0xFFFFF086  }
0x25: {  	[simem:s6], [sflag:s4] =	dma.local [hbm:s3], $0xF7A  }
0x26: {  	[smem:$0x3F93] =	sst s1;
	(tag) =	ssettag s2;
	_ =	strace s9  }
0x27: {  	s1 =	sld [smem:$0x3FA3]  }
0x28: {  	s2 =	sld [smem:$0x3FA4]  }
0x29: {  	s4 =	sld [smem:$0x3FA6]  }
0x2a: {  	p0 =	seq.s32 s5, $0x0;
	s5 =	sld [smem:$0x3FA7]  }
0x2b: {  	s6 =	sld [smem:$0x3FA8]  }
0x2c: {  	s7 =	sld [smem:$0x3FA9]  }
0x2d: {  	s3 =	simm.s32 $0x108;
	s8 =	sld [smem:$0x3FAA]  }
0x2e: {  	s3 =	simm.s32 @!p0 $0x1082;
	s9 =	sld [smem:$0x3FAB]  }
0x2f: {  	lr =	sadd.s32 s0, s3;
	s0 =	sld [smem:$0x3FA2]  }
0x30: {  	s3 =	sld [smem:$0x3FA5]  }
0x31: {  	[smem:$0x3FAE] =	sst s10  }
0x32: {  	s10 =	sld [smem:$0x3FAC];
	_ =	sdelay $0x3  }
0x33: {  	p0 =	seq.s32 s10, $0x1;
	s10 =	sld [smem:$0x3FAE];
	_ =	sdelay $0x3  }
0x34: {  	[smem:$0x3FAE] =	sst s10  }
0x35: {  	s10 =	sld [smem:$0x3FAD];
	_ =	sdelay $0x3  }
0x36: {  	p1 =	seq.s32 s10, $0x1;
	s10 =	sld [smem:$0x3FAE];
	_ =	sdelay $0x3  }
0x37: {  	[smem:$0x3FAE] =	sst s10  }
0x38: {  	s10 =	sld [smem:$0x3FAF]  }
0x39: {  	_ = 	snop;
	(pc) =	sbr.ind lr, $3  }
0x3a: {  	_ = 	snop  }
0x3b: {  	_ = 	snop  }
0x3c: {  	p2 =	seq.s32 s10, $0x1;
	s10 =	sld [smem:$0x3FAE]  }
0x3d: {  	_ =	shalt  }
0x3e: {  	_ =	shalt  }
0x3f: {  	_ =	shalt  }
0x40: {  	_ =	shalt  }
0x41: {  	_ =	shalt  }
0x42: {  	_ =	shalt  }
0x43: {  	_ =	shalt  }
0x44: {  	_ =	shalt  }
0x45: {  	_ =	shalt  }
0x46: {  	_ =	shalt  }
0x47: {  	_ =	shalt  }
0x48: {  	_ =	shalt  }
0x49: {  	_ =	shalt  }
0x4a: {  	_ =	shalt  }
0x4b: {  	_ =	shalt  }
0x4c: {  	_ =	shalt  }
0x4d: {  	_ =	shalt  }
0x4e: {  	_ =	shalt  }
0x4f: {  	_ =	shalt  }
0x50: {  	_ =	shalt  }
0x51: {  	_ =	shalt  }
0x52: {  	_ =	shalt  }
0x53: {  	_ =	shalt  }
0x54: {  	_ =	shalt  }
0x55: {  	_ =	shalt  }
0x56: {  	_ =	shalt  }
0x57: {  	_ =	shalt  }
0x58: {  	_ =	shalt  }
0x59: {  	_ =	shalt  }
0x5a: {  	_ =	shalt  }
0x5b: {  	_ =	shalt  }
0x5c: {  	_ =	shalt  }
0x5d: {  	_ =	shalt  }
0x5e: {  	_ =	shalt  }
0x5f: {  	_ =	shalt  }
0x60: {  	_ =	shalt  }
0x61: {  	_ =	shalt  }
0x62: {  	_ =	shalt  }
0x63: {  	_ =	shalt  }
0x64: {  	_ =	shalt  }
0x65: {  	_ =	shalt  }
0x66: {  	_ =	shalt  }
0x67: {  	_ =	shalt  }
0x68: {  	_ =	shalt  }
0x69: {  	_ =	shalt  }
0x6a: {  	_ =	shalt  }
0x6b: {  	_ =	shalt  }
0x6c: {  	_ =	shalt  }
0x6d: {  	_ =	shalt  }
0x6e: {  	_ =	shalt  }
0x6f: {  	_ =	shalt  }
0x70: {  	_ =	shalt  }
0x71: {  	_ =	shalt  }
0x72: {  	_ =	shalt  }
0x73: {  	_ =	shalt  }
0x74: {  	_ =	shalt  }
0x75: {  	_ =	shalt  }
0x76: {  	_ =	shalt  }
0x77: {  	_ =	shalt  }
0x78: {  	_ =	shalt  }
0x79: {  	_ =	shalt  }
0x7a: {  	_ =	shalt  }
0x7b: {  	_ =	shalt  }
0x7c: {  	_ =	shalt  }
0x7d: {  	_ =	shalt  }
0x7e: {  	_ =	shalt  }
0x7f: {  	_ =	shalt  }
0x80: {  	_ =	shalt  }
0x81: {  	_ =	shalt  }
0x82: {  	_ =	shalt  }
0x83: {  	_ =	shalt  }
0x84: {  	_ =	shalt  }
0x85: {  	_ =	shalt  }
0x86: {  	_ =	shalt  }
0x87: {  	_ =	shalt  }
.Lfunc_end0:
.L_simem_size_0:
called_computation_lowered:
.L_overlay_start_0:
0x88: {  	s2 =	sld [smem:$0x3FD9]  }
0x89: {  	s3 =	sld [smem:$0x3FFE];
	_ =	sdelay $0x1  }
0x8a: {  	s1 =	srdreg.scid  }
0x8b: {  	s0 =	sand.u32 $0x1, s1  }
0x8c: {  	s17 =	sshll.u32 s0, $0xA;
	s2 =	sadd.s32 s3, s2  }
0x8d: {  	s2 =	sadd.s32 s2, s17  }
0x8e: {  	[smem:$0x3FBA] =	sst s2  }
0x8f: {  	_ = 	snop  }
0x90: {  	s2 =	sld [smem:$0x3FC6];
	(tm) =	ssettm $0x1  }
0x91: {  	s18 =	sld [smem:$0x3FFB];
	_ =	sdelay $0x3  }
0x92: {  	_ =	strace s18  }
0x93: {  	s3 =	sld [smem:$0x3FFC];
	_ =	sdelay $0x3  }
0x94: {  	_ =	strace s3  }
0x95: {  	s3 =	sld [smem:$0x3FFD];
	_ =	sdelay $0x3  }
0x96: {  	_ =	strace s3  }
0x97: {  	_ =	strace $0x8FFFFFFF  }
0x98: {  	s19 =	sld [smem:$0x3FDB];
	_ =	sdelay $0x1  }
0x99: {  	s4 =	simm.s32 $_scs_section_size  }
0x9a: {  	s5 =	simm.s32 $_size__tile_overlayer_lowered;
	s6 =	simm.s32 $_tile_overlayer_lowered  }
0x9b: {  	s22 =	simm.s32 $0x1BFF;
	s21 =	sshll.u32 s6, $0x1;
	s3 =	sadd.s32 s4, s19  }
0x9c: {  	s7 =	simm.s32 $0x0;
	s20 =	sshll.u32 s5, $0x1;
	s5 =	sadd.s32 s21, s3  }
0x9d: {  	[timem:s7], [sflag:s22] =	dma.local [hbm:s5], s20  }
0x9e: {  	_ =	swait.ge [sflag:s22], s20  }
0x9f: {  	s4 =	ssub.s32 $0x0, s20;
	[sflag:s22] =	ssyncset.done $0x0  }
0xa0: {  	[sflag:s22] =	ssyncadd.s32 s4;
	_ =	sdelay $0x1  }
0xa1: {  	s23 =	simm.s32 $0x1B8B  }
0xa2: {  	_ =	swait.ge [sflag:s23], $0x1  }
0xa3: {  	[sflag:s23] =	ssyncset.done $0x0  }
0xa4: {  	s25 =	simm.s32 $0x1B8E;
	s24 =	sld [smem:$0x3FFE];
	[sflag:s23] =	ssyncadd.s32 $0xFFFFFFFF  }
0xa5: {  	s26 =	simm.s32 $execute0_lowered;
	[smem:$0x3FD2] =	sst s25  }
0xa6: {  	s5 =	sshll.u32 s26, $0x1;
	_ =	strace $0x80000046;
	[dreg:$0x1] =	wrdreg $0xFFFFFFFF  }
0xa7: {  	s28 =	simm.s32 $_size_execute0_lowered;
	s3 =	sadd.s32 s3, s5;
	[dreg:$0x0] =	wrdreg $0x0  }
0xa8: {  	s5 =	sshll.u32 s28, $0x1;
	[dreg:$0x2] =	wrdreg s3  }
0xa9: {  	[dreg:$0x3] =	wrdreg s5  }
0xaa: {  	[dreg:$0x4] =	wrdreg $0xC0  }
0xab: {  	_ =	task [dreg:s7], $0x5FFFF  }
0xac: {  	[dreg:$0x1] =	wrdreg $0xFFFFFFFF  }
0xad: {  	[dreg:$0x0] =	wrdreg $0x60  }
0xae: {  	[dreg:$0x2] =	wrdreg s2  }
0xaf: {  	[dreg:$0x3] =	wrdreg s24  }
0xb0: {  	[dreg:$0x4] =	wrdreg $0x9  }
0xb1: {  	_ =	task.clear_ibuf [dreg:s7], $0x5FFFF;
	_ =	strace $0x90000046  }
0xb2: {  	s29 =	simm.s32 $0x9;
	_ =	strace $0x80000048  }
0xb3: {  	_ =	swait.ge [sflag:s29], $0x1  }
0xb4: {  	[sflag:s29] =	ssyncadd.s32 $0xFFFFFFFF  }
0xb5: {  	_ =	strace $0x90000048  }
0xb6: {  	_ =	sfence  }
0xb7: {  	s30 =	sld [smem:$0x0];
	_ =	sdelay $0x2  }
0xb8: {  	s31 =	sshll.u32 s1, $0xD;
	s1 =	sshrl.u32 s1, $0x2  }
0xb9: {  	s3 =	sand.u32 $0x4000, s31;
	s1 =	sadd.s32 s1, s30  }
0xba: {  	s0 =	sor.u32 s3, s0;
	s1 =	sshll.u32 s1, $0x11  }
0xbb: {  	s0 =	sor.u32 s1, s0  }
0xbc: {  	s0 =	sadd.s32 $0x8F2B, s0  }
0xbd: {  	[sflag:s0] =	ssyncadd.remote.s32 $0x1  }
0xbe: {  	_ =	sfence.sel $0xFFFF  }
0xbf: {  	[dreg:$0x0] =	wrdreg $0xFFFFFFFF;
	(pc) =	sbr.abs _section_cstart, $3  }
0xc0: {  	[dreg:$0x1] =	wrdreg $0xFFFFFFFF  }
0xc1: {  	_ =	task.clear_ibuf [dreg:s7], $0x2FFFF;
	_ =	strace $0x9FFFFFFF  }
0xc2: {  	(tm) =	ssettm $0x7FFFFFFF  }
0xc3: {  	_ =	shalt  }
tec
execute0_lowered:
.L_overlay_start_1:
0x0: {  	(tag) =	ssettag $0x1  }
0x1: {  	s1 =	srdreg.scid;
	s0 =	stileid.u32  }
0x2: {  	s2 =	rddreg [dreg:$0x0];
	s6 =	sand.u32 $0x1, s1;
	s30 =	sshll.u32 s0, $0x1  }
0x3: {  	s9 =	rddreg [dreg:$0x1];
	s7 =	sor.u32 s6, s30  }
0x4: {  	s3 =	simm.s32 $0x0;
	s1 =	rddreg [dreg:$0x2];
	s4 =	smul.u32 $0x28, s7  }
0x5: {  	s8 =	simm.s32 $0x1;
	[smem:$0x7FF] =	sst s3  }
0x6: {  	_ =	strace $0x80000047;
	s11 =	ssub.s32 $0x2, s6;
	s4 =	sadd.s32 s4, s9  }
0x7: {  	s6 =	simm.s32 $0x140;
	s5 =	sadd.s32 $0x1600, s4;
	s4 =	simm.s32 $0x2  }
0x8: {  	[tilespmem:s3], [sflag:$0x2] =	stream.linear.gather [hbm4b:s5+s3], $0x140, $0x38;
	[tilespmem:$0xA180] =	vst v63  }
0x9: {  	s10 =	smul.u32 $0x1400, s7;
	s12 =	sshrl.u32 s11, $0x1;
	_ =	swait.ge [sflag:s4], $0x140  }
0xa: {  	s7 =	simm.s32 $0x180;
	s31 =	ssub.s32 s11, s12;
	[sflag:s4] =	ssyncset.done $0x0  }
0xb: {  	s9 =	sadd.s32 s10, s9;
	s10 =	smax.u32 s31, $0x1;
	[sflag:s4] =	ssyncadd.s32 $0xFFFFFEC0  }
0xc: {  	[tilespmem:s7], [sflag:$0x1] =	stream.indirect.gather [hbm4b:s2+s6], $0x80, s3, s6, $0xb8;
	[tilespmem:$0xA180] =	vst v63  }
0xd: {  	p0 =	sne.s32 s10, $0x1;
	_ =	swait.ge [sflag:s8], $0xA000  }
.Ltmp0:
0xe: {  	[sflag:s8] =	ssyncset.done $0x0;
	(pc) =	sbr.rel @!p0 .LBB2_2-.Ltmp0, $4  }
0xf: {  	s9 =	sadd.s32 $0x1C00, s9;
	[sflag:s8] =	ssyncadd.s32 $0xFFFF6000  }
0x10: {  	[hbm4b:s9+s3] =	stream.linear.scatter [tilespmem:s7], [sflag:$0x2], $0xA000, $0x38;
	[tilespmem:$0xA180] =	vst v63  }
0x11: {  	_ =	swait.ge [sflag:s4], $0xA000  }
0x12: {  	s10 =	sadd.s32 $0xFFFFFFFF, s10;
	[sflag:s4] =	ssyncset.done $0x0  }
.LBB2_1:
0x13: {  	p0 =	sne.s32 s10, $0x1;
	s10 =	sadd.s32 $0xFFFFFFFF, s10;
	[sflag:s4] =	ssyncadd.s32 $0xFFFF6000  }
0x14: {  	[tilespmem:s3], [sflag:$0x2] =	stream.linear.gather [hbm4b:s5+s3], $0x140, $0x38;
	[tilespmem:$0xA180] =	vst v63  }
0x15: {  	_ =	swait.ge [sflag:s4], $0x140  }
0x16: {  	[sflag:s4] =	ssyncset.done $0x0  }
0x17: {  	[sflag:s4] =	ssyncadd.s32 $0xFFFFFEC0  }
0x18: {  	[tilespmem:s7], [sflag:$0x1] =	stream.indirect.gather [hbm4b:s2+s6], $0x80, s3, s6, $0xb8;
	[tilespmem:$0xA180] =	vst v63  }
0x19: {  	_ =	swait.ge [sflag:s8], $0xA000  }
.Ltmp1:
0x1a: {  	[sflag:s8] =	ssyncset.done $0x0;
	(pc) =	sbr.rel @p0 .LBB2_1-.Ltmp1, $4  }
0x1b: {  	[sflag:s8] =	ssyncadd.s32 $0xFFFF6000  }
0x1c: {  	[hbm4b:s9+s3] =	stream.linear.scatter [tilespmem:s7], [sflag:$0x2], $0xA000, $0x38;
	[tilespmem:$0xA180] =	vst v63  }
0x1d: {  	_ =	swait.ge [sflag:s4], $0xA000  }
0x1e: {  	[sflag:s4] =	ssyncset.done $0x0  }
.LBB2_2:
0x1f: {  	[sflag:s4] =	ssyncadd.s32 $0xFFFF6000  }
0x20: {  	_ =	sfence.sel $0x180000  }
0x21: {  	[bflag:$0x0] =	sbarrier.arrive $0xFFFF  }
0x22: {  	p0 =	sne.s32 s0, $0x0;
	_ =	strace $0x90000047  }
0x23: {  	s0 =	sadd.s32 @!p0 $0x100000, s1;
	[bflag:$0x2] =	sbarrier.arrive $0xFFFF  }
0x24: {  	[sflag:s0] =	ssyncadd.tile.s32 @!p0 $0x1;
	_ =	shalt  }
.Lfunc_end2:
_tile_overlayer_lowered:
.L_overlay_start_2:
0x25: {  	(tag) =	ssettag $0x2  }
0x26: {  	s0 =	rddreg [dreg:$0x0];
	s2 =	stileid.u32  }
0x27: {  	s1 =	rddreg [dreg:$0x1];
	p0 =	sne.s32 s2, $0x0  }
0x28: {  	s3 =	rddreg [dreg:$0x2];
	[bflag:$0x3] =	sbarrier.arrive $0xFFFF;
	s2 =	simm.s32 @!p0 $0x1C02  }
0x29: {  	[timem:s3], [sflag:s2] =	dma.local @!p0 [hbm:s0], s1  }
0x2a: {  	s0 =	simm.s32 @!p0 $0x2  }
0x2b: {  	_ =	swait.ge @!p0 [sflag:s0], s1  }
0x2c: {  	s1 =	ssub.s32 @!p0 $0x0, s1;
	[sflag:s0] =	ssyncset.done @!p0 $0x0  }
0x2d: {  	[sflag:s0] =	ssyncadd.s32 @!p0 s1  }
0x2e: {  	[bflag:$0x3] =	sbarrier.arrive $0xFFFF  }
0x2f: {  	_ =	shalt  }

</sc_bundles>
